<compile_context>
chip_gen: v7x
topology: tpu7x:2x2x1
jax: 0.10.2.dev20260603
libtpu: 0.0.44.dev20260713+nightly
codegen_flags: <defaults>
</compile_context>

<pallas_src>
import functools

import jax
import jax.numpy as jnp
from jax import lax
from jax.experimental import pallas as pl
from jax.experimental.pallas import tpu as pltpu
from jax.experimental.pallas import tpu_sc as plsc

NC, NS, L = 2, 16, 16
CHUNK = 128
N_FIX = 10000
E_FIX = 160000
E_PAD = 163840
NCHUNKS = E_PAD // CHUNK
ROWS_PER_TILE = N_FIX // NS
ACC_ROWS = N_FIX + 8
CP = 128


def _sc_mesh():
  return plsc.VectorSubcoreMesh(core_axis_name="c", subcore_axis_name="s")


def _tile_rows(s):
  r0 = pl.multiple_of(s * 624, 8)
  return r0


def _row_copy(s, mk_src, mk_dst):
  @pl.when(s < NS - 1)
  def _():
    r0 = _tile_rows(s)
    pltpu.sync_copy(mk_src(r0, 624), mk_dst(r0, 624))
  @pl.when(s == NS - 1)
  def _():
    pltpu.sync_copy(mk_src(624 * (NS - 1), 640), mk_dst(624 * (NS - 1), 640))


def _deg_body(dstp, out, idx_v, hist, sem):
  c = lax.axis_index("c")
  s = lax.axis_index("s")
  wid = c * NS + s
  chunks_per_tile = NCHUNKS // (NC * NS)

  def zero_body(i, carry):
    hist[pl.ds(i * L, L)] = jnp.zeros((L,), jnp.float32)
    return carry
  lax.fori_loop(0, 10240 // L, zero_body, 0)

  ones = jnp.ones((L,), jnp.float32)

  def body(j, carry):
    pltpu.sync_copy(dstp.at[wid * chunks_per_tile + j], idx_v)
    for k in range(CHUNK // L):
      idx = idx_v[pl.ds(k * L, L)]
      plsc.addupdate_scatter(hist, [idx], ones)
    return carry
  lax.fori_loop(0, chunks_per_tile, body, 0)

  pltpu.sync_copy(hist, out.at[wid])


def _sc_degree(dstp):
  kern = pl.kernel(
      _deg_body,
      out_type=jax.ShapeDtypeStruct((NC * NS, 10240), jnp.float32),
      mesh=_sc_mesh(),
      compiler_params=pltpu.CompilerParams(needs_layout_passes=False),
      scratch_types=[
          pltpu.VMEM((CHUNK,), jnp.int32),
          pltpu.VMEM((10240,), jnp.float32),
          pltpu.SemaphoreType.DMA,
      ],
  )
  return kern(dstp)


NBUF = 2
IDXB = 40



def _edge_pipeline(load_idx, gather_issue, gather_wait, scatter, nphases):
  for p in range(nphases):
    load_idx(p)
    for b in range(NBUF):
      gather_issue(b, b)

    def body(t, carry):
      for b in range(NBUF):
        j = t * NBUF + b
        gather_wait(j, b)
        scatter(j, b)
        @pl.when(j + NBUF < IDXB)
        def _(j=j, b=b):
          gather_issue(j + NBUF, b)
      return carry
    lax.fori_loop(0, IDXB // NBUF, body, 0)


def _spmm_body(g0, g1, srcp, dstp, out, src2d, dst2d, b0, b1,
               acc, g0s, g1s):
  c = lax.axis_index("c")
  s = lax.axis_index("s")
  bufs = (b0, b1)
  gsems = (g0s, g1s)

  chunks_per_tile = NCHUNKS // NS
  for ci in (0, 1):
    @pl.when(c == ci)
    def _(ci=ci):
      g_c = (g0, g1)[ci]
      _row_copy(s, lambda o, sz: g_c.at[pl.ds(o, sz)],
                lambda o, sz: acc.at[pl.ds(o, sz)])
  plsc.subcore_barrier()

  row0 = s * chunks_per_tile

  def load_idx(p):
    pltpu.sync_copy(srcp.at[pl.ds(row0 + p * IDXB, IDXB)], src2d)
    pltpu.sync_copy(dstp.at[pl.ds(row0 + p * IDXB, IDXB)], dst2d)

  def gather_issue(j, b):
    for ci in (0, 1):
      @pl.when(c == ci)
      def _(ci=ci):
        pltpu.async_copy((g0, g1)[ci].at[src2d.at[j]], bufs[b], gsems[b])

  def gather_wait(j, b):
    for ci in (0, 1):
      @pl.when(c == ci)
      def _(ci=ci):
        pltpu.make_async_copy((g0, g1)[ci].at[src2d.at[j]], bufs[b],
                              gsems[b]).wait()

  def scatter(j, b):
    pltpu.sync_copy(bufs[b], acc.at[dst2d.at[j]], add=True)

  _edge_pipeline(load_idx, gather_issue, gather_wait, scatter,
                 chunks_per_tile // IDXB)

  plsc.subcore_barrier()
  for ci in (0, 1):
    @pl.when(c == ci)
    def _(ci=ci):
      _row_copy(s, lambda o, sz: acc.at[pl.ds(o, sz)],
                lambda o, sz: out.at[ci, pl.ds(o, sz)])


def _sc_spmm256(g0, g1, srcp, dstp):
  kern = pl.kernel(
      _spmm_body,
      out_type=jax.ShapeDtypeStruct((NC, N_FIX, 128), jnp.float32),
      mesh=_sc_mesh(),
      compiler_params=pltpu.CompilerParams(needs_layout_passes=False,
                                           use_tc_tiling_on_sc=False),
      scratch_types=[
          pltpu.VMEM((IDXB, CHUNK), jnp.int32),
          pltpu.VMEM((IDXB, CHUNK), jnp.int32),
      ] + [pltpu.VMEM((CHUNK, 128), jnp.float32)] * NBUF
      + [pltpu.VMEM_SHARED((ACC_ROWS, 128), jnp.float32)]
      + [pltpu.SemaphoreType.DMA] * NBUF,
  )
  return kern(g0, g1, srcp, dstp)


def _spmm48_body(g, srcp, dstp, out, src2d, dst2d, b0, b1,
                 acc, g0s, g1s):
  c = lax.axis_index("c")
  s = lax.axis_index("s")
  bufs = (b0, b1)
  gsems = (g0s, g1s)

  _row_copy(s, lambda o, sz: g.at[pl.ds(o, sz)],
            lambda o, sz: acc.at[pl.ds(o, sz)])
  plsc.subcore_barrier()

  chunks_per_tile = NCHUNKS // (NC * NS)
  wid = c * NS + s
  row0 = wid * chunks_per_tile

  def load_idx(p):
    pltpu.sync_copy(srcp.at[pl.ds(row0 + p * IDXB, IDXB)], src2d)
    pltpu.sync_copy(dstp.at[pl.ds(row0 + p * IDXB, IDXB)], dst2d)

  def gather_issue(j, b):
    pltpu.async_copy(g.at[src2d.at[j]], bufs[b], gsems[b])

  def gather_wait(j, b):
    pltpu.make_async_copy(g.at[src2d.at[j]], bufs[b], gsems[b]).wait()

  def scatter(j, b):
    pltpu.sync_copy(bufs[b], acc.at[dst2d.at[j]], add=True)

  _edge_pipeline(load_idx, gather_issue, gather_wait, scatter,
                 chunks_per_tile // IDXB)

  plsc.subcore_barrier()
  for ci in (0, 1):
    @pl.when(c == ci)
    def _(ci=ci):
      _row_copy(s, lambda o, sz: acc.at[pl.ds(o, sz)],
                lambda o, sz: out.at[ci, pl.ds(o, sz)])


def _sc_spmm48(g, srcp, dstp):
  kern = pl.kernel(
      _spmm48_body,
      out_type=jax.ShapeDtypeStruct((NC, N_FIX, CP), jnp.float32),
      mesh=_sc_mesh(),
      compiler_params=pltpu.CompilerParams(needs_layout_passes=False,
                                           use_tc_tiling_on_sc=False),
      scratch_types=[
          pltpu.VMEM((IDXB, CHUNK), jnp.int32),
          pltpu.VMEM((IDXB, CHUNK), jnp.int32),
      ] + [pltpu.VMEM((CHUNK, CP), jnp.float32)] * NBUF
      + [pltpu.VMEM_SHARED((ACC_ROWS, CP), jnp.float32)]
      + [pltpu.SemaphoreType.DMA] * NBUF,
  )
  return kern(g, srcp, dstp)


RB = 1000
NB = N_FIX // RB


def _prep_body(degp_ref, dis_ref):
  d = jnp.sum(degp_ref[...], axis=0) + 1.0
  dis_ref[...] = lax.rsqrt(d)


def _tc_prep(degp):
  return pl.pallas_call(
      _prep_body,
      out_shape=jax.ShapeDtypeStruct((80, 128), jnp.float32),
  )(degp)


def _mm_body(x_ref, w_ref, o_ref):
  acc = jnp.dot(x_ref[...], w_ref[...], preferred_element_type=jnp.float32)
  o_ref[...] = acc[None]


def _tc_mm(x, w):
  d_in = x.shape[1]
  return pl.pallas_call(
      _mm_body,
      grid=(NC, NB),
      in_specs=[
          pl.BlockSpec((RB, d_in), lambda c, n: (n, 0)),
          pl.BlockSpec((d_in, 128), lambda c, n: (0, c)),
      ],
      out_specs=pl.BlockSpec((1, RB, 128), lambda c, n: (c, n, 0)),
      out_shape=jax.ShapeDtypeStruct((NC, N_FIX, 128), jnp.float32),
  )(x, w)


def _scale_body(xw_ref, dis_ref, o_ref):
  o_ref[...] = dis_ref[...][None] * xw_ref[...]


def _tc_scale(xw, dis):
  return pl.pallas_call(
      _scale_body,
      grid=(NB,),
      in_specs=[
          pl.BlockSpec((NC, RB, 128), lambda n: (0, n, 0)),
          pl.BlockSpec((RB, 1), lambda n: (n, 0)),
      ],
      out_specs=pl.BlockSpec((NC, RB, 128), lambda n: (0, n, 0)),
      out_shape=jax.ShapeDtypeStruct((NC, N_FIX, 128), jnp.float32),
  )(xw, dis)


def _stats_body(s_ref, dis_ref, o_ref, acc):
  n = pl.program_id(0)
  @pl.when(n == 0)
  def _():
    acc[...] = jnp.zeros_like(acc)
  t = jnp.concatenate([s_ref[0], s_ref[1]], axis=1) * dis_ref[...]
  acc[0, :] += jnp.sum(t, axis=0)
  acc[1, :] += jnp.sum(t * t, axis=0)
  @pl.when(n == NB - 1)
  def _():
    o_ref[...] = acc[...] * (1.0 / N_FIX)


def _tc_stats(s, dis):
  return pl.pallas_call(
      _stats_body,
      grid=(NB,),
      in_specs=[
          pl.BlockSpec((NC, RB, 128), lambda n: (0, n, 0)),
          pl.BlockSpec((RB, 1), lambda n: (n, 0)),
      ],
      out_specs=pl.BlockSpec((2, 256), lambda n: (0, 0)),
      out_shape=jax.ShapeDtypeStruct((2, 256), jnp.float32),
      scratch_shapes=[pltpu.VMEM((2, 256), jnp.float32)],
  )(s, dis)


def _bn_mm_body(s_ref, dis_ref, mom_ref, gam_ref, bet_ref, w_ref, o_ref,
                *, ncols):
  t = jnp.concatenate([s_ref[0], s_ref[1]], axis=1) * dis_ref[...]
  m = mom_ref[0, :]
  var = jnp.maximum(mom_ref[1, :] - m * m, 0.0)
  scale = gam_ref[...] * lax.rsqrt(var + 1e-5)
  h = jnp.maximum((t - m) * scale + bet_ref[...], 0.0)
  acc = jnp.dot(h, w_ref[...], preferred_element_type=jnp.float32)
  out = dis_ref[...] * acc
  if o_ref.ndim == 3:
    o_ref[...] = out[None]
  else:
    o_ref[...] = out


def _tc_bn_mm(s, dis, mom, gamma, beta, w):
  return pl.pallas_call(
      functools.partial(_bn_mm_body, ncols=128),
      grid=(NC, NB),
      in_specs=[
          pl.BlockSpec((NC, RB, 128), lambda c, n: (0, n, 0)),
          pl.BlockSpec((RB, 1), lambda c, n: (n, 0)),
          pl.BlockSpec((2, 256), lambda c, n: (0, 0)),
          pl.BlockSpec((1, 256), lambda c, n: (0, 0)),
          pl.BlockSpec((1, 256), lambda c, n: (0, 0)),
          pl.BlockSpec((256, 128), lambda c, n: (0, c)),
      ],
      out_specs=pl.BlockSpec((1, RB, 128), lambda c, n: (c, n, 0)),
      out_shape=jax.ShapeDtypeStruct((NC, N_FIX, 128), jnp.float32),
  )(s, dis, mom, gamma, beta, w)


def _tc_bn_mm3(s, dis, mom, gamma, beta, w):
  return pl.pallas_call(
      functools.partial(_bn_mm_body, ncols=CP),
      grid=(NB,),
      in_specs=[
          pl.BlockSpec((NC, RB, 128), lambda n: (0, n, 0)),
          pl.BlockSpec((RB, 1), lambda n: (n, 0)),
          pl.BlockSpec((2, 256), lambda n: (0, 0)),
          pl.BlockSpec((1, 256), lambda n: (0, 0)),
          pl.BlockSpec((1, 256), lambda n: (0, 0)),
          pl.BlockSpec((256, CP), lambda n: (0, 0)),
      ],
      out_specs=pl.BlockSpec((RB, CP), lambda n: (n, 0)),
      out_shape=jax.ShapeDtypeStruct((N_FIX, CP), jnp.float32),
  )(s, dis, mom, gamma, beta, w)


def _final_body(s_ref, g_ref, dis_ref, b_ref, o_ref):
  z = dis_ref[...] * (s_ref[0] + s_ref[1] - g_ref[...]) + b_ref[...]
  z40 = z[:, :40]
  m = jnp.max(z40, axis=1, keepdims=True)
  e = jnp.exp(z40 - m)
  lse = jnp.log(jnp.sum(e, axis=1, keepdims=True))
  o_ref[...] = z40 - m - lse


def _tc_final(s3, g3, dis, b3p):
  return pl.pallas_call(
      _final_body,
      grid=(NB,),
      in_specs=[
          pl.BlockSpec((NC, RB, CP), lambda n: (0, n, 0)),
          pl.BlockSpec((RB, CP), lambda n: (n, 0)),
          pl.BlockSpec((RB, 1), lambda n: (n, 0)),
          pl.BlockSpec((1, CP), lambda n: (0, 0)),
      ],
      out_specs=pl.BlockSpec((RB, 40), lambda n: (n, 0)),
      out_shape=jax.ShapeDtypeStruct((N_FIX, 40), jnp.float32),
  )(s3, g3, dis, b3p)


@jax.jit
def _run(x, edge_index, W1, b1, gamma1, beta1, W2, b2, gamma2, beta2, W3, b3):
  n = x.shape[0]
  e = edge_index.shape[1]
  pad = E_PAD - e
  srcp = jnp.concatenate(
      [edge_index[0], jnp.zeros((pad,), jnp.int32)]).reshape(NCHUNKS, CHUNK)
  dstp = jnp.concatenate(
      [edge_index[1], jnp.full((pad,), n, jnp.int32)]).reshape(NCHUNKS, CHUNK)

  degp = _sc_degree(dstp).reshape(NC * NS, 80, 128)
  dis = _tc_prep(degp).reshape(-1)[:n].reshape(n, 1)

  gamma1r = gamma1.reshape(1, -1)
  beta1r = beta1.reshape(1, -1)
  gamma2r = gamma2.reshape(1, -1)
  beta2r = beta2.reshape(1, -1)
  w3p = jnp.pad(W3, ((0, 0), (0, CP - W3.shape[1])))
  b3p = jnp.pad(b3, (0, CP - b3.shape[0])).reshape(1, CP)

  xw = _tc_mm(x, W1)
  g1 = _tc_scale(xw, dis)
  s1 = _sc_spmm256(g1[0], g1[1], srcp, dstp)
  mom1 = _tc_stats(s1, dis)
  g2 = _tc_bn_mm(s1, dis, mom1, gamma1r, beta1r, W2)
  s2 = _sc_spmm256(g2[0], g2[1], srcp, dstp)
  mom2 = _tc_stats(s2, dis)
  g3 = _tc_bn_mm3(s2, dis, mom2, gamma2r, beta2r, w3p)
  s3 = _sc_spmm48(g3, srcp, dstp)
  return _tc_final(s3, g3, dis, b3p)


def kernel(x, edge_index, W1, b1, gamma1, beta1, W2, b2, gamma2, beta2,
           W3, b3):
  return _run(x, edge_index, W1, b1, gamma1, beta1, W2, b2, gamma2, beta2,
              W3, b3)

# --- scband reference (transcript-rebuilt; emitter-appended) ---
"""Pipeline reference for scband-gcn-4389456577263 (READ-ONLY COPY).

The authoritative reference and input builder live on the scoring server;
editing this copy changes nothing except your own understanding.
"""

import jax, jax.numpy as jnp
import numpy as np

N, E, D, H, C = 10000, 160000, 256, 256, 40


def setup_inputs(seed: int = 0) -> dict:
    key = jax.random.key(seed)
    ks = jax.random.split(key, 12)
    x = jax.random.normal(ks[0], (N, D), dtype=jnp.float32)
    edge_index = jax.random.randint(ks[1], (2, E), 0, N, dtype=jnp.int32)
    s1 = 1.0 / np.sqrt(D)
    s2 = 1.0 / np.sqrt(H)
    W1 = jax.random.normal(ks[2], (D, H), dtype=jnp.float32) * s1
    b1 = jnp.zeros((H,), dtype=jnp.float32)
    gamma1 = jnp.ones((H,), dtype=jnp.float32)
    beta1 = jnp.zeros((H,), dtype=jnp.float32)
    W2 = jax.random.normal(ks[3], (H, H), dtype=jnp.float32) * s2
    b2 = jnp.zeros((H,), dtype=jnp.float32)
    gamma2 = jnp.ones((H,), dtype=jnp.float32)
    beta2 = jnp.zeros((H,), dtype=jnp.float32)
    W3 = jax.random.normal(ks[4], (H, C), dtype=jnp.float32) * s2
    b3 = jnp.zeros((C,), dtype=jnp.float32)
    return {"x": x, "edge_index": edge_index, "W1": W1, "b1": b1, "gamma1": gamma1, "beta1": beta1, "W2": W2, "b2": b2, "gamma2": gamma2, "beta2": beta2, "W3": W3, "b3": b3}


def _gcn_norm(edge_index, n):
    loop = jnp.arange(n, dtype=edge_index.dtype)
    src = jnp.concatenate([edge_index[0], loop])
    dst = jnp.concatenate([edge_index[1], loop])
    deg = jax.ops.segment_sum(jnp.ones(src.shape[0], jnp.float32), dst, num_segments=n)
    dis = jnp.where(deg > 0, jax.lax.rsqrt(jnp.maximum(deg, 1e-12)), 0.0)
    norm = dis[src] * dis[dst]
    return src, dst, norm


def _conv(x, src, dst, norm, W, b, n):
    h = x @ W
    msg = h[src] * norm[:, None]
    out = jax.ops.segment_sum(msg, dst, num_segments=n)
    return out + b


def _bn(h, gamma, beta):
    m = jnp.mean(h, axis=0)
    v = jnp.var(h, axis=0)
    return gamma * (h - m) / jnp.sqrt(v + 1e-5) + beta


def reference(x, edge_index, W1, b1, gamma1, beta1, W2, b2, gamma2, beta2, W3, b3):
    n = x.shape[0]
    src, dst, norm = _gcn_norm(edge_index, n)
    h = _conv(x, src, dst, norm, W1, b1, n)
    h = jax.nn.relu(_bn(h, gamma1, beta1))
    h = _conv(h, src, dst, norm, W2, b2, n)
    h = jax.nn.relu(_bn(h, gamma2, beta2))
    h = _conv(h, src, dst, norm, W3, b3, n)
    return jax.nn.log_softmax(h, axis=-1)

if __name__ == "__main__":
    import jax
    _d = setup_inputs()
    print(jax.jit(kernel)(*tuple(_d.values())))

</pallas_src>

<mosaic_0001>
#map = affine_map<(d0, d1) -> (0, 0)>
module attributes {stable_mosaic.version = 14 : i64} {
  func.func @_deg_body(%arg0: i32, %arg1: i32, %arg2: memref<1280x128xi32, #tpu.memory_space<hbm>>, %arg3: memref<32x10240xf32, #tpu.memory_space<hbm>>, %arg4: memref<128xi32, #tpu.memory_space<vmem>>, %arg5: memref<10240xf32, #tpu.memory_space<vmem>>, %arg6: memref<!tpu.dma_semaphore, #tpu.memory_space<semaphore_mem>>) attributes {dimension_semantics = [#tpu.dimension_semantics<core_parallel>, #tpu.dimension_semantics<subcore_parallel>], iteration_bounds = array<i64: 2, 16>, scalar_prefetch = 0 : i64, scratch_operands = 3 : i64, tpu.core_type = #tpu.core_type<sc_vector_subcore>, window_params = [{transform_indices = #map}, {transform_indices = #map}]} {
    %mul3A = arith.constant 16 : i32
    %mul3A_0 = arith.muli %arg0, %mul3A : i32
    %add3A = arith.addi %mul3A_0, %arg1 : i32
    %scan3A = arith.constant 0 : i32
    %scan3A_1 = arith.constant 0 : i32
    %scan3A_2 = arith.constant 640 : i32
    %scan3A_3 = arith.addi %scan3A_1, %scan3A_2 : i32
    %scan3A_4 = arith.constant 1 : i32
    scf.for %scan3A_13 = %scan3A_1 to %scan3A_3 step %scan3A_4  : i32 {
      %broadcast_in_dim3A_14 = arith.constant 0.000000e+00 : f32
      %broadcast_in_dim3A_15 = vector.broadcast %broadcast_in_dim3A_14 : f32 to vector<16xf32>
      %mul3A_16 = arith.constant 16 : i32
      %mul3A_17 = arith.muli %scan3A_13, %mul3A_16 : i32
      %swap3A = arith.index_cast %mul3A_17 : i32 to index
      %swap3A_18 = tpu.vector_load %arg5[%swap3A] {strides = array<i32>} : memref<10240xf32, #tpu.memory_space<vmem>>, vector<16xf32>,
      tpu.vector_store %arg5[%swap3A], %broadcast_in_dim3A_15 {strides = array<i32>} : memref<10240xf32, #tpu.memory_space<vmem>>, vector<16xf32>,
    }
    %scan3A_5 = arith.constant 640 : i32
    %broadcast_in_dim3A = arith.constant 1.000000e+00 : f32
    %broadcast_in_dim3A_6 = vector.broadcast %broadcast_in_dim3A : f32 to vector<16xf32>
    %scan3A_7 = arith.constant 0 : i32
    %scan3A_8 = arith.constant 0 : i32
    %scan3A_9 = arith.constant 40 : i32
    %scan3A_10 = arith.addi %scan3A_8, %scan3A_9 : i32
    %scan3A_11 = arith.constant 1 : i32
    scf.for %scan3A_13 = %scan3A_8 to %scan3A_10 step %scan3A_11  : i32 {
      %mul3A_14 = arith.constant 40 : i32
      %mul3A_15 = arith.muli %add3A, %mul3A_14 : i32
      %add3A_16 = arith.addi %mul3A_15, %scan3A_13 : i32
      "tpu.region"() ({
        %run_scoped3A = tpu.sem_alloc : memref<!tpu.dma_semaphore, #tpu.memory_space<semaphore_mem>>
        %dma_start3A = arith.constant 0 : i32
        %dma_start3A_32 = tpu.memref_slice %arg2[%add3A_16, %dma_start3A] : memref<1280x128xi32, #tpu.memory_space<hbm>> -> memref<1x128xi32, #tpu.memory_space<hbm>>
        %dma_start3A_33 = tpu.memref_squeeze %dma_start3A_32 : memref<1x128xi32, #tpu.memory_space<hbm>> -> memref<128xi32, #tpu.memory_space<hbm>>
        %dma_start3A_34 = arith.constant 0 : i32
        %dma_start3A_35 = tpu.memref_slice %arg2[%add3A_16, %dma_start3A_34] : memref<1280x128xi32, #tpu.memory_space<hbm>> -> memref<1x128xi32, #tpu.memory_space<hbm>>
        %dma_start3A_36 = tpu.memref_squeeze %dma_start3A_35 : memref<1x128xi32, #tpu.memory_space<hbm>> -> memref<128xi32, #tpu.memory_space<hbm>>
        tpu.enqueue_dma source(%dma_start3A_36 : memref<128xi32, #tpu.memory_space<hbm>>) target(%arg4 : memref<128xi32, #tpu.memory_space<vmem>>) target_semaphore(%run_scoped3A : memref<!tpu.dma_semaphore, #tpu.memory_space<semaphore_mem>>)
        %dma_wait3A = arith.constant 0 : i32
        %dma_wait3A_37 = tpu.memref_slice %arg2[%add3A_16, %dma_wait3A] : memref<1280x128xi32, #tpu.memory_space<hbm>> -> memref<1x128xi32, #tpu.memory_space<hbm>>
        %dma_wait3A_38 = tpu.memref_squeeze %dma_wait3A_37 : memref<1x128xi32, #tpu.memory_space<hbm>> -> memref<128xi32, #tpu.memory_space<hbm>>
        %dma_wait3A_39 = arith.constant 0 : i32
        %dma_wait3A_40 = tpu.memref_slice %arg2[%add3A_16, %dma_wait3A_39] : memref<1280x128xi32, #tpu.memory_space<hbm>> -> memref<1x128xi32, #tpu.memory_space<hbm>>
        %dma_wait3A_41 = tpu.memref_squeeze %dma_wait3A_40 : memref<1x128xi32, #tpu.memory_space<hbm>> -> memref<128xi32, #tpu.memory_space<hbm>>
        tpu.wait_dma2 semaphore(%run_scoped3A : memref<!tpu.dma_semaphore, #tpu.memory_space<semaphore_mem>>) src(%dma_wait3A_41 : memref<128xi32, #tpu.memory_space<hbm>>) dst(%arg4 : memref<128xi32, #tpu.memory_space<vmem>>)
        tpu.yield
      }) : () -> ()
      %get3A = arith.constant 0 : index
      %get3A_17 = tpu.vector_load %arg4[%get3A] {strides = array<i32>} : memref<128xi32, #tpu.memory_space<vmem>>, vector<16xi32>,
      tpu.vector_store_idx %arg5[%get3A_17], %broadcast_in_dim3A_6 {add = true} : memref<10240xf32, #tpu.memory_space<vmem>>[vector<16xi32>], vector<16xf32>,
      %get3A_18 = arith.constant 16 : index
      %get3A_19 = tpu.vector_load %arg4[%get3A_18] {strides = array<i32>} : memref<128xi32, #tpu.memory_space<vmem>>, vector<16xi32>,
      tpu.vector_store_idx %arg5[%get3A_19], %broadcast_in_dim3A_6 {add = true} : memref<10240xf32, #tpu.memory_space<vmem>>[vector<16xi32>], vector<16xf32>,
      %get3A_20 = arith.constant 32 : index
      %get3A_21 = tpu.vector_load %arg4[%get3A_20] {strides = array<i32>} : memref<128xi32, #tpu.memory_space<vmem>>, vector<16xi32>,
      tpu.vector_store_idx %arg5[%get3A_21], %broadcast_in_dim3A_6 {add = true} : memref<10240xf32, #tpu.memory_space<vmem>>[vector<16xi32>], vector<16xf32>,
      %get3A_22 = arith.constant 48 : index
      %get3A_23 = tpu.vector_load %arg4[%get3A_22] {strides = array<i32>} : memref<128xi32, #tpu.memory_space<vmem>>, vector<16xi32>,
      tpu.vector_store_idx %arg5[%get3A_23], %broadcast_in_dim3A_6 {add = true} : memref<10240xf32, #tpu.memory_space<vmem>>[vector<16xi32>], vector<16xf32>,
      %get3A_24 = arith.constant 64 : index
      %get3A_25 = tpu.vector_load %arg4[%get3A_24] {strides = array<i32>} : memref<128xi32, #tpu.memory_space<vmem>>, vector<16xi32>,
      tpu.vector_store_idx %arg5[%get3A_25], %broadcast_in_dim3A_6 {add = true} : memref<10240xf32, #tpu.memory_space<vmem>>[vector<16xi32>], vector<16xf32>,
      %get3A_26 = arith.constant 80 : index
      %get3A_27 = tpu.vector_load %arg4[%get3A_26] {strides = array<i32>} : memref<128xi32, #tpu.memory_space<vmem>>, vector<16xi32>,
      tpu.vector_store_idx %arg5[%get3A_27], %broadcast_in_dim3A_6 {add = true} : memref<10240xf32, #tpu.memory_space<vmem>>[vector<16xi32>], vector<16xf32>,
      %get3A_28 = arith.constant 96 : index
      %get3A_29 = tpu.vector_load %arg4[%get3A_28] {strides = array<i32>} : memref<128xi32, #tpu.memory_space<vmem>>, vector<16xi32>,
      tpu.vector_store_idx %arg5[%get3A_29], %broadcast_in_dim3A_6 {add = true} : memref<10240xf32, #tpu.memory_space<vmem>>[vector<16xi32>], vector<16xf32>,
      %get3A_30 = arith.constant 112 : index
      %get3A_31 = tpu.vector_load %arg4[%get3A_30] {strides = array<i32>} : memref<128xi32, #tpu.memory_space<vmem>>, vector<16xi32>,
      tpu.vector_store_idx %arg5[%get3A_31], %broadcast_in_dim3A_6 {add = true} : memref<10240xf32, #tpu.memory_space<vmem>>[vector<16xi32>], vector<16xf32>,
    }
    %scan3A_12 = arith.constant 40 : i32
    "tpu.region"() ({
      %run_scoped3A = tpu.sem_alloc : memref<!tpu.dma_semaphore, #tpu.memory_space<semaphore_mem>>
      %dma_start3A = arith.constant 0 : i32
      %dma_start3A_13 = tpu.memref_slice %arg3[%add3A, %dma_start3A] : memref<32x10240xf32, #tpu.memory_space<hbm>> -> memref<1x10240xf32, #tpu.memory_space<hbm>>
      %dma_start3A_14 = tpu.memref_squeeze %dma_start3A_13 : memref<1x10240xf32, #tpu.memory_space<hbm>> -> memref<10240xf32, #tpu.memory_space<hbm>>
      %dma_start3A_15 = arith.constant 0 : i32
      %dma_start3A_16 = tpu.memref_slice %arg3[%add3A, %dma_start3A_15] : memref<32x10240xf32, #tpu.memory_space<hbm>> -> memref<1x10240xf32, #tpu.memory_space<hbm>>
      %dma_start3A_17 = tpu.memref_squeeze %dma_start3A_16 : memref<1x10240xf32, #tpu.memory_space<hbm>> -> memref<10240xf32, #tpu.memory_space<hbm>>
      tpu.enqueue_dma source(%arg5 : memref<10240xf32, #tpu.memory_space<vmem>>) target(%dma_start3A_17 : memref<10240xf32, #tpu.memory_space<hbm>>) target_semaphore(%run_scoped3A : memref<!tpu.dma_semaphore, #tpu.memory_space<semaphore_mem>>)
      %dma_wait3A = arith.constant 0 : i32
      %dma_wait3A_18 = tpu.memref_slice %arg3[%add3A, %dma_wait3A] : memref<32x10240xf32, #tpu.memory_space<hbm>> -> memref<1x10240xf32, #tpu.memory_space<hbm>>
      %dma_wait3A_19 = tpu.memref_squeeze %dma_wait3A_18 : memref<1x10240xf32, #tpu.memory_space<hbm>> -> memref<10240xf32, #tpu.memory_space<hbm>>
      %dma_wait3A_20 = arith.constant 0 : i32
      %dma_wait3A_21 = tpu.memref_slice %arg3[%add3A, %dma_wait3A_20] : memref<32x10240xf32, #tpu.memory_space<hbm>> -> memref<1x10240xf32, #tpu.memory_space<hbm>>
      %dma_wait3A_22 = tpu.memref_squeeze %dma_wait3A_21 : memref<1x10240xf32, #tpu.memory_space<hbm>> -> memref<10240xf32, #tpu.memory_space<hbm>>
      tpu.wait_dma2 semaphore(%run_scoped3A : memref<!tpu.dma_semaphore, #tpu.memory_space<semaphore_mem>>) src(%arg5 : memref<10240xf32, #tpu.memory_space<vmem>>) dst(%dma_wait3A_22 : memref<10240xf32, #tpu.memory_space<hbm>>)
      tpu.yield
    }) : () -> ()
    return
  }
}

#map = affine_map<(d0, d1) -> (0, 0)>
#map1 = affine_map<(d0, d1) -> (0, 0, 0)>
module attributes {stable_mosaic.version = 14 : i64} {
  func.func @_spmm_body(%arg0: i32, %arg1: i32, %arg2: memref<10000x128xf32, #tpu.memory_space<hbm>>, %arg3: memref<10000x128xf32, #tpu.memory_space<hbm>>, %arg4: memref<1280x128xi32, #tpu.memory_space<hbm>>, %arg5: memref<1280x128xi32, #tpu.memory_space<hbm>>, %arg6: memref<2x10000x128xf32, #tpu.memory_space<hbm>>, %arg7: memref<40x128xi32, #tpu.memory_space<vmem>>, %arg8: memref<40x128xi32, #tpu.memory_space<vmem>>, %arg9: memref<128x128xf32, #tpu.memory_space<vmem>>, %arg10: memref<128x128xf32, #tpu.memory_space<vmem>>, %arg11: memref<10008x128xf32, #tpu.memory_space<vmem_shared>>, %arg12: memref<!tpu.dma_semaphore, #tpu.memory_space<semaphore_mem>>, %arg13: memref<!tpu.dma_semaphore, #tpu.memory_space<semaphore_mem>>) attributes {dimension_semantics = [#tpu.dimension_semantics<core_parallel>, #tpu.dimension_semantics<subcore_parallel>], iteration_bounds = array<i64: 2, 16>, scalar_prefetch = 0 : i64, scratch_operands = 7 : i64, tpu.core_type = #tpu.core_type<sc_vector_subcore>, window_params = [{transform_indices = #map}, {transform_indices = #map}, {transform_indices = #map}, {transform_indices = #map}, {transform_indices = #map1}]} {
    %eq3A = arith.constant 0 : i32
    %eq3A_0 = arith.cmpi eq, %arg0, %eq3A : i32
    %convert_element_type3A = arith.extui %eq3A_0 : i1 to i32
    %cond3A = arith.constant 0 : i32
    %cond3A_1 = arith.cmpi ne, %convert_element_type3A, %cond3A : i32
    scf.if %cond3A_1 {
      %lt3A = arith.constant 15 : i32
      %lt3A_77 = arith.cmpi slt, %arg1, %lt3A : i32
      %convert_element_type3A_78 = arith.extui %lt3A_77 : i1 to i32
      %cond3A_79 = arith.constant 0 : i32
      %cond3A_80 = arith.cmpi ne, %convert_element_type3A_78, %cond3A_79 : i32
      scf.if %cond3A_80 {
        %mul3A_86 = arith.constant 624 : i32
        %mul3A_87 = arith.muli %arg1, %mul3A_86 : i32
        %multiple_of3A = tpu.assume_multiple %mul3A_87, 8 : i32
        "tpu.region"() ({
          %run_scoped3A = tpu.sem_alloc : memref<!tpu.dma_semaphore, #tpu.memory_space<semaphore_mem>>
          %dma_start3A = arith.constant 0 : i32
          %dma_start3A_88 = tpu.memref_slice %arg11[%multiple_of3A, %dma_start3A] : memref<10008x128xf32, #tpu.memory_space<vmem_shared>> -> memref<624x128xf32, #tpu.memory_space<vmem_shared>>
          %dma_start3A_89 = arith.constant 0 : i32
          %dma_start3A_90 = tpu.memref_slice %arg2[%multiple_of3A, %dma_start3A_89] : memref<10000x128xf32, #tpu.memory_space<hbm>> -> memref<624x128xf32, #tpu.memory_space<hbm>>
          tpu.enqueue_dma source(%dma_start3A_90 : memref<624x128xf32, #tpu.memory_space<hbm>>) target(%dma_start3A_88 : memref<624x128xf32, #tpu.memory_space<vmem_shared>>) target_semaphore(%run_scoped3A : memref<!tpu.dma_semaphore, #tpu.memory_space<semaphore_mem>>)
          %dma_wait3A = arith.constant 0 : i32
          %dma_wait3A_91 = tpu.memref_slice %arg11[%multiple_of3A, %dma_wait3A] : memref<10008x128xf32, #tpu.memory_space<vmem_shared>> -> memref<624x128xf32, #tpu.memory_space<vmem_shared>>
          %dma_wait3A_92 = arith.constant 0 : i32
          %dma_wait3A_93 = tpu.memref_slice %arg2[%multiple_of3A, %dma_wait3A_92] : memref<10000x128xf32, #tpu.memory_space<hbm>> -> memref<624x128xf32, #tpu.memory_space<hbm>>
          tpu.wait_dma2 semaphore(%run_scoped3A : memref<!tpu.dma_semaphore, #tpu.memory_space<semaphore_mem>>) src(%dma_wait3A_93 : memref<624x128xf32, #tpu.memory_space<hbm>>) dst(%dma_wait3A_91 : memref<624x128xf32, #tpu.memory_space<vmem_shared>>)
          tpu.yield
        }) : () -> ()
      } else {
      }
      %eq3A_81 = arith.constant 15 : i32
      %eq3A_82 = arith.cmpi eq, %arg1, %eq3A_81 : i32
      %convert_element_type3A_83 = arith.extui %eq3A_82 : i1 to i32
      %cond3A_84 = arith.constant 0 : i32
      %cond3A_85 = arith.cmpi ne, %convert_element_type3A_83, %cond3A_84 : i32
      scf.if %cond3A_85 {
        "tpu.region"() ({
          %run_scoped3A = tpu.sem_alloc : memref<!tpu.dma_semaphore, #tpu.memory_space<semaphore_mem>>
          %dma_start3A = arith.constant 9360 : i32
          %dma_start3A_86 = arith.constant 0 : i32
          %dma_start3A_87 = tpu.memref_slice %arg11[%dma_start3A, %dma_start3A_86] : memref<10008x128xf32, #tpu.memory_space<vmem_shared>> -> memref<640x128xf32, #tpu.memory_space<vmem_shared>>
          %dma_start3A_88 = arith.constant 9360 : i32
          %dma_start3A_89 = arith.constant 0 : i32
          %dma_start3A_90 = tpu.memref_slice %arg2[%dma_start3A_88, %dma_start3A_89] : memref<10000x128xf32, #tpu.memory_space<hbm>> -> memref<640x128xf32, #tpu.memory_space<hbm>>
          tpu.enqueue_dma source(%dma_start3A_90 : memref<640x128xf32, #tpu.memory_space<hbm>>) target(%dma_start3A_87 : memref<640x128xf32, #tpu.memory_space<vmem_shared>>) target_semaphore(%run_scoped3A : memref<!tpu.dma_semaphore, #tpu.memory_space<semaphore_mem>>)
          %dma_wait3A = arith.constant 9360 : i32
          %dma_wait3A_91 = arith.constant 0 : i32
          %dma_wait3A_92 = tpu.memref_slice %arg11[%dma_wait3A, %dma_wait3A_91] : memref<10008x128xf32, #tpu.memory_space<vmem_shared>> -> memref<640x128xf32, #tpu.memory_space<vmem_shared>>
          %dma_wait3A_93 = arith.constant 9360 : i32
          %dma_wait3A_94 = arith.constant 0 : i32
          %dma_wait3A_95 = tpu.memref_slice %arg2[%dma_wait3A_93, %dma_wait3A_94] : memref<10000x128xf32, #tpu.memory_space<hbm>> -> memref<640x128xf32, #tpu.memory_space<hbm>>
          tpu.wait_dma2 semaphore(%run_scoped3A : memref<!tpu.dma_semaphore, #tpu.memory_space<semaphore_mem>>) src(%dma_wait3A_95 : memref<640x128xf32, #tpu.memory_space<hbm>>) dst(%dma_wait3A_92 : memref<640x128xf32, #tpu.memory_space<vmem_shared>>)
          tpu.yield
        }) : () -> ()
      } else {
      }
    } else {
    }
    %eq3A_2 = arith.constant 1 : i32
    %eq3A_3 = arith.cmpi eq, %arg0, %eq3A_2 : i32
    %convert_element_type3A_4 = arith.extui %eq3A_3 : i1 to i32
    %cond3A_5 = arith.constant 0 : i32
    %cond3A_6 = arith.cmpi ne, %convert_element_type3A_4, %cond3A_5 : i32
    scf.if %cond3A_6 {
      %lt3A = arith.constant 15 : i32
      %lt3A_77 = arith.cmpi slt, %arg1, %lt3A : i32
      %convert_element_type3A_78 = arith.extui %lt3A_77 : i1 to i32
      %cond3A_79 = arith.constant 0 : i32
      %cond3A_80 = arith.cmpi ne, %convert_element_type3A_78, %cond3A_79 : i32
      scf.if %cond3A_80 {
        %mul3A_86 = arith.constant 624 : i32
        %mul3A_87 = arith.muli %arg1, %mul3A_86 : i32
        %multiple_of3A = tpu.assume_multiple %mul3A_87, 8 : i32
        "tpu.region"() ({
          %run_scoped3A = tpu.sem_alloc : memref<!tpu.dma_semaphore, #tpu.memory_space<semaphore_mem>>
          %dma_start3A = arith.constant 0 : i32
          %dma_start3A_88 = tpu.memref_slice %arg11[%multiple_of3A, %dma_start3A] : memref<10008x128xf32, #tpu.memory_space<vmem_shared>> -> memref<624x128xf32, #tpu.memory_space<vmem_shared>>
          %dma_start3A_89 = arith.constant 0 : i32
          %dma_start3A_90 = tpu.memref_slice %arg3[%multiple_of3A, %dma_start3A_89] : memref<10000x128xf32, #tpu.memory_space<hbm>> -> memref<624x128xf32, #tpu.memory_space<hbm>>
          tpu.enqueue_dma source(%dma_start3A_90 : memref<624x128xf32, #tpu.memory_space<hbm>>) target(%dma_start3A_88 : memref<624x128xf32, #tpu.memory_space<vmem_shared>>) target_semaphore(%run_scoped3A : memref<!tpu.dma_semaphore, #tpu.memory_space<semaphore_mem>>)
          %dma_wait3A = arith.constant 0 : i32
          %dma_wait3A_91 = tpu.memref_slice %arg11[%multiple_of3A, %dma_wait3A] : memref<10008x128xf32, #tpu.memory_space<vmem_shared>> -> memref<624x128xf32, #tpu.memory_space<vmem_shared>>
          %dma_wait3A_92 = arith.constant 0 : i32
          %dma_wait3A_93 = tpu.memref_slice %arg3[%multiple_of3A, %dma_wait3A_92] : memref<10000x128xf32, #tpu.memory_space<hbm>> -> memref<624x128xf32, #tpu.memory_space<hbm>>
          tpu.wait_dma2 semaphore(%run_scoped3A : memref<!tpu.dma_semaphore, #tpu.memory_space<semaphore_mem>>) src(%dma_wait3A_93 : memref<624x128xf32, #tpu.memory_space<hbm>>) dst(%dma_wait3A_91 : memref<624x128xf32, #tpu.memory_space<vmem_shared>>)
          tpu.yield
        }) : () -> ()
      } else {
      }
      %eq3A_81 = arith.constant 15 : i32
      %eq3A_82 = arith.cmpi eq, %arg1, %eq3A_81 : i32
      %convert_element_type3A_83 = arith.extui %eq3A_82 : i1 to i32
      %cond3A_84 = arith.constant 0 : i32
      %cond3A_85 = arith.cmpi ne, %convert_element_type3A_83, %cond3A_84 : i32
      scf.if %cond3A_85 {
        "tpu.region"() ({
          %run_scoped3A = tpu.sem_alloc : memref<!tpu.dma_semaphore, #tpu.memory_space<semaphore_mem>>
          %dma_start3A = arith.constant 9360 : i32
          %dma_start3A_86 = arith.constant 0 : i32
          %dma_start3A_87 = tpu.memref_slice %arg11[%dma_start3A, %dma_start3A_86] : memref<10008x128xf32, #tpu.memory_space<vmem_shared>> -> memref<640x128xf32, #tpu.memory_space<vmem_shared>>
          %dma_start3A_88 = arith.constant 9360 : i32
          %dma_start3A_89 = arith.constant 0 : i32
          %dma_start3A_90 = tpu.memref_slice %arg3[%dma_start3A_88, %dma_start3A_89] : memref<10000x128xf32, #tpu.memory_space<hbm>> -> memref<640x128xf32, #tpu.memory_space<hbm>>
          tpu.enqueue_dma source(%dma_start3A_90 : memref<640x128xf32, #tpu.memory_space<hbm>>) target(%dma_start3A_87 : memref<640x128xf32, #tpu.memory_space<vmem_shared>>) target_semaphore(%run_scoped3A : memref<!tpu.dma_semaphore, #tpu.memory_space<semaphore_mem>>)
          %dma_wait3A = arith.constant 9360 : i32
          %dma_wait3A_91 = arith.constant 0 : i32
          %dma_wait3A_92 = tpu.memref_slice %arg11[%dma_wait3A, %dma_wait3A_91] : memref<10008x128xf32, #tpu.memory_space<vmem_shared>> -> memref<640x128xf32, #tpu.memory_space<vmem_shared>>
          %dma_wait3A_93 = arith.constant 9360 : i32
          %dma_wait3A_94 = arith.constant 0 : i32
          %dma_wait3A_95 = tpu.memref_slice %arg3[%dma_wait3A_93, %dma_wait3A_94] : memref<10000x128xf32, #tpu.memory_space<hbm>> -> memref<640x128xf32, #tpu.memory_space<hbm>>
          tpu.wait_dma2 semaphore(%run_scoped3A : memref<!tpu.dma_semaphore, #tpu.memory_space<semaphore_mem>>) src(%dma_wait3A_95 : memref<640x128xf32, #tpu.memory_space<hbm>>) dst(%dma_wait3A_92 : memref<640x128xf32, #tpu.memory_space<vmem_shared>>)
          tpu.yield
        }) : () -> ()
      } else {
      }
    } else {
    }
    %barrier3A = arith.constant 0 : index
    tpu.barrier barrier_id(%barrier3A)
    %mul3A = arith.constant 80 : i32
    %mul3A_7 = arith.muli %arg1, %mul3A : i32
    %add3A = arith.constant 0 : i32
    %add3A_8 = arith.addi %mul3A_7, %add3A : i32
    "tpu.region"() ({
      %run_scoped3A = tpu.sem_alloc : memref<!tpu.dma_semaphore, #tpu.memory_space<semaphore_mem>>
      %dma_start3A = arith.constant 0 : i32
      %dma_start3A_77 = tpu.memref_slice %arg4[%add3A_8, %dma_start3A] : memref<1280x128xi32, #tpu.memory_space<hbm>> -> memref<40x128xi32, #tpu.memory_space<hbm>>
      %dma_start3A_78 = arith.constant 0 : i32
      %dma_start3A_79 = tpu.memref_slice %arg4[%add3A_8, %dma_start3A_78] : memref<1280x128xi32, #tpu.memory_space<hbm>> -> memref<40x128xi32, #tpu.memory_space<hbm>>
      tpu.enqueue_dma source(%dma_start3A_79 : memref<40x128xi32, #tpu.memory_space<hbm>>) target(%arg7 : memref<40x128xi32, #tpu.memory_space<vmem>>) target_semaphore(%run_scoped3A : memref<!tpu.dma_semaphore, #tpu.memory_space<semaphore_mem>>)
      %dma_wait3A = arith.constant 0 : i32
      %dma_wait3A_80 = tpu.memref_slice %arg4[%add3A_8, %dma_wait3A] : memref<1280x128xi32, #tpu.memory_space<hbm>> -> memref<40x128xi32, #tpu.memory_space<hbm>>
      %dma_wait3A_81 = arith.constant 0 : i32
      %dma_wait3A_82 = tpu.memref_slice %arg4[%add3A_8, %dma_wait3A_81] : memref<1280x128xi32, #tpu.memory_space<hbm>> -> memref<40x128xi32, #tpu.memory_space<hbm>>
      tpu.wait_dma2 semaphore(%run_scoped3A : memref<!tpu.dma_semaphore, #tpu.memory_space<semaphore_mem>>) src(%dma_wait3A_82 : memref<40x128xi32, #tpu.memory_space<hbm>>) dst(%arg7 : memref<40x128xi32, #tpu.memory_space<vmem>>)
      tpu.yield
    }) : () -> ()
    %add3A_9 = arith.constant 0 : i32
    %add3A_10 = arith.addi %mul3A_7, %add3A_9 : i32
    "tpu.region"() ({
      %run_scoped3A = tpu.sem_alloc : memref<!tpu.dma_semaphore, #tpu.memory_space<semaphore_mem>>
      %dma_start3A = arith.constant 0 : i32
      %dma_start3A_77 = tpu.memref_slice %arg5[%add3A_10, %dma_start3A] : memref<1280x128xi32, #tpu.memory_space<hbm>> -> memref<40x128xi32, #tpu.memory_space<hbm>>
      %dma_start3A_78 = arith.constant 0 : i32
      %dma_start3A_79 = tpu.memref_slice %arg5[%add3A_10, %dma_start3A_78] : memref<1280x128xi32, #tpu.memory_space<hbm>> -> memref<40x128xi32, #tpu.memory_space<hbm>>
      tpu.enqueue_dma source(%dma_start3A_79 : memref<40x128xi32, #tpu.memory_space<hbm>>) target(%arg8 : memref<40x128xi32, #tpu.memory_space<vmem>>) target_semaphore(%run_scoped3A : memref<!tpu.dma_semaphore, #tpu.memory_space<semaphore_mem>>)
      %dma_wait3A = arith.constant 0 : i32
      %dma_wait3A_80 = tpu.memref_slice %arg5[%add3A_10, %dma_wait3A] : memref<1280x128xi32, #tpu.memory_space<hbm>> -> memref<40x128xi32, #tpu.memory_space<hbm>>
      %dma_wait3A_81 = arith.constant 0 : i32
      %dma_wait3A_82 = tpu.memref_slice %arg5[%add3A_10, %dma_wait3A_81] : memref<1280x128xi32, #tpu.memory_space<hbm>> -> memref<40x128xi32, #tpu.memory_space<hbm>>
      tpu.wait_dma2 semaphore(%run_scoped3A : memref<!tpu.dma_semaphore, #tpu.memory_space<semaphore_mem>>) src(%dma_wait3A_82 : memref<40x128xi32, #tpu.memory_space<hbm>>) dst(%arg8 : memref<40x128xi32, #tpu.memory_space<vmem>>)
      tpu.yield
    }) : () -> ()
    %eq3A_11 = arith.constant 0 : i32
    %eq3A_12 = arith.cmpi eq, %arg0, %eq3A_11 : i32
    %convert_element_type3A_13 = arith.extui %eq3A_12 : i1 to i32
    %cond3A_14 = arith.constant 0 : i32
    %cond3A_15 = arith.cmpi ne, %convert_element_type3A_13, %cond3A_14 : i32
    scf.if %cond3A_15 {
      %dma_start3A = arith.constant 0 : i32
      %dma_start3A_77 = arith.constant 0 : i32
      %dma_start3A_78 = tpu.memref_slice %arg7[%dma_start3A, %dma_start3A_77] : memref<40x128xi32, #tpu.memory_space<vmem>> -> memref<1x128xi32, #tpu.memory_space<vmem>>
      %dma_start3A_79 = tpu.memref_squeeze %dma_start3A_78 : memref<1x128xi32, #tpu.memory_space<vmem>> -> memref<128xi32, #tpu.memory_space<vmem>>
      %dma_start3A_80 = arith.constant 0 : i32
      %dma_start3A_81 = arith.constant 0 : i32
      %dma_start3A_82 = tpu.memref_slice %arg2[%dma_start3A_80, %dma_start3A_81] : memref<10000x128xf32, #tpu.memory_space<hbm>> -> memref<10000x128xf32, #tpu.memory_space<hbm>>
      tpu.enqueue_indirect_dma source(%dma_start3A_82 : memref<10000x128xf32, #tpu.memory_space<hbm>>) target(%arg9 : memref<128x128xf32, #tpu.memory_space<vmem>>) offsets(%dma_start3A_79 : memref<128xi32, #tpu.memory_space<vmem>>) semaphore(%arg12 : memref<!tpu.dma_semaphore, #tpu.memory_space<semaphore_mem>>)
    } else {
    }
    %eq3A_16 = arith.constant 1 : i32
    %eq3A_17 = arith.cmpi eq, %arg0, %eq3A_16 : i32
    %convert_element_type3A_18 = arith.extui %eq3A_17 : i1 to i32
    %cond3A_19 = arith.constant 0 : i32
    %cond3A_20 = arith.cmpi ne, %convert_element_type3A_18, %cond3A_19 : i32
    scf.if %cond3A_20 {
      %dma_start3A = arith.constant 0 : i32
      %dma_start3A_77 = arith.constant 0 : i32
      %dma_start3A_78 = tpu.memref_slice %arg7[%dma_start3A, %dma_start3A_77] : memref<40x128xi32, #tpu.memory_space<vmem>> -> memref<1x128xi32, #tpu.memory_space<vmem>>
      %dma_start3A_79 = tpu.memref_squeeze %dma_start3A_78 : memref<1x128xi32, #tpu.memory_space<vmem>> -> memref<128xi32, #tpu.memory_space<vmem>>
      %dma_start3A_80 = arith.constant 0 : i32
      %dma_start3A_81 = arith.constant 0 : i32
      %dma_start3A_82 = tpu.memref_slice %arg3[%dma_start3A_80, %dma_start3A_81] : memref<10000x128xf32, #tpu.memory_space<hbm>> -> memref<10000x128xf32, #tpu.memory_space<hbm>>
      tpu.enqueue_indirect_dma source(%dma_start3A_82 : memref<10000x128xf32, #tpu.memory_space<hbm>>) target(%arg9 : memref<128x128xf32, #tpu.memory_space<vmem>>) offsets(%dma_start3A_79 : memref<128xi32, #tpu.memory_space<vmem>>) semaphore(%arg12 : memref<!tpu.dma_semaphore, #tpu.memory_space<semaphore_mem>>)
    } else {
    }
    %eq3A_21 = arith.constant 0 : i32
    %eq3A_22 = arith.cmpi eq, %arg0, %eq3A_21 : i32
    %convert_element_type3A_23 = arith.extui %eq3A_22 : i1 to i32
    %cond3A_24 = arith.constant 0 : i32
    %cond3A_25 = arith.cmpi ne, %convert_element_type3A_23, %cond3A_24 : i32
    scf.if %cond3A_25 {
      %dma_start3A = arith.constant 1 : i32
      %dma_start3A_77 = arith.constant 0 : i32
      %dma_start3A_78 = tpu.memref_slice %arg7[%dma_start3A, %dma_start3A_77] : memref<40x128xi32, #tpu.memory_space<vmem>> -> memref<1x128xi32, #tpu.memory_space<vmem>>
      %dma_start3A_79 = tpu.memref_squeeze %dma_start3A_78 : memref<1x128xi32, #tpu.memory_space<vmem>> -> memref<128xi32, #tpu.memory_space<vmem>>
      %dma_start3A_80 = arith.constant 0 : i32
      %dma_start3A_81 = arith.constant 0 : i32
      %dma_start3A_82 = tpu.memref_slice %arg2[%dma_start3A_80, %dma_start3A_81] : memref<10000x128xf32, #tpu.memory_space<hbm>> -> memref<10000x128xf32, #tpu.memory_space<hbm>>
      tpu.enqueue_indirect_dma source(%dma_start3A_82 : memref<10000x128xf32, #tpu.memory_space<hbm>>) target(%arg10 : memref<128x128xf32, #tpu.memory_space<vmem>>) offsets(%dma_start3A_79 : memref<128xi32, #tpu.memory_space<vmem>>) semaphore(%arg13 : memref<!tpu.dma_semaphore, #tpu.memory_space<semaphore_mem>>)
    } else {
    }
    %eq3A_26 = arith.constant 1 : i32
    %eq3A_27 = arith.cmpi eq, %arg0, %eq3A_26 : i32
    %convert_element_type3A_28 = arith.extui %eq3A_27 : i1 to i32
    %cond3A_29 = arith.constant 0 : i32
    %cond3A_30 = arith.cmpi ne, %convert_element_type3A_28, %cond3A_29 : i32
    scf.if %cond3A_30 {
      %dma_start3A = arith.constant 1 : i32
      %dma_start3A_77 = arith.constant 0 : i32
      %dma_start3A_78 = tpu.memref_slice %arg7[%dma_start3A, %dma_start3A_77] : memref<40x128xi32, #tpu.memory_space<vmem>> -> memref<1x128xi32, #tpu.memory_space<vmem>>
      %dma_start3A_79 = tpu.memref_squeeze %dma_start3A_78 : memref<1x128xi32, #tpu.memory_space<vmem>> -> memref<128xi32, #tpu.memory_space<vmem>>
      %dma_start3A_80 = arith.constant 0 : i32
      %dma_start3A_81 = arith.constant 0 : i32
      %dma_start3A_82 = tpu.memref_slice %arg3[%dma_start3A_80, %dma_start3A_81] : memref<10000x128xf32, #tpu.memory_space<hbm>> -> memref<10000x128xf32, #tpu.memory_space<hbm>>
      tpu.enqueue_indirect_dma source(%dma_start3A_82 : memref<10000x128xf32, #tpu.memory_space<hbm>>) target(%arg10 : memref<128x128xf32, #tpu.memory_space<vmem>>) offsets(%dma_start3A_79 : memref<128xi32, #tpu.memory_space<vmem>>) semaphore(%arg13 : memref<!tpu.dma_semaphore, #tpu.memory_space<semaphore_mem>>)
    } else {
    }
    %scan3A = arith.constant 0 : i32
    %scan3A_31 = arith.constant 0 : i32
    %scan3A_32 = arith.constant 20 : i32
    %scan3A_33 = arith.addi %scan3A_31, %scan3A_32 : i32
    %scan3A_34 = arith.constant 1 : i32
    scf.for %scan3A_77 = %scan3A_31 to %scan3A_33 step %scan3A_34  : i32 {
      %mul3A_78 = arith.constant 2 : i32
      %mul3A_79 = arith.muli %scan3A_77, %mul3A_78 : i32
      %add3A_80 = arith.constant 0 : i32
      %add3A_81 = arith.addi %mul3A_79, %add3A_80 : i32
      %eq3A_82 = arith.constant 0 : i32
      %eq3A_83 = arith.cmpi eq, %arg0, %eq3A_82 : i32
      %convert_element_type3A_84 = arith.extui %eq3A_83 : i1 to i32
      %cond3A_85 = arith.constant 0 : i32
      %cond3A_86 = arith.cmpi ne, %convert_element_type3A_84, %cond3A_85 : i32
      scf.if %cond3A_86 {
        %dma_wait3A = arith.constant 0 : i32
        %dma_wait3A_119 = tpu.memref_slice %arg7[%add3A_81, %dma_wait3A] : memref<40x128xi32, #tpu.memory_space<vmem>> -> memref<1x128xi32, #tpu.memory_space<vmem>>
        %dma_wait3A_120 = tpu.memref_squeeze %dma_wait3A_119 : memref<1x128xi32, #tpu.memory_space<vmem>> -> memref<128xi32, #tpu.memory_space<vmem>>
        %dma_wait3A_121 = arith.constant 0 : i32
        %dma_wait3A_122 = arith.constant 0 : i32
        %dma_wait3A_123 = tpu.memref_slice %arg2[%dma_wait3A_121, %dma_wait3A_122] : memref<10000x128xf32, #tpu.memory_space<hbm>> -> memref<10000x128xf32, #tpu.memory_space<hbm>>
        tpu.wait_indirect_dma semaphore(%arg12 : memref<!tpu.dma_semaphore, #tpu.memory_space<semaphore_mem>>) src(%dma_wait3A_123 : memref<10000x128xf32, #tpu.memory_space<hbm>>) dst(%arg9 : memref<128x128xf32, #tpu.memory_space<vmem>>)
      } else {
      }
      %eq3A_87 = arith.constant 1 : i32
      %eq3A_88 = arith.cmpi eq, %arg0, %eq3A_87 : i32
      %convert_element_type3A_89 = arith.extui %eq3A_88 : i1 to i32
      %cond3A_90 = arith.constant 0 : i32
      %cond3A_91 = arith.cmpi ne, %convert_element_type3A_89, %cond3A_90 : i32
      scf.if %cond3A_91 {
        %dma_wait3A = arith.constant 0 : i32
        %dma_wait3A_119 = tpu.memref_slice %arg7[%add3A_81, %dma_wait3A] : memref<40x128xi32, #tpu.memory_space<vmem>> -> memref<1x128xi32, #tpu.memory_space<vmem>>
        %dma_wait3A_120 = tpu.memref_squeeze %dma_wait3A_119 : memref<1x128xi32, #tpu.memory_space<vmem>> -> memref<128xi32, #tpu.memory_space<vmem>>
        %dma_wait3A_121 = arith.constant 0 : i32
        %dma_wait3A_122 = arith.constant 0 : i32
        %dma_wait3A_123 = tpu.memref_slice %arg3[%dma_wait3A_121, %dma_wait3A_122] : memref<10000x128xf32, #tpu.memory_space<hbm>> -> memref<10000x128xf32, #tpu.memory_space<hbm>>
        tpu.wait_indirect_dma semaphore(%arg12 : memref<!tpu.dma_semaphore, #tpu.memory_space<semaphore_mem>>) src(%dma_wait3A_123 : memref<10000x128xf32, #tpu.memory_space<hbm>>) dst(%arg9 : memref<128x128xf32, #tpu.memory_space<vmem>>)
      } else {
      }
      "tpu.region"() ({
        %run_scoped3A = tpu.sem_alloc : memref<!tpu.dma_semaphore, #tpu.memory_space<semaphore_mem>>
        %dma_start3A = arith.constant 0 : i32
        %dma_start3A_119 = tpu.memref_slice %arg8[%add3A_81, %dma_start3A] : memref<40x128xi32, #tpu.memory_space<vmem>> -> memref<1x128xi32, #tpu.memory_space<vmem>>
        %dma_start3A_120 = tpu.memref_squeeze %dma_start3A_119 : memref<1x128xi32, #tpu.memory_space<vmem>> -> memref<128xi32, #tpu.memory_space<vmem>>
        %dma_start3A_121 = arith.constant 0 : i32
        %dma_start3A_122 = arith.constant 0 : i32
        %dma_start3A_123 = tpu.memref_slice %arg11[%dma_start3A_121, %dma_start3A_122] : memref<10008x128xf32, #tpu.memory_space<vmem_shared>> -> memref<10008x128xf32, #tpu.memory_space<vmem_shared>>
        tpu.enqueue_indirect_dma source(%arg9 : memref<128x128xf32, #tpu.memory_space<vmem>>) target(%dma_start3A_123 : memref<10008x128xf32, #tpu.memory_space<vmem_shared>>) offsets(%dma_start3A_120 : memref<128xi32, #tpu.memory_space<vmem>>) semaphore(%run_scoped3A : memref<!tpu.dma_semaphore, #tpu.memory_space<semaphore_mem>>) {add = true}
        %dma_wait3A = arith.constant 0 : i32
        %dma_wait3A_124 = tpu.memref_slice %arg8[%add3A_81, %dma_wait3A] : memref<40x128xi32, #tpu.memory_space<vmem>> -> memref<1x128xi32, #tpu.memory_space<vmem>>
        %dma_wait3A_125 = tpu.memref_squeeze %dma_wait3A_124 : memref<1x128xi32, #tpu.memory_space<vmem>> -> memref<128xi32, #tpu.memory_space<vmem>>
        %dma_wait3A_126 = arith.constant 0 : i32
        %dma_wait3A_127 = arith.constant 0 : i32
        %dma_wait3A_128 = tpu.memref_slice %arg11[%dma_wait3A_126, %dma_wait3A_127] : memref<10008x128xf32, #tpu.memory_space<vmem_shared>> -> memref<10008x128xf32, #tpu.memory_space<vmem_shared>>
        tpu.wait_indirect_dma semaphore(%run_scoped3A : memref<!tpu.dma_semaphore, #tpu.memory_space<semaphore_mem>>) src(%arg9 : memref<128x128xf32, #tpu.memory_space<vmem>>) dst(%dma_wait3A_128 : memref<10008x128xf32, #tpu.memory_space<vmem_shared>>)
        tpu.yield
      }) : () -> ()
      %add3A_92 = arith.constant 2 : i32
      %add3A_93 = arith.addi %add3A_81, %add3A_92 : i32
      %lt3A = arith.constant 40 : i32
      %lt3A_94 = arith.cmpi slt, %add3A_93, %lt3A : i32
      %convert_element_type3A_95 = arith.extui %lt3A_94 : i1 to i32
      %cond3A_96 = arith.constant 0 : i32
      %cond3A_97 = arith.cmpi ne, %convert_element_type3A_95, %cond3A_96 : i32
      scf.if %cond3A_97 {
        %add3A_119 = arith.constant 2 : i32
        %add3A_120 = arith.addi %add3A_81, %add3A_119 : i32
        %eq3A_121 = arith.constant 0 : i32
        %eq3A_122 = arith.cmpi eq, %arg0, %eq3A_121 : i32
        %convert_element_type3A_123 = arith.extui %eq3A_122 : i1 to i32
        %cond3A_124 = arith.constant 0 : i32
        %cond3A_125 = arith.cmpi ne, %convert_element_type3A_123, %cond3A_124 : i32
        scf.if %cond3A_125 {
          %dma_start3A = arith.constant 0 : i32
          %dma_start3A_131 = tpu.memref_slice %arg7[%add3A_120, %dma_start3A] : memref<40x128xi32, #tpu.memory_space<vmem>> -> memref<1x128xi32, #tpu.memory_space<vmem>>
          %dma_start3A_132 = tpu.memref_squeeze %dma_start3A_131 : memref<1x128xi32, #tpu.memory_space<vmem>> -> memref<128xi32, #tpu.memory_space<vmem>>
          %dma_start3A_133 = arith.constant 0 : i32
          %dma_start3A_134 = arith.constant 0 : i32
          %dma_start3A_135 = tpu.memref_slice %arg2[%dma_start3A_133, %dma_start3A_134] : memref<10000x128xf32, #tpu.memory_space<hbm>> -> memref<10000x128xf32, #tpu.memory_space<hbm>>
          tpu.enqueue_indirect_dma source(%dma_start3A_135 : memref<10000x128xf32, #tpu.memory_space<hbm>>) target(%arg9 : memref<128x128xf32, #tpu.memory_space<vmem>>) offsets(%dma_start3A_132 : memref<128xi32, #tpu.memory_space<vmem>>) semaphore(%arg12 : memref<!tpu.dma_semaphore, #tpu.memory_space<semaphore_mem>>)
        } else {
        }
        %eq3A_126 = arith.constant 1 : i32
        %eq3A_127 = arith.cmpi eq, %arg0, %eq3A_126 : i32
        %convert_element_type3A_128 = arith.extui %eq3A_127 : i1 to i32
        %cond3A_129 = arith.constant 0 : i32
        %cond3A_130 = arith.cmpi ne, %convert_element_type3A_128, %cond3A_129 : i32
        scf.if %cond3A_130 {
          %dma_start3A = arith.constant 0 : i32
          %dma_start3A_131 = tpu.memref_slice %arg7[%add3A_120, %dma_start3A] : memref<40x128xi32, #tpu.memory_space<vmem>> -> memref<1x128xi32, #tpu.memory_space<vmem>>
          %dma_start3A_132 = tpu.memref_squeeze %dma_start3A_131 : memref<1x128xi32, #tpu.memory_space<vmem>> -> memref<128xi32, #tpu.memory_space<vmem>>
          %dma_start3A_133 = arith.constant 0 : i32
          %dma_start3A_134 = arith.constant 0 : i32
          %dma_start3A_135 = tpu.memref_slice %arg3[%dma_start3A_133, %dma_start3A_134] : memref<10000x128xf32, #tpu.memory_space<hbm>> -> memref<10000x128xf32, #tpu.memory_space<hbm>>
          tpu.enqueue_indirect_dma source(%dma_start3A_135 : memref<10000x128xf32, #tpu.memory_space<hbm>>) target(%arg9 : memref<128x128xf32, #tpu.memory_space<vmem>>) offsets(%dma_start3A_132 : memref<128xi32, #tpu.memory_space<vmem>>) semaphore(%arg12 : memref<!tpu.dma_semaphore, #tpu.memory_space<semaphore_mem>>)
        } else {
        }
      } else {
      }
      %mul3A_98 = arith.constant 2 : i32
      %mul3A_99 = arith.muli %scan3A_77, %mul3A_98 : i32
      %add3A_100 = arith.constant 1 : i32
      %add3A_101 = arith.addi %mul3A_99, %add3A_100 : i32
      %eq3A_102 = arith.constant 0 : i32
      %eq3A_103 = arith.cmpi eq, %arg0, %eq3A_102 : i32
      %convert_element_type3A_104 = arith.extui %eq3A_103 : i1 to i32
      %cond3A_105 = arith.constant 0 : i32
      %cond3A_106 = arith.cmpi ne, %convert_element_type3A_104, %cond3A_105 : i32
      scf.if %cond3A_106 {
        %dma_wait3A = arith.constant 0 : i32
        %dma_wait3A_119 = tpu.memref_slice %arg7[%add3A_101, %dma_wait3A] : memref<40x128xi32, #tpu.memory_space<vmem>> -> memref<1x128xi32, #tpu.memory_space<vmem>>
        %dma_wait3A_120 = tpu.memref_squeeze %dma_wait3A_119 : memref<1x128xi32, #tpu.memory_space<vmem>> -> memref<128xi32, #tpu.memory_space<vmem>>
        %dma_wait3A_121 = arith.constant 0 : i32
        %dma_wait3A_122 = arith.constant 0 : i32
        %dma_wait3A_123 = tpu.memref_slice %arg2[%dma_wait3A_121, %dma_wait3A_122] : memref<10000x128xf32, #tpu.memory_space<hbm>> -> memref<10000x128xf32, #tpu.memory_space<hbm>>
        tpu.wait_indirect_dma semaphore(%arg13 : memref<!tpu.dma_semaphore, #tpu.memory_space<semaphore_mem>>) src(%dma_wait3A_123 : memref<10000x128xf32, #tpu.memory_space<hbm>>) dst(%arg10 : memref<128x128xf32, #tpu.memory_space<vmem>>)
      } else {
      }
      %eq3A_107 = arith.constant 1 : i32
      %eq3A_108 = arith.cmpi eq, %arg0, %eq3A_107 : i32
      %convert_element_type3A_109 = arith.extui %eq3A_108 : i1 to i32
      %cond3A_110 = arith.constant 0 : i32
      %cond3A_111 = arith.cmpi ne, %convert_element_type3A_109, %cond3A_110 : i32
      scf.if %cond3A_111 {
        %dma_wait3A = arith.constant 0 : i32
        %dma_wait3A_119 = tpu.memref_slice %arg7[%add3A_101, %dma_wait3A] : memref<40x128xi32, #tpu.memory_space<vmem>> -> memref<1x128xi32, #tpu.memory_space<vmem>>
        %dma_wait3A_120 = tpu.memref_squeeze %dma_wait3A_119 : memref<1x128xi32, #tpu.memory_space<vmem>> -> memref<128xi32, #tpu.memory_space<vmem>>
        %dma_wait3A_121 = arith.constant 0 : i32
        %dma_wait3A_122 = arith.constant 0 : i32
        %dma_wait3A_123 = tpu.memref_slice %arg3[%dma_wait3A_121, %dma_wait3A_122] : memref<10000x128xf32, #tpu.memory_space<hbm>> -> memref<10000x128xf32, #tpu.memory_space<hbm>>
        tpu.wait_indirect_dma semaphore(%arg13 : memref<!tpu.dma_semaphore, #tpu.memory_space<semaphore_mem>>) src(%dma_wait3A_123 : memref<10000x128xf32, #tpu.memory_space<hbm>>) dst(%arg10 : memref<128x128xf32, #tpu.memory_space<vmem>>)
      } else {
      }
      "tpu.region"() ({
        %run_scoped3A = tpu.sem_alloc : memref<!tpu.dma_semaphore, #tpu.memory_space<semaphore_mem>>
        %dma_start3A = arith.constant 0 : i32
        %dma_start3A_119 = tpu.memref_slice %arg8[%add3A_101, %dma_start3A] : memref<40x128xi32, #tpu.memory_space<vmem>> -> memref<1x128xi32, #tpu.memory_space<vmem>>
        %dma_start3A_120 = tpu.memref_squeeze %dma_start3A_119 : memref<1x128xi32, #tpu.memory_space<vmem>> -> memref<128xi32, #tpu.memory_space<vmem>>
        %dma_start3A_121 = arith.constant 0 : i32
        %dma_start3A_122 = arith.constant 0 : i32
        %dma_start3A_123 = tpu.memref_slice %arg11[%dma_start3A_121, %dma_start3A_122] : memref<10008x128xf32, #tpu.memory_space<vmem_shared>> -> memref<10008x128xf32, #tpu.memory_space<vmem_shared>>
        tpu.enqueue_indirect_dma source(%arg10 : memref<128x128xf32, #tpu.memory_space<vmem>>) target(%dma_start3A_123 : memref<10008x128xf32, #tpu.memory_space<vmem_shared>>) offsets(%dma_start3A_120 : memref<128xi32, #tpu.memory_space<vmem>>) semaphore(%run_scoped3A : memref<!tpu.dma_semaphore, #tpu.memory_space<semaphore_mem>>) {add = true}
        %dma_wait3A = arith.constant 0 : i32
        %dma_wait3A_124 = tpu.memref_slice %arg8[%add3A_101, %dma_wait3A] : memref<40x128xi32, #tpu.memory_space<vmem>> -> memref<1x128xi32, #tpu.memory_space<vmem>>
        %dma_wait3A_125 = tpu.memref_squeeze %dma_wait3A_124 : memref<1x128xi32, #tpu.memory_space<vmem>> -> memref<128xi32, #tpu.memory_space<vmem>>
        %dma_wait3A_126 = arith.constant 0 : i32
        %dma_wait3A_127 = arith.constant 0 : i32
        %dma_wait3A_128 = tpu.memref_slice %arg11[%dma_wait3A_126, %dma_wait3A_127] : memref<10008x128xf32, #tpu.memory_space<vmem_shared>> -> memref<10008x128xf32, #tpu.memory_space<vmem_shared>>
        tpu.wait_indirect_dma semaphore(%run_scoped3A : memref<!tpu.dma_semaphore, #tpu.memory_space<semaphore_mem>>) src(%arg10 : memref<128x128xf32, #tpu.memory_space<vmem>>) dst(%dma_wait3A_128 : memref<10008x128xf32, #tpu.memory_space<vmem_shared>>)
        tpu.yield
      }) : () -> ()
      %add3A_112 = arith.constant 2 : i32
      %add3A_113 = arith.addi %add3A_101, %add3A_112 : i32
      %lt3A_114 = arith.constant 40 : i32
      %lt3A_115 = arith.cmpi slt, %add3A_113, %lt3A_114 : i32
      %convert_element_type3A_116 = arith.extui %lt3A_115 : i1 to i32
      %cond3A_117 = arith.constant 0 : i32
      %cond3A_118 = arith.cmpi ne, %convert_element_type3A_116, %cond3A_117 : i32
      scf.if %cond3A_118 {
        %add3A_119 = arith.constant 2 : i32
        %add3A_120 = arith.addi %add3A_101, %add3A_119 : i32
        %eq3A_121 = arith.constant 0 : i32
        %eq3A_122 = arith.cmpi eq, %arg0, %eq3A_121 : i32
        %convert_element_type3A_123 = arith.extui %eq3A_122 : i1 to i32
        %cond3A_124 = arith.constant 0 : i32
        %cond3A_125 = arith.cmpi ne, %convert_element_type3A_123, %cond3A_124 : i32
        scf.if %cond3A_125 {
          %dma_start3A = arith.constant 0 : i32
          %dma_start3A_131 = tpu.memref_slice %arg7[%add3A_120, %dma_start3A] : memref<40x128xi32, #tpu.memory_space<vmem>> -> memref<1x128xi32, #tpu.memory_space<vmem>>
          %dma_start3A_132 = tpu.memref_squeeze %dma_start3A_131 : memref<1x128xi32, #tpu.memory_space<vmem>> -> memref<128xi32, #tpu.memory_space<vmem>>
          %dma_start3A_133 = arith.constant 0 : i32
          %dma_start3A_134 = arith.constant 0 : i32
          %dma_start3A_135 = tpu.memref_slice %arg2[%dma_start3A_133, %dma_start3A_134] : memref<10000x128xf32, #tpu.memory_space<hbm>> -> memref<10000x128xf32, #tpu.memory_space<hbm>>
          tpu.enqueue_indirect_dma source(%dma_start3A_135 : memref<10000x128xf32, #tpu.memory_space<hbm>>) target(%arg10 : memref<128x128xf32, #tpu.memory_space<vmem>>) offsets(%dma_start3A_132 : memref<128xi32, #tpu.memory_space<vmem>>) semaphore(%arg13 : memref<!tpu.dma_semaphore, #tpu.memory_space<semaphore_mem>>)
        } else {
        }
        %eq3A_126 = arith.constant 1 : i32
        %eq3A_127 = arith.cmpi eq, %arg0, %eq3A_126 : i32
        %convert_element_type3A_128 = arith.extui %eq3A_127 : i1 to i32
        %cond3A_129 = arith.constant 0 : i32
        %cond3A_130 = arith.cmpi ne, %convert_element_type3A_128, %cond3A_129 : i32
        scf.if %cond3A_130 {
          %dma_start3A = arith.constant 0 : i32
          %dma_start3A_131 = tpu.memref_slice %arg7[%add3A_120, %dma_start3A] : memref<40x128xi32, #tpu.memory_space<vmem>> -> memref<1x128xi32, #tpu.memory_space<vmem>>
          %dma_start3A_132 = tpu.memref_squeeze %dma_start3A_131 : memref<1x128xi32, #tpu.memory_space<vmem>> -> memref<128xi32, #tpu.memory_space<vmem>>
          %dma_start3A_133 = arith.constant 0 : i32
          %dma_start3A_134 = arith.constant 0 : i32
          %dma_start3A_135 = tpu.memref_slice %arg3[%dma_start3A_133, %dma_start3A_134] : memref<10000x128xf32, #tpu.memory_space<hbm>> -> memref<10000x128xf32, #tpu.memory_space<hbm>>
          tpu.enqueue_indirect_dma source(%dma_start3A_135 : memref<10000x128xf32, #tpu.memory_space<hbm>>) target(%arg10 : memref<128x128xf32, #tpu.memory_space<vmem>>) offsets(%dma_start3A_132 : memref<128xi32, #tpu.memory_space<vmem>>) semaphore(%arg13 : memref<!tpu.dma_semaphore, #tpu.memory_space<semaphore_mem>>)
        } else {
        }
      } else {
      }
    }
    %scan3A_35 = arith.constant 20 : i32
    %add3A_36 = arith.constant 40 : i32
    %add3A_37 = arith.addi %mul3A_7, %add3A_36 : i32
    "tpu.region"() ({
      %run_scoped3A = tpu.sem_alloc : memref<!tpu.dma_semaphore, #tpu.memory_space<semaphore_mem>>
      %dma_start3A = arith.constant 0 : i32
      %dma_start3A_77 = tpu.memref_slice %arg4[%add3A_37, %dma_start3A] : memref<1280x128xi32, #tpu.memory_space<hbm>> -> memref<40x128xi32, #tpu.memory_space<hbm>>
      %dma_start3A_78 = arith.constant 0 : i32
      %dma_start3A_79 = tpu.memref_slice %arg4[%add3A_37, %dma_start3A_78] : memref<1280x128xi32, #tpu.memory_space<hbm>> -> memref<40x128xi32, #tpu.memory_space<hbm>>
      tpu.enqueue_dma source(%dma_start3A_79 : memref<40x128xi32, #tpu.memory_space<hbm>>) target(%arg7 : memref<40x128xi32, #tpu.memory_space<vmem>>) target_semaphore(%run_scoped3A : memref<!tpu.dma_semaphore, #tpu.memory_space<semaphore_mem>>)
      %dma_wait3A = arith.constant 0 : i32
      %dma_wait3A_80 = tpu.memref_slice %arg4[%add3A_37, %dma_wait3A] : memref<1280x128xi32, #tpu.memory_space<hbm>> -> memref<40x128xi32, #tpu.memory_space<hbm>>
      %dma_wait3A_81 = arith.constant 0 : i32
      %dma_wait3A_82 = tpu.memref_slice %arg4[%add3A_37, %dma_wait3A_81] : memref<1280x128xi32, #tpu.memory_space<hbm>> -> memref<40x128xi32, #tpu.memory_space<hbm>>
      tpu.wait_dma2 semaphore(%run_scoped3A : memref<!tpu.dma_semaphore, #tpu.memory_space<semaphore_mem>>) src(%dma_wait3A_82 : memref<40x128xi32, #tpu.memory_space<hbm>>) dst(%arg7 : memref<40x128xi32, #tpu.memory_space<vmem>>)
      tpu.yield
    }) : () -> ()
    %add3A_38 = arith.constant 40 : i32
    %add3A_39 = arith.addi %mul3A_7, %add3A_38 : i32
    "tpu.region"() ({
      %run_scoped3A = tpu.sem_alloc : memref<!tpu.dma_semaphore, #tpu.memory_space<semaphore_mem>>
      %dma_start3A = arith.constant 0 : i32
      %dma_start3A_77 = tpu.memref_slice %arg5[%add3A_39, %dma_start3A] : memref<1280x128xi32, #tpu.memory_space<hbm>> -> memref<40x128xi32, #tpu.memory_space<hbm>>
      %dma_start3A_78 = arith.constant 0 : i32
      %dma_start3A_79 = tpu.memref_slice %arg5[%add3A_39, %dma_start3A_78] : memref<1280x128xi32, #tpu.memory_space<hbm>> -> memref<40x128xi32, #tpu.memory_space<hbm>>
      tpu.enqueue_dma source(%dma_start3A_79 : memref<40x128xi32, #tpu.memory_space<hbm>>) target(%arg8 : memref<40x128xi32, #tpu.memory_space<vmem>>) target_semaphore(%run_scoped3A : memref<!tpu.dma_semaphore, #tpu.memory_space<semaphore_mem>>)
      %dma_wait3A = arith.constant 0 : i32
      %dma_wait3A_80 = tpu.memref_slice %arg5[%add3A_39, %dma_wait3A] : memref<1280x128xi32, #tpu.memory_space<hbm>> -> memref<40x128xi32, #tpu.memory_space<hbm>>
      %dma_wait3A_81 = arith.constant 0 : i32
      %dma_wait3A_82 = tpu.memref_slice %arg5[%add3A_39, %dma_wait3A_81] : memref<1280x128xi32, #tpu.memory_space<hbm>> -> memref<40x128xi32, #tpu.memory_space<hbm>>
      tpu.wait_dma2 semaphore(%run_scoped3A : memref<!tpu.dma_semaphore, #tpu.memory_space<semaphore_mem>>) src(%dma_wait3A_82 : memref<40x128xi32, #tpu.memory_space<hbm>>) dst(%arg8 : memref<40x128xi32, #tpu.memory_space<vmem>>)
      tpu.yield
    }) : () -> ()
    %eq3A_40 = arith.constant 0 : i32
    %eq3A_41 = arith.cmpi eq, %arg0, %eq3A_40 : i32
    %convert_element_type3A_42 = arith.extui %eq3A_41 : i1 to i32
    %cond3A_43 = arith.constant 0 : i32
    %cond3A_44 = arith.cmpi ne, %convert_element_type3A_42, %cond3A_43 : i32
    scf.if %cond3A_44 {
      %dma_start3A = arith.constant 0 : i32
      %dma_start3A_77 = arith.constant 0 : i32
      %dma_start3A_78 = tpu.memref_slice %arg7[%dma_start3A, %dma_start3A_77] : memref<40x128xi32, #tpu.memory_space<vmem>> -> memref<1x128xi32, #tpu.memory_space<vmem>>
      %dma_start3A_79 = tpu.memref_squeeze %dma_start3A_78 : memref<1x128xi32, #tpu.memory_space<vmem>> -> memref<128xi32, #tpu.memory_space<vmem>>
      %dma_start3A_80 = arith.constant 0 : i32
      %dma_start3A_81 = arith.constant 0 : i32
      %dma_start3A_82 = tpu.memref_slice %arg2[%dma_start3A_80, %dma_start3A_81] : memref<10000x128xf32, #tpu.memory_space<hbm>> -> memref<10000x128xf32, #tpu.memory_space<hbm>>
      tpu.enqueue_indirect_dma source(%dma_start3A_82 : memref<10000x128xf32, #tpu.memory_space<hbm>>) target(%arg9 : memref<128x128xf32, #tpu.memory_space<vmem>>) offsets(%dma_start3A_79 : memref<128xi32, #tpu.memory_space<vmem>>) semaphore(%arg12 : memref<!tpu.dma_semaphore, #tpu.memory_space<semaphore_mem>>)
    } else {
    }
    %eq3A_45 = arith.constant 1 : i32
    %eq3A_46 = arith.cmpi eq, %arg0, %eq3A_45 : i32
    %convert_element_type3A_47 = arith.extui %eq3A_46 : i1 to i32
    %cond3A_48 = arith.constant 0 : i32
    %cond3A_49 = arith.cmpi ne, %convert_element_type3A_47, %cond3A_48 : i32
    scf.if %cond3A_49 {
      %dma_start3A = arith.constant 0 : i32
      %dma_start3A_77 = arith.constant 0 : i32
      %dma_start3A_78 = tpu.memref_slice %arg7[%dma_start3A, %dma_start3A_77] : memref<40x128xi32, #tpu.memory_space<vmem>> -> memref<1x128xi32, #tpu.memory_space<vmem>>
      %dma_start3A_79 = tpu.memref_squeeze %dma_start3A_78 : memref<1x128xi32, #tpu.memory_space<vmem>> -> memref<128xi32, #tpu.memory_space<vmem>>
      %dma_start3A_80 = arith.constant 0 : i32
      %dma_start3A_81 = arith.constant 0 : i32
      %dma_start3A_82 = tpu.memref_slice %arg3[%dma_start3A_80, %dma_start3A_81] : memref<10000x128xf32, #tpu.memory_space<hbm>> -> memref<10000x128xf32, #tpu.memory_space<hbm>>
      tpu.enqueue_indirect_dma source(%dma_start3A_82 : memref<10000x128xf32, #tpu.memory_space<hbm>>) target(%arg9 : memref<128x128xf32, #tpu.memory_space<vmem>>) offsets(%dma_start3A_79 : memref<128xi32, #tpu.memory_space<vmem>>) semaphore(%arg12 : memref<!tpu.dma_semaphore, #tpu.memory_space<semaphore_mem>>)
    } else {
    }
    %eq3A_50 = arith.constant 0 : i32
    %eq3A_51 = arith.cmpi eq, %arg0, %eq3A_50 : i32
    %convert_element_type3A_52 = arith.extui %eq3A_51 : i1 to i32
    %cond3A_53 = arith.constant 0 : i32
    %cond3A_54 = arith.cmpi ne, %convert_element_type3A_52, %cond3A_53 : i32
    scf.if %cond3A_54 {
      %dma_start3A = arith.constant 1 : i32
      %dma_start3A_77 = arith.constant 0 : i32
      %dma_start3A_78 = tpu.memref_slice %arg7[%dma_start3A, %dma_start3A_77] : memref<40x128xi32, #tpu.memory_space<vmem>> -> memref<1x128xi32, #tpu.memory_space<vmem>>
      %dma_start3A_79 = tpu.memref_squeeze %dma_start3A_78 : memref<1x128xi32, #tpu.memory_space<vmem>> -> memref<128xi32, #tpu.memory_space<vmem>>
      %dma_start3A_80 = arith.constant 0 : i32
      %dma_start3A_81 = arith.constant 0 : i32
      %dma_start3A_82 = tpu.memref_slice %arg2[%dma_start3A_80, %dma_start3A_81] : memref<10000x128xf32, #tpu.memory_space<hbm>> -> memref<10000x128xf32, #tpu.memory_space<hbm>>
      tpu.enqueue_indirect_dma source(%dma_start3A_82 : memref<10000x128xf32, #tpu.memory_space<hbm>>) target(%arg10 : memref<128x128xf32, #tpu.memory_space<vmem>>) offsets(%dma_start3A_79 : memref<128xi32, #tpu.memory_space<vmem>>) semaphore(%arg13 : memref<!tpu.dma_semaphore, #tpu.memory_space<semaphore_mem>>)
    } else {
    }
    %eq3A_55 = arith.constant 1 : i32
    %eq3A_56 = arith.cmpi eq, %arg0, %eq3A_55 : i32
    %convert_element_type3A_57 = arith.extui %eq3A_56 : i1 to i32
    %cond3A_58 = arith.constant 0 : i32
    %cond3A_59 = arith.cmpi ne, %convert_element_type3A_57, %cond3A_58 : i32
    scf.if %cond3A_59 {
      %dma_start3A = arith.constant 1 : i32
      %dma_start3A_77 = arith.constant 0 : i32
      %dma_start3A_78 = tpu.memref_slice %arg7[%dma_start3A, %dma_start3A_77] : memref<40x128xi32, #tpu.memory_space<vmem>> -> memref<1x128xi32, #tpu.memory_space<vmem>>
      %dma_start3A_79 = tpu.memref_squeeze %dma_start3A_78 : memref<1x128xi32, #tpu.memory_space<vmem>> -> memref<128xi32, #tpu.memory_space<vmem>>
      %dma_start3A_80 = arith.constant 0 : i32
      %dma_start3A_81 = arith.constant 0 : i32
      %dma_start3A_82 = tpu.memref_slice %arg3[%dma_start3A_80, %dma_start3A_81] : memref<10000x128xf32, #tpu.memory_space<hbm>> -> memref<10000x128xf32, #tpu.memory_space<hbm>>
      tpu.enqueue_indirect_dma source(%dma_start3A_82 : memref<10000x128xf32, #tpu.memory_space<hbm>>) target(%arg10 : memref<128x128xf32, #tpu.memory_space<vmem>>) offsets(%dma_start3A_79 : memref<128xi32, #tpu.memory_space<vmem>>) semaphore(%arg13 : memref<!tpu.dma_semaphore, #tpu.memory_space<semaphore_mem>>)
    } else {
    }
    %scan3A_60 = arith.constant 0 : i32
    %scan3A_61 = arith.constant 0 : i32
    %scan3A_62 = arith.constant 20 : i32
    %scan3A_63 = arith.addi %scan3A_61, %scan3A_62 : i32
    %scan3A_64 = arith.constant 1 : i32
    scf.for %scan3A_77 = %scan3A_61 to %scan3A_63 step %scan3A_64  : i32 {
      %mul3A_78 = arith.constant 2 : i32
      %mul3A_79 = arith.muli %scan3A_77, %mul3A_78 : i32
      %add3A_80 = arith.constant 0 : i32
      %add3A_81 = arith.addi %mul3A_79, %add3A_80 : i32
      %eq3A_82 = arith.constant 0 : i32
      %eq3A_83 = arith.cmpi eq, %arg0, %eq3A_82 : i32
      %convert_element_type3A_84 = arith.extui %eq3A_83 : i1 to i32
      %cond3A_85 = arith.constant 0 : i32
      %cond3A_86 = arith.cmpi ne, %convert_element_type3A_84, %cond3A_85 : i32
      scf.if %cond3A_86 {
        %dma_wait3A = arith.constant 0 : i32
        %dma_wait3A_119 = tpu.memref_slice %arg7[%add3A_81, %dma_wait3A] : memref<40x128xi32, #tpu.memory_space<vmem>> -> memref<1x128xi32, #tpu.memory_space<vmem>>
        %dma_wait3A_120 = tpu.memref_squeeze %dma_wait3A_119 : memref<1x128xi32, #tpu.memory_space<vmem>> -> memref<128xi32, #tpu.memory_space<vmem>>
        %dma_wait3A_121 = arith.constant 0 : i32
        %dma_wait3A_122 = arith.constant 0 : i32
        %dma_wait3A_123 = tpu.memref_slice %arg2[%dma_wait3A_121, %dma_wait3A_122] : memref<10000x128xf32, #tpu.memory_space<hbm>> -> memref<10000x128xf32, #tpu.memory_space<hbm>>
        tpu.wait_indirect_dma semaphore(%arg12 : memref<!tpu.dma_semaphore, #tpu.memory_space<semaphore_mem>>) src(%dma_wait3A_123 : memref<10000x128xf32, #tpu.memory_space<hbm>>) dst(%arg9 : memref<128x128xf32, #tpu.memory_space<vmem>>)
      } else {
      }
      %eq3A_87 = arith.constant 1 : i32
      %eq3A_88 = arith.cmpi eq, %arg0, %eq3A_87 : i32
      %convert_element_type3A_89 = arith.extui %eq3A_88 : i1 to i32
      %cond3A_90 = arith.constant 0 : i32
      %cond3A_91 = arith.cmpi ne, %convert_element_type3A_89, %cond3A_90 : i32
      scf.if %cond3A_91 {
        %dma_wait3A = arith.constant 0 : i32
        %dma_wait3A_119 = tpu.memref_slice %arg7[%add3A_81, %dma_wait3A] : memref<40x128xi32, #tpu.memory_space<vmem>> -> memref<1x128xi32, #tpu.memory_space<vmem>>
        %dma_wait3A_120 = tpu.memref_squeeze %dma_wait3A_119 : memref<1x128xi32, #tpu.memory_space<vmem>> -> memref<128xi32, #tpu.memory_space<vmem>>
        %dma_wait3A_121 = arith.constant 0 : i32
        %dma_wait3A_122 = arith.constant 0 : i32
        %dma_wait3A_123 = tpu.memref_slice %arg3[%dma_wait3A_121, %dma_wait3A_122] : memref<10000x128xf32, #tpu.memory_space<hbm>> -> memref<10000x128xf32, #tpu.memory_space<hbm>>
        tpu.wait_indirect_dma semaphore(%arg12 : memref<!tpu.dma_semaphore, #tpu.memory_space<semaphore_mem>>) src(%dma_wait3A_123 : memref<10000x128xf32, #tpu.memory_space<hbm>>) dst(%arg9 : memref<128x128xf32, #tpu.memory_space<vmem>>)
      } else {
      }
      "tpu.region"() ({
        %run_scoped3A = tpu.sem_alloc : memref<!tpu.dma_semaphore, #tpu.memory_space<semaphore_mem>>
        %dma_start3A = arith.constant 0 : i32
        %dma_start3A_119 = tpu.memref_slice %arg8[%add3A_81, %dma_start3A] : memref<40x128xi32, #tpu.memory_space<vmem>> -> memref<1x128xi32, #tpu.memory_space<vmem>>
        %dma_start3A_120 = tpu.memref_squeeze %dma_start3A_119 : memref<1x128xi32, #tpu.memory_space<vmem>> -> memref<128xi32, #tpu.memory_space<vmem>>
        %dma_start3A_121 = arith.constant 0 : i32
        %dma_start3A_122 = arith.constant 0 : i32
        %dma_start3A_123 = tpu.memref_slice %arg11[%dma_start3A_121, %dma_start3A_122] : memref<10008x128xf32, #tpu.memory_space<vmem_shared>> -> memref<10008x128xf32, #tpu.memory_space<vmem_shared>>
        tpu.enqueue_indirect_dma source(%arg9 : memref<128x128xf32, #tpu.memory_space<vmem>>) target(%dma_start3A_123 : memref<10008x128xf32, #tpu.memory_space<vmem_shared>>) offsets(%dma_start3A_120 : memref<128xi32, #tpu.memory_space<vmem>>) semaphore(%run_scoped3A : memref<!tpu.dma_semaphore, #tpu.memory_space<semaphore_mem>>) {add = true}
        %dma_wait3A = arith.constant 0 : i32
        %dma_wait3A_124 = tpu.memref_slice %arg8[%add3A_81, %dma_wait3A] : memref<40x128xi32, #tpu.memory_space<vmem>> -> memref<1x128xi32, #tpu.memory_space<vmem>>
        %dma_wait3A_125 = tpu.memref_squeeze %dma_wait3A_124 : memref<1x128xi32, #tpu.memory_space<vmem>> -> memref<128xi32, #tpu.memory_space<vmem>>
        %dma_wait3A_126 = arith.constant 0 : i32
        %dma_wait3A_127 = arith.constant 0 : i32
        %dma_wait3A_128 = tpu.memref_slice %arg11[%dma_wait3A_126, %dma_wait3A_127] : memref<10008x128xf32, #tpu.memory_space<vmem_shared>> -> memref<10008x128xf32, #tpu.memory_space<vmem_shared>>
        tpu.wait_indirect_dma semaphore(%run_scoped3A : memref<!tpu.dma_semaphore, #tpu.memory_space<semaphore_mem>>) src(%arg9 : memref<128x128xf32, #tpu.memory_space<vmem>>) dst(%dma_wait3A_128 : memref<10008x128xf32, #tpu.memory_space<vmem_shared>>)
        tpu.yield
      }) : () -> ()
      %add3A_92 = arith.constant 2 : i32
      %add3A_93 = arith.addi %add3A_81, %add3A_92 : i32
      %lt3A = arith.constant 40 : i32
      %lt3A_94 = arith.cmpi slt, %add3A_93, %lt3A : i32
      %convert_element_type3A_95 = arith.extui %lt3A_94 : i1 to i32
      %cond3A_96 = arith.constant 0 : i32
      %cond3A_97 = arith.cmpi ne, %convert_element_type3A_95, %cond3A_96 : i32
      scf.if %cond3A_97 {
        %add3A_119 = arith.constant 2 : i32
        %add3A_120 = arith.addi %add3A_81, %add3A_119 : i32
        %eq3A_121 = arith.constant 0 : i32
        %eq3A_122 = arith.cmpi eq, %arg0, %eq3A_121 : i32
        %convert_element_type3A_123 = arith.extui %eq3A_122 : i1 to i32
        %cond3A_124 = arith.constant 0 : i32
        %cond3A_125 = arith.cmpi ne, %convert_element_type3A_123, %cond3A_124 : i32
        scf.if %cond3A_125 {
          %dma_start3A = arith.constant 0 : i32
          %dma_start3A_131 = tpu.memref_slice %arg7[%add3A_120, %dma_start3A] : memref<40x128xi32, #tpu.memory_space<vmem>> -> memref<1x128xi32, #tpu.memory_space<vmem>>
          %dma_start3A_132 = tpu.memref_squeeze %dma_start3A_131 : memref<1x128xi32, #tpu.memory_space<vmem>> -> memref<128xi32, #tpu.memory_space<vmem>>
          %dma_start3A_133 = arith.constant 0 : i32
          %dma_start3A_134 = arith.constant 0 : i32
          %dma_start3A_135 = tpu.memref_slice %arg2[%dma_start3A_133, %dma_start3A_134] : memref<10000x128xf32, #tpu.memory_space<hbm>> -> memref<10000x128xf32, #tpu.memory_space<hbm>>
          tpu.enqueue_indirect_dma source(%dma_start3A_135 : memref<10000x128xf32, #tpu.memory_space<hbm>>) target(%arg9 : memref<128x128xf32, #tpu.memory_space<vmem>>) offsets(%dma_start3A_132 : memref<128xi32, #tpu.memory_space<vmem>>) semaphore(%arg12 : memref<!tpu.dma_semaphore, #tpu.memory_space<semaphore_mem>>)
        } else {
        }
        %eq3A_126 = arith.constant 1 : i32
        %eq3A_127 = arith.cmpi eq, %arg0, %eq3A_126 : i32
        %convert_element_type3A_128 = arith.extui %eq3A_127 : i1 to i32
        %cond3A_129 = arith.constant 0 : i32
        %cond3A_130 = arith.cmpi ne, %convert_element_type3A_128, %cond3A_129 : i32
        scf.if %cond3A_130 {
          %dma_start3A = arith.constant 0 : i32
          %dma_start3A_131 = tpu.memref_slice %arg7[%add3A_120, %dma_start3A] : memref<40x128xi32, #tpu.memory_space<vmem>> -> memref<1x128xi32, #tpu.memory_space<vmem>>
          %dma_start3A_132 = tpu.memref_squeeze %dma_start3A_131 : memref<1x128xi32, #tpu.memory_space<vmem>> -> memref<128xi32, #tpu.memory_space<vmem>>
          %dma_start3A_133 = arith.constant 0 : i32
          %dma_start3A_134 = arith.constant 0 : i32
          %dma_start3A_135 = tpu.memref_slice %arg3[%dma_start3A_133, %dma_start3A_134] : memref<10000x128xf32, #tpu.memory_space<hbm>> -> memref<10000x128xf32, #tpu.memory_space<hbm>>
          tpu.enqueue_indirect_dma source(%dma_start3A_135 : memref<10000x128xf32, #tpu.memory_space<hbm>>) target(%arg9 : memref<128x128xf32, #tpu.memory_space<vmem>>) offsets(%dma_start3A_132 : memref<128xi32, #tpu.memory_space<vmem>>) semaphore(%arg12 : memref<!tpu.dma_semaphore, #tpu.memory_space<semaphore_mem>>)
        } else {
        }
      } else {
      }
      %mul3A_98 = arith.constant 2 : i32
      %mul3A_99 = arith.muli %scan3A_77, %mul3A_98 : i32
      %add3A_100 = arith.constant 1 : i32
      %add3A_101 = arith.addi %mul3A_99, %add3A_100 : i32
      %eq3A_102 = arith.constant 0 : i32
      %eq3A_103 = arith.cmpi eq, %arg0, %eq3A_102 : i32
      %convert_element_type3A_104 = arith.extui %eq3A_103 : i1 to i32
      %cond3A_105 = arith.constant 0 : i32
      %cond3A_106 = arith.cmpi ne, %convert_element_type3A_104, %cond3A_105 : i32
      scf.if %cond3A_106 {
        %dma_wait3A = arith.constant 0 : i32
        %dma_wait3A_119 = tpu.memref_slice %arg7[%add3A_101, %dma_wait3A] : memref<40x128xi32, #tpu.memory_space<vmem>> -> memref<1x128xi32, #tpu.memory_space<vmem>>
        %dma_wait3A_120 = tpu.memref_squeeze %dma_wait3A_119 : memref<1x128xi32, #tpu.memory_space<vmem>> -> memref<128xi32, #tpu.memory_space<vmem>>
        %dma_wait3A_121 = arith.constant 0 : i32
        %dma_wait3A_122 = arith.constant 0 : i32
        %dma_wait3A_123 = tpu.memref_slice %arg2[%dma_wait3A_121, %dma_wait3A_122] : memref<10000x128xf32, #tpu.memory_space<hbm>> -> memref<10000x128xf32, #tpu.memory_space<hbm>>
        tpu.wait_indirect_dma semaphore(%arg13 : memref<!tpu.dma_semaphore, #tpu.memory_space<semaphore_mem>>) src(%dma_wait3A_123 : memref<10000x128xf32, #tpu.memory_space<hbm>>) dst(%arg10 : memref<128x128xf32, #tpu.memory_space<vmem>>)
      } else {
      }
      %eq3A_107 = arith.constant 1 : i32
      %eq3A_108 = arith.cmpi eq, %arg0, %eq3A_107 : i32
      %convert_element_type3A_109 = arith.extui %eq3A_108 : i1 to i32
      %cond3A_110 = arith.constant 0 : i32
      %cond3A_111 = arith.cmpi ne, %convert_element_type3A_109, %cond3A_110 : i32
      scf.if %cond3A_111 {
        %dma_wait3A = arith.constant 0 : i32
        %dma_wait3A_119 = tpu.memref_slice %arg7[%add3A_101, %dma_wait3A] : memref<40x128xi32, #tpu.memory_space<vmem>> -> memref<1x128xi32, #tpu.memory_space<vmem>>
        %dma_wait3A_120 = tpu.memref_squeeze %dma_wait3A_119 : memref<1x128xi32, #tpu.memory_space<vmem>> -> memref<128xi32, #tpu.memory_space<vmem>>
        %dma_wait3A_121 = arith.constant 0 : i32
        %dma_wait3A_122 = arith.constant 0 : i32
        %dma_wait3A_123 = tpu.memref_slice %arg3[%dma_wait3A_121, %dma_wait3A_122] : memref<10000x128xf32, #tpu.memory_space<hbm>> -> memref<10000x128xf32, #tpu.memory_space<hbm>>
        tpu.wait_indirect_dma semaphore(%arg13 : memref<!tpu.dma_semaphore, #tpu.memory_space<semaphore_mem>>) src(%dma_wait3A_123 : memref<10000x128xf32, #tpu.memory_space<hbm>>) dst(%arg10 : memref<128x128xf32, #tpu.memory_space<vmem>>)
      } else {
      }
      "tpu.region"() ({
        %run_scoped3A = tpu.sem_alloc : memref<!tpu.dma_semaphore, #tpu.memory_space<semaphore_mem>>
        %dma_start3A = arith.constant 0 : i32
        %dma_start3A_119 = tpu.memref_slice %arg8[%add3A_101, %dma_start3A] : memref<40x128xi32, #tpu.memory_space<vmem>> -> memref<1x128xi32, #tpu.memory_space<vmem>>
        %dma_start3A_120 = tpu.memref_squeeze %dma_start3A_119 : memref<1x128xi32, #tpu.memory_space<vmem>> -> memref<128xi32, #tpu.memory_space<vmem>>
        %dma_start3A_121 = arith.constant 0 : i32
        %dma_start3A_122 = arith.constant 0 : i32
        %dma_start3A_123 = tpu.memref_slice %arg11[%dma_start3A_121, %dma_start3A_122] : memref<10008x128xf32, #tpu.memory_space<vmem_shared>> -> memref<10008x128xf32, #tpu.memory_space<vmem_shared>>
        tpu.enqueue_indirect_dma source(%arg10 : memref<128x128xf32, #tpu.memory_space<vmem>>) target(%dma_start3A_123 : memref<10008x128xf32, #tpu.memory_space<vmem_shared>>) offsets(%dma_start3A_120 : memref<128xi32, #tpu.memory_space<vmem>>) semaphore(%run_scoped3A : memref<!tpu.dma_semaphore, #tpu.memory_space<semaphore_mem>>) {add = true}
        %dma_wait3A = arith.constant 0 : i32
        %dma_wait3A_124 = tpu.memref_slice %arg8[%add3A_101, %dma_wait3A] : memref<40x128xi32, #tpu.memory_space<vmem>> -> memref<1x128xi32, #tpu.memory_space<vmem>>
        %dma_wait3A_125 = tpu.memref_squeeze %dma_wait3A_124 : memref<1x128xi32, #tpu.memory_space<vmem>> -> memref<128xi32, #tpu.memory_space<vmem>>
        %dma_wait3A_126 = arith.constant 0 : i32
        %dma_wait3A_127 = arith.constant 0 : i32
        %dma_wait3A_128 = tpu.memref_slice %arg11[%dma_wait3A_126, %dma_wait3A_127] : memref<10008x128xf32, #tpu.memory_space<vmem_shared>> -> memref<10008x128xf32, #tpu.memory_space<vmem_shared>>
        tpu.wait_indirect_dma semaphore(%run_scoped3A : memref<!tpu.dma_semaphore, #tpu.memory_space<semaphore_mem>>) src(%arg10 : memref<128x128xf32, #tpu.memory_space<vmem>>) dst(%dma_wait3A_128 : memref<10008x128xf32, #tpu.memory_space<vmem_shared>>)
        tpu.yield
      }) : () -> ()
      %add3A_112 = arith.constant 2 : i32
      %add3A_113 = arith.addi %add3A_101, %add3A_112 : i32
      %lt3A_114 = arith.constant 40 : i32
      %lt3A_115 = arith.cmpi slt, %add3A_113, %lt3A_114 : i32
      %convert_element_type3A_116 = arith.extui %lt3A_115 : i1 to i32
      %cond3A_117 = arith.constant 0 : i32
      %cond3A_118 = arith.cmpi ne, %convert_element_type3A_116, %cond3A_117 : i32
      scf.if %cond3A_118 {
        %add3A_119 = arith.constant 2 : i32
        %add3A_120 = arith.addi %add3A_101, %add3A_119 : i32
        %eq3A_121 = arith.constant 0 : i32
        %eq3A_122 = arith.cmpi eq, %arg0, %eq3A_121 : i32
        %convert_element_type3A_123 = arith.extui %eq3A_122 : i1 to i32
        %cond3A_124 = arith.constant 0 : i32
        %cond3A_125 = arith.cmpi ne, %convert_element_type3A_123, %cond3A_124 : i32
        scf.if %cond3A_125 {
          %dma_start3A = arith.constant 0 : i32
          %dma_start3A_131 = tpu.memref_slice %arg7[%add3A_120, %dma_start3A] : memref<40x128xi32, #tpu.memory_space<vmem>> -> memref<1x128xi32, #tpu.memory_space<vmem>>
          %dma_start3A_132 = tpu.memref_squeeze %dma_start3A_131 : memref<1x128xi32, #tpu.memory_space<vmem>> -> memref<128xi32, #tpu.memory_space<vmem>>
          %dma_start3A_133 = arith.constant 0 : i32
          %dma_start3A_134 = arith.constant 0 : i32
          %dma_start3A_135 = tpu.memref_slice %arg2[%dma_start3A_133, %dma_start3A_134] : memref<10000x128xf32, #tpu.memory_space<hbm>> -> memref<10000x128xf32, #tpu.memory_space<hbm>>
          tpu.enqueue_indirect_dma source(%dma_start3A_135 : memref<10000x128xf32, #tpu.memory_space<hbm>>) target(%arg10 : memref<128x128xf32, #tpu.memory_space<vmem>>) offsets(%dma_start3A_132 : memref<128xi32, #tpu.memory_space<vmem>>) semaphore(%arg13 : memref<!tpu.dma_semaphore, #tpu.memory_space<semaphore_mem>>)
        } else {
        }
        %eq3A_126 = arith.constant 1 : i32
        %eq3A_127 = arith.cmpi eq, %arg0, %eq3A_126 : i32
        %convert_element_type3A_128 = arith.extui %eq3A_127 : i1 to i32
        %cond3A_129 = arith.constant 0 : i32
        %cond3A_130 = arith.cmpi ne, %convert_element_type3A_128, %cond3A_129 : i32
        scf.if %cond3A_130 {
          %dma_start3A = arith.constant 0 : i32
          %dma_start3A_131 = tpu.memref_slice %arg7[%add3A_120, %dma_start3A] : memref<40x128xi32, #tpu.memory_space<vmem>> -> memref<1x128xi32, #tpu.memory_space<vmem>>
          %dma_start3A_132 = tpu.memref_squeeze %dma_start3A_131 : memref<1x128xi32, #tpu.memory_space<vmem>> -> memref<128xi32, #tpu.memory_space<vmem>>
          %dma_start3A_133 = arith.constant 0 : i32
          %dma_start3A_134 = arith.constant 0 : i32
          %dma_start3A_135 = tpu.memref_slice %arg3[%dma_start3A_133, %dma_start3A_134] : memref<10000x128xf32, #tpu.memory_space<hbm>> -> memref<10000x128xf32, #tpu.memory_space<hbm>>
          tpu.enqueue_indirect_dma source(%dma_start3A_135 : memref<10000x128xf32, #tpu.memory_space<hbm>>) target(%arg10 : memref<128x128xf32, #tpu.memory_space<vmem>>) offsets(%dma_start3A_132 : memref<128xi32, #tpu.memory_space<vmem>>) semaphore(%arg13 : memref<!tpu.dma_semaphore, #tpu.memory_space<semaphore_mem>>)
        } else {
        }
      } else {
      }
    }
    %scan3A_65 = arith.constant 20 : i32
    %barrier3A_66 = arith.constant 0 : index
    tpu.barrier barrier_id(%barrier3A_66)
    %eq3A_67 = arith.constant 0 : i32
    %eq3A_68 = arith.cmpi eq, %arg0, %eq3A_67 : i32
    %convert_element_type3A_69 = arith.extui %eq3A_68 : i1 to i32
    %cond3A_70 = arith.constant 0 : i32
    %cond3A_71 = arith.cmpi ne, %convert_element_type3A_69, %cond3A_70 : i32
    scf.if %cond3A_71 {
      %lt3A = arith.constant 15 : i32
      %lt3A_77 = arith.cmpi slt, %arg1, %lt3A : i32
      %convert_element_type3A_78 = arith.extui %lt3A_77 : i1 to i32
      %cond3A_79 = arith.constant 0 : i32
      %cond3A_80 = arith.cmpi ne, %convert_element_type3A_78, %cond3A_79 : i32
      scf.if %cond3A_80 {
        %mul3A_86 = arith.constant 624 : i32
        %mul3A_87 = arith.muli %arg1, %mul3A_86 : i32
        %multiple_of3A = tpu.assume_multiple %mul3A_87, 8 : i32
        %run_scoped3A = arith.constant 0 : i32
        "tpu.region"() ({
          %run_scoped3A_88 = tpu.sem_alloc : memref<!tpu.dma_semaphore, #tpu.memory_space<semaphore_mem>>
          %dma_start3A = arith.constant 0 : i32
          %dma_start3A_89 = tpu.memref_slice %arg6[%run_scoped3A, %multiple_of3A, %dma_start3A] : memref<2x10000x128xf32, #tpu.memory_space<hbm>> -> memref<1x624x128xf32, #tpu.memory_space<hbm>>
          %dma_start3A_90 = tpu.memref_squeeze %dma_start3A_89 : memref<1x624x128xf32, #tpu.memory_space<hbm>> -> memref<624x128xf32, #tpu.memory_space<hbm>>
          %dma_start3A_91 = arith.constant 0 : i32
          %dma_start3A_92 = tpu.memref_slice %arg11[%multiple_of3A, %dma_start3A_91] : memref<10008x128xf32, #tpu.memory_space<vmem_shared>> -> memref<624x128xf32, #tpu.memory_space<vmem_shared>>
          tpu.enqueue_dma source(%dma_start3A_92 : memref<624x128xf32, #tpu.memory_space<vmem_shared>>) target(%dma_start3A_90 : memref<624x128xf32, #tpu.memory_space<hbm>>) target_semaphore(%run_scoped3A_88 : memref<!tpu.dma_semaphore, #tpu.memory_space<semaphore_mem>>)
          %dma_wait3A = arith.constant 0 : i32
          %dma_wait3A_93 = tpu.memref_slice %arg6[%run_scoped3A, %multiple_of3A, %dma_wait3A] : memref<2x10000x128xf32, #tpu.memory_space<hbm>> -> memref<1x624x128xf32, #tpu.memory_space<hbm>>
          %dma_wait3A_94 = tpu.memref_squeeze %dma_wait3A_93 : memref<1x624x128xf32, #tpu.memory_space<hbm>> -> memref<624x128xf32, #tpu.memory_space<hbm>>
          %dma_wait3A_95 = arith.constant 0 : i32
          %dma_wait3A_96 = tpu.memref_slice %arg11[%multiple_of3A, %dma_wait3A_95] : memref<10008x128xf32, #tpu.memory_space<vmem_shared>> -> memref<624x128xf32, #tpu.memory_space<vmem_shared>>
          tpu.wait_dma2 semaphore(%run_scoped3A_88 : memref<!tpu.dma_semaphore, #tpu.memory_space<semaphore_mem>>) src(%dma_wait3A_96 : memref<624x128xf32, #tpu.memory_space<vmem_shared>>) dst(%dma_wait3A_94 : memref<624x128xf32, #tpu.memory_space<hbm>>)
          tpu.yield
        }) : () -> ()
      } else {
      }
      %eq3A_81 = arith.constant 15 : i32
      %eq3A_82 = arith.cmpi eq, %arg1, %eq3A_81 : i32
      %convert_element_type3A_83 = arith.extui %eq3A_82 : i1 to i32
      %cond3A_84 = arith.constant 0 : i32
      %cond3A_85 = arith.cmpi ne, %convert_element_type3A_83, %cond3A_84 : i32
      scf.if %cond3A_85 {
        %run_scoped3A = arith.constant 0 : i32
        "tpu.region"() ({
          %run_scoped3A_86 = tpu.sem_alloc : memref<!tpu.dma_semaphore, #tpu.memory_space<semaphore_mem>>
          %dma_start3A = arith.constant 9360 : i32
          %dma_start3A_87 = arith.constant 0 : i32
          %dma_start3A_88 = tpu.memref_slice %arg6[%run_scoped3A, %dma_start3A, %dma_start3A_87] : memref<2x10000x128xf32, #tpu.memory_space<hbm>> -> memref<1x640x128xf32, #tpu.memory_space<hbm>>
          %dma_start3A_89 = tpu.memref_squeeze %dma_start3A_88 : memref<1x640x128xf32, #tpu.memory_space<hbm>> -> memref<640x128xf32, #tpu.memory_space<hbm>>
          %dma_start3A_90 = arith.constant 9360 : i32
          %dma_start3A_91 = arith.constant 0 : i32
          %dma_start3A_92 = tpu.memref_slice %arg11[%dma_start3A_90, %dma_start3A_91] : memref<10008x128xf32, #tpu.memory_space<vmem_shared>> -> memref<640x128xf32, #tpu.memory_space<vmem_shared>>
          tpu.enqueue_dma source(%dma_start3A_92 : memref<640x128xf32, #tpu.memory_space<vmem_shared>>) target(%dma_start3A_89 : memref<640x128xf32, #tpu.memory_space<hbm>>) target_semaphore(%run_scoped3A_86 : memref<!tpu.dma_semaphore, #tpu.memory_space<semaphore_mem>>)
          %dma_wait3A = arith.constant 9360 : i32
          %dma_wait3A_93 = arith.constant 0 : i32
          %dma_wait3A_94 = tpu.memref_slice %arg6[%run_scoped3A, %dma_wait3A, %dma_wait3A_93] : memref<2x10000x128xf32, #tpu.memory_space<hbm>> -> memref<1x640x128xf32, #tpu.memory_space<hbm>>
          %dma_wait3A_95 = tpu.memref_squeeze %dma_wait3A_94 : memref<1x640x128xf32, #tpu.memory_space<hbm>> -> memref<640x128xf32, #tpu.memory_space<hbm>>
          %dma_wait3A_96 = arith.constant 9360 : i32
          %dma_wait3A_97 = arith.constant 0 : i32
          %dma_wait3A_98 = tpu.memref_slice %arg11[%dma_wait3A_96, %dma_wait3A_97] : memref<10008x128xf32, #tpu.memory_space<vmem_shared>> -> memref<640x128xf32, #tpu.memory_space<vmem_shared>>
          tpu.wait_dma2 semaphore(%run_scoped3A_86 : memref<!tpu.dma_semaphore, #tpu.memory_space<semaphore_mem>>) src(%dma_wait3A_98 : memref<640x128xf32, #tpu.memory_space<vmem_shared>>) dst(%dma_wait3A_95 : memref<640x128xf32, #tpu.memory_space<hbm>>)
          tpu.yield
        }) : () -> ()
      } else {
      }
    } else {
    }
    %eq3A_72 = arith.constant 1 : i32
    %eq3A_73 = arith.cmpi eq, %arg0, %eq3A_72 : i32
    %convert_element_type3A_74 = arith.extui %eq3A_73 : i1 to i32
    %cond3A_75 = arith.constant 0 : i32
    %cond3A_76 = arith.cmpi ne, %convert_element_type3A_74, %cond3A_75 : i32
    scf.if %cond3A_76 {
      %lt3A = arith.constant 15 : i32
      %lt3A_77 = arith.cmpi slt, %arg1, %lt3A : i32
      %convert_element_type3A_78 = arith.extui %lt3A_77 : i1 to i32
      %cond3A_79 = arith.constant 0 : i32
      %cond3A_80 = arith.cmpi ne, %convert_element_type3A_78, %cond3A_79 : i32
      scf.if %cond3A_80 {
        %mul3A_86 = arith.constant 624 : i32
        %mul3A_87 = arith.muli %arg1, %mul3A_86 : i32
        %multiple_of3A = tpu.assume_multiple %mul3A_87, 8 : i32
        %run_scoped3A = arith.constant 1 : i32
        "tpu.region"() ({
          %run_scoped3A_88 = tpu.sem_alloc : memref<!tpu.dma_semaphore, #tpu.memory_space<semaphore_mem>>
          %dma_start3A = arith.constant 0 : i32
          %dma_start3A_89 = tpu.memref_slice %arg6[%run_scoped3A, %multiple_of3A, %dma_start3A] : memref<2x10000x128xf32, #tpu.memory_space<hbm>> -> memref<1x624x128xf32, #tpu.memory_space<hbm>>
          %dma_start3A_90 = tpu.memref_squeeze %dma_start3A_89 : memref<1x624x128xf32, #tpu.memory_space<hbm>> -> memref<624x128xf32, #tpu.memory_space<hbm>>
          %dma_start3A_91 = arith.constant 0 : i32
          %dma_start3A_92 = tpu.memref_slice %arg11[%multiple_of3A, %dma_start3A_91] : memref<10008x128xf32, #tpu.memory_space<vmem_shared>> -> memref<624x128xf32, #tpu.memory_space<vmem_shared>>
          tpu.enqueue_dma source(%dma_start3A_92 : memref<624x128xf32, #tpu.memory_space<vmem_shared>>) target(%dma_start3A_90 : memref<624x128xf32, #tpu.memory_space<hbm>>) target_semaphore(%run_scoped3A_88 : memref<!tpu.dma_semaphore, #tpu.memory_space<semaphore_mem>>)
          %dma_wait3A = arith.constant 0 : i32
          %dma_wait3A_93 = tpu.memref_slice %arg6[%run_scoped3A, %multiple_of3A, %dma_wait3A] : memref<2x10000x128xf32, #tpu.memory_space<hbm>> -> memref<1x624x128xf32, #tpu.memory_space<hbm>>
          %dma_wait3A_94 = tpu.memref_squeeze %dma_wait3A_93 : memref<1x624x128xf32, #tpu.memory_space<hbm>> -> memref<624x128xf32, #tpu.memory_space<hbm>>
          %dma_wait3A_95 = arith.constant 0 : i32
          %dma_wait3A_96 = tpu.memref_slice %arg11[%multiple_of3A, %dma_wait3A_95] : memref<10008x128xf32, #tpu.memory_space<vmem_shared>> -> memref<624x128xf32, #tpu.memory_space<vmem_shared>>
          tpu.wait_dma2 semaphore(%run_scoped3A_88 : memref<!tpu.dma_semaphore, #tpu.memory_space<semaphore_mem>>) src(%dma_wait3A_96 : memref<624x128xf32, #tpu.memory_space<vmem_shared>>) dst(%dma_wait3A_94 : memref<624x128xf32, #tpu.memory_space<hbm>>)
          tpu.yield
        }) : () -> ()
      } else {
      }
      %eq3A_81 = arith.constant 15 : i32
      %eq3A_82 = arith.cmpi eq, %arg1, %eq3A_81 : i32
      %convert_element_type3A_83 = arith.extui %eq3A_82 : i1 to i32
      %cond3A_84 = arith.constant 0 : i32
      %cond3A_85 = arith.cmpi ne, %convert_element_type3A_83, %cond3A_84 : i32
      scf.if %cond3A_85 {
        %run_scoped3A = arith.constant 1 : i32
        "tpu.region"() ({
          %run_scoped3A_86 = tpu.sem_alloc : memref<!tpu.dma_semaphore, #tpu.memory_space<semaphore_mem>>
          %dma_start3A = arith.constant 9360 : i32
          %dma_start3A_87 = arith.constant 0 : i32
          %dma_start3A_88 = tpu.memref_slice %arg6[%run_scoped3A, %dma_start3A, %dma_start3A_87] : memref<2x10000x128xf32, #tpu.memory_space<hbm>> -> memref<1x640x128xf32, #tpu.memory_space<hbm>>
          %dma_start3A_89 = tpu.memref_squeeze %dma_start3A_88 : memref<1x640x128xf32, #tpu.memory_space<hbm>> -> memref<640x128xf32, #tpu.memory_space<hbm>>
          %dma_start3A_90 = arith.constant 9360 : i32
          %dma_start3A_91 = arith.constant 0 : i32
          %dma_start3A_92 = tpu.memref_slice %arg11[%dma_start3A_90, %dma_start3A_91] : memref<10008x128xf32, #tpu.memory_space<vmem_shared>> -> memref<640x128xf32, #tpu.memory_space<vmem_shared>>
          tpu.enqueue_dma source(%dma_start3A_92 : memref<640x128xf32, #tpu.memory_space<vmem_shared>>) target(%dma_start3A_89 : memref<640x128xf32, #tpu.memory_space<hbm>>) target_semaphore(%run_scoped3A_86 : memref<!tpu.dma_semaphore, #tpu.memory_space<semaphore_mem>>)
          %dma_wait3A = arith.constant 9360 : i32
          %dma_wait3A_93 = arith.constant 0 : i32
          %dma_wait3A_94 = tpu.memref_slice %arg6[%run_scoped3A, %dma_wait3A, %dma_wait3A_93] : memref<2x10000x128xf32, #tpu.memory_space<hbm>> -> memref<1x640x128xf32, #tpu.memory_space<hbm>>
          %dma_wait3A_95 = tpu.memref_squeeze %dma_wait3A_94 : memref<1x640x128xf32, #tpu.memory_space<hbm>> -> memref<640x128xf32, #tpu.memory_space<hbm>>
          %dma_wait3A_96 = arith.constant 9360 : i32
          %dma_wait3A_97 = arith.constant 0 : i32
          %dma_wait3A_98 = tpu.memref_slice %arg11[%dma_wait3A_96, %dma_wait3A_97] : memref<10008x128xf32, #tpu.memory_space<vmem_shared>> -> memref<640x128xf32, #tpu.memory_space<vmem_shared>>
          tpu.wait_dma2 semaphore(%run_scoped3A_86 : memref<!tpu.dma_semaphore, #tpu.memory_space<semaphore_mem>>) src(%dma_wait3A_98 : memref<640x128xf32, #tpu.memory_space<vmem_shared>>) dst(%dma_wait3A_95 : memref<640x128xf32, #tpu.memory_space<hbm>>)
          tpu.yield
        }) : () -> ()
      } else {
      }
    } else {
    }
    return
  }
}

#map = affine_map<(d0, d1) -> (0, 0)>
#map1 = affine_map<(d0, d1) -> (0, 0, 0)>
module attributes {stable_mosaic.version = 14 : i64} {
  func.func @_spmm48_body(%arg0: i32, %arg1: i32, %arg2: memref<10000x128xf32, #tpu.memory_space<hbm>>, %arg3: memref<1280x128xi32, #tpu.memory_space<hbm>>, %arg4: memref<1280x128xi32, #tpu.memory_space<hbm>>, %arg5: memref<2x10000x128xf32, #tpu.memory_space<hbm>>, %arg6: memref<40x128xi32, #tpu.memory_space<vmem>>, %arg7: memref<40x128xi32, #tpu.memory_space<vmem>>, %arg8: memref<128x128xf32, #tpu.memory_space<vmem>>, %arg9: memref<128x128xf32, #tpu.memory_space<vmem>>, %arg10: memref<10008x128xf32, #tpu.memory_space<vmem_shared>>, %arg11: memref<!tpu.dma_semaphore, #tpu.memory_space<semaphore_mem>>, %arg12: memref<!tpu.dma_semaphore, #tpu.memory_space<semaphore_mem>>) attributes {dimension_semantics = [#tpu.dimension_semantics<core_parallel>, #tpu.dimension_semantics<subcore_parallel>], iteration_bounds = array<i64: 2, 16>, scalar_prefetch = 0 : i64, scratch_operands = 7 : i64, tpu.core_type = #tpu.core_type<sc_vector_subcore>, window_params = [{transform_indices = #map}, {transform_indices = #map}, {transform_indices = #map}, {transform_indices = #map1}]} {
    %lt3A = arith.constant 15 : i32
    %lt3A_0 = arith.cmpi slt, %arg1, %lt3A : i32
    %convert_element_type3A = arith.extui %lt3A_0 : i1 to i32
    %cond3A = arith.constant 0 : i32
    %cond3A_1 = arith.cmpi ne, %convert_element_type3A, %cond3A : i32
    scf.if %cond3A_1 {
      %mul3A_42 = arith.constant 624 : i32
      %mul3A_43 = arith.muli %arg1, %mul3A_42 : i32
      %multiple_of3A = tpu.assume_multiple %mul3A_43, 8 : i32
      "tpu.region"() ({
        %run_scoped3A = tpu.sem_alloc : memref<!tpu.dma_semaphore, #tpu.memory_space<semaphore_mem>>
        %dma_start3A_44 = arith.constant 0 : i32
        %dma_start3A_45 = tpu.memref_slice %arg10[%multiple_of3A, %dma_start3A_44] : memref<10008x128xf32, #tpu.memory_space<vmem_shared>> -> memref<624x128xf32, #tpu.memory_space<vmem_shared>>
        %dma_start3A_46 = arith.constant 0 : i32
        %dma_start3A_47 = tpu.memref_slice %arg2[%multiple_of3A, %dma_start3A_46] : memref<10000x128xf32, #tpu.memory_space<hbm>> -> memref<624x128xf32, #tpu.memory_space<hbm>>
        tpu.enqueue_dma source(%dma_start3A_47 : memref<624x128xf32, #tpu.memory_space<hbm>>) target(%dma_start3A_45 : memref<624x128xf32, #tpu.memory_space<vmem_shared>>) target_semaphore(%run_scoped3A : memref<!tpu.dma_semaphore, #tpu.memory_space<semaphore_mem>>)
        %dma_wait3A = arith.constant 0 : i32
        %dma_wait3A_48 = tpu.memref_slice %arg10[%multiple_of3A, %dma_wait3A] : memref<10008x128xf32, #tpu.memory_space<vmem_shared>> -> memref<624x128xf32, #tpu.memory_space<vmem_shared>>
        %dma_wait3A_49 = arith.constant 0 : i32
        %dma_wait3A_50 = tpu.memref_slice %arg2[%multiple_of3A, %dma_wait3A_49] : memref<10000x128xf32, #tpu.memory_space<hbm>> -> memref<624x128xf32, #tpu.memory_space<hbm>>
        tpu.wait_dma2 semaphore(%run_scoped3A : memref<!tpu.dma_semaphore, #tpu.memory_space<semaphore_mem>>) src(%dma_wait3A_50 : memref<624x128xf32, #tpu.memory_space<hbm>>) dst(%dma_wait3A_48 : memref<624x128xf32, #tpu.memory_space<vmem_shared>>)
        tpu.yield
      }) : () -> ()
    } else {
    }
    %eq3A = arith.constant 15 : i32
    %eq3A_2 = arith.cmpi eq, %arg1, %eq3A : i32
    %convert_element_type3A_3 = arith.extui %eq3A_2 : i1 to i32
    %cond3A_4 = arith.constant 0 : i32
    %cond3A_5 = arith.cmpi ne, %convert_element_type3A_3, %cond3A_4 : i32
    scf.if %cond3A_5 {
      "tpu.region"() ({
        %run_scoped3A = tpu.sem_alloc : memref<!tpu.dma_semaphore, #tpu.memory_space<semaphore_mem>>
        %dma_start3A_42 = arith.constant 9360 : i32
        %dma_start3A_43 = arith.constant 0 : i32
        %dma_start3A_44 = tpu.memref_slice %arg10[%dma_start3A_42, %dma_start3A_43] : memref<10008x128xf32, #tpu.memory_space<vmem_shared>> -> memref<640x128xf32, #tpu.memory_space<vmem_shared>>
        %dma_start3A_45 = arith.constant 9360 : i32
        %dma_start3A_46 = arith.constant 0 : i32
        %dma_start3A_47 = tpu.memref_slice %arg2[%dma_start3A_45, %dma_start3A_46] : memref<10000x128xf32, #tpu.memory_space<hbm>> -> memref<640x128xf32, #tpu.memory_space<hbm>>
        tpu.enqueue_dma source(%dma_start3A_47 : memref<640x128xf32, #tpu.memory_space<hbm>>) target(%dma_start3A_44 : memref<640x128xf32, #tpu.memory_space<vmem_shared>>) target_semaphore(%run_scoped3A : memref<!tpu.dma_semaphore, #tpu.memory_space<semaphore_mem>>)
        %dma_wait3A = arith.constant 9360 : i32
        %dma_wait3A_48 = arith.constant 0 : i32
        %dma_wait3A_49 = tpu.memref_slice %arg10[%dma_wait3A, %dma_wait3A_48] : memref<10008x128xf32, #tpu.memory_space<vmem_shared>> -> memref<640x128xf32, #tpu.memory_space<vmem_shared>>
        %dma_wait3A_50 = arith.constant 9360 : i32
        %dma_wait3A_51 = arith.constant 0 : i32
        %dma_wait3A_52 = tpu.memref_slice %arg2[%dma_wait3A_50, %dma_wait3A_51] : memref<10000x128xf32, #tpu.memory_space<hbm>> -> memref<640x128xf32, #tpu.memory_space<hbm>>
        tpu.wait_dma2 semaphore(%run_scoped3A : memref<!tpu.dma_semaphore, #tpu.memory_space<semaphore_mem>>) src(%dma_wait3A_52 : memref<640x128xf32, #tpu.memory_space<hbm>>) dst(%dma_wait3A_49 : memref<640x128xf32, #tpu.memory_space<vmem_shared>>)
        tpu.yield
      }) : () -> ()
    } else {
    }
    %barrier3A = arith.constant 0 : index
    tpu.barrier barrier_id(%barrier3A)
    %mul3A = arith.constant 16 : i32
    %mul3A_6 = arith.muli %arg0, %mul3A : i32
    %add3A = arith.addi %mul3A_6, %arg1 : i32
    %mul3A_7 = arith.constant 40 : i32
    %mul3A_8 = arith.muli %add3A, %mul3A_7 : i32
    %add3A_9 = arith.constant 0 : i32
    %add3A_10 = arith.addi %mul3A_8, %add3A_9 : i32
    "tpu.region"() ({
      %run_scoped3A = tpu.sem_alloc : memref<!tpu.dma_semaphore, #tpu.memory_space<semaphore_mem>>
      %dma_start3A_42 = arith.constant 0 : i32
      %dma_start3A_43 = tpu.memref_slice %arg3[%add3A_10, %dma_start3A_42] : memref<1280x128xi32, #tpu.memory_space<hbm>> -> memref<40x128xi32, #tpu.memory_space<hbm>>
      %dma_start3A_44 = arith.constant 0 : i32
      %dma_start3A_45 = tpu.memref_slice %arg3[%add3A_10, %dma_start3A_44] : memref<1280x128xi32, #tpu.memory_space<hbm>> -> memref<40x128xi32, #tpu.memory_space<hbm>>
      tpu.enqueue_dma source(%dma_start3A_45 : memref<40x128xi32, #tpu.memory_space<hbm>>) target(%arg6 : memref<40x128xi32, #tpu.memory_space<vmem>>) target_semaphore(%run_scoped3A : memref<!tpu.dma_semaphore, #tpu.memory_space<semaphore_mem>>)
      %dma_wait3A = arith.constant 0 : i32
      %dma_wait3A_46 = tpu.memref_slice %arg3[%add3A_10, %dma_wait3A] : memref<1280x128xi32, #tpu.memory_space<hbm>> -> memref<40x128xi32, #tpu.memory_space<hbm>>
      %dma_wait3A_47 = arith.constant 0 : i32
      %dma_wait3A_48 = tpu.memref_slice %arg3[%add3A_10, %dma_wait3A_47] : memref<1280x128xi32, #tpu.memory_space<hbm>> -> memref<40x128xi32, #tpu.memory_space<hbm>>
      tpu.wait_dma2 semaphore(%run_scoped3A : memref<!tpu.dma_semaphore, #tpu.memory_space<semaphore_mem>>) src(%dma_wait3A_48 : memref<40x128xi32, #tpu.memory_space<hbm>>) dst(%arg6 : memref<40x128xi32, #tpu.memory_space<vmem>>)
      tpu.yield
    }) : () -> ()
    %add3A_11 = arith.constant 0 : i32
    %add3A_12 = arith.addi %mul3A_8, %add3A_11 : i32
    "tpu.region"() ({
      %run_scoped3A = tpu.sem_alloc : memref<!tpu.dma_semaphore, #tpu.memory_space<semaphore_mem>>
      %dma_start3A_42 = arith.constant 0 : i32
      %dma_start3A_43 = tpu.memref_slice %arg4[%add3A_12, %dma_start3A_42] : memref<1280x128xi32, #tpu.memory_space<hbm>> -> memref<40x128xi32, #tpu.memory_space<hbm>>
      %dma_start3A_44 = arith.constant 0 : i32
      %dma_start3A_45 = tpu.memref_slice %arg4[%add3A_12, %dma_start3A_44] : memref<1280x128xi32, #tpu.memory_space<hbm>> -> memref<40x128xi32, #tpu.memory_space<hbm>>
      tpu.enqueue_dma source(%dma_start3A_45 : memref<40x128xi32, #tpu.memory_space<hbm>>) target(%arg7 : memref<40x128xi32, #tpu.memory_space<vmem>>) target_semaphore(%run_scoped3A : memref<!tpu.dma_semaphore, #tpu.memory_space<semaphore_mem>>)
      %dma_wait3A = arith.constant 0 : i32
      %dma_wait3A_46 = tpu.memref_slice %arg4[%add3A_12, %dma_wait3A] : memref<1280x128xi32, #tpu.memory_space<hbm>> -> memref<40x128xi32, #tpu.memory_space<hbm>>
      %dma_wait3A_47 = arith.constant 0 : i32
      %dma_wait3A_48 = tpu.memref_slice %arg4[%add3A_12, %dma_wait3A_47] : memref<1280x128xi32, #tpu.memory_space<hbm>> -> memref<40x128xi32, #tpu.memory_space<hbm>>
      tpu.wait_dma2 semaphore(%run_scoped3A : memref<!tpu.dma_semaphore, #tpu.memory_space<semaphore_mem>>) src(%dma_wait3A_48 : memref<40x128xi32, #tpu.memory_space<hbm>>) dst(%arg7 : memref<40x128xi32, #tpu.memory_space<vmem>>)
      tpu.yield
    }) : () -> ()
    %dma_start3A = arith.constant 0 : i32
    %dma_start3A_13 = arith.constant 0 : i32
    %dma_start3A_14 = tpu.memref_slice %arg6[%dma_start3A, %dma_start3A_13] : memref<40x128xi32, #tpu.memory_space<vmem>> -> memref<1x128xi32, #tpu.memory_space<vmem>>
    %dma_start3A_15 = tpu.memref_squeeze %dma_start3A_14 : memref<1x128xi32, #tpu.memory_space<vmem>> -> memref<128xi32, #tpu.memory_space<vmem>>
    %dma_start3A_16 = arith.constant 0 : i32
    %dma_start3A_17 = arith.constant 0 : i32
    %dma_start3A_18 = tpu.memref_slice %arg2[%dma_start3A_16, %dma_start3A_17] : memref<10000x128xf32, #tpu.memory_space<hbm>> -> memref<10000x128xf32, #tpu.memory_space<hbm>>
    tpu.enqueue_indirect_dma source(%dma_start3A_18 : memref<10000x128xf32, #tpu.memory_space<hbm>>) target(%arg8 : memref<128x128xf32, #tpu.memory_space<vmem>>) offsets(%dma_start3A_15 : memref<128xi32, #tpu.memory_space<vmem>>) semaphore(%arg11 : memref<!tpu.dma_semaphore, #tpu.memory_space<semaphore_mem>>)
    %dma_start3A_19 = arith.constant 1 : i32
    %dma_start3A_20 = arith.constant 0 : i32
    %dma_start3A_21 = tpu.memref_slice %arg6[%dma_start3A_19, %dma_start3A_20] : memref<40x128xi32, #tpu.memory_space<vmem>> -> memref<1x128xi32, #tpu.memory_space<vmem>>
    %dma_start3A_22 = tpu.memref_squeeze %dma_start3A_21 : memref<1x128xi32, #tpu.memory_space<vmem>> -> memref<128xi32, #tpu.memory_space<vmem>>
    %dma_start3A_23 = arith.constant 0 : i32
    %dma_start3A_24 = arith.constant 0 : i32
    %dma_start3A_25 = tpu.memref_slice %arg2[%dma_start3A_23, %dma_start3A_24] : memref<10000x128xf32, #tpu.memory_space<hbm>> -> memref<10000x128xf32, #tpu.memory_space<hbm>>
    tpu.enqueue_indirect_dma source(%dma_start3A_25 : memref<10000x128xf32, #tpu.memory_space<hbm>>) target(%arg9 : memref<128x128xf32, #tpu.memory_space<vmem>>) offsets(%dma_start3A_22 : memref<128xi32, #tpu.memory_space<vmem>>) semaphore(%arg12 : memref<!tpu.dma_semaphore, #tpu.memory_space<semaphore_mem>>)
    %scan3A = arith.constant 0 : i32
    %scan3A_26 = arith.constant 0 : i32
    %scan3A_27 = arith.constant 20 : i32
    %scan3A_28 = arith.addi %scan3A_26, %scan3A_27 : i32
    %scan3A_29 = arith.constant 1 : i32
    scf.for %scan3A_42 = %scan3A_26 to %scan3A_28 step %scan3A_29  : i32 {
      %mul3A_43 = arith.constant 2 : i32
      %mul3A_44 = arith.muli %scan3A_42, %mul3A_43 : i32
      %add3A_45 = arith.constant 0 : i32
      %add3A_46 = arith.addi %mul3A_44, %add3A_45 : i32
      %dma_wait3A = arith.constant 0 : i32
      %dma_wait3A_47 = tpu.memref_slice %arg6[%add3A_46, %dma_wait3A] : memref<40x128xi32, #tpu.memory_space<vmem>> -> memref<1x128xi32, #tpu.memory_space<vmem>>
      %dma_wait3A_48 = tpu.memref_squeeze %dma_wait3A_47 : memref<1x128xi32, #tpu.memory_space<vmem>> -> memref<128xi32, #tpu.memory_space<vmem>>
      %dma_wait3A_49 = arith.constant 0 : i32
      %dma_wait3A_50 = arith.constant 0 : i32
      %dma_wait3A_51 = tpu.memref_slice %arg2[%dma_wait3A_49, %dma_wait3A_50] : memref<10000x128xf32, #tpu.memory_space<hbm>> -> memref<10000x128xf32, #tpu.memory_space<hbm>>
      tpu.wait_indirect_dma semaphore(%arg11 : memref<!tpu.dma_semaphore, #tpu.memory_space<semaphore_mem>>) src(%dma_wait3A_51 : memref<10000x128xf32, #tpu.memory_space<hbm>>) dst(%arg8 : memref<128x128xf32, #tpu.memory_space<vmem>>)
      "tpu.region"() ({
        %run_scoped3A = tpu.sem_alloc : memref<!tpu.dma_semaphore, #tpu.memory_space<semaphore_mem>>
        %dma_start3A_76 = arith.constant 0 : i32
        %dma_start3A_77 = tpu.memref_slice %arg7[%add3A_46, %dma_start3A_76] : memref<40x128xi32, #tpu.memory_space<vmem>> -> memref<1x128xi32, #tpu.memory_space<vmem>>
        %dma_start3A_78 = tpu.memref_squeeze %dma_start3A_77 : memref<1x128xi32, #tpu.memory_space<vmem>> -> memref<128xi32, #tpu.memory_space<vmem>>
        %dma_start3A_79 = arith.constant 0 : i32
        %dma_start3A_80 = arith.constant 0 : i32
        %dma_start3A_81 = tpu.memref_slice %arg10[%dma_start3A_79, %dma_start3A_80] : memref<10008x128xf32, #tpu.memory_space<vmem_shared>> -> memref<10008x128xf32, #tpu.memory_space<vmem_shared>>
        tpu.enqueue_indirect_dma source(%arg8 : memref<128x128xf32, #tpu.memory_space<vmem>>) target(%dma_start3A_81 : memref<10008x128xf32, #tpu.memory_space<vmem_shared>>) offsets(%dma_start3A_78 : memref<128xi32, #tpu.memory_space<vmem>>) semaphore(%run_scoped3A : memref<!tpu.dma_semaphore, #tpu.memory_space<semaphore_mem>>) {add = true}
        %dma_wait3A_82 = arith.constant 0 : i32
        %dma_wait3A_83 = tpu.memref_slice %arg7[%add3A_46, %dma_wait3A_82] : memref<40x128xi32, #tpu.memory_space<vmem>> -> memref<1x128xi32, #tpu.memory_space<vmem>>
        %dma_wait3A_84 = tpu.memref_squeeze %dma_wait3A_83 : memref<1x128xi32, #tpu.memory_space<vmem>> -> memref<128xi32, #tpu.memory_space<vmem>>
        %dma_wait3A_85 = arith.constant 0 : i32
        %dma_wait3A_86 = arith.constant 0 : i32
        %dma_wait3A_87 = tpu.memref_slice %arg10[%dma_wait3A_85, %dma_wait3A_86] : memref<10008x128xf32, #tpu.memory_space<vmem_shared>> -> memref<10008x128xf32, #tpu.memory_space<vmem_shared>>
        tpu.wait_indirect_dma semaphore(%run_scoped3A : memref<!tpu.dma_semaphore, #tpu.memory_space<semaphore_mem>>) src(%arg8 : memref<128x128xf32, #tpu.memory_space<vmem>>) dst(%dma_wait3A_87 : memref<10008x128xf32, #tpu.memory_space<vmem_shared>>)
        tpu.yield
      }) : () -> ()
      %add3A_52 = arith.constant 2 : i32
      %add3A_53 = arith.addi %add3A_46, %add3A_52 : i32
      %lt3A_54 = arith.constant 40 : i32
      %lt3A_55 = arith.cmpi slt, %add3A_53, %lt3A_54 : i32
      %convert_element_type3A_56 = arith.extui %lt3A_55 : i1 to i32
      %cond3A_57 = arith.constant 0 : i32
      %cond3A_58 = arith.cmpi ne, %convert_element_type3A_56, %cond3A_57 : i32
      scf.if %cond3A_58 {
        %add3A_76 = arith.constant 2 : i32
        %add3A_77 = arith.addi %add3A_46, %add3A_76 : i32
        %dma_start3A_78 = arith.constant 0 : i32
        %dma_start3A_79 = tpu.memref_slice %arg6[%add3A_77, %dma_start3A_78] : memref<40x128xi32, #tpu.memory_space<vmem>> -> memref<1x128xi32, #tpu.memory_space<vmem>>
        %dma_start3A_80 = tpu.memref_squeeze %dma_start3A_79 : memref<1x128xi32, #tpu.memory_space<vmem>> -> memref<128xi32, #tpu.memory_space<vmem>>
        %dma_start3A_81 = arith.constant 0 : i32
        %dma_start3A_82 = arith.constant 0 : i32
        %dma_start3A_83 = tpu.memref_slice %arg2[%dma_start3A_81, %dma_start3A_82] : memref<10000x128xf32, #tpu.memory_space<hbm>> -> memref<10000x128xf32, #tpu.memory_space<hbm>>
        tpu.enqueue_indirect_dma source(%dma_start3A_83 : memref<10000x128xf32, #tpu.memory_space<hbm>>) target(%arg8 : memref<128x128xf32, #tpu.memory_space<vmem>>) offsets(%dma_start3A_80 : memref<128xi32, #tpu.memory_space<vmem>>) semaphore(%arg11 : memref<!tpu.dma_semaphore, #tpu.memory_space<semaphore_mem>>)
      } else {
      }
      %mul3A_59 = arith.constant 2 : i32
      %mul3A_60 = arith.muli %scan3A_42, %mul3A_59 : i32
      %add3A_61 = arith.constant 1 : i32
      %add3A_62 = arith.addi %mul3A_60, %add3A_61 : i32
      %dma_wait3A_63 = arith.constant 0 : i32
      %dma_wait3A_64 = tpu.memref_slice %arg6[%add3A_62, %dma_wait3A_63] : memref<40x128xi32, #tpu.memory_space<vmem>> -> memref<1x128xi32, #tpu.memory_space<vmem>>
      %dma_wait3A_65 = tpu.memref_squeeze %dma_wait3A_64 : memref<1x128xi32, #tpu.memory_space<vmem>> -> memref<128xi32, #tpu.memory_space<vmem>>
      %dma_wait3A_66 = arith.constant 0 : i32
      %dma_wait3A_67 = arith.constant 0 : i32
      %dma_wait3A_68 = tpu.memref_slice %arg2[%dma_wait3A_66, %dma_wait3A_67] : memref<10000x128xf32, #tpu.memory_space<hbm>> -> memref<10000x128xf32, #tpu.memory_space<hbm>>
      tpu.wait_indirect_dma semaphore(%arg12 : memref<!tpu.dma_semaphore, #tpu.memory_space<semaphore_mem>>) src(%dma_wait3A_68 : memref<10000x128xf32, #tpu.memory_space<hbm>>) dst(%arg9 : memref<128x128xf32, #tpu.memory_space<vmem>>)
      "tpu.region"() ({
        %run_scoped3A = tpu.sem_alloc : memref<!tpu.dma_semaphore, #tpu.memory_space<semaphore_mem>>
        %dma_start3A_76 = arith.constant 0 : i32
        %dma_start3A_77 = tpu.memref_slice %arg7[%add3A_62, %dma_start3A_76] : memref<40x128xi32, #tpu.memory_space<vmem>> -> memref<1x128xi32, #tpu.memory_space<vmem>>
        %dma_start3A_78 = tpu.memref_squeeze %dma_start3A_77 : memref<1x128xi32, #tpu.memory_space<vmem>> -> memref<128xi32, #tpu.memory_space<vmem>>
        %dma_start3A_79 = arith.constant 0 : i32
        %dma_start3A_80 = arith.constant 0 : i32
        %dma_start3A_81 = tpu.memref_slice %arg10[%dma_start3A_79, %dma_start3A_80] : memref<10008x128xf32, #tpu.memory_space<vmem_shared>> -> memref<10008x128xf32, #tpu.memory_space<vmem_shared>>
        tpu.enqueue_indirect_dma source(%arg9 : memref<128x128xf32, #tpu.memory_space<vmem>>) target(%dma_start3A_81 : memref<10008x128xf32, #tpu.memory_space<vmem_shared>>) offsets(%dma_start3A_78 : memref<128xi32, #tpu.memory_space<vmem>>) semaphore(%run_scoped3A : memref<!tpu.dma_semaphore, #tpu.memory_space<semaphore_mem>>) {add = true}
        %dma_wait3A_82 = arith.constant 0 : i32
        %dma_wait3A_83 = tpu.memref_slice %arg7[%add3A_62, %dma_wait3A_82] : memref<40x128xi32, #tpu.memory_space<vmem>> -> memref<1x128xi32, #tpu.memory_space<vmem>>
        %dma_wait3A_84 = tpu.memref_squeeze %dma_wait3A_83 : memref<1x128xi32, #tpu.memory_space<vmem>> -> memref<128xi32, #tpu.memory_space<vmem>>
        %dma_wait3A_85 = arith.constant 0 : i32
        %dma_wait3A_86 = arith.constant 0 : i32
        %dma_wait3A_87 = tpu.memref_slice %arg10[%dma_wait3A_85, %dma_wait3A_86] : memref<10008x128xf32, #tpu.memory_space<vmem_shared>> -> memref<10008x128xf32, #tpu.memory_space<vmem_shared>>
        tpu.wait_indirect_dma semaphore(%run_scoped3A : memref<!tpu.dma_semaphore, #tpu.memory_space<semaphore_mem>>) src(%arg9 : memref<128x128xf32, #tpu.memory_space<vmem>>) dst(%dma_wait3A_87 : memref<10008x128xf32, #tpu.memory_space<vmem_shared>>)
        tpu.yield
      }) : () -> ()
      %add3A_69 = arith.constant 2 : i32
      %add3A_70 = arith.addi %add3A_62, %add3A_69 : i32
      %lt3A_71 = arith.constant 40 : i32
      %lt3A_72 = arith.cmpi slt, %add3A_70, %lt3A_71 : i32
      %convert_element_type3A_73 = arith.extui %lt3A_72 : i1 to i32
      %cond3A_74 = arith.constant 0 : i32
      %cond3A_75 = arith.cmpi ne, %convert_element_type3A_73, %cond3A_74 : i32
      scf.if %cond3A_75 {
        %add3A_76 = arith.constant 2 : i32
        %add3A_77 = arith.addi %add3A_62, %add3A_76 : i32
        %dma_start3A_78 = arith.constant 0 : i32
        %dma_start3A_79 = tpu.memref_slice %arg6[%add3A_77, %dma_start3A_78] : memref<40x128xi32, #tpu.memory_space<vmem>> -> memref<1x128xi32, #tpu.memory_space<vmem>>
        %dma_start3A_80 = tpu.memref_squeeze %dma_start3A_79 : memref<1x128xi32, #tpu.memory_space<vmem>> -> memref<128xi32, #tpu.memory_space<vmem>>
        %dma_start3A_81 = arith.constant 0 : i32
        %dma_start3A_82 = arith.constant 0 : i32
        %dma_start3A_83 = tpu.memref_slice %arg2[%dma_start3A_81, %dma_start3A_82] : memref<10000x128xf32, #tpu.memory_space<hbm>> -> memref<10000x128xf32, #tpu.memory_space<hbm>>
        tpu.enqueue_indirect_dma source(%dma_start3A_83 : memref<10000x128xf32, #tpu.memory_space<hbm>>) target(%arg9 : memref<128x128xf32, #tpu.memory_space<vmem>>) offsets(%dma_start3A_80 : memref<128xi32, #tpu.memory_space<vmem>>) semaphore(%arg12 : memref<!tpu.dma_semaphore, #tpu.memory_space<semaphore_mem>>)
      } else {
      }
    }
    %scan3A_30 = arith.constant 20 : i32
    %barrier3A_31 = arith.constant 0 : index
    tpu.barrier barrier_id(%barrier3A_31)
    %eq3A_32 = arith.constant 0 : i32
    %eq3A_33 = arith.cmpi eq, %arg0, %eq3A_32 : i32
    %convert_element_type3A_34 = arith.extui %eq3A_33 : i1 to i32
    %cond3A_35 = arith.constant 0 : i32
    %cond3A_36 = arith.cmpi ne, %convert_element_type3A_34, %cond3A_35 : i32
    scf.if %cond3A_36 {
      %lt3A_42 = arith.constant 15 : i32
      %lt3A_43 = arith.cmpi slt, %arg1, %lt3A_42 : i32
      %convert_element_type3A_44 = arith.extui %lt3A_43 : i1 to i32
      %cond3A_45 = arith.constant 0 : i32
      %cond3A_46 = arith.cmpi ne, %convert_element_type3A_44, %cond3A_45 : i32
      scf.if %cond3A_46 {
        %mul3A_52 = arith.constant 624 : i32
        %mul3A_53 = arith.muli %arg1, %mul3A_52 : i32
        %multiple_of3A = tpu.assume_multiple %mul3A_53, 8 : i32
        %run_scoped3A = arith.constant 0 : i32
        "tpu.region"() ({
          %run_scoped3A_54 = tpu.sem_alloc : memref<!tpu.dma_semaphore, #tpu.memory_space<semaphore_mem>>
          %dma_start3A_55 = arith.constant 0 : i32
          %dma_start3A_56 = tpu.memref_slice %arg5[%run_scoped3A, %multiple_of3A, %dma_start3A_55] : memref<2x10000x128xf32, #tpu.memory_space<hbm>> -> memref<1x624x128xf32, #tpu.memory_space<hbm>>
          %dma_start3A_57 = tpu.memref_squeeze %dma_start3A_56 : memref<1x624x128xf32, #tpu.memory_space<hbm>> -> memref<624x128xf32, #tpu.memory_space<hbm>>
          %dma_start3A_58 = arith.constant 0 : i32
          %dma_start3A_59 = tpu.memref_slice %arg10[%multiple_of3A, %dma_start3A_58] : memref<10008x128xf32, #tpu.memory_space<vmem_shared>> -> memref<624x128xf32, #tpu.memory_space<vmem_shared>>
          tpu.enqueue_dma source(%dma_start3A_59 : memref<624x128xf32, #tpu.memory_space<vmem_shared>>) target(%dma_start3A_57 : memref<624x128xf32, #tpu.memory_space<hbm>>) target_semaphore(%run_scoped3A_54 : memref<!tpu.dma_semaphore, #tpu.memory_space<semaphore_mem>>)
          %dma_wait3A = arith.constant 0 : i32
          %dma_wait3A_60 = tpu.memref_slice %arg5[%run_scoped3A, %multiple_of3A, %dma_wait3A] : memref<2x10000x128xf32, #tpu.memory_space<hbm>> -> memref<1x624x128xf32, #tpu.memory_space<hbm>>
          %dma_wait3A_61 = tpu.memref_squeeze %dma_wait3A_60 : memref<1x624x128xf32, #tpu.memory_space<hbm>> -> memref<624x128xf32, #tpu.memory_space<hbm>>
          %dma_wait3A_62 = arith.constant 0 : i32
          %dma_wait3A_63 = tpu.memref_slice %arg10[%multiple_of3A, %dma_wait3A_62] : memref<10008x128xf32, #tpu.memory_space<vmem_shared>> -> memref<624x128xf32, #tpu.memory_space<vmem_shared>>
          tpu.wait_dma2 semaphore(%run_scoped3A_54 : memref<!tpu.dma_semaphore, #tpu.memory_space<semaphore_mem>>) src(%dma_wait3A_63 : memref<624x128xf32, #tpu.memory_space<vmem_shared>>) dst(%dma_wait3A_61 : memref<624x128xf32, #tpu.memory_space<hbm>>)
          tpu.yield
        }) : () -> ()
      } else {
      }
      %eq3A_47 = arith.constant 15 : i32
      %eq3A_48 = arith.cmpi eq, %arg1, %eq3A_47 : i32
      %convert_element_type3A_49 = arith.extui %eq3A_48 : i1 to i32
      %cond3A_50 = arith.constant 0 : i32
      %cond3A_51 = arith.cmpi ne, %convert_element_type3A_49, %cond3A_50 : i32
      scf.if %cond3A_51 {
        %run_scoped3A = arith.constant 0 : i32
        "tpu.region"() ({
          %run_scoped3A_52 = tpu.sem_alloc : memref<!tpu.dma_semaphore, #tpu.memory_space<semaphore_mem>>
          %dma_start3A_53 = arith.constant 9360 : i32
          %dma_start3A_54 = arith.constant 0 : i32
          %dma_start3A_55 = tpu.memref_slice %arg5[%run_scoped3A, %dma_start3A_53, %dma_start3A_54] : memref<2x10000x128xf32, #tpu.memory_space<hbm>> -> memref<1x640x128xf32, #tpu.memory_space<hbm>>
          %dma_start3A_56 = tpu.memref_squeeze %dma_start3A_55 : memref<1x640x128xf32, #tpu.memory_space<hbm>> -> memref<640x128xf32, #tpu.memory_space<hbm>>
          %dma_start3A_57 = arith.constant 9360 : i32
          %dma_start3A_58 = arith.constant 0 : i32
          %dma_start3A_59 = tpu.memref_slice %arg10[%dma_start3A_57, %dma_start3A_58] : memref<10008x128xf32, #tpu.memory_space<vmem_shared>> -> memref<640x128xf32, #tpu.memory_space<vmem_shared>>
          tpu.enqueue_dma source(%dma_start3A_59 : memref<640x128xf32, #tpu.memory_space<vmem_shared>>) target(%dma_start3A_56 : memref<640x128xf32, #tpu.memory_space<hbm>>) target_semaphore(%run_scoped3A_52 : memref<!tpu.dma_semaphore, #tpu.memory_space<semaphore_mem>>)
          %dma_wait3A = arith.constant 9360 : i32
          %dma_wait3A_60 = arith.constant 0 : i32
          %dma_wait3A_61 = tpu.memref_slice %arg5[%run_scoped3A, %dma_wait3A, %dma_wait3A_60] : memref<2x10000x128xf32, #tpu.memory_space<hbm>> -> memref<1x640x128xf32, #tpu.memory_space<hbm>>
          %dma_wait3A_62 = tpu.memref_squeeze %dma_wait3A_61 : memref<1x640x128xf32, #tpu.memory_space<hbm>> -> memref<640x128xf32, #tpu.memory_space<hbm>>
          %dma_wait3A_63 = arith.constant 9360 : i32
          %dma_wait3A_64 = arith.constant 0 : i32
          %dma_wait3A_65 = tpu.memref_slice %arg10[%dma_wait3A_63, %dma_wait3A_64] : memref<10008x128xf32, #tpu.memory_space<vmem_shared>> -> memref<640x128xf32, #tpu.memory_space<vmem_shared>>
          tpu.wait_dma2 semaphore(%run_scoped3A_52 : memref<!tpu.dma_semaphore, #tpu.memory_space<semaphore_mem>>) src(%dma_wait3A_65 : memref<640x128xf32, #tpu.memory_space<vmem_shared>>) dst(%dma_wait3A_62 : memref<640x128xf32, #tpu.memory_space<hbm>>)
          tpu.yield
        }) : () -> ()
      } else {
      }
    } else {
    }
    %eq3A_37 = arith.constant 1 : i32
    %eq3A_38 = arith.cmpi eq, %arg0, %eq3A_37 : i32
    %convert_element_type3A_39 = arith.extui %eq3A_38 : i1 to i32
    %cond3A_40 = arith.constant 0 : i32
    %cond3A_41 = arith.cmpi ne, %convert_element_type3A_39, %cond3A_40 : i32
    scf.if %cond3A_41 {
      %lt3A_42 = arith.constant 15 : i32
      %lt3A_43 = arith.cmpi slt, %arg1, %lt3A_42 : i32
      %convert_element_type3A_44 = arith.extui %lt3A_43 : i1 to i32
      %cond3A_45 = arith.constant 0 : i32
      %cond3A_46 = arith.cmpi ne, %convert_element_type3A_44, %cond3A_45 : i32
      scf.if %cond3A_46 {
        %mul3A_52 = arith.constant 624 : i32
        %mul3A_53 = arith.muli %arg1, %mul3A_52 : i32
        %multiple_of3A = tpu.assume_multiple %mul3A_53, 8 : i32
        %run_scoped3A = arith.constant 1 : i32
        "tpu.region"() ({
          %run_scoped3A_54 = tpu.sem_alloc : memref<!tpu.dma_semaphore, #tpu.memory_space<semaphore_mem>>
          %dma_start3A_55 = arith.constant 0 : i32
          %dma_start3A_56 = tpu.memref_slice %arg5[%run_scoped3A, %multiple_of3A, %dma_start3A_55] : memref<2x10000x128xf32, #tpu.memory_space<hbm>> -> memref<1x624x128xf32, #tpu.memory_space<hbm>>
          %dma_start3A_57 = tpu.memref_squeeze %dma_start3A_56 : memref<1x624x128xf32, #tpu.memory_space<hbm>> -> memref<624x128xf32, #tpu.memory_space<hbm>>
          %dma_start3A_58 = arith.constant 0 : i32
          %dma_start3A_59 = tpu.memref_slice %arg10[%multiple_of3A, %dma_start3A_58] : memref<10008x128xf32, #tpu.memory_space<vmem_shared>> -> memref<624x128xf32, #tpu.memory_space<vmem_shared>>
          tpu.enqueue_dma source(%dma_start3A_59 : memref<624x128xf32, #tpu.memory_space<vmem_shared>>) target(%dma_start3A_57 : memref<624x128xf32, #tpu.memory_space<hbm>>) target_semaphore(%run_scoped3A_54 : memref<!tpu.dma_semaphore, #tpu.memory_space<semaphore_mem>>)
          %dma_wait3A = arith.constant 0 : i32
          %dma_wait3A_60 = tpu.memref_slice %arg5[%run_scoped3A, %multiple_of3A, %dma_wait3A] : memref<2x10000x128xf32, #tpu.memory_space<hbm>> -> memref<1x624x128xf32, #tpu.memory_space<hbm>>
          %dma_wait3A_61 = tpu.memref_squeeze %dma_wait3A_60 : memref<1x624x128xf32, #tpu.memory_space<hbm>> -> memref<624x128xf32, #tpu.memory_space<hbm>>
          %dma_wait3A_62 = arith.constant 0 : i32
          %dma_wait3A_63 = tpu.memref_slice %arg10[%multiple_of3A, %dma_wait3A_62] : memref<10008x128xf32, #tpu.memory_space<vmem_shared>> -> memref<624x128xf32, #tpu.memory_space<vmem_shared>>
          tpu.wait_dma2 semaphore(%run_scoped3A_54 : memref<!tpu.dma_semaphore, #tpu.memory_space<semaphore_mem>>) src(%dma_wait3A_63 : memref<624x128xf32, #tpu.memory_space<vmem_shared>>) dst(%dma_wait3A_61 : memref<624x128xf32, #tpu.memory_space<hbm>>)
          tpu.yield
        }) : () -> ()
      } else {
      }
      %eq3A_47 = arith.constant 15 : i32
      %eq3A_48 = arith.cmpi eq, %arg1, %eq3A_47 : i32
      %convert_element_type3A_49 = arith.extui %eq3A_48 : i1 to i32
      %cond3A_50 = arith.constant 0 : i32
      %cond3A_51 = arith.cmpi ne, %convert_element_type3A_49, %cond3A_50 : i32
      scf.if %cond3A_51 {
        %run_scoped3A = arith.constant 1 : i32
        "tpu.region"() ({
          %run_scoped3A_52 = tpu.sem_alloc : memref<!tpu.dma_semaphore, #tpu.memory_space<semaphore_mem>>
          %dma_start3A_53 = arith.constant 9360 : i32
          %dma_start3A_54 = arith.constant 0 : i32
          %dma_start3A_55 = tpu.memref_slice %arg5[%run_scoped3A, %dma_start3A_53, %dma_start3A_54] : memref<2x10000x128xf32, #tpu.memory_space<hbm>> -> memref<1x640x128xf32, #tpu.memory_space<hbm>>
          %dma_start3A_56 = tpu.memref_squeeze %dma_start3A_55 : memref<1x640x128xf32, #tpu.memory_space<hbm>> -> memref<640x128xf32, #tpu.memory_space<hbm>>
          %dma_start3A_57 = arith.constant 9360 : i32
          %dma_start3A_58 = arith.constant 0 : i32
          %dma_start3A_59 = tpu.memref_slice %arg10[%dma_start3A_57, %dma_start3A_58] : memref<10008x128xf32, #tpu.memory_space<vmem_shared>> -> memref<640x128xf32, #tpu.memory_space<vmem_shared>>
          tpu.enqueue_dma source(%dma_start3A_59 : memref<640x128xf32, #tpu.memory_space<vmem_shared>>) target(%dma_start3A_56 : memref<640x128xf32, #tpu.memory_space<hbm>>) target_semaphore(%run_scoped3A_52 : memref<!tpu.dma_semaphore, #tpu.memory_space<semaphore_mem>>)
          %dma_wait3A = arith.constant 9360 : i32
          %dma_wait3A_60 = arith.constant 0 : i32
          %dma_wait3A_61 = tpu.memref_slice %arg5[%run_scoped3A, %dma_wait3A, %dma_wait3A_60] : memref<2x10000x128xf32, #tpu.memory_space<hbm>> -> memref<1x640x128xf32, #tpu.memory_space<hbm>>
          %dma_wait3A_62 = tpu.memref_squeeze %dma_wait3A_61 : memref<1x640x128xf32, #tpu.memory_space<hbm>> -> memref<640x128xf32, #tpu.memory_space<hbm>>
          %dma_wait3A_63 = arith.constant 9360 : i32
          %dma_wait3A_64 = arith.constant 0 : i32
          %dma_wait3A_65 = tpu.memref_slice %arg10[%dma_wait3A_63, %dma_wait3A_64] : memref<10008x128xf32, #tpu.memory_space<vmem_shared>> -> memref<640x128xf32, #tpu.memory_space<vmem_shared>>
          tpu.wait_dma2 semaphore(%run_scoped3A_52 : memref<!tpu.dma_semaphore, #tpu.memory_space<semaphore_mem>>) src(%dma_wait3A_65 : memref<640x128xf32, #tpu.memory_space<vmem_shared>>) dst(%dma_wait3A_62 : memref<640x128xf32, #tpu.memory_space<hbm>>)
          tpu.yield
        }) : () -> ()
      } else {
      }
    } else {
    }
    return
  }
}

#map = affine_map<(d0, d1) -> (0, 0)>
#map1 = affine_map<(d0, d1) -> (0, 0, 0)>
module attributes {stable_mosaic.version = 14 : i64} {
  func.func @_spmm_body(%arg0: i32, %arg1: i32, %arg2: memref<10000x128xf32, #tpu.memory_space<hbm>>, %arg3: memref<10000x128xf32, #tpu.memory_space<hbm>>, %arg4: memref<1280x128xi32, #tpu.memory_space<hbm>>, %arg5: memref<1280x128xi32, #tpu.memory_space<hbm>>, %arg6: memref<2x10000x128xf32, #tpu.memory_space<hbm>>, %arg7: memref<40x128xi32, #tpu.memory_space<vmem>>, %arg8: memref<40x128xi32, #tpu.memory_space<vmem>>, %arg9: memref<128x128xf32, #tpu.memory_space<vmem>>, %arg10: memref<128x128xf32, #tpu.memory_space<vmem>>, %arg11: memref<10008x128xf32, #tpu.memory_space<vmem_shared>>, %arg12: memref<!tpu.dma_semaphore, #tpu.memory_space<semaphore_mem>>, %arg13: memref<!tpu.dma_semaphore, #tpu.memory_space<semaphore_mem>>) attributes {dimension_semantics = [#tpu.dimension_semantics<core_parallel>, #tpu.dimension_semantics<subcore_parallel>], iteration_bounds = array<i64: 2, 16>, scalar_prefetch = 0 : i64, scratch_operands = 7 : i64, tpu.core_type = #tpu.core_type<sc_vector_subcore>, window_params = [{transform_indices = #map}, {transform_indices = #map}, {transform_indices = #map}, {transform_indices = #map}, {transform_indices = #map1}]} {
    %eq3A = arith.constant 0 : i32
    %eq3A_0 = arith.cmpi eq, %arg0, %eq3A : i32
    %convert_element_type3A = arith.extui %eq3A_0 : i1 to i32
    %cond3A = arith.constant 0 : i32
    %cond3A_1 = arith.cmpi ne, %convert_element_type3A, %cond3A : i32
    scf.if %cond3A_1 {
      %lt3A = arith.constant 15 : i32
      %lt3A_77 = arith.cmpi slt, %arg1, %lt3A : i32
      %convert_element_type3A_78 = arith.extui %lt3A_77 : i1 to i32
      %cond3A_79 = arith.constant 0 : i32
      %cond3A_80 = arith.cmpi ne, %convert_element_type3A_78, %cond3A_79 : i32
      scf.if %cond3A_80 {
        %mul3A_86 = arith.constant 624 : i32
        %mul3A_87 = arith.muli %arg1, %mul3A_86 : i32
        %multiple_of3A = tpu.assume_multiple %mul3A_87, 8 : i32
        "tpu.region"() ({
          %run_scoped3A = tpu.sem_alloc : memref<!tpu.dma_semaphore, #tpu.memory_space<semaphore_mem>>
          %dma_start3A = arith.constant 0 : i32
          %dma_start3A_88 = tpu.memref_slice %arg11[%multiple_of3A, %dma_start3A] : memref<10008x128xf32, #tpu.memory_space<vmem_shared>> -> memref<624x128xf32, #tpu.memory_space<vmem_shared>>
          %dma_start3A_89 = arith.constant 0 : i32
          %dma_start3A_90 = tpu.memref_slice %arg2[%multiple_of3A, %dma_start3A_89] : memref<10000x128xf32, #tpu.memory_space<hbm>> -> memref<624x128xf32, #tpu.memory_space<hbm>>
          tpu.enqueue_dma source(%dma_start3A_90 : memref<624x128xf32, #tpu.memory_space<hbm>>) target(%dma_start3A_88 : memref<624x128xf32, #tpu.memory_space<vmem_shared>>) target_semaphore(%run_scoped3A : memref<!tpu.dma_semaphore, #tpu.memory_space<semaphore_mem>>)
          %dma_wait3A = arith.constant 0 : i32
          %dma_wait3A_91 = tpu.memref_slice %arg11[%multiple_of3A, %dma_wait3A] : memref<10008x128xf32, #tpu.memory_space<vmem_shared>> -> memref<624x128xf32, #tpu.memory_space<vmem_shared>>
          %dma_wait3A_92 = arith.constant 0 : i32
          %dma_wait3A_93 = tpu.memref_slice %arg2[%multiple_of3A, %dma_wait3A_92] : memref<10000x128xf32, #tpu.memory_space<hbm>> -> memref<624x128xf32, #tpu.memory_space<hbm>>
          tpu.wait_dma2 semaphore(%run_scoped3A : memref<!tpu.dma_semaphore, #tpu.memory_space<semaphore_mem>>) src(%dma_wait3A_93 : memref<624x128xf32, #tpu.memory_space<hbm>>) dst(%dma_wait3A_91 : memref<624x128xf32, #tpu.memory_space<vmem_shared>>)
          tpu.yield
        }) : () -> ()
      } else {
      }
      %eq3A_81 = arith.constant 15 : i32
      %eq3A_82 = arith.cmpi eq, %arg1, %eq3A_81 : i32
      %convert_element_type3A_83 = arith.extui %eq3A_82 : i1 to i32
      %cond3A_84 = arith.constant 0 : i32
      %cond3A_85 = arith.cmpi ne, %convert_element_type3A_83, %cond3A_84 : i32
      scf.if %cond3A_85 {
        "tpu.region"() ({
          %run_scoped3A = tpu.sem_alloc : memref<!tpu.dma_semaphore, #tpu.memory_space<semaphore_mem>>
          %dma_start3A = arith.constant 9360 : i32
          %dma_start3A_86 = arith.constant 0 : i32
          %dma_start3A_87 = tpu.memref_slice %arg11[%dma_start3A, %dma_start3A_86] : memref<10008x128xf32, #tpu.memory_space<vmem_shared>> -> memref<640x128xf32, #tpu.memory_space<vmem_shared>>
          %dma_start3A_88 = arith.constant 9360 : i32
          %dma_start3A_89 = arith.constant 0 : i32
          %dma_start3A_90 = tpu.memref_slice %arg2[%dma_start3A_88, %dma_start3A_89] : memref<10000x128xf32, #tpu.memory_space<hbm>> -> memref<640x128xf32, #tpu.memory_space<hbm>>
          tpu.enqueue_dma source(%dma_start3A_90 : memref<640x128xf32, #tpu.memory_space<hbm>>) target(%dma_start3A_87 : memref<640x128xf32, #tpu.memory_space<vmem_shared>>) target_semaphore(%run_scoped3A : memref<!tpu.dma_semaphore, #tpu.memory_space<semaphore_mem>>)
          %dma_wait3A = arith.constant 9360 : i32
          %dma_wait3A_91 = arith.constant 0 : i32
          %dma_wait3A_92 = tpu.memref_slice %arg11[%dma_wait3A, %dma_wait3A_91] : memref<10008x128xf32, #tpu.memory_space<vmem_shared>> -> memref<640x128xf32, #tpu.memory_space<vmem_shared>>
          %dma_wait3A_93 = arith.constant 9360 : i32
          %dma_wait3A_94 = arith.constant 0 : i32
          %dma_wait3A_95 = tpu.memref_slice %arg2[%dma_wait3A_93, %dma_wait3A_94] : memref<10000x128xf32, #tpu.memory_space<hbm>> -> memref<640x128xf32, #tpu.memory_space<hbm>>
          tpu.wait_dma2 semaphore(%run_scoped3A : memref<!tpu.dma_semaphore, #tpu.memory_space<semaphore_mem>>) src(%dma_wait3A_95 : memref<640x128xf32, #tpu.memory_space<hbm>>) dst(%dma_wait3A_92 : memref<640x128xf32, #tpu.memory_space<vmem_shared>>)
          tpu.yield
        }) : () -> ()
      } else {
      }
    } else {
    }
    %eq3A_2 = arith.constant 1 : i32
    %eq3A_3 = arith.cmpi eq, %arg0, %eq3A_2 : i32
    %convert_element_type3A_4 = arith.extui %eq3A_3 : i1 to i32
    %cond3A_5 = arith.constant 0 : i32
    %cond3A_6 = arith.cmpi ne, %convert_element_type3A_4, %cond3A_5 : i32
    scf.if %cond3A_6 {
      %lt3A = arith.constant 15 : i32
      %lt3A_77 = arith.cmpi slt, %arg1, %lt3A : i32
      %convert_element_type3A_78 = arith.extui %lt3A_77 : i1 to i32
      %cond3A_79 = arith.constant 0 : i32
      %cond3A_80 = arith.cmpi ne, %convert_element_type3A_78, %cond3A_79 : i32
      scf.if %cond3A_80 {
        %mul3A_86 = arith.constant 624 : i32
        %mul3A_87 = arith.muli %arg1, %mul3A_86 : i32
        %multiple_of3A = tpu.assume_multiple %mul3A_87, 8 : i32
        "tpu.region"() ({
          %run_scoped3A = tpu.sem_alloc : memref<!tpu.dma_semaphore, #tpu.memory_space<semaphore_mem>>
          %dma_start3A = arith.constant 0 : i32
          %dma_start3A_88 = tpu.memref_slice %arg11[%multiple_of3A, %dma_start3A] : memref<10008x128xf32, #tpu.memory_space<vmem_shared>> -> memref<624x128xf32, #tpu.memory_space<vmem_shared>>
          %dma_start3A_89 = arith.constant 0 : i32
          %dma_start3A_90 = tpu.memref_slice %arg3[%multiple_of3A, %dma_start3A_89] : memref<10000x128xf32, #tpu.memory_space<hbm>> -> memref<624x128xf32, #tpu.memory_space<hbm>>
          tpu.enqueue_dma source(%dma_start3A_90 : memref<624x128xf32, #tpu.memory_space<hbm>>) target(%dma_start3A_88 : memref<624x128xf32, #tpu.memory_space<vmem_shared>>) target_semaphore(%run_scoped3A : memref<!tpu.dma_semaphore, #tpu.memory_space<semaphore_mem>>)
          %dma_wait3A = arith.constant 0 : i32
          %dma_wait3A_91 = tpu.memref_slice %arg11[%multiple_of3A, %dma_wait3A] : memref<10008x128xf32, #tpu.memory_space<vmem_shared>> -> memref<624x128xf32, #tpu.memory_space<vmem_shared>>
          %dma_wait3A_92 = arith.constant 0 : i32
          %dma_wait3A_93 = tpu.memref_slice %arg3[%multiple_of3A, %dma_wait3A_92] : memref<10000x128xf32, #tpu.memory_space<hbm>> -> memref<624x128xf32, #tpu.memory_space<hbm>>
          tpu.wait_dma2 semaphore(%run_scoped3A : memref<!tpu.dma_semaphore, #tpu.memory_space<semaphore_mem>>) src(%dma_wait3A_93 : memref<624x128xf32, #tpu.memory_space<hbm>>) dst(%dma_wait3A_91 : memref<624x128xf32, #tpu.memory_space<vmem_shared>>)
          tpu.yield
        }) : () -> ()
      } else {
      }
      %eq3A_81 = arith.constant 15 : i32
      %eq3A_82 = arith.cmpi eq, %arg1, %eq3A_81 : i32
      %convert_element_type3A_83 = arith.extui %eq3A_82 : i1 to i32
      %cond3A_84 = arith.constant 0 : i32
      %cond3A_85 = arith.cmpi ne, %convert_element_type3A_83, %cond3A_84 : i32
      scf.if %cond3A_85 {
        "tpu.region"() ({
          %run_scoped3A = tpu.sem_alloc : memref<!tpu.dma_semaphore, #tpu.memory_space<semaphore_mem>>
          %dma_start3A = arith.constant 9360 : i32
          %dma_start3A_86 = arith.constant 0 : i32
          %dma_start3A_87 = tpu.memref_slice %arg11[%dma_start3A, %dma_start3A_86] : memref<10008x128xf32, #tpu.memory_space<vmem_shared>> -> memref<640x128xf32, #tpu.memory_space<vmem_shared>>
          %dma_start3A_88 = arith.constant 9360 : i32
          %dma_start3A_89 = arith.constant 0 : i32
          %dma_start3A_90 = tpu.memref_slice %arg3[%dma_start3A_88, %dma_start3A_89] : memref<10000x128xf32, #tpu.memory_space<hbm>> -> memref<640x128xf32, #tpu.memory_space<hbm>>
          tpu.enqueue_dma source(%dma_start3A_90 : memref<640x128xf32, #tpu.memory_space<hbm>>) target(%dma_start3A_87 : memref<640x128xf32, #tpu.memory_space<vmem_shared>>) target_semaphore(%run_scoped3A : memref<!tpu.dma_semaphore, #tpu.memory_space<semaphore_mem>>)
          %dma_wait3A = arith.constant 9360 : i32
          %dma_wait3A_91 = arith.constant 0 : i32
          %dma_wait3A_92 = tpu.memref_slice %arg11[%dma_wait3A, %dma_wait3A_91] : memref<10008x128xf32, #tpu.memory_space<vmem_shared>> -> memref<640x128xf32, #tpu.memory_space<vmem_shared>>
          %dma_wait3A_93 = arith.constant 9360 : i32
          %dma_wait3A_94 = arith.constant 0 : i32
          %dma_wait3A_95 = tpu.memref_slice %arg3[%dma_wait3A_93, %dma_wait3A_94] : memref<10000x128xf32, #tpu.memory_space<hbm>> -> memref<640x128xf32, #tpu.memory_space<hbm>>
          tpu.wait_dma2 semaphore(%run_scoped3A : memref<!tpu.dma_semaphore, #tpu.memory_space<semaphore_mem>>) src(%dma_wait3A_95 : memref<640x128xf32, #tpu.memory_space<hbm>>) dst(%dma_wait3A_92 : memref<640x128xf32, #tpu.memory_space<vmem_shared>>)
          tpu.yield
        }) : () -> ()
      } else {
      }
    } else {
    }
    %barrier3A = arith.constant 0 : index
    tpu.barrier barrier_id(%barrier3A)
    %mul3A = arith.constant 80 : i32
    %mul3A_7 = arith.muli %arg1, %mul3A : i32
    %add3A = arith.constant 0 : i32
    %add3A_8 = arith.addi %mul3A_7, %add3A : i32
    "tpu.region"() ({
      %run_scoped3A = tpu.sem_alloc : memref<!tpu.dma_semaphore, #tpu.memory_space<semaphore_mem>>
      %dma_start3A = arith.constant 0 : i32
      %dma_start3A_77 = tpu.memref_slice %arg4[%add3A_8, %dma_start3A] : memref<1280x128xi32, #tpu.memory_space<hbm>> -> memref<40x128xi32, #tpu.memory_space<hbm>>
      %dma_start3A_78 = arith.constant 0 : i32
      %dma_start3A_79 = tpu.memref_slice %arg4[%add3A_8, %dma_start3A_78] : memref<1280x128xi32, #tpu.memory_space<hbm>> -> memref<40x128xi32, #tpu.memory_space<hbm>>
      tpu.enqueue_dma source(%dma_start3A_79 : memref<40x128xi32, #tpu.memory_space<hbm>>) target(%arg7 : memref<40x128xi32, #tpu.memory_space<vmem>>) target_semaphore(%run_scoped3A : memref<!tpu.dma_semaphore, #tpu.memory_space<semaphore_mem>>)
      %dma_wait3A = arith.constant 0 : i32
      %dma_wait3A_80 = tpu.memref_slice %arg4[%add3A_8, %dma_wait3A] : memref<1280x128xi32, #tpu.memory_space<hbm>> -> memref<40x128xi32, #tpu.memory_space<hbm>>
      %dma_wait3A_81 = arith.constant 0 : i32
      %dma_wait3A_82 = tpu.memref_slice %arg4[%add3A_8, %dma_wait3A_81] : memref<1280x128xi32, #tpu.memory_space<hbm>> -> memref<40x128xi32, #tpu.memory_space<hbm>>
      tpu.wait_dma2 semaphore(%run_scoped3A : memref<!tpu.dma_semaphore, #tpu.memory_space<semaphore_mem>>) src(%dma_wait3A_82 : memref<40x128xi32, #tpu.memory_space<hbm>>) dst(%arg7 : memref<40x128xi32, #tpu.memory_space<vmem>>)
      tpu.yield
    }) : () -> ()
    %add3A_9 = arith.constant 0 : i32
    %add3A_10 = arith.addi %mul3A_7, %add3A_9 : i32
    "tpu.region"() ({
      %run_scoped3A = tpu.sem_alloc : memref<!tpu.dma_semaphore, #tpu.memory_space<semaphore_mem>>
      %dma_start3A = arith.constant 0 : i32
      %dma_start3A_77 = tpu.memref_slice %arg5[%add3A_10, %dma_start3A] : memref<1280x128xi32, #tpu.memory_space<hbm>> -> memref<40x128xi32, #tpu.memory_space<hbm>>
      %dma_start3A_78 = arith.constant 0 : i32
      %dma_start3A_79 = tpu.memref_slice %arg5[%add3A_10, %dma_start3A_78] : memref<1280x128xi32, #tpu.memory_space<hbm>> -> memref<40x128xi32, #tpu.memory_space<hbm>>
      tpu.enqueue_dma source(%dma_start3A_79 : memref<40x128xi32, #tpu.memory_space<hbm>>) target(%arg8 : memref<40x128xi32, #tpu.memory_space<vmem>>) target_semaphore(%run_scoped3A : memref<!tpu.dma_semaphore, #tpu.memory_space<semaphore_mem>>)
      %dma_wait3A = arith.constant 0 : i32
      %dma_wait3A_80 = tpu.memref_slice %arg5[%add3A_10, %dma_wait3A] : memref<1280x128xi32, #tpu.memory_space<hbm>> -> memref<40x128xi32, #tpu.memory_space<hbm>>
      %dma_wait3A_81 = arith.constant 0 : i32
      %dma_wait3A_82 = tpu.memref_slice %arg5[%add3A_10, %dma_wait3A_81] : memref<1280x128xi32, #tpu.memory_space<hbm>> -> memref<40x128xi32, #tpu.memory_space<hbm>>
      tpu.wait_dma2 semaphore(%run_scoped3A : memref<!tpu.dma_semaphore, #tpu.memory_space<semaphore_mem>>) src(%dma_wait3A_82 : memref<40x128xi32, #tpu.memory_space<hbm>>) dst(%arg8 : memref<40x128xi32, #tpu.memory_space<vmem>>)
      tpu.yield
    }) : () -> ()
    %eq3A_11 = arith.constant 0 : i32
    %eq3A_12 = arith.cmpi eq, %arg0, %eq3A_11 : i32
    %convert_element_type3A_13 = arith.extui %eq3A_12 : i1 to i32
    %cond3A_14 = arith.constant 0 : i32
    %cond3A_15 = arith.cmpi ne, %convert_element_type3A_13, %cond3A_14 : i32
    scf.if %cond3A_15 {
      %dma_start3A = arith.constant 0 : i32
      %dma_start3A_77 = arith.constant 0 : i32
      %dma_start3A_78 = tpu.memref_slice %arg7[%dma_start3A, %dma_start3A_77] : memref<40x128xi32, #tpu.memory_space<vmem>> -> memref<1x128xi32, #tpu.memory_space<vmem>>
      %dma_start3A_79 = tpu.memref_squeeze %dma_start3A_78 : memref<1x128xi32, #tpu.memory_space<vmem>> -> memref<128xi32, #tpu.memory_space<vmem>>
      %dma_start3A_80 = arith.constant 0 : i32
      %dma_start3A_81 = arith.constant 0 : i32
      %dma_start3A_82 = tpu.memref_slice %arg2[%dma_start3A_80, %dma_start3A_81] : memref<10000x128xf32, #tpu.memory_space<hbm>> -> memref<10000x128xf32, #tpu.memory_space<hbm>>
      tpu.enqueue_indirect_dma source(%dma_start3A_82 : memref<10000x128xf32, #tpu.memory_space<hbm>>) target(%arg9 : memref<128x128xf32, #tpu.memory_space<vmem>>) offsets(%dma_start3A_79 : memref<128xi32, #tpu.memory_space<vmem>>) semaphore(%arg12 : memref<!tpu.dma_semaphore, #tpu.memory_space<semaphore_mem>>)
    } else {
    }
    %eq3A_16 = arith.constant 1 : i32
    %eq3A_17 = arith.cmpi eq, %arg0, %eq3A_16 : i32
    %convert_element_type3A_18 = arith.extui %eq3A_17 : i1 to i32
    %cond3A_19 = arith.constant 0 : i32
    %cond3A_20 = arith.cmpi ne, %convert_element_type3A_18, %cond3A_19 : i32
    scf.if %cond3A_20 {
      %dma_start3A = arith.constant 0 : i32
      %dma_start3A_77 = arith.constant 0 : i32
      %dma_start3A_78 = tpu.memref_slice %arg7[%dma_start3A, %dma_start3A_77] : memref<40x128xi32, #tpu.memory_space<vmem>> -> memref<1x128xi32, #tpu.memory_space<vmem>>
      %dma_start3A_79 = tpu.memref_squeeze %dma_start3A_78 : memref<1x128xi32, #tpu.memory_space<vmem>> -> memref<128xi32, #tpu.memory_space<vmem>>
      %dma_start3A_80 = arith.constant 0 : i32
      %dma_start3A_81 = arith.constant 0 : i32
      %dma_start3A_82 = tpu.memref_slice %arg3[%dma_start3A_80, %dma_start3A_81] : memref<10000x128xf32, #tpu.memory_space<hbm>> -> memref<10000x128xf32, #tpu.memory_space<hbm>>
      tpu.enqueue_indirect_dma source(%dma_start3A_82 : memref<10000x128xf32, #tpu.memory_space<hbm>>) target(%arg9 : memref<128x128xf32, #tpu.memory_space<vmem>>) offsets(%dma_start3A_79 : memref<128xi32, #tpu.memory_space<vmem>>) semaphore(%arg12 : memref<!tpu.dma_semaphore, #tpu.memory_space<semaphore_mem>>)
    } else {
    }
    %eq3A_21 = arith.constant 0 : i32
    %eq3A_22 = arith.cmpi eq, %arg0, %eq3A_21 : i32
    %convert_element_type3A_23 = arith.extui %eq3A_22 : i1 to i32
    %cond3A_24 = arith.constant 0 : i32
    %cond3A_25 = arith.cmpi ne, %convert_element_type3A_23, %cond3A_24 : i32
    scf.if %cond3A_25 {
      %dma_start3A = arith.constant 1 : i32
      %dma_start3A_77 = arith.constant 0 : i32
      %dma_start3A_78 = tpu.memref_slice %arg7[%dma_start3A, %dma_start3A_77] : memref<40x128xi32, #tpu.memory_space<vmem>> -> memref<1x128xi32, #tpu.memory_space<vmem>>
      %dma_start3A_79 = tpu.memref_squeeze %dma_start3A_78 : memref<1x128xi32, #tpu.memory_space<vmem>> -> memref<128xi32, #tpu.memory_space<vmem>>
      %dma_start3A_80 = arith.constant 0 : i32
      %dma_start3A_81 = arith.constant 0 : i32
      %dma_start3A_82 = tpu.memref_slice %arg2[%dma_start3A_80, %dma_start3A_81] : memref<10000x128xf32, #tpu.memory_space<hbm>> -> memref<10000x128xf32, #tpu.memory_space<hbm>>
      tpu.enqueue_indirect_dma source(%dma_start3A_82 : memref<10000x128xf32, #tpu.memory_space<hbm>>) target(%arg10 : memref<128x128xf32, #tpu.memory_space<vmem>>) offsets(%dma_start3A_79 : memref<128xi32, #tpu.memory_space<vmem>>) semaphore(%arg13 : memref<!tpu.dma_semaphore, #tpu.memory_space<semaphore_mem>>)
    } else {
    }
    %eq3A_26 = arith.constant 1 : i32
    %eq3A_27 = arith.cmpi eq, %arg0, %eq3A_26 : i32
    %convert_element_type3A_28 = arith.extui %eq3A_27 : i1 to i32
    %cond3A_29 = arith.constant 0 : i32
    %cond3A_30 = arith.cmpi ne, %convert_element_type3A_28, %cond3A_29 : i32
    scf.if %cond3A_30 {
      %dma_start3A = arith.constant 1 : i32
      %dma_start3A_77 = arith.constant 0 : i32
      %dma_start3A_78 = tpu.memref_slice %arg7[%dma_start3A, %dma_start3A_77] : memref<40x128xi32, #tpu.memory_space<vmem>> -> memref<1x128xi32, #tpu.memory_space<vmem>>
      %dma_start3A_79 = tpu.memref_squeeze %dma_start3A_78 : memref<1x128xi32, #tpu.memory_space<vmem>> -> memref<128xi32, #tpu.memory_space<vmem>>
      %dma_start3A_80 = arith.constant 0 : i32
      %dma_start3A_81 = arith.constant 0 : i32
      %dma_start3A_82 = tpu.memref_slice %arg3[%dma_start3A_80, %dma_start3A_81] : memref<10000x128xf32, #tpu.memory_space<hbm>> -> memref<10000x128xf32, #tpu.memory_space<hbm>>
      tpu.enqueue_indirect_dma source(%dma_start3A_82 : memref<10000x128xf32, #tpu.memory_space<hbm>>) target(%arg10 : memref<128x128xf32, #tpu.memory_space<vmem>>) offsets(%dma_start3A_79 : memref<128xi32, #tpu.memory_space<vmem>>) semaphore(%arg13 : memref<!tpu.dma_semaphore, #tpu.memory_space<semaphore_mem>>)
    } else {
    }
    %scan3A = arith.constant 0 : i32
    %scan3A_31 = arith.constant 0 : i32
    %scan3A_32 = arith.constant 20 : i32
    %scan3A_33 = arith.addi %scan3A_31, %scan3A_32 : i32
    %scan3A_34 = arith.constant 1 : i32
    scf.for %scan3A_77 = %scan3A_31 to %scan3A_33 step %scan3A_34  : i32 {
      %mul3A_78 = arith.constant 2 : i32
      %mul3A_79 = arith.muli %scan3A_77, %mul3A_78 : i32
      %add3A_80 = arith.constant 0 : i32
      %add3A_81 = arith.addi %mul3A_79, %add3A_80 : i32
      %eq3A_82 = arith.constant 0 : i32
      %eq3A_83 = arith.cmpi eq, %arg0, %eq3A_82 : i32
      %convert_element_type3A_84 = arith.extui %eq3A_83 : i1 to i32
      %cond3A_85 = arith.constant 0 : i32
      %cond3A_86 = arith.cmpi ne, %convert_element_type3A_84, %cond3A_85 : i32
      scf.if %cond3A_86 {
        %dma_wait3A = arith.constant 0 : i32
        %dma_wait3A_119 = tpu.memref_slice %arg7[%add3A_81, %dma_wait3A] : memref<40x128xi32, #tpu.memory_space<vmem>> -> memref<1x128xi32, #tpu.memory_space<vmem>>
        %dma_wait3A_120 = tpu.memref_squeeze %dma_wait3A_119 : memref<1x128xi32, #tpu.memory_space<vmem>> -> memref<128xi32, #tpu.memory_space<vmem>>
        %dma_wait3A_121 = arith.constant 0 : i32
        %dma_wait3A_122 = arith.constant 0 : i32
        %dma_wait3A_123 = tpu.memref_slice %arg2[%dma_wait3A_121, %dma_wait3A_122] : memref<10000x128xf32, #tpu.memory_space<hbm>> -> memref<10000x128xf32, #tpu.memory_space<hbm>>
        tpu.wait_indirect_dma semaphore(%arg12 : memref<!tpu.dma_semaphore, #tpu.memory_space<semaphore_mem>>) src(%dma_wait3A_123 : memref<10000x128xf32, #tpu.memory_space<hbm>>) dst(%arg9 : memref<128x128xf32, #tpu.memory_space<vmem>>)
      } else {
      }
      %eq3A_87 = arith.constant 1 : i32
      %eq3A_88 = arith.cmpi eq, %arg0, %eq3A_87 : i32
      %convert_element_type3A_89 = arith.extui %eq3A_88 : i1 to i32
      %cond3A_90 = arith.constant 0 : i32
      %cond3A_91 = arith.cmpi ne, %convert_element_type3A_89, %cond3A_90 : i32
      scf.if %cond3A_91 {
        %dma_wait3A = arith.constant 0 : i32
        %dma_wait3A_119 = tpu.memref_slice %arg7[%add3A_81, %dma_wait3A] : memref<40x128xi32, #tpu.memory_space<vmem>> -> memref<1x128xi32, #tpu.memory_space<vmem>>
        %dma_wait3A_120 = tpu.memref_squeeze %dma_wait3A_119 : memref<1x128xi32, #tpu.memory_space<vmem>> -> memref<128xi32, #tpu.memory_space<vmem>>
        %dma_wait3A_121 = arith.constant 0 : i32
        %dma_wait3A_122 = arith.constant 0 : i32
        %dma_wait3A_123 = tpu.memref_slice %arg3[%dma_wait3A_121, %dma_wait3A_122] : memref<10000x128xf32, #tpu.memory_space<hbm>> -> memref<10000x128xf32, #tpu.memory_space<hbm>>
        tpu.wait_indirect_dma semaphore(%arg12 : memref<!tpu.dma_semaphore, #tpu.memory_space<semaphore_mem>>) src(%dma_wait3A_123 : memref<10000x128xf32, #tpu.memory_space<hbm>>) dst(%arg9 : memref<128x128xf32, #tpu.memory_space<vmem>>)
      } else {
      }
      "tpu.region"() ({
        %run_scoped3A = tpu.sem_alloc : memref<!tpu.dma_semaphore, #tpu.memory_space<semaphore_mem>>
        %dma_start3A = arith.constant 0 : i32
        %dma_start3A_119 = tpu.memref_slice %arg8[%add3A_81, %dma_start3A] : memref<40x128xi32, #tpu.memory_space<vmem>> -> memref<1x128xi32, #tpu.memory_space<vmem>>
        %dma_start3A_120 = tpu.memref_squeeze %dma_start3A_119 : memref<1x128xi32, #tpu.memory_space<vmem>> -> memref<128xi32, #tpu.memory_space<vmem>>
        %dma_start3A_121 = arith.constant 0 : i32
        %dma_start3A_122 = arith.constant 0 : i32
        %dma_start3A_123 = tpu.memref_slice %arg11[%dma_start3A_121, %dma_start3A_122] : memref<10008x128xf32, #tpu.memory_space<vmem_shared>> -> memref<10008x128xf32, #tpu.memory_space<vmem_shared>>
        tpu.enqueue_indirect_dma source(%arg9 : memref<128x128xf32, #tpu.memory_space<vmem>>) target(%dma_start3A_123 : memref<10008x128xf32, #tpu.memory_space<vmem_shared>>) offsets(%dma_start3A_120 : memref<128xi32, #tpu.memory_space<vmem>>) semaphore(%run_scoped3A : memref<!tpu.dma_semaphore, #tpu.memory_space<semaphore_mem>>) {add = true}
        %dma_wait3A = arith.constant 0 : i32
        %dma_wait3A_124 = tpu.memref_slice %arg8[%add3A_81, %dma_wait3A] : memref<40x128xi32, #tpu.memory_space<vmem>> -> memref<1x128xi32, #tpu.memory_space<vmem>>
        %dma_wait3A_125 = tpu.memref_squeeze %dma_wait3A_124 : memref<1x128xi32, #tpu.memory_space<vmem>> -> memref<128xi32, #tpu.memory_space<vmem>>
        %dma_wait3A_126 = arith.constant 0 : i32
        %dma_wait3A_127 = arith.constant 0 : i32
        %dma_wait3A_128 = tpu.memref_slice %arg11[%dma_wait3A_126, %dma_wait3A_127] : memref<10008x128xf32, #tpu.memory_space<vmem_shared>> -> memref<10008x128xf32, #tpu.memory_space<vmem_shared>>
        tpu.wait_indirect_dma semaphore(%run_scoped3A : memref<!tpu.dma_semaphore, #tpu.memory_space<semaphore_mem>>) src(%arg9 : memref<128x128xf32, #tpu.memory_space<vmem>>) dst(%dma_wait3A_128 : memref<10008x128xf32, #tpu.memory_space<vmem_shared>>)
        tpu.yield
      }) : () -> ()
      %add3A_92 = arith.constant 2 : i32
      %add3A_93 = arith.addi %add3A_81, %add3A_92 : i32
      %lt3A = arith.constant 40 : i32
      %lt3A_94 = arith.cmpi slt, %add3A_93, %lt3A : i32
      %convert_element_type3A_95 = arith.extui %lt3A_94 : i1 to i32
      %cond3A_96 = arith.constant 0 : i32
      %cond3A_97 = arith.cmpi ne, %convert_element_type3A_95, %cond3A_96 : i32
      scf.if %cond3A_97 {
        %add3A_119 = arith.constant 2 : i32
        %add3A_120 = arith.addi %add3A_81, %add3A_119 : i32
        %eq3A_121 = arith.constant 0 : i32
        %eq3A_122 = arith.cmpi eq, %arg0, %eq3A_121 : i32
        %convert_element_type3A_123 = arith.extui %eq3A_122 : i1 to i32
        %cond3A_124 = arith.constant 0 : i32
        %cond3A_125 = arith.cmpi ne, %convert_element_type3A_123, %cond3A_124 : i32
        scf.if %cond3A_125 {
          %dma_start3A = arith.constant 0 : i32
          %dma_start3A_131 = tpu.memref_slice %arg7[%add3A_120, %dma_start3A] : memref<40x128xi32, #tpu.memory_space<vmem>> -> memref<1x128xi32, #tpu.memory_space<vmem>>
          %dma_start3A_132 = tpu.memref_squeeze %dma_start3A_131 : memref<1x128xi32, #tpu.memory_space<vmem>> -> memref<128xi32, #tpu.memory_space<vmem>>
          %dma_start3A_133 = arith.constant 0 : i32
          %dma_start3A_134 = arith.constant 0 : i32
          %dma_start3A_135 = tpu.memref_slice %arg2[%dma_start3A_133, %dma_start3A_134] : memref<10000x128xf32, #tpu.memory_space<hbm>> -> memref<10000x128xf32, #tpu.memory_space<hbm>>
          tpu.enqueue_indirect_dma source(%dma_start3A_135 : memref<10000x128xf32, #tpu.memory_space<hbm>>) target(%arg9 : memref<128x128xf32, #tpu.memory_space<vmem>>) offsets(%dma_start3A_132 : memref<128xi32, #tpu.memory_space<vmem>>) semaphore(%arg12 : memref<!tpu.dma_semaphore, #tpu.memory_space<semaphore_mem>>)
        } else {
        }
        %eq3A_126 = arith.constant 1 : i32
        %eq3A_127 = arith.cmpi eq, %arg0, %eq3A_126 : i32
        %convert_element_type3A_128 = arith.extui %eq3A_127 : i1 to i32
        %cond3A_129 = arith.constant 0 : i32
        %cond3A_130 = arith.cmpi ne, %convert_element_type3A_128, %cond3A_129 : i32
        scf.if %cond3A_130 {
          %dma_start3A = arith.constant 0 : i32
          %dma_start3A_131 = tpu.memref_slice %arg7[%add3A_120, %dma_start3A] : memref<40x128xi32, #tpu.memory_space<vmem>> -> memref<1x128xi32, #tpu.memory_space<vmem>>
          %dma_start3A_132 = tpu.memref_squeeze %dma_start3A_131 : memref<1x128xi32, #tpu.memory_space<vmem>> -> memref<128xi32, #tpu.memory_space<vmem>>
          %dma_start3A_133 = arith.constant 0 : i32
          %dma_start3A_134 = arith.constant 0 : i32
          %dma_start3A_135 = tpu.memref_slice %arg3[%dma_start3A_133, %dma_start3A_134] : memref<10000x128xf32, #tpu.memory_space<hbm>> -> memref<10000x128xf32, #tpu.memory_space<hbm>>
          tpu.enqueue_indirect_dma source(%dma_start3A_135 : memref<10000x128xf32, #tpu.memory_space<hbm>>) target(%arg9 : memref<128x128xf32, #tpu.memory_space<vmem>>) offsets(%dma_start3A_132 : memref<128xi32, #tpu.memory_space<vmem>>) semaphore(%arg12 : memref<!tpu.dma_semaphore, #tpu.memory_space<semaphore_mem>>)
        } else {
        }
      } else {
      }
      %mul3A_98 = arith.constant 2 : i32
      %mul3A_99 = arith.muli %scan3A_77, %mul3A_98 : i32
      %add3A_100 = arith.constant 1 : i32
      %add3A_101 = arith.addi %mul3A_99, %add3A_100 : i32
      %eq3A_102 = arith.constant 0 : i32
      %eq3A_103 = arith.cmpi eq, %arg0, %eq3A_102 : i32
      %convert_element_type3A_104 = arith.extui %eq3A_103 : i1 to i32
      %cond3A_105 = arith.constant 0 : i32
      %cond3A_106 = arith.cmpi ne, %convert_element_type3A_104, %cond3A_105 : i32
      scf.if %cond3A_106 {
        %dma_wait3A = arith.constant 0 : i32
        %dma_wait3A_119 = tpu.memref_slice %arg7[%add3A_101, %dma_wait3A] : memref<40x128xi32, #tpu.memory_space<vmem>> -> memref<1x128xi32, #tpu.memory_space<vmem>>
        %dma_wait3A_120 = tpu.memref_squeeze %dma_wait3A_119 : memref<1x128xi32, #tpu.memory_space<vmem>> -> memref<128xi32, #tpu.memory_space<vmem>>
        %dma_wait3A_121 = arith.constant 0 : i32
        %dma_wait3A_122 = arith.constant 0 : i32
        %dma_wait3A_123 = tpu.memref_slice %arg2[%dma_wait3A_121, %dma_wait3A_122] : memref<10000x128xf32, #tpu.memory_space<hbm>> -> memref<10000x128xf32, #tpu.memory_space<hbm>>
        tpu.wait_indirect_dma semaphore(%arg13 : memref<!tpu.dma_semaphore, #tpu.memory_space<semaphore_mem>>) src(%dma_wait3A_123 : memref<10000x128xf32, #tpu.memory_space<hbm>>) dst(%arg10 : memref<128x128xf32, #tpu.memory_space<vmem>>)
      } else {
      }
      %eq3A_107 = arith.constant 1 : i32
      %eq3A_108 = arith.cmpi eq, %arg0, %eq3A_107 : i32
      %convert_element_type3A_109 = arith.extui %eq3A_108 : i1 to i32
      %cond3A_110 = arith.constant 0 : i32
      %cond3A_111 = arith.cmpi ne, %convert_element_type3A_109, %cond3A_110 : i32
      scf.if %cond3A_111 {
        %dma_wait3A = arith.constant 0 : i32
        %dma_wait3A_119 = tpu.memref_slice %arg7[%add3A_101, %dma_wait3A] : memref<40x128xi32, #tpu.memory_space<vmem>> -> memref<1x128xi32, #tpu.memory_space<vmem>>
        %dma_wait3A_120 = tpu.memref_squeeze %dma_wait3A_119 : memref<1x128xi32, #tpu.memory_space<vmem>> -> memref<128xi32, #tpu.memory_space<vmem>>
        %dma_wait3A_121 = arith.constant 0 : i32
        %dma_wait3A_122 = arith.constant 0 : i32
        %dma_wait3A_123 = tpu.memref_slice %arg3[%dma_wait3A_121, %dma_wait3A_122] : memref<10000x128xf32, #tpu.memory_space<hbm>> -> memref<10000x128xf32, #tpu.memory_space<hbm>>
        tpu.wait_indirect_dma semaphore(%arg13 : memref<!tpu.dma_semaphore, #tpu.memory_space<semaphore_mem>>) src(%dma_wait3A_123 : memref<10000x128xf32, #tpu.memory_space<hbm>>) dst(%arg10 : memref<128x128xf32, #tpu.memory_space<vmem>>)
      } else {
      }
      "tpu.region"() ({
        %run_scoped3A = tpu.sem_alloc : memref<!tpu.dma_semaphore, #tpu.memory_space<semaphore_mem>>
        %dma_start3A = arith.constant 0 : i32
        %dma_start3A_119 = tpu.memref_slice %arg8[%add3A_101, %dma_start3A] : memref<40x128xi32, #tpu.memory_space<vmem>> -> memref<1x128xi32, #tpu.memory_space<vmem>>
        %dma_start3A_120 = tpu.memref_squeeze %dma_start3A_119 : memref<1x128xi32, #tpu.memory_space<vmem>> -> memref<128xi32, #tpu.memory_space<vmem>>
        %dma_start3A_121 = arith.constant 0 : i32
        %dma_start3A_122 = arith.constant 0 : i32
        %dma_start3A_123 = tpu.memref_slice %arg11[%dma_start3A_121, %dma_start3A_122] : memref<10008x128xf32, #tpu.memory_space<vmem_shared>> -> memref<10008x128xf32, #tpu.memory_space<vmem_shared>>
        tpu.enqueue_indirect_dma source(%arg10 : memref<128x128xf32, #tpu.memory_space<vmem>>) target(%dma_start3A_123 : memref<10008x128xf32, #tpu.memory_space<vmem_shared>>) offsets(%dma_start3A_120 : memref<128xi32, #tpu.memory_space<vmem>>) semaphore(%run_scoped3A : memref<!tpu.dma_semaphore, #tpu.memory_space<semaphore_mem>>) {add = true}
        %dma_wait3A = arith.constant 0 : i32
        %dma_wait3A_124 = tpu.memref_slice %arg8[%add3A_101, %dma_wait3A] : memref<40x128xi32, #tpu.memory_space<vmem>> -> memref<1x128xi32, #tpu.memory_space<vmem>>
        %dma_wait3A_125 = tpu.memref_squeeze %dma_wait3A_124 : memref<1x128xi32, #tpu.memory_space<vmem>> -> memref<128xi32, #tpu.memory_space<vmem>>
        %dma_wait3A_126 = arith.constant 0 : i32
        %dma_wait3A_127 = arith.constant 0 : i32
        %dma_wait3A_128 = tpu.memref_slice %arg11[%dma_wait3A_126, %dma_wait3A_127] : memref<10008x128xf32, #tpu.memory_space<vmem_shared>> -> memref<10008x128xf32, #tpu.memory_space<vmem_shared>>
        tpu.wait_indirect_dma semaphore(%run_scoped3A : memref<!tpu.dma_semaphore, #tpu.memory_space<semaphore_mem>>) src(%arg10 : memref<128x128xf32, #tpu.memory_space<vmem>>) dst(%dma_wait3A_128 : memref<10008x128xf32, #tpu.memory_space<vmem_shared>>)
        tpu.yield
      }) : () -> ()
      %add3A_112 = arith.constant 2 : i32
      %add3A_113 = arith.addi %add3A_101, %add3A_112 : i32
      %lt3A_114 = arith.constant 40 : i32
      %lt3A_115 = arith.cmpi slt, %add3A_113, %lt3A_114 : i32
      %convert_element_type3A_116 = arith.extui %lt3A_115 : i1 to i32
      %cond3A_117 = arith.constant 0 : i32
      %cond3A_118 = arith.cmpi ne, %convert_element_type3A_116, %cond3A_117 : i32
      scf.if %cond3A_118 {
        %add3A_119 = arith.constant 2 : i32
        %add3A_120 = arith.addi %add3A_101, %add3A_119 : i32
        %eq3A_121 = arith.constant 0 : i32
        %eq3A_122 = arith.cmpi eq, %arg0, %eq3A_121 : i32
        %convert_element_type3A_123 = arith.extui %eq3A_122 : i1 to i32
        %cond3A_124 = arith.constant 0 : i32
        %cond3A_125 = arith.cmpi ne, %convert_element_type3A_123, %cond3A_124 : i32
        scf.if %cond3A_125 {
          %dma_start3A = arith.constant 0 : i32
          %dma_start3A_131 = tpu.memref_slice %arg7[%add3A_120, %dma_start3A] : memref<40x128xi32, #tpu.memory_space<vmem>> -> memref<1x128xi32, #tpu.memory_space<vmem>>
          %dma_start3A_132 = tpu.memref_squeeze %dma_start3A_131 : memref<1x128xi32, #tpu.memory_space<vmem>> -> memref<128xi32, #tpu.memory_space<vmem>>
          %dma_start3A_133 = arith.constant 0 : i32
          %dma_start3A_134 = arith.constant 0 : i32
          %dma_start3A_135 = tpu.memref_slice %arg2[%dma_start3A_133, %dma_start3A_134] : memref<10000x128xf32, #tpu.memory_space<hbm>> -> memref<10000x128xf32, #tpu.memory_space<hbm>>
          tpu.enqueue_indirect_dma source(%dma_start3A_135 : memref<10000x128xf32, #tpu.memory_space<hbm>>) target(%arg10 : memref<128x128xf32, #tpu.memory_space<vmem>>) offsets(%dma_start3A_132 : memref<128xi32, #tpu.memory_space<vmem>>) semaphore(%arg13 : memref<!tpu.dma_semaphore, #tpu.memory_space<semaphore_mem>>)
        } else {
        }
        %eq3A_126 = arith.constant 1 : i32
        %eq3A_127 = arith.cmpi eq, %arg0, %eq3A_126 : i32
        %convert_element_type3A_128 = arith.extui %eq3A_127 : i1 to i32
        %cond3A_129 = arith.constant 0 : i32
        %cond3A_130 = arith.cmpi ne, %convert_element_type3A_128, %cond3A_129 : i32
        scf.if %cond3A_130 {
          %dma_start3A = arith.constant 0 : i32
          %dma_start3A_131 = tpu.memref_slice %arg7[%add3A_120, %dma_start3A] : memref<40x128xi32, #tpu.memory_space<vmem>> -> memref<1x128xi32, #tpu.memory_space<vmem>>
          %dma_start3A_132 = tpu.memref_squeeze %dma_start3A_131 : memref<1x128xi32, #tpu.memory_space<vmem>> -> memref<128xi32, #tpu.memory_space<vmem>>
          %dma_start3A_133 = arith.constant 0 : i32
          %dma_start3A_134 = arith.constant 0 : i32
          %dma_start3A_135 = tpu.memref_slice %arg3[%dma_start3A_133, %dma_start3A_134] : memref<10000x128xf32, #tpu.memory_space<hbm>> -> memref<10000x128xf32, #tpu.memory_space<hbm>>
          tpu.enqueue_indirect_dma source(%dma_start3A_135 : memref<10000x128xf32, #tpu.memory_space<hbm>>) target(%arg10 : memref<128x128xf32, #tpu.memory_space<vmem>>) offsets(%dma_start3A_132 : memref<128xi32, #tpu.memory_space<vmem>>) semaphore(%arg13 : memref<!tpu.dma_semaphore, #tpu.memory_space<semaphore_mem>>)
        } else {
        }
      } else {
      }
    }
    %scan3A_35 = arith.constant 20 : i32
    %add3A_36 = arith.constant 40 : i32
    %add3A_37 = arith.addi %mul3A_7, %add3A_36 : i32
    "tpu.region"() ({
      %run_scoped3A = tpu.sem_alloc : memref<!tpu.dma_semaphore, #tpu.memory_space<semaphore_mem>>
      %dma_start3A = arith.constant 0 : i32
      %dma_start3A_77 = tpu.memref_slice %arg4[%add3A_37, %dma_start3A] : memref<1280x128xi32, #tpu.memory_space<hbm>> -> memref<40x128xi32, #tpu.memory_space<hbm>>
      %dma_start3A_78 = arith.constant 0 : i32
      %dma_start3A_79 = tpu.memref_slice %arg4[%add3A_37, %dma_start3A_78] : memref<1280x128xi32, #tpu.memory_space<hbm>> -> memref<40x128xi32, #tpu.memory_space<hbm>>
      tpu.enqueue_dma source(%dma_start3A_79 : memref<40x128xi32, #tpu.memory_space<hbm>>) target(%arg7 : memref<40x128xi32, #tpu.memory_space<vmem>>) target_semaphore(%run_scoped3A : memref<!tpu.dma_semaphore, #tpu.memory_space<semaphore_mem>>)
      %dma_wait3A = arith.constant 0 : i32
      %dma_wait3A_80 = tpu.memref_slice %arg4[%add3A_37, %dma_wait3A] : memref<1280x128xi32, #tpu.memory_space<hbm>> -> memref<40x128xi32, #tpu.memory_space<hbm>>
      %dma_wait3A_81 = arith.constant 0 : i32
      %dma_wait3A_82 = tpu.memref_slice %arg4[%add3A_37, %dma_wait3A_81] : memref<1280x128xi32, #tpu.memory_space<hbm>> -> memref<40x128xi32, #tpu.memory_space<hbm>>
      tpu.wait_dma2 semaphore(%run_scoped3A : memref<!tpu.dma_semaphore, #tpu.memory_space<semaphore_mem>>) src(%dma_wait3A_82 : memref<40x128xi32, #tpu.memory_space<hbm>>) dst(%arg7 : memref<40x128xi32, #tpu.memory_space<vmem>>)
      tpu.yield
    }) : () -> ()
    %add3A_38 = arith.constant 40 : i32
    %add3A_39 = arith.addi %mul3A_7, %add3A_38 : i32
    "tpu.region"() ({
      %run_scoped3A = tpu.sem_alloc : memref<!tpu.dma_semaphore, #tpu.memory_space<semaphore_mem>>
      %dma_start3A = arith.constant 0 : i32
      %dma_start3A_77 = tpu.memref_slice %arg5[%add3A_39, %dma_start3A] : memref<1280x128xi32, #tpu.memory_space<hbm>> -> memref<40x128xi32, #tpu.memory_space<hbm>>
      %dma_start3A_78 = arith.constant 0 : i32
      %dma_start3A_79 = tpu.memref_slice %arg5[%add3A_39, %dma_start3A_78] : memref<1280x128xi32, #tpu.memory_space<hbm>> -> memref<40x128xi32, #tpu.memory_space<hbm>>
      tpu.enqueue_dma source(%dma_start3A_79 : memref<40x128xi32, #tpu.memory_space<hbm>>) target(%arg8 : memref<40x128xi32, #tpu.memory_space<vmem>>) target_semaphore(%run_scoped3A : memref<!tpu.dma_semaphore, #tpu.memory_space<semaphore_mem>>)
      %dma_wait3A = arith.constant 0 : i32
      %dma_wait3A_80 = tpu.memref_slice %arg5[%add3A_39, %dma_wait3A] : memref<1280x128xi32, #tpu.memory_space<hbm>> -> memref<40x128xi32, #tpu.memory_space<hbm>>
      %dma_wait3A_81 = arith.constant 0 : i32
      %dma_wait3A_82 = tpu.memref_slice %arg5[%add3A_39, %dma_wait3A_81] : memref<1280x128xi32, #tpu.memory_space<hbm>> -> memref<40x128xi32, #tpu.memory_space<hbm>>
      tpu.wait_dma2 semaphore(%run_scoped3A : memref<!tpu.dma_semaphore, #tpu.memory_space<semaphore_mem>>) src(%dma_wait3A_82 : memref<40x128xi32, #tpu.memory_space<hbm>>) dst(%arg8 : memref<40x128xi32, #tpu.memory_space<vmem>>)
      tpu.yield
    }) : () -> ()
    %eq3A_40 = arith.constant 0 : i32
    %eq3A_41 = arith.cmpi eq, %arg0, %eq3A_40 : i32
    %convert_element_type3A_42 = arith.extui %eq3A_41 : i1 to i32
    %cond3A_43 = arith.constant 0 : i32
    %cond3A_44 = arith.cmpi ne, %convert_element_type3A_42, %cond3A_43 : i32
    scf.if %cond3A_44 {
      %dma_start3A = arith.constant 0 : i32
      %dma_start3A_77 = arith.constant 0 : i32
      %dma_start3A_78 = tpu.memref_slice %arg7[%dma_start3A, %dma_start3A_77] : memref<40x128xi32, #tpu.memory_space<vmem>> -> memref<1x128xi32, #tpu.memory_space<vmem>>
      %dma_start3A_79 = tpu.memref_squeeze %dma_start3A_78 : memref<1x128xi32, #tpu.memory_space<vmem>> -> memref<128xi32, #tpu.memory_space<vmem>>
      %dma_start3A_80 = arith.constant 0 : i32
      %dma_start3A_81 = arith.constant 0 : i32
      %dma_start3A_82 = tpu.memref_slice %arg2[%dma_start3A_80, %dma_start3A_81] : memref<10000x128xf32, #tpu.memory_space<hbm>> -> memref<10000x128xf32, #tpu.memory_space<hbm>>
      tpu.enqueue_indirect_dma source(%dma_start3A_82 : memref<10000x128xf32, #tpu.memory_space<hbm>>) target(%arg9 : memref<128x128xf32, #tpu.memory_space<vmem>>) offsets(%dma_start3A_79 : memref<128xi32, #tpu.memory_space<vmem>>) semaphore(%arg12 : memref<!tpu.dma_semaphore, #tpu.memory_space<semaphore_mem>>)
    } else {
    }
    %eq3A_45 = arith.constant 1 : i32
    %eq3A_46 = arith.cmpi eq, %arg0, %eq3A_45 : i32
    %convert_element_type3A_47 = arith.extui %eq3A_46 : i1 to i32
    %cond3A_48 = arith.constant 0 : i32
    %cond3A_49 = arith.cmpi ne, %convert_element_type3A_47, %cond3A_48 : i32
    scf.if %cond3A_49 {
      %dma_start3A = arith.constant 0 : i32
      %dma_start3A_77 = arith.constant 0 : i32
      %dma_start3A_78 = tpu.memref_slice %arg7[%dma_start3A, %dma_start3A_77] : memref<40x128xi32, #tpu.memory_space<vmem>> -> memref<1x128xi32, #tpu.memory_space<vmem>>
      %dma_start3A_79 = tpu.memref_squeeze %dma_start3A_78 : memref<1x128xi32, #tpu.memory_space<vmem>> -> memref<128xi32, #tpu.memory_space<vmem>>
      %dma_start3A_80 = arith.constant 0 : i32
      %dma_start3A_81 = arith.constant 0 : i32
      %dma_start3A_82 = tpu.memref_slice %arg3[%dma_start3A_80, %dma_start3A_81] : memref<10000x128xf32, #tpu.memory_space<hbm>> -> memref<10000x128xf32, #tpu.memory_space<hbm>>
      tpu.enqueue_indirect_dma source(%dma_start3A_82 : memref<10000x128xf32, #tpu.memory_space<hbm>>) target(%arg9 : memref<128x128xf32, #tpu.memory_space<vmem>>) offsets(%dma_start3A_79 : memref<128xi32, #tpu.memory_space<vmem>>) semaphore(%arg12 : memref<!tpu.dma_semaphore, #tpu.memory_space<semaphore_mem>>)
    } else {
    }
    %eq3A_50 = arith.constant 0 : i32
    %eq3A_51 = arith.cmpi eq, %arg0, %eq3A_50 : i32
    %convert_element_type3A_52 = arith.extui %eq3A_51 : i1 to i32
    %cond3A_53 = arith.constant 0 : i32
    %cond3A_54 = arith.cmpi ne, %convert_element_type3A_52, %cond3A_53 : i32
    scf.if %cond3A_54 {
      %dma_start3A = arith.constant 1 : i32
      %dma_start3A_77 = arith.constant 0 : i32
      %dma_start3A_78 = tpu.memref_slice %arg7[%dma_start3A, %dma_start3A_77] : memref<40x128xi32, #tpu.memory_space<vmem>> -> memref<1x128xi32, #tpu.memory_space<vmem>>
      %dma_start3A_79 = tpu.memref_squeeze %dma_start3A_78 : memref<1x128xi32, #tpu.memory_space<vmem>> -> memref<128xi32, #tpu.memory_space<vmem>>
      %dma_start3A_80 = arith.constant 0 : i32
      %dma_start3A_81 = arith.constant 0 : i32
      %dma_start3A_82 = tpu.memref_slice %arg2[%dma_start3A_80, %dma_start3A_81] : memref<10000x128xf32, #tpu.memory_space<hbm>> -> memref<10000x128xf32, #tpu.memory_space<hbm>>
      tpu.enqueue_indirect_dma source(%dma_start3A_82 : memref<10000x128xf32, #tpu.memory_space<hbm>>) target(%arg10 : memref<128x128xf32, #tpu.memory_space<vmem>>) offsets(%dma_start3A_79 : memref<128xi32, #tpu.memory_space<vmem>>) semaphore(%arg13 : memref<!tpu.dma_semaphore, #tpu.memory_space<semaphore_mem>>)
    } else {
    }
    %eq3A_55 = arith.constant 1 : i32
    %eq3A_56 = arith.cmpi eq, %arg0, %eq3A_55 : i32
    %convert_element_type3A_57 = arith.extui %eq3A_56 : i1 to i32
    %cond3A_58 = arith.constant 0 : i32
    %cond3A_59 = arith.cmpi ne, %convert_element_type3A_57, %cond3A_58 : i32
    scf.if %cond3A_59 {
      %dma_start3A = arith.constant 1 : i32
      %dma_start3A_77 = arith.constant 0 : i32
      %dma_start3A_78 = tpu.memref_slice %arg7[%dma_start3A, %dma_start3A_77] : memref<40x128xi32, #tpu.memory_space<vmem>> -> memref<1x128xi32, #tpu.memory_space<vmem>>
      %dma_start3A_79 = tpu.memref_squeeze %dma_start3A_78 : memref<1x128xi32, #tpu.memory_space<vmem>> -> memref<128xi32, #tpu.memory_space<vmem>>
      %dma_start3A_80 = arith.constant 0 : i32
      %dma_start3A_81 = arith.constant 0 : i32
      %dma_start3A_82 = tpu.memref_slice %arg3[%dma_start3A_80, %dma_start3A_81] : memref<10000x128xf32, #tpu.memory_space<hbm>> -> memref<10000x128xf32, #tpu.memory_space<hbm>>
      tpu.enqueue_indirect_dma source(%dma_start3A_82 : memref<10000x128xf32, #tpu.memory_space<hbm>>) target(%arg10 : memref<128x128xf32, #tpu.memory_space<vmem>>) offsets(%dma_start3A_79 : memref<128xi32, #tpu.memory_space<vmem>>) semaphore(%arg13 : memref<!tpu.dma_semaphore, #tpu.memory_space<semaphore_mem>>)
    } else {
    }
    %scan3A_60 = arith.constant 0 : i32
    %scan3A_61 = arith.constant 0 : i32
    %scan3A_62 = arith.constant 20 : i32
    %scan3A_63 = arith.addi %scan3A_61, %scan3A_62 : i32
    %scan3A_64 = arith.constant 1 : i32
    scf.for %scan3A_77 = %scan3A_61 to %scan3A_63 step %scan3A_64  : i32 {
      %mul3A_78 = arith.constant 2 : i32
      %mul3A_79 = arith.muli %scan3A_77, %mul3A_78 : i32
      %add3A_80 = arith.constant 0 : i32
      %add3A_81 = arith.addi %mul3A_79, %add3A_80 : i32
      %eq3A_82 = arith.constant 0 : i32
      %eq3A_83 = arith.cmpi eq, %arg0, %eq3A_82 : i32
      %convert_element_type3A_84 = arith.extui %eq3A_83 : i1 to i32
      %cond3A_85 = arith.constant 0 : i32
      %cond3A_86 = arith.cmpi ne, %convert_element_type3A_84, %cond3A_85 : i32
      scf.if %cond3A_86 {
        %dma_wait3A = arith.constant 0 : i32
        %dma_wait3A_119 = tpu.memref_slice %arg7[%add3A_81, %dma_wait3A] : memref<40x128xi32, #tpu.memory_space<vmem>> -> memref<1x128xi32, #tpu.memory_space<vmem>>
        %dma_wait3A_120 = tpu.memref_squeeze %dma_wait3A_119 : memref<1x128xi32, #tpu.memory_space<vmem>> -> memref<128xi32, #tpu.memory_space<vmem>>
        %dma_wait3A_121 = arith.constant 0 : i32
        %dma_wait3A_122 = arith.constant 0 : i32
        %dma_wait3A_123 = tpu.memref_slice %arg2[%dma_wait3A_121, %dma_wait3A_122] : memref<10000x128xf32, #tpu.memory_space<hbm>> -> memref<10000x128xf32, #tpu.memory_space<hbm>>
        tpu.wait_indirect_dma semaphore(%arg12 : memref<!tpu.dma_semaphore, #tpu.memory_space<semaphore_mem>>) src(%dma_wait3A_123 : memref<10000x128xf32, #tpu.memory_space<hbm>>) dst(%arg9 : memref<128x128xf32, #tpu.memory_space<vmem>>)
      } else {
      }
      %eq3A_87 = arith.constant 1 : i32
      %eq3A_88 = arith.cmpi eq, %arg0, %eq3A_87 : i32
      %convert_element_type3A_89 = arith.extui %eq3A_88 : i1 to i32
      %cond3A_90 = arith.constant 0 : i32
      %cond3A_91 = arith.cmpi ne, %convert_element_type3A_89, %cond3A_90 : i32
      scf.if %cond3A_91 {
        %dma_wait3A = arith.constant 0 : i32
        %dma_wait3A_119 = tpu.memref_slice %arg7[%add3A_81, %dma_wait3A] : memref<40x128xi32, #tpu.memory_space<vmem>> -> memref<1x128xi32, #tpu.memory_space<vmem>>
        %dma_wait3A_120 = tpu.memref_squeeze %dma_wait3A_119 : memref<1x128xi32, #tpu.memory_space<vmem>> -> memref<128xi32, #tpu.memory_space<vmem>>
        %dma_wait3A_121 = arith.constant 0 : i32
        %dma_wait3A_122 = arith.constant 0 : i32
        %dma_wait3A_123 = tpu.memref_slice %arg3[%dma_wait3A_121, %dma_wait3A_122] : memref<10000x128xf32, #tpu.memory_space<hbm>> -> memref<10000x128xf32, #tpu.memory_space<hbm>>
        tpu.wait_indirect_dma semaphore(%arg12 : memref<!tpu.dma_semaphore, #tpu.memory_space<semaphore_mem>>) src(%dma_wait3A_123 : memref<10000x128xf32, #tpu.memory_space<hbm>>) dst(%arg9 : memref<128x128xf32, #tpu.memory_space<vmem>>)
      } else {
      }
      "tpu.region"() ({
        %run_scoped3A = tpu.sem_alloc : memref<!tpu.dma_semaphore, #tpu.memory_space<semaphore_mem>>
        %dma_start3A = arith.constant 0 : i32
        %dma_start3A_119 = tpu.memref_slice %arg8[%add3A_81, %dma_start3A] : memref<40x128xi32, #tpu.memory_space<vmem>> -> memref<1x128xi32, #tpu.memory_space<vmem>>
        %dma_start3A_120 = tpu.memref_squeeze %dma_start3A_119 : memref<1x128xi32, #tpu.memory_space<vmem>> -> memref<128xi32, #tpu.memory_space<vmem>>
        %dma_start3A_121 = arith.constant 0 : i32
        %dma_start3A_122 = arith.constant 0 : i32
        %dma_start3A_123 = tpu.memref_slice %arg11[%dma_start3A_121, %dma_start3A_122] : memref<10008x128xf32, #tpu.memory_space<vmem_shared>> -> memref<10008x128xf32, #tpu.memory_space<vmem_shared>>
        tpu.enqueue_indirect_dma source(%arg9 : memref<128x128xf32, #tpu.memory_space<vmem>>) target(%dma_start3A_123 : memref<10008x128xf32, #tpu.memory_space<vmem_shared>>) offsets(%dma_start3A_120 : memref<128xi32, #tpu.memory_space<vmem>>) semaphore(%run_scoped3A : memref<!tpu.dma_semaphore, #tpu.memory_space<semaphore_mem>>) {add = true}
        %dma_wait3A = arith.constant 0 : i32
        %dma_wait3A_124 = tpu.memref_slice %arg8[%add3A_81, %dma_wait3A] : memref<40x128xi32, #tpu.memory_space<vmem>> -> memref<1x128xi32, #tpu.memory_space<vmem>>
        %dma_wait3A_125 = tpu.memref_squeeze %dma_wait3A_124 : memref<1x128xi32, #tpu.memory_space<vmem>> -> memref<128xi32, #tpu.memory_space<vmem>>
        %dma_wait3A_126 = arith.constant 0 : i32
        %dma_wait3A_127 = arith.constant 0 : i32
        %dma_wait3A_128 = tpu.memref_slice %arg11[%dma_wait3A_126, %dma_wait3A_127] : memref<10008x128xf32, #tpu.memory_space<vmem_shared>> -> memref<10008x128xf32, #tpu.memory_space<vmem_shared>>
        tpu.wait_indirect_dma semaphore(%run_scoped3A : memref<!tpu.dma_semaphore, #tpu.memory_space<semaphore_mem>>) src(%arg9 : memref<128x128xf32, #tpu.memory_space<vmem>>) dst(%dma_wait3A_128 : memref<10008x128xf32, #tpu.memory_space<vmem_shared>>)
        tpu.yield
      }) : () -> ()
      %add3A_92 = arith.constant 2 : i32
      %add3A_93 = arith.addi %add3A_81, %add3A_92 : i32
      %lt3A = arith.constant 40 : i32
      %lt3A_94 = arith.cmpi slt, %add3A_93, %lt3A : i32
      %convert_element_type3A_95 = arith.extui %lt3A_94 : i1 to i32
      %cond3A_96 = arith.constant 0 : i32
      %cond3A_97 = arith.cmpi ne, %convert_element_type3A_95, %cond3A_96 : i32
      scf.if %cond3A_97 {
        %add3A_119 = arith.constant 2 : i32
        %add3A_120 = arith.addi %add3A_81, %add3A_119 : i32
        %eq3A_121 = arith.constant 0 : i32
        %eq3A_122 = arith.cmpi eq, %arg0, %eq3A_121 : i32
        %convert_element_type3A_123 = arith.extui %eq3A_122 : i1 to i32
        %cond3A_124 = arith.constant 0 : i32
        %cond3A_125 = arith.cmpi ne, %convert_element_type3A_123, %cond3A_124 : i32
        scf.if %cond3A_125 {
          %dma_start3A = arith.constant 0 : i32
          %dma_start3A_131 = tpu.memref_slice %arg7[%add3A_120, %dma_start3A] : memref<40x128xi32, #tpu.memory_space<vmem>> -> memref<1x128xi32, #tpu.memory_space<vmem>>
          %dma_start3A_132 = tpu.memref_squeeze %dma_start3A_131 : memref<1x128xi32, #tpu.memory_space<vmem>> -> memref<128xi32, #tpu.memory_space<vmem>>
          %dma_start3A_133 = arith.constant 0 : i32
          %dma_start3A_134 = arith.constant 0 : i32
          %dma_start3A_135 = tpu.memref_slice %arg2[%dma_start3A_133, %dma_start3A_134] : memref<10000x128xf32, #tpu.memory_space<hbm>> -> memref<10000x128xf32, #tpu.memory_space<hbm>>
          tpu.enqueue_indirect_dma source(%dma_start3A_135 : memref<10000x128xf32, #tpu.memory_space<hbm>>) target(%arg9 : memref<128x128xf32, #tpu.memory_space<vmem>>) offsets(%dma_start3A_132 : memref<128xi32, #tpu.memory_space<vmem>>) semaphore(%arg12 : memref<!tpu.dma_semaphore, #tpu.memory_space<semaphore_mem>>)
        } else {
        }
        %eq3A_126 = arith.constant 1 : i32
        %eq3A_127 = arith.cmpi eq, %arg0, %eq3A_126 : i32
        %convert_element_type3A_128 = arith.extui %eq3A_127 : i1 to i32
        %cond3A_129 = arith.constant 0 : i32
        %cond3A_130 = arith.cmpi ne, %convert_element_type3A_128, %cond3A_129 : i32
        scf.if %cond3A_130 {
          %dma_start3A = arith.constant 0 : i32
          %dma_start3A_131 = tpu.memref_slice %arg7[%add3A_120, %dma_start3A] : memref<40x128xi32, #tpu.memory_space<vmem>> -> memref<1x128xi32, #tpu.memory_space<vmem>>
          %dma_start3A_132 = tpu.memref_squeeze %dma_start3A_131 : memref<1x128xi32, #tpu.memory_space<vmem>> -> memref<128xi32, #tpu.memory_space<vmem>>
          %dma_start3A_133 = arith.constant 0 : i32
          %dma_start3A_134 = arith.constant 0 : i32
          %dma_start3A_135 = tpu.memref_slice %arg3[%dma_start3A_133, %dma_start3A_134] : memref<10000x128xf32, #tpu.memory_space<hbm>> -> memref<10000x128xf32, #tpu.memory_space<hbm>>
          tpu.enqueue_indirect_dma source(%dma_start3A_135 : memref<10000x128xf32, #tpu.memory_space<hbm>>) target(%arg9 : memref<128x128xf32, #tpu.memory_space<vmem>>) offsets(%dma_start3A_132 : memref<128xi32, #tpu.memory_space<vmem>>) semaphore(%arg12 : memref<!tpu.dma_semaphore, #tpu.memory_space<semaphore_mem>>)
        } else {
        }
      } else {
      }
      %mul3A_98 = arith.constant 2 : i32
      %mul3A_99 = arith.muli %scan3A_77, %mul3A_98 : i32
      %add3A_100 = arith.constant 1 : i32
      %add3A_101 = arith.addi %mul3A_99, %add3A_100 : i32
      %eq3A_102 = arith.constant 0 : i32
      %eq3A_103 = arith.cmpi eq, %arg0, %eq3A_102 : i32
      %convert_element_type3A_104 = arith.extui %eq3A_103 : i1 to i32
      %cond3A_105 = arith.constant 0 : i32
      %cond3A_106 = arith.cmpi ne, %convert_element_type3A_104, %cond3A_105 : i32
      scf.if %cond3A_106 {
        %dma_wait3A = arith.constant 0 : i32
        %dma_wait3A_119 = tpu.memref_slice %arg7[%add3A_101, %dma_wait3A] : memref<40x128xi32, #tpu.memory_space<vmem>> -> memref<1x128xi32, #tpu.memory_space<vmem>>
        %dma_wait3A_120 = tpu.memref_squeeze %dma_wait3A_119 : memref<1x128xi32, #tpu.memory_space<vmem>> -> memref<128xi32, #tpu.memory_space<vmem>>
        %dma_wait3A_121 = arith.constant 0 : i32
        %dma_wait3A_122 = arith.constant 0 : i32
        %dma_wait3A_123 = tpu.memref_slice %arg2[%dma_wait3A_121, %dma_wait3A_122] : memref<10000x128xf32, #tpu.memory_space<hbm>> -> memref<10000x128xf32, #tpu.memory_space<hbm>>
        tpu.wait_indirect_dma semaphore(%arg13 : memref<!tpu.dma_semaphore, #tpu.memory_space<semaphore_mem>>) src(%dma_wait3A_123 : memref<10000x128xf32, #tpu.memory_space<hbm>>) dst(%arg10 : memref<128x128xf32, #tpu.memory_space<vmem>>)
      } else {
      }
      %eq3A_107 = arith.constant 1 : i32
      %eq3A_108 = arith.cmpi eq, %arg0, %eq3A_107 : i32
      %convert_element_type3A_109 = arith.extui %eq3A_108 : i1 to i32
      %cond3A_110 = arith.constant 0 : i32
      %cond3A_111 = arith.cmpi ne, %convert_element_type3A_109, %cond3A_110 : i32
      scf.if %cond3A_111 {
        %dma_wait3A = arith.constant 0 : i32
        %dma_wait3A_119 = tpu.memref_slice %arg7[%add3A_101, %dma_wait3A] : memref<40x128xi32, #tpu.memory_space<vmem>> -> memref<1x128xi32, #tpu.memory_space<vmem>>
        %dma_wait3A_120 = tpu.memref_squeeze %dma_wait3A_119 : memref<1x128xi32, #tpu.memory_space<vmem>> -> memref<128xi32, #tpu.memory_space<vmem>>
        %dma_wait3A_121 = arith.constant 0 : i32
        %dma_wait3A_122 = arith.constant 0 : i32
        %dma_wait3A_123 = tpu.memref_slice %arg3[%dma_wait3A_121, %dma_wait3A_122] : memref<10000x128xf32, #tpu.memory_space<hbm>> -> memref<10000x128xf32, #tpu.memory_space<hbm>>
        tpu.wait_indirect_dma semaphore(%arg13 : memref<!tpu.dma_semaphore, #tpu.memory_space<semaphore_mem>>) src(%dma_wait3A_123 : memref<10000x128xf32, #tpu.memory_space<hbm>>) dst(%arg10 : memref<128x128xf32, #tpu.memory_space<vmem>>)
      } else {
      }
      "tpu.region"() ({
        %run_scoped3A = tpu.sem_alloc : memref<!tpu.dma_semaphore, #tpu.memory_space<semaphore_mem>>
        %dma_start3A = arith.constant 0 : i32
        %dma_start3A_119 = tpu.memref_slice %arg8[%add3A_101, %dma_start3A] : memref<40x128xi32, #tpu.memory_space<vmem>> -> memref<1x128xi32, #tpu.memory_space<vmem>>
        %dma_start3A_120 = tpu.memref_squeeze %dma_start3A_119 : memref<1x128xi32, #tpu.memory_space<vmem>> -> memref<128xi32, #tpu.memory_space<vmem>>
        %dma_start3A_121 = arith.constant 0 : i32
        %dma_start3A_122 = arith.constant 0 : i32
        %dma_start3A_123 = tpu.memref_slice %arg11[%dma_start3A_121, %dma_start3A_122] : memref<10008x128xf32, #tpu.memory_space<vmem_shared>> -> memref<10008x128xf32, #tpu.memory_space<vmem_shared>>
        tpu.enqueue_indirect_dma source(%arg10 : memref<128x128xf32, #tpu.memory_space<vmem>>) target(%dma_start3A_123 : memref<10008x128xf32, #tpu.memory_space<vmem_shared>>) offsets(%dma_start3A_120 : memref<128xi32, #tpu.memory_space<vmem>>) semaphore(%run_scoped3A : memref<!tpu.dma_semaphore, #tpu.memory_space<semaphore_mem>>) {add = true}
        %dma_wait3A = arith.constant 0 : i32
        %dma_wait3A_124 = tpu.memref_slice %arg8[%add3A_101, %dma_wait3A] : memref<40x128xi32, #tpu.memory_space<vmem>> -> memref<1x128xi32, #tpu.memory_space<vmem>>
        %dma_wait3A_125 = tpu.memref_squeeze %dma_wait3A_124 : memref<1x128xi32, #tpu.memory_space<vmem>> -> memref<128xi32, #tpu.memory_space<vmem>>
        %dma_wait3A_126 = arith.constant 0 : i32
        %dma_wait3A_127 = arith.constant 0 : i32
        %dma_wait3A_128 = tpu.memref_slice %arg11[%dma_wait3A_126, %dma_wait3A_127] : memref<10008x128xf32, #tpu.memory_space<vmem_shared>> -> memref<10008x128xf32, #tpu.memory_space<vmem_shared>>
        tpu.wait_indirect_dma semaphore(%run_scoped3A : memref<!tpu.dma_semaphore, #tpu.memory_space<semaphore_mem>>) src(%arg10 : memref<128x128xf32, #tpu.memory_space<vmem>>) dst(%dma_wait3A_128 : memref<10008x128xf32, #tpu.memory_space<vmem_shared>>)
        tpu.yield
      }) : () -> ()
      %add3A_112 = arith.constant 2 : i32
      %add3A_113 = arith.addi %add3A_101, %add3A_112 : i32
      %lt3A_114 = arith.constant 40 : i32
      %lt3A_115 = arith.cmpi slt, %add3A_113, %lt3A_114 : i32
      %convert_element_type3A_116 = arith.extui %lt3A_115 : i1 to i32
      %cond3A_117 = arith.constant 0 : i32
      %cond3A_118 = arith.cmpi ne, %convert_element_type3A_116, %cond3A_117 : i32
      scf.if %cond3A_118 {
        %add3A_119 = arith.constant 2 : i32
        %add3A_120 = arith.addi %add3A_101, %add3A_119 : i32
        %eq3A_121 = arith.constant 0 : i32
        %eq3A_122 = arith.cmpi eq, %arg0, %eq3A_121 : i32
        %convert_element_type3A_123 = arith.extui %eq3A_122 : i1 to i32
        %cond3A_124 = arith.constant 0 : i32
        %cond3A_125 = arith.cmpi ne, %convert_element_type3A_123, %cond3A_124 : i32
        scf.if %cond3A_125 {
          %dma_start3A = arith.constant 0 : i32
          %dma_start3A_131 = tpu.memref_slice %arg7[%add3A_120, %dma_start3A] : memref<40x128xi32, #tpu.memory_space<vmem>> -> memref<1x128xi32, #tpu.memory_space<vmem>>
          %dma_start3A_132 = tpu.memref_squeeze %dma_start3A_131 : memref<1x128xi32, #tpu.memory_space<vmem>> -> memref<128xi32, #tpu.memory_space<vmem>>
          %dma_start3A_133 = arith.constant 0 : i32
          %dma_start3A_134 = arith.constant 0 : i32
          %dma_start3A_135 = tpu.memref_slice %arg2[%dma_start3A_133, %dma_start3A_134] : memref<10000x128xf32, #tpu.memory_space<hbm>> -> memref<10000x128xf32, #tpu.memory_space<hbm>>
          tpu.enqueue_indirect_dma source(%dma_start3A_135 : memref<10000x128xf32, #tpu.memory_space<hbm>>) target(%arg10 : memref<128x128xf32, #tpu.memory_space<vmem>>) offsets(%dma_start3A_132 : memref<128xi32, #tpu.memory_space<vmem>>) semaphore(%arg13 : memref<!tpu.dma_semaphore, #tpu.memory_space<semaphore_mem>>)
        } else {
        }
        %eq3A_126 = arith.constant 1 : i32
        %eq3A_127 = arith.cmpi eq, %arg0, %eq3A_126 : i32
        %convert_element_type3A_128 = arith.extui %eq3A_127 : i1 to i32
        %cond3A_129 = arith.constant 0 : i32
        %cond3A_130 = arith.cmpi ne, %convert_element_type3A_128, %cond3A_129 : i32
        scf.if %cond3A_130 {
          %dma_start3A = arith.constant 0 : i32
          %dma_start3A_131 = tpu.memref_slice %arg7[%add3A_120, %dma_start3A] : memref<40x128xi32, #tpu.memory_space<vmem>> -> memref<1x128xi32, #tpu.memory_space<vmem>>
          %dma_start3A_132 = tpu.memref_squeeze %dma_start3A_131 : memref<1x128xi32, #tpu.memory_space<vmem>> -> memref<128xi32, #tpu.memory_space<vmem>>
          %dma_start3A_133 = arith.constant 0 : i32
          %dma_start3A_134 = arith.constant 0 : i32
          %dma_start3A_135 = tpu.memref_slice %arg3[%dma_start3A_133, %dma_start3A_134] : memref<10000x128xf32, #tpu.memory_space<hbm>> -> memref<10000x128xf32, #tpu.memory_space<hbm>>
          tpu.enqueue_indirect_dma source(%dma_start3A_135 : memref<10000x128xf32, #tpu.memory_space<hbm>>) target(%arg10 : memref<128x128xf32, #tpu.memory_space<vmem>>) offsets(%dma_start3A_132 : memref<128xi32, #tpu.memory_space<vmem>>) semaphore(%arg13 : memref<!tpu.dma_semaphore, #tpu.memory_space<semaphore_mem>>)
        } else {
        }
      } else {
      }
    }
    %scan3A_65 = arith.constant 20 : i32
    %barrier3A_66 = arith.constant 0 : index
    tpu.barrier barrier_id(%barrier3A_66)
    %eq3A_67 = arith.constant 0 : i32
    %eq3A_68 = arith.cmpi eq, %arg0, %eq3A_67 : i32
    %convert_element_type3A_69 = arith.extui %eq3A_68 : i1 to i32
    %cond3A_70 = arith.constant 0 : i32
    %cond3A_71 = arith.cmpi ne, %convert_element_type3A_69, %cond3A_70 : i32
    scf.if %cond3A_71 {
      %lt3A = arith.constant 15 : i32
      %lt3A_77 = arith.cmpi slt, %arg1, %lt3A : i32
      %convert_element_type3A_78 = arith.extui %lt3A_77 : i1 to i32
      %cond3A_79 = arith.constant 0 : i32
      %cond3A_80 = arith.cmpi ne, %convert_element_type3A_78, %cond3A_79 : i32
      scf.if %cond3A_80 {
        %mul3A_86 = arith.constant 624 : i32
        %mul3A_87 = arith.muli %arg1, %mul3A_86 : i32
        %multiple_of3A = tpu.assume_multiple %mul3A_87, 8 : i32
        %run_scoped3A = arith.constant 0 : i32
        "tpu.region"() ({
          %run_scoped3A_88 = tpu.sem_alloc : memref<!tpu.dma_semaphore, #tpu.memory_space<semaphore_mem>>
          %dma_start3A = arith.constant 0 : i32
          %dma_start3A_89 = tpu.memref_slice %arg6[%run_scoped3A, %multiple_of3A, %dma_start3A] : memref<2x10000x128xf32, #tpu.memory_space<hbm>> -> memref<1x624x128xf32, #tpu.memory_space<hbm>>
          %dma_start3A_90 = tpu.memref_squeeze %dma_start3A_89 : memref<1x624x128xf32, #tpu.memory_space<hbm>> -> memref<624x128xf32, #tpu.memory_space<hbm>>
          %dma_start3A_91 = arith.constant 0 : i32
          %dma_start3A_92 = tpu.memref_slice %arg11[%multiple_of3A, %dma_start3A_91] : memref<10008x128xf32, #tpu.memory_space<vmem_shared>> -> memref<624x128xf32, #tpu.memory_space<vmem_shared>>
          tpu.enqueue_dma source(%dma_start3A_92 : memref<624x128xf32, #tpu.memory_space<vmem_shared>>) target(%dma_start3A_90 : memref<624x128xf32, #tpu.memory_space<hbm>>) target_semaphore(%run_scoped3A_88 : memref<!tpu.dma_semaphore, #tpu.memory_space<semaphore_mem>>)
          %dma_wait3A = arith.constant 0 : i32
          %dma_wait3A_93 = tpu.memref_slice %arg6[%run_scoped3A, %multiple_of3A, %dma_wait3A] : memref<2x10000x128xf32, #tpu.memory_space<hbm>> -> memref<1x624x128xf32, #tpu.memory_space<hbm>>
          %dma_wait3A_94 = tpu.memref_squeeze %dma_wait3A_93 : memref<1x624x128xf32, #tpu.memory_space<hbm>> -> memref<624x128xf32, #tpu.memory_space<hbm>>
          %dma_wait3A_95 = arith.constant 0 : i32
          %dma_wait3A_96 = tpu.memref_slice %arg11[%multiple_of3A, %dma_wait3A_95] : memref<10008x128xf32, #tpu.memory_space<vmem_shared>> -> memref<624x128xf32, #tpu.memory_space<vmem_shared>>
          tpu.wait_dma2 semaphore(%run_scoped3A_88 : memref<!tpu.dma_semaphore, #tpu.memory_space<semaphore_mem>>) src(%dma_wait3A_96 : memref<624x128xf32, #tpu.memory_space<vmem_shared>>) dst(%dma_wait3A_94 : memref<624x128xf32, #tpu.memory_space<hbm>>)
          tpu.yield
        }) : () -> ()
      } else {
      }
      %eq3A_81 = arith.constant 15 : i32
      %eq3A_82 = arith.cmpi eq, %arg1, %eq3A_81 : i32
      %convert_element_type3A_83 = arith.extui %eq3A_82 : i1 to i32
      %cond3A_84 = arith.constant 0 : i32
      %cond3A_85 = arith.cmpi ne, %convert_element_type3A_83, %cond3A_84 : i32
      scf.if %cond3A_85 {
        %run_scoped3A = arith.constant 0 : i32
        "tpu.region"() ({
          %run_scoped3A_86 = tpu.sem_alloc : memref<!tpu.dma_semaphore, #tpu.memory_space<semaphore_mem>>
          %dma_start3A = arith.constant 9360 : i32
          %dma_start3A_87 = arith.constant 0 : i32
          %dma_start3A_88 = tpu.memref_slice %arg6[%run_scoped3A, %dma_start3A, %dma_start3A_87] : memref<2x10000x128xf32, #tpu.memory_space<hbm>> -> memref<1x640x128xf32, #tpu.memory_space<hbm>>
          %dma_start3A_89 = tpu.memref_squeeze %dma_start3A_88 : memref<1x640x128xf32, #tpu.memory_space<hbm>> -> memref<640x128xf32, #tpu.memory_space<hbm>>
          %dma_start3A_90 = arith.constant 9360 : i32
          %dma_start3A_91 = arith.constant 0 : i32
          %dma_start3A_92 = tpu.memref_slice %arg11[%dma_start3A_90, %dma_start3A_91] : memref<10008x128xf32, #tpu.memory_space<vmem_shared>> -> memref<640x128xf32, #tpu.memory_space<vmem_shared>>
          tpu.enqueue_dma source(%dma_start3A_92 : memref<640x128xf32, #tpu.memory_space<vmem_shared>>) target(%dma_start3A_89 : memref<640x128xf32, #tpu.memory_space<hbm>>) target_semaphore(%run_scoped3A_86 : memref<!tpu.dma_semaphore, #tpu.memory_space<semaphore_mem>>)
          %dma_wait3A = arith.constant 9360 : i32
          %dma_wait3A_93 = arith.constant 0 : i32
          %dma_wait3A_94 = tpu.memref_slice %arg6[%run_scoped3A, %dma_wait3A, %dma_wait3A_93] : memref<2x10000x128xf32, #tpu.memory_space<hbm>> -> memref<1x640x128xf32, #tpu.memory_space<hbm>>
          %dma_wait3A_95 = tpu.memref_squeeze %dma_wait3A_94 : memref<1x640x128xf32, #tpu.memory_space<hbm>> -> memref<640x128xf32, #tpu.memory_space<hbm>>
          %dma_wait3A_96 = arith.constant 9360 : i32
          %dma_wait3A_97 = arith.constant 0 : i32
          %dma_wait3A_98 = tpu.memref_slice %arg11[%dma_wait3A_96, %dma_wait3A_97] : memref<10008x128xf32, #tpu.memory_space<vmem_shared>> -> memref<640x128xf32, #tpu.memory_space<vmem_shared>>
          tpu.wait_dma2 semaphore(%run_scoped3A_86 : memref<!tpu.dma_semaphore, #tpu.memory_space<semaphore_mem>>) src(%dma_wait3A_98 : memref<640x128xf32, #tpu.memory_space<vmem_shared>>) dst(%dma_wait3A_95 : memref<640x128xf32, #tpu.memory_space<hbm>>)
          tpu.yield
        }) : () -> ()
      } else {
      }
    } else {
    }
    %eq3A_72 = arith.constant 1 : i32
    %eq3A_73 = arith.cmpi eq, %arg0, %eq3A_72 : i32
    %convert_element_type3A_74 = arith.extui %eq3A_73 : i1 to i32
    %cond3A_75 = arith.constant 0 : i32
    %cond3A_76 = arith.cmpi ne, %convert_element_type3A_74, %cond3A_75 : i32
    scf.if %cond3A_76 {
      %lt3A = arith.constant 15 : i32
      %lt3A_77 = arith.cmpi slt, %arg1, %lt3A : i32
      %convert_element_type3A_78 = arith.extui %lt3A_77 : i1 to i32
      %cond3A_79 = arith.constant 0 : i32
      %cond3A_80 = arith.cmpi ne, %convert_element_type3A_78, %cond3A_79 : i32
      scf.if %cond3A_80 {
        %mul3A_86 = arith.constant 624 : i32
        %mul3A_87 = arith.muli %arg1, %mul3A_86 : i32
        %multiple_of3A = tpu.assume_multiple %mul3A_87, 8 : i32
        %run_scoped3A = arith.constant 1 : i32
        "tpu.region"() ({
          %run_scoped3A_88 = tpu.sem_alloc : memref<!tpu.dma_semaphore, #tpu.memory_space<semaphore_mem>>
          %dma_start3A = arith.constant 0 : i32
          %dma_start3A_89 = tpu.memref_slice %arg6[%run_scoped3A, %multiple_of3A, %dma_start3A] : memref<2x10000x128xf32, #tpu.memory_space<hbm>> -> memref<1x624x128xf32, #tpu.memory_space<hbm>>
          %dma_start3A_90 = tpu.memref_squeeze %dma_start3A_89 : memref<1x624x128xf32, #tpu.memory_space<hbm>> -> memref<624x128xf32, #tpu.memory_space<hbm>>
          %dma_start3A_91 = arith.constant 0 : i32
          %dma_start3A_92 = tpu.memref_slice %arg11[%multiple_of3A, %dma_start3A_91] : memref<10008x128xf32, #tpu.memory_space<vmem_shared>> -> memref<624x128xf32, #tpu.memory_space<vmem_shared>>
          tpu.enqueue_dma source(%dma_start3A_92 : memref<624x128xf32, #tpu.memory_space<vmem_shared>>) target(%dma_start3A_90 : memref<624x128xf32, #tpu.memory_space<hbm>>) target_semaphore(%run_scoped3A_88 : memref<!tpu.dma_semaphore, #tpu.memory_space<semaphore_mem>>)
          %dma_wait3A = arith.constant 0 : i32
          %dma_wait3A_93 = tpu.memref_slice %arg6[%run_scoped3A, %multiple_of3A, %dma_wait3A] : memref<2x10000x128xf32, #tpu.memory_space<hbm>> -> memref<1x624x128xf32, #tpu.memory_space<hbm>>
          %dma_wait3A_94 = tpu.memref_squeeze %dma_wait3A_93 : memref<1x624x128xf32, #tpu.memory_space<hbm>> -> memref<624x128xf32, #tpu.memory_space<hbm>>
          %dma_wait3A_95 = arith.constant 0 : i32
          %dma_wait3A_96 = tpu.memref_slice %arg11[%multiple_of3A, %dma_wait3A_95] : memref<10008x128xf32, #tpu.memory_space<vmem_shared>> -> memref<624x128xf32, #tpu.memory_space<vmem_shared>>
          tpu.wait_dma2 semaphore(%run_scoped3A_88 : memref<!tpu.dma_semaphore, #tpu.memory_space<semaphore_mem>>) src(%dma_wait3A_96 : memref<624x128xf32, #tpu.memory_space<vmem_shared>>) dst(%dma_wait3A_94 : memref<624x128xf32, #tpu.memory_space<hbm>>)
          tpu.yield
        }) : () -> ()
      } else {
      }
      %eq3A_81 = arith.constant 15 : i32
      %eq3A_82 = arith.cmpi eq, %arg1, %eq3A_81 : i32
      %convert_element_type3A_83 = arith.extui %eq3A_82 : i1 to i32
      %cond3A_84 = arith.constant 0 : i32
      %cond3A_85 = arith.cmpi ne, %convert_element_type3A_83, %cond3A_84 : i32
      scf.if %cond3A_85 {
        %run_scoped3A = arith.constant 1 : i32
        "tpu.region"() ({
          %run_scoped3A_86 = tpu.sem_alloc : memref<!tpu.dma_semaphore, #tpu.memory_space<semaphore_mem>>
          %dma_start3A = arith.constant 9360 : i32
          %dma_start3A_87 = arith.constant 0 : i32
          %dma_start3A_88 = tpu.memref_slice %arg6[%run_scoped3A, %dma_start3A, %dma_start3A_87] : memref<2x10000x128xf32, #tpu.memory_space<hbm>> -> memref<1x640x128xf32, #tpu.memory_space<hbm>>
          %dma_start3A_89 = tpu.memref_squeeze %dma_start3A_88 : memref<1x640x128xf32, #tpu.memory_space<hbm>> -> memref<640x128xf32, #tpu.memory_space<hbm>>
          %dma_start3A_90 = arith.constant 9360 : i32
          %dma_start3A_91 = arith.constant 0 : i32
          %dma_start3A_92 = tpu.memref_slice %arg11[%dma_start3A_90, %dma_start3A_91] : memref<10008x128xf32, #tpu.memory_space<vmem_shared>> -> memref<640x128xf32, #tpu.memory_space<vmem_shared>>
          tpu.enqueue_dma source(%dma_start3A_92 : memref<640x128xf32, #tpu.memory_space<vmem_shared>>) target(%dma_start3A_89 : memref<640x128xf32, #tpu.memory_space<hbm>>) target_semaphore(%run_scoped3A_86 : memref<!tpu.dma_semaphore, #tpu.memory_space<semaphore_mem>>)
          %dma_wait3A = arith.constant 9360 : i32
          %dma_wait3A_93 = arith.constant 0 : i32
          %dma_wait3A_94 = tpu.memref_slice %arg6[%run_scoped3A, %dma_wait3A, %dma_wait3A_93] : memref<2x10000x128xf32, #tpu.memory_space<hbm>> -> memref<1x640x128xf32, #tpu.memory_space<hbm>>
          %dma_wait3A_95 = tpu.memref_squeeze %dma_wait3A_94 : memref<1x640x128xf32, #tpu.memory_space<hbm>> -> memref<640x128xf32, #tpu.memory_space<hbm>>
          %dma_wait3A_96 = arith.constant 9360 : i32
          %dma_wait3A_97 = arith.constant 0 : i32
          %dma_wait3A_98 = tpu.memref_slice %arg11[%dma_wait3A_96, %dma_wait3A_97] : memref<10008x128xf32, #tpu.memory_space<vmem_shared>> -> memref<640x128xf32, #tpu.memory_space<vmem_shared>>
          tpu.wait_dma2 semaphore(%run_scoped3A_86 : memref<!tpu.dma_semaphore, #tpu.memory_space<semaphore_mem>>) src(%dma_wait3A_98 : memref<640x128xf32, #tpu.memory_space<vmem_shared>>) dst(%dma_wait3A_95 : memref<640x128xf32, #tpu.memory_space<hbm>>)
          tpu.yield
        }) : () -> ()
      } else {
      }
    } else {
    }
    return
  }
}

module attributes {stable_mosaic.version = 14 : i64} {
  func.func @_mm_body(%arg0: i32, %arg1: i32, %arg2: memref<1000x256xf32, #tpu.memory_space<vmem>>, %arg3: memref<256x128xf32, #tpu.memory_space<vmem>>, %arg4: memref<1x1000x128xf32, #tpu.memory_space<vmem>>) attributes {dimension_semantics = [#tpu.dimension_semantics<arbitrary>, #tpu.dimension_semantics<arbitrary>], iteration_bounds = array<i64: 2, 10>, scalar_prefetch = 0 : i64, scratch_operands = 0 : i64, tpu.core_type = #tpu.core_type<tc>, window_params = [{transform_indices = @transform_0, window_bounds = array<i64: 1000, 256>}, {transform_indices = @transform_1, window_bounds = array<i64: 256, 128>}, {transform_indices = @transform_2, window_bounds = array<i64: 1, 1000, 128>}]} {
    %get3A = arith.constant 0 : index
    %get3A_0 = arith.constant 0 : index
    %get3A_1 = vector.load %arg2[%get3A, %get3A_0] : memref<1000x256xf32, #tpu.memory_space<vmem>>, vector<1000x256xf32>
    %get3A_2 = arith.constant 0 : index
    %get3A_3 = arith.constant 0 : index
    %get3A_4 = vector.load %arg3[%get3A_2, %get3A_3] : memref<256x128xf32, #tpu.memory_space<vmem>>, vector<256x128xf32>
    %dot_general3A = arith.constant dense<0.000000e+00> : vector<1000x128xf32>
    %dot_general3A_5 = tpu.matmul %get3A_1, %get3A_4, %dot_general3A {dimension_numbers = #tpu.dot_dimension_numbers<[1], [0], [0], [1], [0, 0, 1, 1], [], []>, transpose_lhs_hint = false} : vector<1000x256xf32>, vector<256x128xf32>, vector<1000x128xf32> -> vector<1000x128xf32>
    %broadcast_in_dim3A = vector.shape_cast %dot_general3A_5 : vector<1000x128xf32> to vector<1x1000x128xf32>
    %swap3A = arith.constant 0 : index
    %swap3A_6 = arith.constant 0 : index
    %swap3A_7 = arith.constant 0 : index
    %swap3A_8 = vector.load %arg4[%swap3A, %swap3A_6, %swap3A_7] : memref<1x1000x128xf32, #tpu.memory_space<vmem>>, vector<1x1000x128xf32>
    tpu.vector_store %arg4[%swap3A, %swap3A_6, %swap3A_7], %broadcast_in_dim3A {strides = array<i32>} : memref<1x1000x128xf32, #tpu.memory_space<vmem>>, vector<1x1000x128xf32>,
    return
  }
  func.func @transform_0(%arg0: i32, %arg1: i32) -> (i32, i32) {
    %c0_i32 = arith.constant 0 : i32
    %c0_i32_0 = arith.constant 0 : i32
    return %arg1, %c0_i32 : i32, i32
  }
  func.func @transform_1(%arg0: i32, %arg1: i32) -> (i32, i32) {
    %c0_i32 = arith.constant 0 : i32
    %c0_i32_0 = arith.constant 0 : i32
    return %c0_i32, %arg0 : i32, i32
  }
  func.func @transform_2(%arg0: i32, %arg1: i32) -> (i32, i32, i32) {
    %c0_i32 = arith.constant 0 : i32
    %c0_i32_0 = arith.constant 0 : i32
    return %arg0, %arg1, %c0_i32 : i32, i32, i32
  }
}

module attributes {stable_mosaic.version = 14 : i64} {
  func.func @_prep_body(%arg0: memref<32x80x128xf32, #tpu.memory_space<vmem>>, %arg1: memref<80x128xf32, #tpu.memory_space<vmem>>) attributes {dimension_semantics = [], scalar_prefetch = 0 : i64, scratch_operands = 0 : i64, tpu.core_type = #tpu.core_type<tc>} {
    %get3A = arith.constant 0 : index
    %get3A_0 = arith.constant 0 : index
    %get3A_1 = arith.constant 0 : index
    %get3A_2 = vector.load %arg0[%get3A, %get3A_0, %get3A_1] : memref<32x80x128xf32, #tpu.memory_space<vmem>>, vector<32x80x128xf32>
    %reduce_sum3A = arith.constant dense<0.000000e+00> : vector<80x128xf32>
    %reduce_sum3A_3 = vector.multi_reduction <add>, %get3A_2, %reduce_sum3A [0] : vector<32x80x128xf32> to vector<80x128xf32>
    %add3A = arith.constant 1.000000e+00 : f32
    %add3A_4 = vector.broadcast %add3A : f32 to vector<80x128xf32>
    %add3A_5 = arith.addf %reduce_sum3A_3, %add3A_4 : vector<80x128xf32>
    %rsqrt3A = math.rsqrt %add3A_5 : vector<80x128xf32>
    %swap3A = arith.constant 0 : index
    %swap3A_6 = arith.constant 0 : index
    %swap3A_7 = vector.load %arg1[%swap3A, %swap3A_6] : memref<80x128xf32, #tpu.memory_space<vmem>>, vector<80x128xf32>
    tpu.vector_store %arg1[%swap3A, %swap3A_6], %rsqrt3A {strides = array<i32>} : memref<80x128xf32, #tpu.memory_space<vmem>>, vector<80x128xf32>,
    return
  }
}

module attributes {stable_mosaic.version = 14 : i64} {
  func.func @_scale_body(%arg0: i32, %arg1: memref<2x1000x128xf32, #tpu.memory_space<vmem>>, %arg2: memref<1000x1xf32, #tpu.memory_space<vmem>>, %arg3: memref<2x1000x128xf32, #tpu.memory_space<vmem>>) attributes {dimension_semantics = [#tpu.dimension_semantics<arbitrary>], iteration_bounds = array<i64: 10>, scalar_prefetch = 0 : i64, scratch_operands = 0 : i64, tpu.core_type = #tpu.core_type<tc>, window_params = [{transform_indices = @transform_0, window_bounds = array<i64: 2, 1000, 128>}, {transform_indices = @transform_1, window_bounds = array<i64: 1000, 1>}, {transform_indices = @transform_2, window_bounds = array<i64: 2, 1000, 128>}]} {
    %get3A = arith.constant 0 : index
    %get3A_0 = arith.constant 0 : index
    %get3A_1 = vector.load %arg2[%get3A, %get3A_0] : memref<1000x1xf32, #tpu.memory_space<vmem>>, vector<1000x1xf32>
    %broadcast_in_dim3A = vector.shape_cast %get3A_1 : vector<1000x1xf32> to vector<1x1000x1xf32>
    %get3A_2 = arith.constant 0 : index
    %get3A_3 = arith.constant 0 : index
    %get3A_4 = arith.constant 0 : index
    %get3A_5 = vector.load %arg1[%get3A_2, %get3A_3, %get3A_4] : memref<2x1000x128xf32, #tpu.memory_space<vmem>>, vector<2x1000x128xf32>
    %mul3A = vector.broadcast %broadcast_in_dim3A : vector<1x1000x1xf32> to vector<2x1000x128xf32>
    %mul3A_6 = arith.mulf %mul3A, %get3A_5 : vector<2x1000x128xf32>
    %swap3A = arith.constant 0 : index
    %swap3A_7 = arith.constant 0 : index
    %swap3A_8 = arith.constant 0 : index
    %swap3A_9 = vector.load %arg3[%swap3A, %swap3A_7, %swap3A_8] : memref<2x1000x128xf32, #tpu.memory_space<vmem>>, vector<2x1000x128xf32>
    tpu.vector_store %arg3[%swap3A, %swap3A_7, %swap3A_8], %mul3A_6 {strides = array<i32>} : memref<2x1000x128xf32, #tpu.memory_space<vmem>>, vector<2x1000x128xf32>,
    return
  }
  func.func @transform_0(%arg0: i32) -> (i32, i32, i32) {
    %c0_i32 = arith.constant 0 : i32
    %c0_i32_0 = arith.constant 0 : i32
    %c0_i32_1 = arith.constant 0 : i32
    return %c0_i32, %arg0, %c0_i32_0 : i32, i32, i32
  }
  func.func @transform_1(%arg0: i32) -> (i32, i32) {
    %c0_i32 = arith.constant 0 : i32
    %c0_i32_0 = arith.constant 0 : i32
    return %arg0, %c0_i32 : i32, i32
  }
  func.func @transform_2(%arg0: i32) -> (i32, i32, i32) {
    %c0_i32 = arith.constant 0 : i32
    %c0_i32_0 = arith.constant 0 : i32
    %c0_i32_1 = arith.constant 0 : i32
    return %c0_i32, %arg0, %c0_i32_0 : i32, i32, i32
  }
}

module attributes {stable_mosaic.version = 14 : i64} {
  func.func @_stats_body(%arg0: i32, %arg1: memref<2x1000x128xf32, #tpu.memory_space<vmem>>, %arg2: memref<1000x1xf32, #tpu.memory_space<vmem>>, %arg3: memref<2x256xf32, #tpu.memory_space<vmem>>, %arg4: memref<2x256xf32, #tpu.memory_space<vmem>>) attributes {dimension_semantics = [#tpu.dimension_semantics<arbitrary>], iteration_bounds = array<i64: 10>, scalar_prefetch = 0 : i64, scratch_operands = 1 : i64, tpu.core_type = #tpu.core_type<tc>, window_params = [{transform_indices = @transform_0, window_bounds = array<i64: 2, 1000, 128>}, {transform_indices = @transform_1, window_bounds = array<i64: 1000, 1>}, {pipeline_mode = #tpu.pipeline_mode<synchronous>, transform_indices = @transform_2, window_bounds = array<i64: 2, 256>}]} {
    %eq3A = arith.constant 0 : i32
    %eq3A_0 = arith.cmpi eq, %arg0, %eq3A : i32
    %convert_element_type3A = arith.extui %eq3A_0 : i1 to i32
    %cond3A = arith.constant 0 : i32
    %cond3A_1 = arith.cmpi ne, %convert_element_type3A, %cond3A : i32
    scf.if %cond3A_1 {
      %broadcast_in_dim3A = arith.constant 0.000000e+00 : f32
      %broadcast_in_dim3A_42 = vector.broadcast %broadcast_in_dim3A : f32 to vector<2x256xf32>
      %swap3A_43 = arith.constant 0 : index
      %swap3A_44 = arith.constant 0 : index
      %swap3A_45 = vector.load %arg4[%swap3A_43, %swap3A_44] : memref<2x256xf32, #tpu.memory_space<vmem>>, vector<2x256xf32>
      tpu.vector_store %arg4[%swap3A_43, %swap3A_44], %broadcast_in_dim3A_42 {strides = array<i32>} : memref<2x256xf32, #tpu.memory_space<vmem>>, vector<2x256xf32>,
    } else {
    }
    %get3A = arith.constant 0 : index
    %get3A_2 = arith.constant 0 : index
    %get3A_3 = arith.constant 0 : index
    %get3A_4 = vector.load %arg1[%get3A, %get3A_2, %get3A_3] : memref<2x1000x128xf32, #tpu.memory_space<vmem>>, vector<1x1000x128xf32>
    %get3A_5 = vector.shape_cast %get3A_4 : vector<1x1000x128xf32> to vector<1000x128xf32>
    %get3A_6 = arith.constant 1 : index
    %get3A_7 = arith.constant 0 : index
    %get3A_8 = arith.constant 0 : index
    %get3A_9 = vector.load %arg1[%get3A_6, %get3A_7, %get3A_8] : memref<2x1000x128xf32, #tpu.memory_space<vmem>>, vector<1x1000x128xf32>
    %get3A_10 = vector.shape_cast %get3A_9 : vector<1x1000x128xf32> to vector<1000x128xf32>
    %concatenate3A = tpu.concatenate %get3A_5, %get3A_10 in 1 : vector<1000x128xf32>, vector<1000x128xf32> -> vector<1000x256xf32>
    %get3A_11 = arith.constant 0 : index
    %get3A_12 = arith.constant 0 : index
    %get3A_13 = vector.load %arg2[%get3A_11, %get3A_12] : memref<1000x1xf32, #tpu.memory_space<vmem>>, vector<1000x1xf32>
    %mul3A = vector.broadcast %get3A_13 : vector<1000x1xf32> to vector<1000x256xf32>
    %mul3A_14 = arith.mulf %concatenate3A, %mul3A : vector<1000x256xf32>
    %get3A_15 = arith.constant 0 : index
    %get3A_16 = arith.constant 0 : index
    %get3A_17 = vector.load %arg4[%get3A_15, %get3A_16] : memref<2x256xf32, #tpu.memory_space<vmem>>, vector<1x256xf32>
    %get3A_18 = vector.shape_cast %get3A_17 : vector<1x256xf32> to vector<256xf32>
    %reduce_sum3A = arith.constant dense<0.000000e+00> : vector<256xf32>
    %reduce_sum3A_19 = vector.multi_reduction <add>, %mul3A_14, %reduce_sum3A [0] : vector<1000x256xf32> to vector<256xf32>
    %add3A = arith.addf %get3A_18, %reduce_sum3A_19 : vector<256xf32>
    %swap3A = arith.constant 0 : index
    %swap3A_20 = arith.constant 0 : index
    %swap3A_21 = vector.load %arg4[%swap3A, %swap3A_20] : memref<2x256xf32, #tpu.memory_space<vmem>>, vector<1x256xf32>
    %swap3A_22 = vector.shape_cast %swap3A_21 : vector<1x256xf32> to vector<256xf32>
    %swap3A_23 = vector.shape_cast %add3A : vector<256xf32> to vector<1x256xf32>
    tpu.vector_store %arg4[%swap3A, %swap3A_20], %swap3A_23 {strides = array<i32>} : memref<2x256xf32, #tpu.memory_space<vmem>>, vector<1x256xf32>,
    %get3A_24 = arith.constant 1 : index
    %get3A_25 = arith.constant 0 : index
    %get3A_26 = vector.load %arg4[%get3A_24, %get3A_25] : memref<2x256xf32, #tpu.memory_space<vmem>>, vector<1x256xf32>
    %get3A_27 = vector.shape_cast %get3A_26 : vector<1x256xf32> to vector<256xf32>
    %mul3A_28 = arith.mulf %mul3A_14, %mul3A_14 : vector<1000x256xf32>
    %reduce_sum3A_29 = arith.constant dense<0.000000e+00> : vector<256xf32>
    %reduce_sum3A_30 = vector.multi_reduction <add>, %mul3A_28, %reduce_sum3A_29 [0] : vector<1000x256xf32> to vector<256xf32>
    %add3A_31 = arith.addf %get3A_27, %reduce_sum3A_30 : vector<256xf32>
    %swap3A_32 = arith.constant 1 : index
    %swap3A_33 = arith.constant 0 : index
    %swap3A_34 = vector.load %arg4[%swap3A_32, %swap3A_33] : memref<2x256xf32, #tpu.memory_space<vmem>>, vector<1x256xf32>
    %swap3A_35 = vector.shape_cast %swap3A_34 : vector<1x256xf32> to vector<256xf32>
    %swap3A_36 = vector.shape_cast %add3A_31 : vector<256xf32> to vector<1x256xf32>
    tpu.vector_store %arg4[%swap3A_32, %swap3A_33], %swap3A_36 {strides = array<i32>} : memref<2x256xf32, #tpu.memory_space<vmem>>, vector<1x256xf32>,
    %eq3A_37 = arith.constant 9 : i32
    %eq3A_38 = arith.cmpi eq, %arg0, %eq3A_37 : i32
    %convert_element_type3A_39 = arith.extui %eq3A_38 : i1 to i32
    %cond3A_40 = arith.constant 0 : i32
    %cond3A_41 = arith.cmpi ne, %convert_element_type3A_39, %cond3A_40 : i32
    scf.if %cond3A_41 {
      %get3A_42 = arith.constant 0 : index
      %get3A_43 = arith.constant 0 : index
      %get3A_44 = vector.load %arg4[%get3A_42, %get3A_43] : memref<2x256xf32, #tpu.memory_space<vmem>>, vector<2x256xf32>
      %mul3A_45 = arith.constant 9.99999974E-5 : f32
      %mul3A_46 = vector.broadcast %mul3A_45 : f32 to vector<2x256xf32>
      %mul3A_47 = arith.mulf %get3A_44, %mul3A_46 : vector<2x256xf32>
      %swap3A_48 = arith.constant 0 : index
      %swap3A_49 = arith.constant 0 : index
      %swap3A_50 = vector.load %arg3[%swap3A_48, %swap3A_49] : memref<2x256xf32, #tpu.memory_space<vmem>>, vector<2x256xf32>
      tpu.vector_store %arg3[%swap3A_48, %swap3A_49], %mul3A_47 {strides = array<i32>} : memref<2x256xf32, #tpu.memory_space<vmem>>, vector<2x256xf32>,
    } else {
    }
    return
  }
  func.func @transform_0(%arg0: i32) -> (i32, i32, i32) {
    %c0_i32 = arith.constant 0 : i32
    %c0_i32_0 = arith.constant 0 : i32
    %c0_i32_1 = arith.constant 0 : i32
    return %c0_i32, %arg0, %c0_i32_0 : i32, i32, i32
  }
  func.func @transform_1(%arg0: i32) -> (i32, i32) {
    %c0_i32 = arith.constant 0 : i32
    %c0_i32_0 = arith.constant 0 : i32
    return %arg0, %c0_i32 : i32, i32
  }
  func.func @transform_2(%arg0: i32) -> (i32, i32) {
    %c0_i32 = arith.constant 0 : i32
    %c0_i32_0 = arith.constant 0 : i32
    %c0_i32_1 = arith.constant 0 : i32
    return %c0_i32, %c0_i32_0 : i32, i32
  }
}

module attributes {stable_mosaic.version = 14 : i64} {
  func.func @_bn_mm_body(%arg0: i32, %arg1: i32, %arg2: memref<2x1000x128xf32, #tpu.memory_space<vmem>>, %arg3: memref<1000x1xf32, #tpu.memory_space<vmem>>, %arg4: memref<2x256xf32, #tpu.memory_space<vmem>>, %arg5: memref<1x256xf32, #tpu.memory_space<vmem>>, %arg6: memref<1x256xf32, #tpu.memory_space<vmem>>, %arg7: memref<256x128xf32, #tpu.memory_space<vmem>>, %arg8: memref<1x1000x128xf32, #tpu.memory_space<vmem>>) attributes {dimension_semantics = [#tpu.dimension_semantics<arbitrary>, #tpu.dimension_semantics<arbitrary>], iteration_bounds = array<i64: 2, 10>, scalar_prefetch = 0 : i64, scratch_operands = 0 : i64, tpu.core_type = #tpu.core_type<tc>, window_params = [{transform_indices = @transform_0, window_bounds = array<i64: 2, 1000, 128>}, {transform_indices = @transform_1, window_bounds = array<i64: 1000, 1>}, {pipeline_mode = #tpu.pipeline_mode<synchronous>, transform_indices = @transform_2, window_bounds = array<i64: 2, 256>}, {pipeline_mode = #tpu.pipeline_mode<synchronous>, transform_indices = @transform_3, window_bounds = array<i64: 1, 256>}, {pipeline_mode = #tpu.pipeline_mode<synchronous>, transform_indices = @transform_4, window_bounds = array<i64: 1, 256>}, {transform_indices = @transform_5, window_bounds = array<i64: 256, 128>}, {transform_indices = @transform_6, window_bounds = array<i64: 1, 1000, 128>}]} {
    %get3A = arith.constant 0 : index
    %get3A_0 = arith.constant 0 : index
    %get3A_1 = arith.constant 0 : index
    %get3A_2 = vector.load %arg2[%get3A, %get3A_0, %get3A_1] : memref<2x1000x128xf32, #tpu.memory_space<vmem>>, vector<1x1000x128xf32>
    %get3A_3 = vector.shape_cast %get3A_2 : vector<1x1000x128xf32> to vector<1000x128xf32>
    %get3A_4 = arith.constant 1 : index
    %get3A_5 = arith.constant 0 : index
    %get3A_6 = arith.constant 0 : index
    %get3A_7 = vector.load %arg2[%get3A_4, %get3A_5, %get3A_6] : memref<2x1000x128xf32, #tpu.memory_space<vmem>>, vector<1x1000x128xf32>
    %get3A_8 = vector.shape_cast %get3A_7 : vector<1x1000x128xf32> to vector<1000x128xf32>
    %concatenate3A = tpu.concatenate %get3A_3, %get3A_8 in 1 : vector<1000x128xf32>, vector<1000x128xf32> -> vector<1000x256xf32>
    %get3A_9 = arith.constant 0 : index
    %get3A_10 = arith.constant 0 : index
    %get3A_11 = vector.load %arg3[%get3A_9, %get3A_10] : memref<1000x1xf32, #tpu.memory_space<vmem>>, vector<1000x1xf32>
    %mul3A = vector.broadcast %get3A_11 : vector<1000x1xf32> to vector<1000x256xf32>
    %mul3A_12 = arith.mulf %concatenate3A, %mul3A : vector<1000x256xf32>
    %get3A_13 = arith.constant 0 : index
    %get3A_14 = arith.constant 0 : index
    %get3A_15 = vector.load %arg4[%get3A_13, %get3A_14] : memref<2x256xf32, #tpu.memory_space<vmem>>, vector<1x256xf32>
    %get3A_16 = vector.shape_cast %get3A_15 : vector<1x256xf32> to vector<256xf32>
    %get3A_17 = arith.constant 1 : index
    %get3A_18 = arith.constant 0 : index
    %get3A_19 = vector.load %arg4[%get3A_17, %get3A_18] : memref<2x256xf32, #tpu.memory_space<vmem>>, vector<1x256xf32>
    %get3A_20 = vector.shape_cast %get3A_19 : vector<1x256xf32> to vector<256xf32>
    %mul3A_21 = arith.mulf %get3A_16, %get3A_16 : vector<256xf32>
    %sub3A = arith.subf %get3A_20, %mul3A_21 : vector<256xf32>
    %max3A = arith.constant 0.000000e+00 : f32
    %max3A_22 = vector.broadcast %max3A : f32 to vector<256xf32>
    %max3A_23 = arith.maximumf %sub3A, %max3A_22 : vector<256xf32>
    %get3A_24 = arith.constant 0 : index
    %get3A_25 = arith.constant 0 : index
    %get3A_26 = vector.load %arg5[%get3A_24, %get3A_25] : memref<1x256xf32, #tpu.memory_space<vmem>>, vector<1x256xf32>
    %add3A = arith.constant 9.99999974E-6 : f32
    %add3A_27 = vector.broadcast %add3A : f32 to vector<256xf32>
    %add3A_28 = arith.addf %max3A_23, %add3A_27 : vector<256xf32>
    %rsqrt3A = math.rsqrt %add3A_28 : vector<256xf32>
    %broadcast_in_dim3A = vector.shape_cast %rsqrt3A : vector<256xf32> to vector<1x256xf32>
    %mul3A_29 = arith.mulf %get3A_26, %broadcast_in_dim3A : vector<1x256xf32>
    %broadcast_in_dim3A_30 = vector.shape_cast %get3A_16 : vector<256xf32> to vector<1x256xf32>
    %sub3A_31 = vector.broadcast %broadcast_in_dim3A_30 : vector<1x256xf32> to vector<1000x256xf32>
    %sub3A_32 = arith.subf %mul3A_12, %sub3A_31 : vector<1000x256xf32>
    %mul3A_33 = vector.broadcast %mul3A_29 : vector<1x256xf32> to vector<1000x256xf32>
    %mul3A_34 = arith.mulf %sub3A_32, %mul3A_33 : vector<1000x256xf32>
    %get3A_35 = arith.constant 0 : index
    %get3A_36 = arith.constant 0 : index
    %get3A_37 = vector.load %arg6[%get3A_35, %get3A_36] : memref<1x256xf32, #tpu.memory_space<vmem>>, vector<1x256xf32>
    %add3A_38 = vector.broadcast %get3A_37 : vector<1x256xf32> to vector<1000x256xf32>
    %add3A_39 = arith.addf %mul3A_34, %add3A_38 : vector<1000x256xf32>
    %max3A_40 = arith.constant 0.000000e+00 : f32
    %max3A_41 = vector.broadcast %max3A_40 : f32 to vector<1000x256xf32>
    %max3A_42 = arith.maximumf %add3A_39, %max3A_41 : vector<1000x256xf32>
    %get3A_43 = arith.constant 0 : index
    %get3A_44 = arith.constant 0 : index
    %get3A_45 = vector.load %arg7[%get3A_43, %get3A_44] : memref<256x128xf32, #tpu.memory_space<vmem>>, vector<256x128xf32>
    %dot_general3A = arith.constant dense<0.000000e+00> : vector<1000x128xf32>
    %dot_general3A_46 = tpu.matmul %max3A_42, %get3A_45, %dot_general3A {dimension_numbers = #tpu.dot_dimension_numbers<[1], [0], [0], [1], [0, 0, 1, 1], [], []>, transpose_lhs_hint = false} : vector<1000x256xf32>, vector<256x128xf32>, vector<1000x128xf32> -> vector<1000x128xf32>
    %get3A_47 = arith.constant 0 : index
    %get3A_48 = arith.constant 0 : index
    %get3A_49 = vector.load %arg3[%get3A_47, %get3A_48] : memref<1000x1xf32, #tpu.memory_space<vmem>>, vector<1000x1xf32>
    %mul3A_50 = vector.broadcast %get3A_49 : vector<1000x1xf32> to vector<1000x128xf32>
    %mul3A_51 = arith.mulf %mul3A_50, %dot_general3A_46 : vector<1000x128xf32>
    %broadcast_in_dim3A_52 = vector.shape_cast %mul3A_51 : vector<1000x128xf32> to vector<1x1000x128xf32>
    %swap3A = arith.constant 0 : index
    %swap3A_53 = arith.constant 0 : index
    %swap3A_54 = arith.constant 0 : index
    %swap3A_55 = vector.load %arg8[%swap3A, %swap3A_53, %swap3A_54] : memref<1x1000x128xf32, #tpu.memory_space<vmem>>, vector<1x1000x128xf32>
    tpu.vector_store %arg8[%swap3A, %swap3A_53, %swap3A_54], %broadcast_in_dim3A_52 {strides = array<i32>} : memref<1x1000x128xf32, #tpu.memory_space<vmem>>, vector<1x1000x128xf32>,
    return
  }
  func.func @transform_0(%arg0: i32, %arg1: i32) -> (i32, i32, i32) {
    %c0_i32 = arith.constant 0 : i32
    %c0_i32_0 = arith.constant 0 : i32
    %c0_i32_1 = arith.constant 0 : i32
    return %c0_i32, %arg1, %c0_i32_0 : i32, i32, i32
  }
  func.func @transform_1(%arg0: i32, %arg1: i32) -> (i32, i32) {
    %c0_i32 = arith.constant 0 : i32
    %c0_i32_0 = arith.constant 0 : i32
    return %arg1, %c0_i32 : i32, i32
  }
  func.func @transform_2(%arg0: i32, %arg1: i32) -> (i32, i32) {
    %c0_i32 = arith.constant 0 : i32
    %c0_i32_0 = arith.constant 0 : i32
    %c0_i32_1 = arith.constant 0 : i32
    return %c0_i32, %c0_i32_0 : i32, i32
  }
  func.func @transform_3(%arg0: i32, %arg1: i32) -> (i32, i32) {
    %c0_i32 = arith.constant 0 : i32
    %c0_i32_0 = arith.constant 0 : i32
    %c0_i32_1 = arith.constant 0 : i32
    return %c0_i32, %c0_i32_0 : i32, i32
  }
  func.func @transform_4(%arg0: i32, %arg1: i32) -> (i32, i32) {
    %c0_i32 = arith.constant 0 : i32
    %c0_i32_0 = arith.constant 0 : i32
    %c0_i32_1 = arith.constant 0 : i32
    return %c0_i32, %c0_i32_0 : i32, i32
  }
  func.func @transform_5(%arg0: i32, %arg1: i32) -> (i32, i32) {
    %c0_i32 = arith.constant 0 : i32
    %c0_i32_0 = arith.constant 0 : i32
    return %c0_i32, %arg0 : i32, i32
  }
  func.func @transform_6(%arg0: i32, %arg1: i32) -> (i32, i32, i32) {
    %c0_i32 = arith.constant 0 : i32
    %c0_i32_0 = arith.constant 0 : i32
    return %arg0, %arg1, %c0_i32 : i32, i32, i32
  }
}

module attributes {stable_mosaic.version = 14 : i64} {
  func.func @_bn_mm_body(%arg0: i32, %arg1: memref<2x1000x128xf32, #tpu.memory_space<vmem>>, %arg2: memref<1000x1xf32, #tpu.memory_space<vmem>>, %arg3: memref<2x256xf32, #tpu.memory_space<vmem>>, %arg4: memref<1x256xf32, #tpu.memory_space<vmem>>, %arg5: memref<1x256xf32, #tpu.memory_space<vmem>>, %arg6: memref<256x128xf32, #tpu.memory_space<vmem>>, %arg7: memref<1000x128xf32, #tpu.memory_space<vmem>>) attributes {dimension_semantics = [#tpu.dimension_semantics<arbitrary>], iteration_bounds = array<i64: 10>, scalar_prefetch = 0 : i64, scratch_operands = 0 : i64, tpu.core_type = #tpu.core_type<tc>, window_params = [{transform_indices = @transform_0, window_bounds = array<i64: 2, 1000, 128>}, {transform_indices = @transform_1, window_bounds = array<i64: 1000, 1>}, {pipeline_mode = #tpu.pipeline_mode<synchronous>, transform_indices = @transform_2, window_bounds = array<i64: 2, 256>}, {pipeline_mode = #tpu.pipeline_mode<synchronous>, transform_indices = @transform_3, window_bounds = array<i64: 1, 256>}, {pipeline_mode = #tpu.pipeline_mode<synchronous>, transform_indices = @transform_4, window_bounds = array<i64: 1, 256>}, {pipeline_mode = #tpu.pipeline_mode<synchronous>, transform_indices = @transform_5, window_bounds = array<i64: 256, 128>}, {transform_indices = @transform_6, window_bounds = array<i64: 1000, 128>}]} {
    %get3A = arith.constant 0 : index
    %get3A_0 = arith.constant 0 : index
    %get3A_1 = arith.constant 0 : index
    %get3A_2 = vector.load %arg1[%get3A, %get3A_0, %get3A_1] : memref<2x1000x128xf32, #tpu.memory_space<vmem>>, vector<1x1000x128xf32>
    %get3A_3 = vector.shape_cast %get3A_2 : vector<1x1000x128xf32> to vector<1000x128xf32>
    %get3A_4 = arith.constant 1 : index
    %get3A_5 = arith.constant 0 : index
    %get3A_6 = arith.constant 0 : index
    %get3A_7 = vector.load %arg1[%get3A_4, %get3A_5, %get3A_6] : memref<2x1000x128xf32, #tpu.memory_space<vmem>>, vector<1x1000x128xf32>
    %get3A_8 = vector.shape_cast %get3A_7 : vector<1x1000x128xf32> to vector<1000x128xf32>
    %concatenate3A = tpu.concatenate %get3A_3, %get3A_8 in 1 : vector<1000x128xf32>, vector<1000x128xf32> -> vector<1000x256xf32>
    %get3A_9 = arith.constant 0 : index
    %get3A_10 = arith.constant 0 : index
    %get3A_11 = vector.load %arg2[%get3A_9, %get3A_10] : memref<1000x1xf32, #tpu.memory_space<vmem>>, vector<1000x1xf32>
    %mul3A = vector.broadcast %get3A_11 : vector<1000x1xf32> to vector<1000x256xf32>
    %mul3A_12 = arith.mulf %concatenate3A, %mul3A : vector<1000x256xf32>
    %get3A_13 = arith.constant 0 : index
    %get3A_14 = arith.constant 0 : index
    %get3A_15 = vector.load %arg3[%get3A_13, %get3A_14] : memref<2x256xf32, #tpu.memory_space<vmem>>, vector<1x256xf32>
    %get3A_16 = vector.shape_cast %get3A_15 : vector<1x256xf32> to vector<256xf32>
    %get3A_17 = arith.constant 1 : index
    %get3A_18 = arith.constant 0 : index
    %get3A_19 = vector.load %arg3[%get3A_17, %get3A_18] : memref<2x256xf32, #tpu.memory_space<vmem>>, vector<1x256xf32>
    %get3A_20 = vector.shape_cast %get3A_19 : vector<1x256xf32> to vector<256xf32>
    %mul3A_21 = arith.mulf %get3A_16, %get3A_16 : vector<256xf32>
    %sub3A = arith.subf %get3A_20, %mul3A_21 : vector<256xf32>
    %max3A = arith.constant 0.000000e+00 : f32
    %max3A_22 = vector.broadcast %max3A : f32 to vector<256xf32>
    %max3A_23 = arith.maximumf %sub3A, %max3A_22 : vector<256xf32>
    %get3A_24 = arith.constant 0 : index
    %get3A_25 = arith.constant 0 : index
    %get3A_26 = vector.load %arg4[%get3A_24, %get3A_25] : memref<1x256xf32, #tpu.memory_space<vmem>>, vector<1x256xf32>
    %add3A = arith.constant 9.99999974E-6 : f32
    %add3A_27 = vector.broadcast %add3A : f32 to vector<256xf32>
    %add3A_28 = arith.addf %max3A_23, %add3A_27 : vector<256xf32>
    %rsqrt3A = math.rsqrt %add3A_28 : vector<256xf32>
    %broadcast_in_dim3A = vector.shape_cast %rsqrt3A : vector<256xf32> to vector<1x256xf32>
    %mul3A_29 = arith.mulf %get3A_26, %broadcast_in_dim3A : vector<1x256xf32>
    %broadcast_in_dim3A_30 = vector.shape_cast %get3A_16 : vector<256xf32> to vector<1x256xf32>
    %sub3A_31 = vector.broadcast %broadcast_in_dim3A_30 : vector<1x256xf32> to vector<1000x256xf32>
    %sub3A_32 = arith.subf %mul3A_12, %sub3A_31 : vector<1000x256xf32>
    %mul3A_33 = vector.broadcast %mul3A_29 : vector<1x256xf32> to vector<1000x256xf32>
    %mul3A_34 = arith.mulf %sub3A_32, %mul3A_33 : vector<1000x256xf32>
    %get3A_35 = arith.constant 0 : index
    %get3A_36 = arith.constant 0 : index
    %get3A_37 = vector.load %arg5[%get3A_35, %get3A_36] : memref<1x256xf32, #tpu.memory_space<vmem>>, vector<1x256xf32>
    %add3A_38 = vector.broadcast %get3A_37 : vector<1x256xf32> to vector<1000x256xf32>
    %add3A_39 = arith.addf %mul3A_34, %add3A_38 : vector<1000x256xf32>
    %max3A_40 = arith.constant 0.000000e+00 : f32
    %max3A_41 = vector.broadcast %max3A_40 : f32 to vector<1000x256xf32>
    %max3A_42 = arith.maximumf %add3A_39, %max3A_41 : vector<1000x256xf32>
    %get3A_43 = arith.constant 0 : index
    %get3A_44 = arith.constant 0 : index
    %get3A_45 = vector.load %arg6[%get3A_43, %get3A_44] : memref<256x128xf32, #tpu.memory_space<vmem>>, vector<256x128xf32>
    %dot_general3A = arith.constant dense<0.000000e+00> : vector<1000x128xf32>
    %dot_general3A_46 = tpu.matmul %max3A_42, %get3A_45, %dot_general3A {dimension_numbers = #tpu.dot_dimension_numbers<[1], [0], [0], [1], [0, 0, 1, 1], [], []>, transpose_lhs_hint = false} : vector<1000x256xf32>, vector<256x128xf32>, vector<1000x128xf32> -> vector<1000x128xf32>
    %get3A_47 = arith.constant 0 : index
    %get3A_48 = arith.constant 0 : index
    %get3A_49 = vector.load %arg2[%get3A_47, %get3A_48] : memref<1000x1xf32, #tpu.memory_space<vmem>>, vector<1000x1xf32>
    %mul3A_50 = vector.broadcast %get3A_49 : vector<1000x1xf32> to vector<1000x128xf32>
    %mul3A_51 = arith.mulf %mul3A_50, %dot_general3A_46 : vector<1000x128xf32>
    %swap3A = arith.constant 0 : index
    %swap3A_52 = arith.constant 0 : index
    %swap3A_53 = vector.load %arg7[%swap3A, %swap3A_52] : memref<1000x128xf32, #tpu.memory_space<vmem>>, vector<1000x128xf32>
    tpu.vector_store %arg7[%swap3A, %swap3A_52], %mul3A_51 {strides = array<i32>} : memref<1000x128xf32, #tpu.memory_space<vmem>>, vector<1000x128xf32>,
    return
  }
  func.func @transform_0(%arg0: i32) -> (i32, i32, i32) {
    %c0_i32 = arith.constant 0 : i32
    %c0_i32_0 = arith.constant 0 : i32
    %c0_i32_1 = arith.constant 0 : i32
    return %c0_i32, %arg0, %c0_i32_0 : i32, i32, i32
  }
  func.func @transform_1(%arg0: i32) -> (i32, i32) {
    %c0_i32 = arith.constant 0 : i32
    %c0_i32_0 = arith.constant 0 : i32
    return %arg0, %c0_i32 : i32, i32
  }
  func.func @transform_2(%arg0: i32) -> (i32, i32) {
    %c0_i32 = arith.constant 0 : i32
    %c0_i32_0 = arith.constant 0 : i32
    %c0_i32_1 = arith.constant 0 : i32
    return %c0_i32, %c0_i32_0 : i32, i32
  }
  func.func @transform_3(%arg0: i32) -> (i32, i32) {
    %c0_i32 = arith.constant 0 : i32
    %c0_i32_0 = arith.constant 0 : i32
    %c0_i32_1 = arith.constant 0 : i32
    return %c0_i32, %c0_i32_0 : i32, i32
  }
  func.func @transform_4(%arg0: i32) -> (i32, i32) {
    %c0_i32 = arith.constant 0 : i32
    %c0_i32_0 = arith.constant 0 : i32
    %c0_i32_1 = arith.constant 0 : i32
    return %c0_i32, %c0_i32_0 : i32, i32
  }
  func.func @transform_5(%arg0: i32) -> (i32, i32) {
    %c0_i32 = arith.constant 0 : i32
    %c0_i32_0 = arith.constant 0 : i32
    %c0_i32_1 = arith.constant 0 : i32
    return %c0_i32, %c0_i32_0 : i32, i32
  }
  func.func @transform_6(%arg0: i32) -> (i32, i32) {
    %c0_i32 = arith.constant 0 : i32
    %c0_i32_0 = arith.constant 0 : i32
    return %arg0, %c0_i32 : i32, i32
  }
}

module attributes {stable_mosaic.version = 14 : i64} {
  func.func @_final_body(%arg0: i32, %arg1: memref<2x1000x128xf32, #tpu.memory_space<vmem>>, %arg2: memref<1000x128xf32, #tpu.memory_space<vmem>>, %arg3: memref<1000x1xf32, #tpu.memory_space<vmem>>, %arg4: memref<1x128xf32, #tpu.memory_space<vmem>>, %arg5: memref<1000x40xf32, #tpu.memory_space<vmem>>) attributes {dimension_semantics = [#tpu.dimension_semantics<arbitrary>], iteration_bounds = array<i64: 10>, scalar_prefetch = 0 : i64, scratch_operands = 0 : i64, tpu.core_type = #tpu.core_type<tc>, window_params = [{transform_indices = @transform_0, window_bounds = array<i64: 2, 1000, 128>}, {transform_indices = @transform_1, window_bounds = array<i64: 1000, 128>}, {transform_indices = @transform_2, window_bounds = array<i64: 1000, 1>}, {pipeline_mode = #tpu.pipeline_mode<synchronous>, transform_indices = @transform_3, window_bounds = array<i64: 1, 128>}, {transform_indices = @transform_4, window_bounds = array<i64: 1000, 40>}]} {
    %get3A = arith.constant 0 : index
    %get3A_0 = arith.constant 0 : index
    %get3A_1 = vector.load %arg3[%get3A, %get3A_0] : memref<1000x1xf32, #tpu.memory_space<vmem>>, vector<1000x1xf32>
    %get3A_2 = arith.constant 0 : index
    %get3A_3 = arith.constant 0 : index
    %get3A_4 = arith.constant 0 : index
    %get3A_5 = vector.load %arg1[%get3A_2, %get3A_3, %get3A_4] : memref<2x1000x128xf32, #tpu.memory_space<vmem>>, vector<1x1000x128xf32>
    %get3A_6 = vector.shape_cast %get3A_5 : vector<1x1000x128xf32> to vector<1000x128xf32>
    %get3A_7 = arith.constant 1 : index
    %get3A_8 = arith.constant 0 : index
    %get3A_9 = arith.constant 0 : index
    %get3A_10 = vector.load %arg1[%get3A_7, %get3A_8, %get3A_9] : memref<2x1000x128xf32, #tpu.memory_space<vmem>>, vector<1x1000x128xf32>
    %get3A_11 = vector.shape_cast %get3A_10 : vector<1x1000x128xf32> to vector<1000x128xf32>
    %add3A = arith.addf %get3A_6, %get3A_11 : vector<1000x128xf32>
    %get3A_12 = arith.constant 0 : index
    %get3A_13 = arith.constant 0 : index
    %get3A_14 = vector.load %arg2[%get3A_12, %get3A_13] : memref<1000x128xf32, #tpu.memory_space<vmem>>, vector<1000x128xf32>
    %sub3A = arith.subf %add3A, %get3A_14 : vector<1000x128xf32>
    %mul3A = vector.broadcast %get3A_1 : vector<1000x1xf32> to vector<1000x128xf32>
    %mul3A_15 = arith.mulf %mul3A, %sub3A : vector<1000x128xf32>
    %get3A_16 = arith.constant 0 : index
    %get3A_17 = arith.constant 0 : index
    %get3A_18 = vector.load %arg4[%get3A_16, %get3A_17] : memref<1x128xf32, #tpu.memory_space<vmem>>, vector<1x128xf32>
    %add3A_19 = vector.broadcast %get3A_18 : vector<1x128xf32> to vector<1000x128xf32>
    %add3A_20 = arith.addf %mul3A_15, %add3A_19 : vector<1000x128xf32>
    %slice3A = vector.extract_strided_slice %add3A_20 {offsets = [0, 0], sizes = [1000, 40], strides = [1, 1]} : vector<1000x128xf32> to vector<1000x40xf32>
    %reduce_max3A = arith.constant dense<0xFF800000> : vector<1000xf32>
    %reduce_max3A_21 = vector.multi_reduction <maximumf>, %slice3A, %reduce_max3A [1] : vector<1000x40xf32> to vector<1000xf32>
    %broadcast_in_dim3A = vector.shape_cast %reduce_max3A_21 : vector<1000xf32> to vector<1000x1xf32>
    %sub3A_22 = vector.broadcast %broadcast_in_dim3A : vector<1000x1xf32> to vector<1000x40xf32>
    %sub3A_23 = arith.subf %slice3A, %sub3A_22 : vector<1000x40xf32>
    %exp3A = math.exp %sub3A_23 : vector<1000x40xf32>
    %reduce_sum3A = arith.constant dense<0.000000e+00> : vector<1000xf32>
    %reduce_sum3A_24 = vector.multi_reduction <add>, %exp3A, %reduce_sum3A [1] : vector<1000x40xf32> to vector<1000xf32>
    %broadcast_in_dim3A_25 = vector.shape_cast %reduce_sum3A_24 : vector<1000xf32> to vector<1000x1xf32>
    %log3A = math.log %broadcast_in_dim3A_25 : vector<1000x1xf32>
    %sub3A_26 = vector.broadcast %broadcast_in_dim3A : vector<1000x1xf32> to vector<1000x40xf32>
    %sub3A_27 = arith.subf %slice3A, %sub3A_26 : vector<1000x40xf32>
    %sub3A_28 = vector.broadcast %log3A : vector<1000x1xf32> to vector<1000x40xf32>
    %sub3A_29 = arith.subf %sub3A_27, %sub3A_28 : vector<1000x40xf32>
    %swap3A = arith.constant 0 : index
    %swap3A_30 = arith.constant 0 : index
    %swap3A_31 = vector.load %arg5[%swap3A, %swap3A_30] : memref<1000x40xf32, #tpu.memory_space<vmem>>, vector<1000x40xf32>
    tpu.vector_store %arg5[%swap3A, %swap3A_30], %sub3A_29 {strides = array<i32>} : memref<1000x40xf32, #tpu.memory_space<vmem>>, vector<1000x40xf32>,
    return
  }
  func.func @transform_0(%arg0: i32) -> (i32, i32, i32) {
    %c0_i32 = arith.constant 0 : i32
    %c0_i32_0 = arith.constant 0 : i32
    %c0_i32_1 = arith.constant 0 : i32
    return %c0_i32, %arg0, %c0_i32_0 : i32, i32, i32
  }
  func.func @transform_1(%arg0: i32) -> (i32, i32) {
    %c0_i32 = arith.constant 0 : i32
    %c0_i32_0 = arith.constant 0 : i32
    return %arg0, %c0_i32 : i32, i32
  }
  func.func @transform_2(%arg0: i32) -> (i32, i32) {
    %c0_i32 = arith.constant 0 : i32
    %c0_i32_0 = arith.constant 0 : i32
    return %arg0, %c0_i32 : i32, i32
  }
  func.func @transform_3(%arg0: i32) -> (i32, i32) {
    %c0_i32 = arith.constant 0 : i32
    %c0_i32_0 = arith.constant 0 : i32
    %c0_i32_1 = arith.constant 0 : i32
    return %c0_i32, %c0_i32_0 : i32, i32
  }
  func.func @transform_4(%arg0: i32) -> (i32, i32) {
    %c0_i32 = arith.constant 0 : i32
    %c0_i32_0 = arith.constant 0 : i32
    return %arg0, %c0_i32 : i32, i32
  }
}

</mosaic_0001>

<sc_bundles>
// kernel: _run.14.cloned.1.call-start
scs
__scs_entry_jumppad:
0x0: {  	(pc) =	sbr.rel $0x88, $3  }
0x1: {  	(tag) =	ssettag $0x0;
	lr =	simm.s32 $0x1  }
0x2: {  	[smem:$0x3F97] =	sst lr;
	_ =	strace $0xD0000000  }
0x3: {  	_ = 	snop  }
0x4: {  	_ = 	snop  }
0x5: {  	_ = 	snop  }
0x6: {  	_ = 	snop  }
0x7: {  	_ = 	snop  }
__scs_overlays_trampoline_lowered:
0x8: {  	[smem:$0x3FA6] =	sst s0  }
0x9: {  	[smem:$0x3FA7] =	sst s1  }
0xa: {  	[smem:$0x3FA8] =	sst s2  }
0xb: {  	[smem:$0x3FA9] =	sst s3  }
0xc: {  	[smem:$0x3FAA] =	sst s4  }
0xd: {  	[smem:$0x3FAB] =	sst s5  }
0xe: {  	[smem:$0x3FAC] =	sst s6  }
0xf: {  	[smem:$0x3FAD] =	sst s7  }
0x10: {  	[smem:$0x3FAE] =	sst s8  }
0x11: {  	[smem:$0x3FAF] =	sst s9;
	s0 =	simm.s32 @!p0 $0x0  }
0x12: {  	s1 =	sld [smem:$0x3F95];
	s0 =	simm.s32 @p0 $0x1  }
0x13: {  	[smem:$0x3FB0] =	sst s0;
	s0 =	simm.s32 @!p1 $0x0  }
0x14: {  	s2 =	sld [smem:$0x3F94];
	s0 =	simm.s32 @p1 $0x1  }
0x15: {  	[smem:$0x3FB1] =	sst s0;
	s0 =	simm.s32 @!p2 $0x0  }
0x16: {  	s3 =	sld [smem:$0x3FDB];
	s0 =	simm.s32 @p2 $0x1  }
0x17: {  	s4 =	simm.s32 $0x1BF5;
	[smem:$0x3FB3] =	sst s0  }
0x18: {  	s0 =	sld [smem:$0x3F96];
	_ =	swait.ge [sflag:s4], $0x0  }
0x19: {  	s7 =	sld [smem:$0x3F97]  }
0x1a: {  	s8 =	sadd.s32 $0xFFFFE003, lr  }
0x1b: {  	s9 =	sadd.s32 $0xFFFFFEF7, lr;
	s5 =	simm.s32 $0xFFFFFFFF;
	p2 =	slt.u32 s8, $0xFFFFF086  }
0x1c: {  	p1 =	slt.u32 s9, $0xF7A;
	s5 =	simm.s32 @!p2 $0x0  }
0x1d: {  	s5 =	simm.s32 @p1 $0x1;
	p0 =	seq.s32 s7, s2  }
0x1e: {  	s7 =	smul.u32 @!p0 $0xF7A, s2;
	p2 =	seq.s32 @!p0 s5, $0x0  }
0x1f: {  	s9 =	smul.u32 $0xF7A, s1;
	s8 =	simm.s32 @!p0 $0x1BF5;
	p2 =	por !p2, p0  }
0x20: {  	[sflag:s8] =	ssyncset.s32 @!p0 $0xFFFFF086;
	s6 =	sadd.s32 @!p0 s3, s7;
	s7 =	simm.s32 @!p0 $0x108  }
0x21: {  	s3 =	sadd.s32 s3, s9;
	s6 =	sadd.s32 @!p0 $0x88, s6;
	s7 =	simm.s32 @p2 $0x1082  }
0x22: {  	[simem:s7], [sflag:s8] =	dma.local @!p0 [hbm:s6], $0xF7A  }
0x23: {  	s9 =	sor.u32 $0xD0000000, s2;
	s6 =	simm.s32 $0x108;
	_ =	swait.ge @!p0 [sflag:s8], $0x0  }
0x24: {  	s3 =	sadd.s32 $0x88, s3;
	s6 =	simm.s32 @!p1 $0x1082;
	[sflag:s4] =	ssyncset.s32 $0xFFFFF086  }
0x25: {  	[simem:s6], [sflag:s4] =	dma.local [hbm:s3], $0xF7A  }
0x26: {  	[smem:$0x3F97] =	sst s1;
	(tag) =	ssettag s2;
	_ =	strace s9  }
0x27: {  	s1 =	sld [smem:$0x3FA7]  }
0x28: {  	s2 =	sld [smem:$0x3FA8]  }
0x29: {  	s4 =	sld [smem:$0x3FAA]  }
0x2a: {  	p0 =	seq.s32 s5, $0x0;
	s5 =	sld [smem:$0x3FAB]  }
0x2b: {  	s6 =	sld [smem:$0x3FAC]  }
0x2c: {  	s7 =	sld [smem:$0x3FAD]  }
0x2d: {  	s3 =	simm.s32 $0x108;
	s8 =	sld [smem:$0x3FAE]  }
0x2e: {  	s3 =	simm.s32 @!p0 $0x1082;
	s9 =	sld [smem:$0x3FAF]  }
0x2f: {  	lr =	sadd.s32 s0, s3;
	s0 =	sld [smem:$0x3FA6]  }
0x30: {  	s3 =	sld [smem:$0x3FA9]  }
0x31: {  	[smem:$0x3FB2] =	sst s10  }
0x32: {  	s10 =	sld [smem:$0x3FB0];
	_ =	sdelay $0x3  }
0x33: {  	p0 =	seq.s32 s10, $0x1;
	s10 =	sld [smem:$0x3FB2];
	_ =	sdelay $0x3  }
0x34: {  	[smem:$0x3FB2] =	sst s10  }
0x35: {  	s10 =	sld [smem:$0x3FB1];
	_ =	sdelay $0x3  }
0x36: {  	p1 =	seq.s32 s10, $0x1;
	s10 =	sld [smem:$0x3FB2];
	_ =	sdelay $0x3  }
0x37: {  	[smem:$0x3FB2] =	sst s10  }
0x38: {  	s10 =	sld [smem:$0x3FB3]  }
0x39: {  	_ = 	snop;
	(pc) =	sbr.ind lr, $3  }
0x3a: {  	_ = 	snop  }
0x3b: {  	_ = 	snop  }
0x3c: {  	p2 =	seq.s32 s10, $0x1;
	s10 =	sld [smem:$0x3FB2]  }
0x3d: {  	_ =	shalt  }
0x3e: {  	_ =	shalt  }
0x3f: {  	_ =	shalt  }
0x40: {  	_ =	shalt  }
0x41: {  	_ =	shalt  }
0x42: {  	_ =	shalt  }
0x43: {  	_ =	shalt  }
0x44: {  	_ =	shalt  }
0x45: {  	_ =	shalt  }
0x46: {  	_ =	shalt  }
0x47: {  	_ =	shalt  }
0x48: {  	_ =	shalt  }
0x49: {  	_ =	shalt  }
0x4a: {  	_ =	shalt  }
0x4b: {  	_ =	shalt  }
0x4c: {  	_ =	shalt  }
0x4d: {  	_ =	shalt  }
0x4e: {  	_ =	shalt  }
0x4f: {  	_ =	shalt  }
0x50: {  	_ =	shalt  }
0x51: {  	_ =	shalt  }
0x52: {  	_ =	shalt  }
0x53: {  	_ =	shalt  }
0x54: {  	_ =	shalt  }
0x55: {  	_ =	shalt  }
0x56: {  	_ =	shalt  }
0x57: {  	_ =	shalt  }
0x58: {  	_ =	shalt  }
0x59: {  	_ =	shalt  }
0x5a: {  	_ =	shalt  }
0x5b: {  	_ =	shalt  }
0x5c: {  	_ =	shalt  }
0x5d: {  	_ =	shalt  }
0x5e: {  	_ =	shalt  }
0x5f: {  	_ =	shalt  }
0x60: {  	_ =	shalt  }
0x61: {  	_ =	shalt  }
0x62: {  	_ =	shalt  }
0x63: {  	_ =	shalt  }
0x64: {  	_ =	shalt  }
0x65: {  	_ =	shalt  }
0x66: {  	_ =	shalt  }
0x67: {  	_ =	shalt  }
0x68: {  	_ =	shalt  }
0x69: {  	_ =	shalt  }
0x6a: {  	_ =	shalt  }
0x6b: {  	_ =	shalt  }
0x6c: {  	_ =	shalt  }
0x6d: {  	_ =	shalt  }
0x6e: {  	_ =	shalt  }
0x6f: {  	_ =	shalt  }
0x70: {  	_ =	shalt  }
0x71: {  	_ =	shalt  }
0x72: {  	_ =	shalt  }
0x73: {  	_ =	shalt  }
0x74: {  	_ =	shalt  }
0x75: {  	_ =	shalt  }
0x76: {  	_ =	shalt  }
0x77: {  	_ =	shalt  }
0x78: {  	_ =	shalt  }
0x79: {  	_ =	shalt  }
0x7a: {  	_ =	shalt  }
0x7b: {  	_ =	shalt  }
0x7c: {  	_ =	shalt  }
0x7d: {  	_ =	shalt  }
0x7e: {  	_ =	shalt  }
0x7f: {  	_ =	shalt  }
0x80: {  	_ =	shalt  }
0x81: {  	_ =	shalt  }
0x82: {  	_ =	shalt  }
0x83: {  	_ =	shalt  }
0x84: {  	_ =	shalt  }
0x85: {  	_ =	shalt  }
0x86: {  	_ =	shalt  }
0x87: {  	_ =	shalt  }
.Lfunc_end0:
.L_simem_size_0:
called_computation_lowered:
.L_overlay_start_0:
0x88: {  	s2 =	sld [smem:$0x3FD9]  }
0x89: {  	s3 =	sld [smem:$0x3FFE];
	_ =	sdelay $0x1  }
0x8a: {  	s1 =	srdreg.scid  }
0x8b: {  	s0 =	sand.u32 $0x1, s1  }
0x8c: {  	s17 =	sshll.u32 s0, $0xA;
	s2 =	sadd.s32 s3, s2  }
0x8d: {  	s2 =	sadd.s32 s2, s17  }
0x8e: {  	[smem:$0x3FBE] =	sst s2  }
0x8f: {  	_ = 	snop  }
0x90: {  	s2 =	sld [smem:$0x3FD0];
	(tm) =	ssettm $0x1  }
0x91: {  	s18 =	sld [smem:$0x3FFB];
	_ =	sdelay $0x3  }
0x92: {  	_ =	strace s18  }
0x93: {  	s3 =	sld [smem:$0x3FFC];
	_ =	sdelay $0x3  }
0x94: {  	_ =	strace s3  }
0x95: {  	s3 =	sld [smem:$0x3FFD];
	_ =	sdelay $0x3  }
0x96: {  	_ =	strace s3  }
0x97: {  	_ =	strace $0x8FFFFFFF  }
0x98: {  	s19 =	sld [smem:$0x3FDB];
	_ =	sdelay $0x1  }
0x99: {  	s4 =	simm.s32 $_scs_section_size  }
0x9a: {  	s5 =	simm.s32 $_size__tile_overlayer_lowered;
	s6 =	simm.s32 $_tile_overlayer_lowered  }
0x9b: {  	s22 =	simm.s32 $0x1BFF;
	s21 =	sshll.u32 s6, $0x1;
	s3 =	sadd.s32 s4, s19  }
0x9c: {  	s7 =	simm.s32 $0x0;
	s20 =	sshll.u32 s5, $0x1;
	s5 =	sadd.s32 s21, s3  }
0x9d: {  	[timem:s7], [sflag:s22] =	dma.local [hbm:s5], s20  }
0x9e: {  	_ =	swait.ge [sflag:s22], s20  }
0x9f: {  	s4 =	ssub.s32 $0x0, s20;
	[sflag:s22] =	ssyncset.done $0x0  }
0xa0: {  	[sflag:s22] =	ssyncadd.s32 s4;
	_ =	sdelay $0x1  }
0xa1: {  	s23 =	simm.s32 $0x1B8B  }
0xa2: {  	_ =	swait.ge [sflag:s23], $0x1  }
0xa3: {  	[sflag:s23] =	ssyncset.done $0x0  }
0xa4: {  	s25 =	simm.s32 $0x1B8E;
	s24 =	sld [smem:$0x3FFE];
	[sflag:s23] =	ssyncadd.s32 $0xFFFFFFFF  }
0xa5: {  	s26 =	simm.s32 $execute0_lowered;
	[smem:$0x3FD2] =	sst s25  }
0xa6: {  	s5 =	sshll.u32 s26, $0x1;
	_ =	strace $0x80000046;
	[dreg:$0x1] =	wrdreg $0xFFFFFFFF  }
0xa7: {  	s28 =	simm.s32 $_size_execute0_lowered;
	s3 =	sadd.s32 s3, s5;
	[dreg:$0x0] =	wrdreg $0x0  }
0xa8: {  	s5 =	sshll.u32 s28, $0x1;
	[dreg:$0x2] =	wrdreg s3  }
0xa9: {  	[dreg:$0x3] =	wrdreg s5  }
0xaa: {  	[dreg:$0x4] =	wrdreg $0xC0  }
0xab: {  	_ =	task [dreg:s7], $0x5FFFF  }
0xac: {  	[dreg:$0x1] =	wrdreg $0xFFFFFFFF  }
0xad: {  	[dreg:$0x0] =	wrdreg $0x60  }
0xae: {  	[dreg:$0x2] =	wrdreg s24  }
0xaf: {  	[dreg:$0x3] =	wrdreg s2  }
0xb0: {  	[dreg:$0x4] =	wrdreg $0x9  }
0xb1: {  	_ =	task.clear_ibuf [dreg:s7], $0x5FFFF;
	_ =	strace $0x90000046  }
0xb2: {  	s29 =	simm.s32 $0x9;
	_ =	strace $0x80000048  }
0xb3: {  	_ =	swait.ge [sflag:s29], $0x1  }
0xb4: {  	[sflag:s29] =	ssyncadd.s32 $0xFFFFFFFF  }
0xb5: {  	_ =	strace $0x90000048  }
0xb6: {  	_ =	sfence  }
0xb7: {  	s30 =	sld [smem:$0x0];
	_ =	sdelay $0x2  }
0xb8: {  	s31 =	sshll.u32 s1, $0xD;
	s1 =	sshrl.u32 s1, $0x2  }
0xb9: {  	s3 =	sand.u32 $0x4000, s31;
	s1 =	sadd.s32 s1, s30  }
0xba: {  	s0 =	sor.u32 s3, s0;
	s1 =	sshll.u32 s1, $0x11  }
0xbb: {  	s0 =	sor.u32 s1, s0  }
0xbc: {  	s0 =	sadd.s32 $0x8F2B, s0  }
0xbd: {  	[sflag:s0] =	ssyncadd.remote.s32 $0x1  }
0xbe: {  	_ =	sfence.sel $0xFFFF  }
0xbf: {  	[dreg:$0x0] =	wrdreg $0xFFFFFFFF;
	(pc) =	sbr.abs _section_cstart, $3  }
0xc0: {  	[dreg:$0x1] =	wrdreg $0xFFFFFFFF  }
0xc1: {  	_ =	task.clear_ibuf [dreg:s7], $0x2FFFF;
	_ =	strace $0x9FFFFFFF  }
0xc2: {  	(tm) =	ssettm $0x7FFFFFFF  }
0xc3: {  	_ =	shalt  }
tec
execute0_lowered:
.L_overlay_start_1:
0x0: {  	(tag) =	ssettag $0x1  }
0x1: {  	s0 =	srdreg.scid  }
0x2: {  	s4 =	rddreg [dreg:$0x0];
	s3 =	sand.u32 $0x1, s0  }
0x3: {  	s5 =	rddreg [dreg:$0x1];
	s0 =	stileid.u32;
	s1 =	sshll.u32 s3, $0x4  }
0x4: {  	s2 =	simm.s32 $0x0;
	s31 =	smul.u32 $0x2800, s3;
	s6 =	sor.u32 s0, s1  }
0x5: {  	[smem:$0x7FF] =	sst s2;
	s10 =	smul.u32 $0x280, s0;
	s6 =	sshrl.u32 s6, $0x3  }
0x6: {  	s7 =	sshll.u32 s0, $0x7;
	s8 =	ssub.s32 $0x2, s3;
	s6 =	smul.u32 $0x14000, s6  }
0x7: {  	s3 =	sadd.s32 $0x2A00, s4;
	s1 =	rddreg [dreg:$0x2];
	s7 =	sand.u32 $0x380, s7  }
0x8: {  	_ =	strace $0x80000047;
	s9 =	sshrl.u32 s8, $0x1;
	s6 =	sor.u32 s7, s6  }
0x9: {  	s8 =	ssub.s32 s8, s9;
	s9 =	simm.s32 $0x400;
	s6 =	sshrl.u32 s6, $0x3  }
0xa: {  	s7 =	simm.s32 $0x1;
	s4 =	sadd.s32 s5, s6;
	s5 =	smax.u32 s8, $0x1  }
0xb: {  	v0 =	vimm.f32 $0.0e+00;
	v1 =	vimm.f32 $1.000000000e+00;
	s6 =	sadd.s32 s10, s31;
	s8 =	simm.s32 $0x80;
	s10 =	simm.s32 $0x0  }
.LBB2_1:
0xc: {  	s11 =	simm.s32 $0x0  }
.LBB2_2:
0xd: {  	p0 =	sne.s32 s11, $0x9FC0  }
.Ltmp0:
0xe: {  	_ = 	snop;
	(pc) =	sbr.rel @p0 .LBB2_2-.Ltmp0, $3  }
0xf: {  	_ =	sdelay $0x1  }
0x10: {  	s12 =	sshra.s32 s11, $0x2  }
0x11: {  	s11 =	sadd.s32 $0x40, s11;
	[tilespmem:s12+$0x80] =	vst v0  }
0x12: {  	s11 =	simm.s32 $0x0  }
.LBB2_4:
0x13: {  	s12 =	sadd.s32 s11, s6;
	s13 =	sand.u32 $0x70, s11  }
0x14: {  	s12 =	sand.u32 $0xFFFFF80, s12;
	s13 =	sadd.s32 s3, s13  }
0x15: {  	s12 =	sadd.s32 s12, s13  }
0x16: {  	[tilespmem:s2], [sflag:$0x1] =	stream.linear.gather [hbm4b:s12+s2], $0x80, $0x38;
	[tilespmem:$0x2880] =	vst v63  }
0x17: {  	_ =	swait.ge [sflag:s7], $0x80  }
0x18: {  	[sflag:s7] =	ssyncset.done $0x0  }
0x19: {  	[sflag:s7] =	ssyncadd.s32 $0xFFFFFF80  }
0x1a: {  	v2 =	vld [tilespmem:$0x0];
	_ =	sdelay $0x7  }
0x1b: {  	[tilespmem:v2+s8+$0x0] =	vst.idx.add.f32.msk $0xffff, v1  }
0x1c: {  	v2 =	vld [tilespmem:$0x10];
	_ =	sdelay $0x7  }
0x1d: {  	[tilespmem:v2+s8+$0x0] =	vst.idx.add.f32.msk $0xffff, v1  }
0x1e: {  	v2 =	vld [tilespmem:$0x20];
	_ =	sdelay $0x7  }
0x1f: {  	[tilespmem:v2+s8+$0x0] =	vst.idx.add.f32.msk $0xffff, v1  }
0x20: {  	v2 =	vld [tilespmem:$0x30];
	_ =	sdelay $0x7  }
0x21: {  	[tilespmem:v2+s8+$0x0] =	vst.idx.add.f32.msk $0xffff, v1  }
0x22: {  	v2 =	vld [tilespmem:$0x40];
	_ =	sdelay $0x7  }
0x23: {  	[tilespmem:v2+s8+$0x0] =	vst.idx.add.f32.msk $0xffff, v1  }
0x24: {  	v2 =	vld [tilespmem:$0x50];
	_ =	sdelay $0x7  }
0x25: {  	[tilespmem:v2+s8+$0x0] =	vst.idx.add.f32.msk $0xffff, v1  }
0x26: {  	v2 =	vld [tilespmem:$0x60];
	_ =	sdelay $0x7  }
0x27: {  	[tilespmem:v2+s8+$0x0] =	vst.idx.add.f32.msk $0xffff, v1  }
0x28: {  	v2 =	vld [tilespmem:$0x70];
	_ =	sdelay $0x2  }
0x29: {  	p0 =	sne.s32 s11, $0x270  }
.Ltmp1:
0x2a: {  	_ = 	snop;
	(pc) =	sbr.rel @p0 .LBB2_4-.Ltmp1, $2  }
0x2b: {  	_ =	sdelay $0x2  }
0x2c: {  	s11 =	sadd.s32 $0x10, s11;
	[tilespmem:v2+s8+$0x0] =	vst.idx.add.f32.msk $0xffff, v1  }
0x2d: {  	s10 =	sadd.s32 $0x1, s10  }
0x2e: {  	p0 =	sne.s32 s10, s5  }
.Ltmp2:
0x2f: {  	_ = 	snop;
	(pc) =	sbr.rel @p0 .LBB2_1-.Ltmp2, $4  }
0x30: {  	[hbm4b:s4+s8] =	stream.strided.scatter [tilespmem:s8], [sflag:$0x1], $0x2800, s9, s8, $0x38;
	[tilespmem:$0x2880] =	vst v63  }
0x31: {  	_ =	swait.ge [sflag:s7], $0x2800  }
0x32: {  	[sflag:s7] =	ssyncset.done $0x0  }
0x33: {  	[sflag:s7] =	ssyncadd.s32 $0xFFFFD800  }
0x34: {  	_ =	sfence.sel $0x180000  }
0x35: {  	[bflag:$0x0] =	sbarrier.arrive $0xFFFF  }
0x36: {  	p0 =	sne.s32 s0, $0x0;
	_ =	strace $0x90000047  }
0x37: {  	s0 =	sadd.s32 @!p0 $0x100000, s1;
	[bflag:$0x2] =	sbarrier.arrive $0xFFFF  }
0x38: {  	[sflag:s0] =	ssyncadd.tile.s32 @!p0 $0x1;
	_ =	shalt  }
.Lfunc_end2:
_tile_overlayer_lowered:
.L_overlay_start_2:
0x39: {  	(tag) =	ssettag $0x2  }
0x3a: {  	s0 =	rddreg [dreg:$0x0];
	s2 =	stileid.u32  }
0x3b: {  	s1 =	rddreg [dreg:$0x1];
	p0 =	sne.s32 s2, $0x0  }
0x3c: {  	s3 =	rddreg [dreg:$0x2];
	[bflag:$0x3] =	sbarrier.arrive $0xFFFF;
	s2 =	simm.s32 @!p0 $0x1C01  }
0x3d: {  	[timem:s3], [sflag:s2] =	dma.local @!p0 [hbm:s0], s1  }
0x3e: {  	s0 =	simm.s32 @!p0 $0x1  }
0x3f: {  	_ =	swait.ge @!p0 [sflag:s0], s1  }
0x40: {  	s1 =	ssub.s32 @!p0 $0x0, s1;
	[sflag:s0] =	ssyncset.done @!p0 $0x0  }
0x41: {  	[sflag:s0] =	ssyncadd.s32 @!p0 s1  }
0x42: {  	[bflag:$0x3] =	sbarrier.arrive $0xFFFF  }
0x43: {  	_ =	shalt  }

// kernel: _run.17.cloned.1.call-start
scs
__scs_entry_jumppad:
0x0: {  	(pc) =	sbr.rel $0x88, $3  }
0x1: {  	(tag) =	ssettag $0x0;
	lr =	simm.s32 $0x1  }
0x2: {  	[smem:$0x3F97] =	sst lr;
	_ =	strace $0xD0000000  }
0x3: {  	_ = 	snop  }
0x4: {  	_ = 	snop  }
0x5: {  	_ = 	snop  }
0x6: {  	_ = 	snop  }
0x7: {  	_ = 	snop  }
__scs_overlays_trampoline_lowered:
0x8: {  	[smem:$0x3FA6] =	sst s0  }
0x9: {  	[smem:$0x3FA7] =	sst s1  }
0xa: {  	[smem:$0x3FA8] =	sst s2  }
0xb: {  	[smem:$0x3FA9] =	sst s3  }
0xc: {  	[smem:$0x3FAA] =	sst s4  }
0xd: {  	[smem:$0x3FAB] =	sst s5  }
0xe: {  	[smem:$0x3FAC] =	sst s6  }
0xf: {  	[smem:$0x3FAD] =	sst s7  }
0x10: {  	[smem:$0x3FAE] =	sst s8  }
0x11: {  	[smem:$0x3FAF] =	sst s9;
	s0 =	simm.s32 @!p0 $0x0  }
0x12: {  	s1 =	sld [smem:$0x3F95];
	s0 =	simm.s32 @p0 $0x1  }
0x13: {  	[smem:$0x3FB0] =	sst s0;
	s0 =	simm.s32 @!p1 $0x0  }
0x14: {  	s2 =	sld [smem:$0x3F94];
	s0 =	simm.s32 @p1 $0x1  }
0x15: {  	[smem:$0x3FB1] =	sst s0;
	s0 =	simm.s32 @!p2 $0x0  }
0x16: {  	s3 =	sld [smem:$0x3FDB];
	s0 =	simm.s32 @p2 $0x1  }
0x17: {  	s4 =	simm.s32 $0x1BF5;
	[smem:$0x3FB3] =	sst s0  }
0x18: {  	s0 =	sld [smem:$0x3F96];
	_ =	swait.ge [sflag:s4], $0x0  }
0x19: {  	s7 =	sld [smem:$0x3F97]  }
0x1a: {  	s8 =	sadd.s32 $0xFFFFE003, lr  }
0x1b: {  	s9 =	sadd.s32 $0xFFFFFEF7, lr;
	s5 =	simm.s32 $0xFFFFFFFF;
	p2 =	slt.u32 s8, $0xFFFFF086  }
0x1c: {  	p1 =	slt.u32 s9, $0xF7A;
	s5 =	simm.s32 @!p2 $0x0  }
0x1d: {  	s5 =	simm.s32 @p1 $0x1;
	p0 =	seq.s32 s7, s2  }
0x1e: {  	s7 =	smul.u32 @!p0 $0xF7A, s2;
	p2 =	seq.s32 @!p0 s5, $0x0  }
0x1f: {  	s9 =	smul.u32 $0xF7A, s1;
	s8 =	simm.s32 @!p0 $0x1BF5;
	p2 =	por !p2, p0  }
0x20: {  	[sflag:s8] =	ssyncset.s32 @!p0 $0xFFFFF086;
	s6 =	sadd.s32 @!p0 s3, s7;
	s7 =	simm.s32 @!p0 $0x108  }
0x21: {  	s3 =	sadd.s32 s3, s9;
	s6 =	sadd.s32 @!p0 $0x88, s6;
	s7 =	simm.s32 @p2 $0x1082  }
0x22: {  	[simem:s7], [sflag:s8] =	dma.local @!p0 [hbm:s6], $0xF7A  }
0x23: {  	s9 =	sor.u32 $0xD0000000, s2;
	s6 =	simm.s32 $0x108;
	_ =	swait.ge @!p0 [sflag:s8], $0x0  }
0x24: {  	s3 =	sadd.s32 $0x88, s3;
	s6 =	simm.s32 @!p1 $0x1082;
	[sflag:s4] =	ssyncset.s32 $0xFFFFF086  }
0x25: {  	[simem:s6], [sflag:s4] =	dma.local [hbm:s3], $0xF7A  }
0x26: {  	[smem:$0x3F97] =	sst s1;
	(tag) =	ssettag s2;
	_ =	strace s9  }
0x27: {  	s1 =	sld [smem:$0x3FA7]  }
0x28: {  	s2 =	sld [smem:$0x3FA8]  }
0x29: {  	s4 =	sld [smem:$0x3FAA]  }
0x2a: {  	p0 =	seq.s32 s5, $0x0;
	s5 =	sld [smem:$0x3FAB]  }
0x2b: {  	s6 =	sld [smem:$0x3FAC]  }
0x2c: {  	s7 =	sld [smem:$0x3FAD]  }
0x2d: {  	s3 =	simm.s32 $0x108;
	s8 =	sld [smem:$0x3FAE]  }
0x2e: {  	s3 =	simm.s32 @!p0 $0x1082;
	s9 =	sld [smem:$0x3FAF]  }
0x2f: {  	lr =	sadd.s32 s0, s3;
	s0 =	sld [smem:$0x3FA6]  }
0x30: {  	s3 =	sld [smem:$0x3FA9]  }
0x31: {  	[smem:$0x3FB2] =	sst s10  }
0x32: {  	s10 =	sld [smem:$0x3FB0];
	_ =	sdelay $0x3  }
0x33: {  	p0 =	seq.s32 s10, $0x1;
	s10 =	sld [smem:$0x3FB2];
	_ =	sdelay $0x3  }
0x34: {  	[smem:$0x3FB2] =	sst s10  }
0x35: {  	s10 =	sld [smem:$0x3FB1];
	_ =	sdelay $0x3  }
0x36: {  	p1 =	seq.s32 s10, $0x1;
	s10 =	sld [smem:$0x3FB2];
	_ =	sdelay $0x3  }
0x37: {  	[smem:$0x3FB2] =	sst s10  }
0x38: {  	s10 =	sld [smem:$0x3FB3]  }
0x39: {  	_ = 	snop;
	(pc) =	sbr.ind lr, $3  }
0x3a: {  	_ = 	snop  }
0x3b: {  	_ = 	snop  }
0x3c: {  	p2 =	seq.s32 s10, $0x1;
	s10 =	sld [smem:$0x3FB2]  }
0x3d: {  	_ =	shalt  }
0x3e: {  	_ =	shalt  }
0x3f: {  	_ =	shalt  }
0x40: {  	_ =	shalt  }
0x41: {  	_ =	shalt  }
0x42: {  	_ =	shalt  }
0x43: {  	_ =	shalt  }
0x44: {  	_ =	shalt  }
0x45: {  	_ =	shalt  }
0x46: {  	_ =	shalt  }
0x47: {  	_ =	shalt  }
0x48: {  	_ =	shalt  }
0x49: {  	_ =	shalt  }
0x4a: {  	_ =	shalt  }
0x4b: {  	_ =	shalt  }
0x4c: {  	_ =	shalt  }
0x4d: {  	_ =	shalt  }
0x4e: {  	_ =	shalt  }
0x4f: {  	_ =	shalt  }
0x50: {  	_ =	shalt  }
0x51: {  	_ =	shalt  }
0x52: {  	_ =	shalt  }
0x53: {  	_ =	shalt  }
0x54: {  	_ =	shalt  }
0x55: {  	_ =	shalt  }
0x56: {  	_ =	shalt  }
0x57: {  	_ =	shalt  }
0x58: {  	_ =	shalt  }
0x59: {  	_ =	shalt  }
0x5a: {  	_ =	shalt  }
0x5b: {  	_ =	shalt  }
0x5c: {  	_ =	shalt  }
0x5d: {  	_ =	shalt  }
0x5e: {  	_ =	shalt  }
0x5f: {  	_ =	shalt  }
0x60: {  	_ =	shalt  }
0x61: {  	_ =	shalt  }
0x62: {  	_ =	shalt  }
0x63: {  	_ =	shalt  }
0x64: {  	_ =	shalt  }
0x65: {  	_ =	shalt  }
0x66: {  	_ =	shalt  }
0x67: {  	_ =	shalt  }
0x68: {  	_ =	shalt  }
0x69: {  	_ =	shalt  }
0x6a: {  	_ =	shalt  }
0x6b: {  	_ =	shalt  }
0x6c: {  	_ =	shalt  }
0x6d: {  	_ =	shalt  }
0x6e: {  	_ =	shalt  }
0x6f: {  	_ =	shalt  }
0x70: {  	_ =	shalt  }
0x71: {  	_ =	shalt  }
0x72: {  	_ =	shalt  }
0x73: {  	_ =	shalt  }
0x74: {  	_ =	shalt  }
0x75: {  	_ =	shalt  }
0x76: {  	_ =	shalt  }
0x77: {  	_ =	shalt  }
0x78: {  	_ =	shalt  }
0x79: {  	_ =	shalt  }
0x7a: {  	_ =	shalt  }
0x7b: {  	_ =	shalt  }
0x7c: {  	_ =	shalt  }
0x7d: {  	_ =	shalt  }
0x7e: {  	_ =	shalt  }
0x7f: {  	_ =	shalt  }
0x80: {  	_ =	shalt  }
0x81: {  	_ =	shalt  }
0x82: {  	_ =	shalt  }
0x83: {  	_ =	shalt  }
0x84: {  	_ =	shalt  }
0x85: {  	_ =	shalt  }
0x86: {  	_ =	shalt  }
0x87: {  	_ =	shalt  }
.Lfunc_end0:
.L_simem_size_0:
called_computation.1_lowered:
.L_overlay_start_0:
0x88: {  	s2 =	sld [smem:$0x3FD9]  }
0x89: {  	s3 =	sld [smem:$0x3FFE];
	_ =	sdelay $0x1  }
0x8a: {  	s1 =	srdreg.scid  }
0x8b: {  	s0 =	sand.u32 $0x1, s1  }
0x8c: {  	s16 =	sshll.u32 s0, $0xA;
	s2 =	sadd.s32 s3, s2  }
0x8d: {  	s2 =	sadd.s32 s2, s16  }
0x8e: {  	[smem:$0x3FBE] =	sst s2  }
0x8f: {  	_ = 	snop  }
0x90: {  	(tm) =	ssettm $0x1  }
0x91: {  	s17 =	sld [smem:$0x3FFB];
	_ =	sdelay $0x3  }
0x92: {  	_ =	strace s17  }
0x93: {  	s2 =	sld [smem:$0x3FFC];
	_ =	sdelay $0x3  }
0x94: {  	_ =	strace s2  }
0x95: {  	s2 =	sld [smem:$0x3FFD];
	_ =	sdelay $0x3  }
0x96: {  	_ =	strace s2  }
0x97: {  	_ =	strace $0x8FFFFFFF  }
0x98: {  	s18 =	sld [smem:$0x3FDB];
	_ =	sdelay $0x1  }
0x99: {  	s19 =	simm.s32 $_scs_section_size  }
0x9a: {  	s4 =	simm.s32 $_size__tile_overlayer_lowered;
	s5 =	simm.s32 $_tile_overlayer_lowered  }
0x9b: {  	s22 =	simm.s32 $0x1BFF;
	s21 =	sshll.u32 s5, $0x1;
	s2 =	sadd.s32 s19, s18  }
0x9c: {  	s6 =	simm.s32 $0x0;
	s20 =	sshll.u32 s4, $0x1;
	s4 =	sadd.s32 s21, s2  }
0x9d: {  	[timem:s6], [sflag:s22] =	dma.local [hbm:s4], s20  }
0x9e: {  	_ =	swait.ge [sflag:s22], s20  }
0x9f: {  	s3 =	ssub.s32 $0x0, s20;
	[sflag:s22] =	ssyncset.done $0x0  }
0xa0: {  	[sflag:s22] =	ssyncadd.s32 s3;
	_ =	sdelay $0x1  }
0xa1: {  	s23 =	simm.s32 $0x1B8B  }
0xa2: {  	_ =	swait.ge [sflag:s23], $0x1  }
0xa3: {  	[sflag:s23] =	ssyncset.done $0x0  }
0xa4: {  	s25 =	simm.s32 $0x1B8E;
	s24 =	sld [smem:$0x3FFE];
	[sflag:s23] =	ssyncadd.s32 $0xFFFFFFFF  }
0xa5: {  	s26 =	simm.s32 $execute0_lowered;
	[smem:$0x3FD2] =	sst s25  }
0xa6: {  	s4 =	sshll.u32 s26, $0x1;
	_ =	strace $0x80000049;
	[dreg:$0x1] =	wrdreg $0xFFFFFFFF  }
0xa7: {  	s28 =	simm.s32 $_size_execute0_lowered;
	s2 =	sadd.s32 s2, s4;
	[dreg:$0x0] =	wrdreg $0x0  }
0xa8: {  	s4 =	sshll.u32 s28, $0x1;
	[dreg:$0x2] =	wrdreg s2  }
0xa9: {  	[dreg:$0x3] =	wrdreg s4  }
0xaa: {  	[dreg:$0x4] =	wrdreg $0xC0  }
0xab: {  	_ =	task [dreg:s6], $0x5FFFF  }
0xac: {  	[dreg:$0x1] =	wrdreg $0xFFFFFFFF  }
0xad: {  	[dreg:$0x0] =	wrdreg $0x60  }
0xae: {  	[dreg:$0x2] =	wrdreg s24  }
0xaf: {  	[dreg:$0x3] =	wrdreg $0xA8000  }
0xb0: {  	[dreg:$0x4] =	wrdreg $0x9  }
0xb1: {  	_ =	task.clear_ibuf [dreg:s6], $0x5FFFF;
	_ =	strace $0x90000049  }
0xb2: {  	s29 =	simm.s32 $0x9;
	_ =	strace $0x8000004B  }
0xb3: {  	_ =	swait.ge [sflag:s29], $0x1  }
0xb4: {  	[sflag:s29] =	ssyncadd.s32 $0xFFFFFFFF  }
0xb5: {  	_ =	strace $0x9000004B  }
0xb6: {  	_ =	sfence  }
0xb7: {  	s30 =	sld [smem:$0x0];
	_ =	sdelay $0x2  }
0xb8: {  	s31 =	sshll.u32 s1, $0xD;
	s1 =	sshrl.u32 s1, $0x2  }
0xb9: {  	s3 =	sand.u32 $0x4000, s31;
	s1 =	sadd.s32 s1, s30  }
0xba: {  	s0 =	sor.u32 s3, s0;
	s1 =	sshll.u32 s1, $0x11  }
0xbb: {  	s0 =	sor.u32 s1, s0  }
0xbc: {  	s0 =	sadd.s32 $0x8F2B, s0  }
0xbd: {  	[sflag:s0] =	ssyncadd.remote.s32 $0x1  }
0xbe: {  	_ =	sfence.sel $0xFFFF  }
0xbf: {  	[dreg:$0x0] =	wrdreg $0xFFFFFFFF;
	(pc) =	sbr.abs _section_cstart, $3  }
0xc0: {  	[dreg:$0x1] =	wrdreg $0xFFFFFFFF  }
0xc1: {  	_ =	task.clear_ibuf [dreg:s6], $0x2FFFF;
	_ =	strace $0x9FFFFFFF  }
0xc2: {  	(tm) =	ssettm $0x7FFFFFFF  }
0xc3: {  	_ =	shalt  }
tec
execute0_lowered:
.L_overlay_start_1:
0x0: {  	(tag) =	ssettag $0x1  }
0x1: {  	s0 =	rddreg [dreg:$0x0]  }
0x2: {  	s2 =	rddreg [dreg:$0x1];
	s3 =	simm.s32 $0x0  }
0x3: {  	s13 =	stileid.u32;
	s4 =	srdreg.scid;
	s28 =	simm.s32 $0x1  }
0x4: {  	s29 =	simm.s32 $0x2;
	s30 =	simm.s32 $0x2700;
	s31 =	simm.s32 $0x2780  }
0x5: {  	[smem:$0x7FF] =	sst s3;
	s1 =	smul.u32 $0x13800, s13;
	s22 =	sadd.s32 $0x5FC00, s0  }
0x6: {  	s20 =	sadd.s32 $0xCA00, s0;
	s4 =	sand.u32 $0x1, s4;
	s5 =	sadd.s32 $0x5AC00, s0  }
0x7: {  	s9 =	sadd.s32 $0x7A00, s0;
	s12 =	smul.u32 $0x2800, s13;
	s18 =	sadd.s32 $0x31300, s0  }
0x8: {  	s19 =	smul.u32 $0x500, s13;
	s21 =	sadd.s32 $0x84500, s0;
	_ =	strace $0x8000004A  }
0x9: {  	s6 =	ssub.s32 $0x2, s4;
	p1 =	seq.s32 s4, $0x0;
	[dreg:$0x4] =	wrdreg s18  }
0xa: {  	[dreg:$0x6] =	wrdreg s21;
	s15 =	smov.u32 s20;
	p0 =	sne.s32 s4, $0x0  }
0xb: {  	s14 =	smov.u32 s22;
	s7 =	sshrl.u32 s1, $0x3;
	s8 =	sshrl.u32 s6, $0x1  }
0xc: {  	s12 =	sshrl.u32 s12, $0x3;
	s24 =	sadd.s32 s5, s19;
	p2 =	seq.s32 @p0 s13, $0xF  }
0xd: {  	p4 =	seq.s32 @!p0 s13, $0xF;
	s10 =	sadd.s32 s7, s0;
	s11 =	ssub.s32 s6, s8  }
0xe: {  	s6 =	sadd.s32 s1, s2;
	s17 =	sadd.s32 s20, s7;
	s8 =	sadd.s32 $0x124800, s2  }
0xf: {  	s7 =	sadd.s32 s22, s7;
	s23 =	sadd.s32 $0x280, s12;
	[dreg:$0x7] =	wrdreg s24  }
0x10: {  	s1 =	sadd.s32 s9, s19;
	s19 =	sadd.s32 $0xAB700, s0;
	s20 =	smov.u32 @p1 s22  }
0x11: {  	p1 =	por !p2, !p0;
	p2 =	por p2, !p0;
	[dreg:$0x3] =	wrdreg s17  }
0x12: {  	p3 =	por !p4, p0;
	p4 =	por p4, p0;
	[dreg:$0x5] =	wrdreg s7  }
0x13: {  	s22 =	simm.s32 $0x3;
	s24 =	simm.s32 $0x80;
	[dreg:$0x8] =	wrdreg s1  }
0x14: {  	s25 =	sadd.s32 s5, s23;
	s26 =	sadd.s32 s9, s23;
	s16 =	sadd.s32 $0xADF00, s10  }
0x15: {  	s17 =	sadd.s32 $0xD2800, s0;
	s18 =	sadd.s32 $0x86E00, s10;
	s21 =	smax.u32 s11, $0x1  }
0x16: {  	s23 =	simm.s32 $0x1400;
	s0 =	simm.s32 $0x0;
	[dreg:$0x9] =	wrdreg s25  }
0x17: {  	[dreg:$0xa] =	wrdreg s26;
	s25 =	simm.s32 $0x2800;
	s26 =	simm.s32 $0x6800  }
.LBB2_1:
0x18: {  	s7 =	sshrl.u32 @!p1 s8, $0x3;
	s1 =	simm.s32 @!p1 $0x1FC3;
	s4 =	rddreg [dreg:$0x4]  }
0x19: {  	[spmem:s7], [sflag:s1] =	dma.local @!p1 [hbm:s4], $0x2800  }
0x1a: {  	s1 =	simm.s32 @!p1 $0x3  }
0x1b: {  	s5 =	stileid.u32;
	_ =	swait.ge @!p1 [sflag:s1], $0x2800  }
0x1c: {  	s9 =	sshrl.u32 @!p2 s6, $0x3;
	s4 =	sshll.u32 @!p2 s5, $0x6;
	[sflag:s1] =	ssyncset.done @!p1 $0x0  }
0x1d: {  	[sflag:s1] =	ssyncadd.s32 @!p1 $0xFFFFD800;
	s1 =	sor.u32 @!p2 $0x1C03, s4;
	s4 =	rddreg [dreg:$0x3]  }
0x1e: {  	[spmem:s9], [sflag:s1] =	dma.local @!p2 [hbm:s4], $0x2700  }
0x1f: {  	s4 =	simm.s32 @!p2 $0x3  }
0x20: {  	_ =	swait.ge @!p2 [sflag:s4], $0x2700  }
0x21: {  	s10 =	sshrl.u32 @!p3 s8, $0x3;
	[sflag:s4] =	ssyncset.done @!p2 $0x0  }
0x22: {  	s11 =	rddreg [dreg:$0x6];
	[sflag:s4] =	ssyncadd.s32 @!p2 $0xFFFFD900;
	s4 =	simm.s32 @!p3 $0x1FC3  }
0x23: {  	[spmem:s10], [sflag:s4] =	dma.local @!p3 [hbm:s11], $0x2800  }
0x24: {  	s4 =	simm.s32 @!p3 $0x3  }
0x25: {  	s5 =	sshll.u32 @!p4 s5, $0x6;
	_ =	swait.ge @!p3 [sflag:s4], $0x2800  }
0x26: {  	s11 =	sor.u32 @!p4 $0x1C03, s5;
	[sflag:s4] =	ssyncset.done @!p3 $0x0  }
0x27: {  	s5 =	rddreg [dreg:$0x5];
	[sflag:s4] =	ssyncadd.s32 @!p3 $0xFFFFD800;
	s4 =	sshrl.u32 @!p4 s6, $0x3  }
0x28: {  	[spmem:s4], [sflag:s11] =	dma.local @!p4 [hbm:s5], $0x2700  }
0x29: {  	s5 =	simm.s32 @!p4 $0x3  }
0x2a: {  	_ =	swait.ge @!p4 [sflag:s5], $0x2700  }
0x2b: {  	[sflag:s5] =	ssyncset.done @!p4 $0x0  }
0x2c: {  	[sflag:s5] =	ssyncadd.s32 @!p4 $0xFFFFD900  }
0x2d: {  	[bflag:$0x0] =	sbarrier.arrive $0xFFFF  }
0x2e: {  	s13 =	rddreg [dreg:$0x7]  }
0x2f: {  	[tilespmem:s3], [sflag:$0x3] =	stream.linear.gather [hbm4b:s13+s3], $0x1400, $0x38;
	[tilespmem:$0x1E0C0] =	vst v63  }
0x30: {  	_ =	swait.ge [sflag:s22], $0x1400  }
0x31: {  	[sflag:s22] =	ssyncset.done $0x0  }
0x32: {  	s12 =	rddreg [dreg:$0x8];
	[sflag:s22] =	ssyncadd.s32 $0xFFFFEC00  }
0x33: {  	[tilespmem:s23], [sflag:$0x3] =	stream.linear.gather [hbm4b:s12+s3], $0x1400, $0x38;
	[tilespmem:$0x1E0C0] =	vst v63  }
0x34: {  	_ =	swait.ge [sflag:s22], $0x1400  }
0x35: {  	s5 =	smov.u32 s14;
	[sflag:s22] =	ssyncset.done $0x0  }
0x36: {  	s5 =	smov.u32 @p0 s15;
	[sflag:s22] =	ssyncadd.s32 $0xFFFFEC00  }
0x37: {  	[tilespmem:s25], [sflag:$0x1] =	stream.indirect.gather [hbm4b:s5+s24], $0x80, s3, s24, $0xb8;
	[tilespmem:$0x1E0C0] =	vst v63  }
0x38: {  	_ = 	snop  }
0x39: {  	[tilespmem:s26], [sflag:$0x2] =	stream.indirect.gather [hbm4b:s5+s24], $0x80, s24, s24, $0xb8;
	[tilespmem:$0x1E0C0] =	vst v63  }
0x3a: {  	_ =	swait.ge [sflag:s28], $0x4000  }
0x3b: {  	[sflag:s28] =	ssyncset.done $0x0  }
0x3c: {  	s13 =	simm.s32 $0x1400;
	[sflag:s28] =	ssyncadd.s32 $0xFFFFC000  }
0x3d: {  	[spmem:s2] =	stream.indirect.scatter.add.f32 [tilespmem:s25], [sflag:$0x3], $0x80, s13, s24, $0xb8;
	[tilespmem:$0x1E0C0] =	vst v63  }
0x3e: {  	_ =	swait.ge [sflag:s22], $0x4000  }
0x3f: {  	[sflag:s22] =	ssyncset.done $0x0  }
0x40: {  	s12 =	simm.s32 $0x100;
	[sflag:s22] =	ssyncadd.s32 $0xFFFFC000  }
0x41: {  	[tilespmem:s25], [sflag:$0x1] =	stream.indirect.gather [hbm4b:s20+s24], $0x80, s12, s24, $0xb8;
	[tilespmem:$0x1E0C0] =	vst v63  }
0x42: {  	_ =	swait.ge [sflag:s29], $0x4000  }
0x43: {  	[sflag:s29] =	ssyncset.done $0x0  }
0x44: {  	s13 =	simm.s32 $0x1480;
	[sflag:s29] =	ssyncadd.s32 $0xFFFFC000  }
0x45: {  	[spmem:s2] =	stream.indirect.scatter.add.f32 [tilespmem:s26], [sflag:$0x3], $0x80, s13, s24, $0xb8;
	[tilespmem:$0x1E0C0] =	vst v63  }
0x46: {  	_ =	swait.ge [sflag:s22], $0x4000  }
0x47: {  	[sflag:s22] =	ssyncset.done $0x0  }
0x48: {  	s5 =	simm.s32 $0x180;
	s12 =	simm.s32 $0x400;
	[sflag:s22] =	ssyncadd.s32 $0xFFFFC000  }
.LBB2_2:
0x49: {  	[tilespmem:s26], [sflag:$0x2] =	stream.indirect.gather [hbm4b:s20+s24], $0x80, s5, s24, $0xb8;
	[tilespmem:$0x1E0C0] =	vst v63  }
0x4a: {  	s5 =	smov.u32 s12  }
0x4b: {  	p5 =	sne.s32 s12, $0x4800;
	s12 =	sadd.s32 $0x400, s12;
	_ =	swait.ge [sflag:s28], $0x4000  }
0x4c: {  	s5 =	sshra.s32 s5, $0x2;
	[sflag:s28] =	ssyncset.done $0x0  }
0x4d: {  	s13 =	sadd.s32 $0x1400, s5;
	[sflag:s28] =	ssyncadd.s32 $0xFFFFC000  }
0x4e: {  	[spmem:s2] =	stream.indirect.scatter.add.f32 [tilespmem:s25], [sflag:$0x3], $0x80, s13, s24, $0xb8;
	[tilespmem:$0x1E0C0] =	vst v63  }
0x4f: {  	_ =	swait.ge [sflag:s22], $0x4000  }
0x50: {  	[sflag:s22] =	ssyncset.done $0x0  }
0x51: {  	s13 =	sadd.s32 $0x100, s5;
	[sflag:s22] =	ssyncadd.s32 $0xFFFFC000  }
0x52: {  	[tilespmem:s25], [sflag:$0x1] =	stream.indirect.gather [hbm4b:s20+s24], $0x80, s13, s24, $0xb8;
	[tilespmem:$0x1E0C0] =	vst v63  }
0x53: {  	_ =	swait.ge [sflag:s29], $0x4000  }
0x54: {  	[sflag:s29] =	ssyncset.done $0x0  }
.Ltmp0:
0x55: {  	s13 =	sadd.s32 $0x1480, s5;
	[sflag:s29] =	ssyncadd.s32 $0xFFFFC000;
	(pc) =	sbr.rel @p5 .LBB2_2-.Ltmp0, $4  }
0x56: {  	[spmem:s2] =	stream.indirect.scatter.add.f32 [tilespmem:s26], [sflag:$0x3], $0x80, s13, s24, $0xb8;
	[tilespmem:$0x1E0C0] =	vst v63  }
0x57: {  	_ =	swait.ge [sflag:s22], $0x4000  }
0x58: {  	[sflag:s22] =	ssyncset.done $0x0  }
0x59: {  	s5 =	sadd.s32 $0x180, s5;
	[sflag:s22] =	ssyncadd.s32 $0xFFFFC000  }
0x5a: {  	[tilespmem:s26], [sflag:$0x2] =	stream.indirect.gather [hbm4b:s20+s24], $0x80, s5, s24, $0xb8;
	[tilespmem:$0x1E0C0] =	vst v63  }
0x5b: {  	_ =	swait.ge [sflag:s28], $0x4000  }
0x5c: {  	[sflag:s28] =	ssyncset.done $0x0  }
0x5d: {  	[sflag:s28] =	ssyncadd.s32 $0xFFFFC000  }
0x5e: {  	[spmem:s2] =	stream.indirect.scatter.add.f32 [tilespmem:s25], [sflag:$0x3], $0x80, s30, s24, $0xb8;
	[tilespmem:$0x1E0C0] =	vst v63  }
0x5f: {  	_ =	swait.ge [sflag:s22], $0x4000  }
0x60: {  	[sflag:s22] =	ssyncset.done $0x0  }
0x61: {  	[sflag:s22] =	ssyncadd.s32 $0xFFFFC000  }
0x62: {  	_ =	swait.ge [sflag:s29], $0x4000  }
0x63: {  	[sflag:s29] =	ssyncset.done $0x0  }
0x64: {  	[sflag:s29] =	ssyncadd.s32 $0xFFFFC000  }
0x65: {  	[spmem:s2] =	stream.indirect.scatter.add.f32 [tilespmem:s26], [sflag:$0x3], $0x80, s31, s24, $0xb8;
	[tilespmem:$0x1E0C0] =	vst v63  }
0x66: {  	_ =	swait.ge [sflag:s22], $0x4000  }
0x67: {  	[sflag:s22] =	ssyncset.done $0x0  }
0x68: {  	s5 =	simm.s32 $0x0;
	s12 =	rddreg [dreg:$0x9];
	[sflag:s22] =	ssyncadd.s32 $0xFFFFC000  }
0x69: {  	[tilespmem:s5], [sflag:$0x3] =	stream.linear.gather [hbm4b:s12+s5], $0x1400, $0x38;
	[tilespmem:$0x1E0C0] =	vst v63  }
0x6a: {  	_ =	swait.ge [sflag:s22], $0x1400  }
0x6b: {  	[sflag:s22] =	ssyncset.done $0x0  }
0x6c: {  	s13 =	rddreg [dreg:$0xa];
	[sflag:s22] =	ssyncadd.s32 $0xFFFFEC00  }
0x6d: {  	[tilespmem:s23], [sflag:$0x3] =	stream.linear.gather [hbm4b:s13+s5], $0x1400, $0x38;
	[tilespmem:$0x1E0C0] =	vst v63  }
0x6e: {  	_ =	swait.ge [sflag:s22], $0x1400  }
0x6f: {  	[sflag:s22] =	ssyncset.done $0x0  }
0x70: {  	[sflag:s22] =	ssyncadd.s32 $0xFFFFEC00  }
0x71: {  	[tilespmem:s25], [sflag:$0x1] =	stream.indirect.gather [hbm4b:s20+s24], $0x80, s5, s24, $0xb8;
	[tilespmem:$0x1E0C0] =	vst v63  }
0x72: {  	_ = 	snop  }
0x73: {  	[tilespmem:s26], [sflag:$0x2] =	stream.indirect.gather [hbm4b:s20+s24], $0x80, s24, s24, $0xb8;
	[tilespmem:$0x1E0C0] =	vst v63  }
0x74: {  	_ =	swait.ge [sflag:s28], $0x4000  }
0x75: {  	[sflag:s28] =	ssyncset.done $0x0  }
0x76: {  	s13 =	simm.s32 $0x1400;
	[sflag:s28] =	ssyncadd.s32 $0xFFFFC000  }
0x77: {  	[spmem:s2] =	stream.indirect.scatter.add.f32 [tilespmem:s25], [sflag:$0x3], $0x80, s13, s24, $0xb8;
	[tilespmem:$0x1E0C0] =	vst v63  }
0x78: {  	_ =	swait.ge [sflag:s22], $0x4000  }
0x79: {  	[sflag:s22] =	ssyncset.done $0x0  }
0x7a: {  	s12 =	simm.s32 $0x100;
	[sflag:s22] =	ssyncadd.s32 $0xFFFFC000  }
0x7b: {  	[tilespmem:s25], [sflag:$0x1] =	stream.indirect.gather [hbm4b:s20+s24], $0x80, s12, s24, $0xb8;
	[tilespmem:$0x1E0C0] =	vst v63  }
0x7c: {  	_ =	swait.ge [sflag:s29], $0x4000  }
0x7d: {  	[sflag:s29] =	ssyncset.done $0x0  }
0x7e: {  	s13 =	simm.s32 $0x1480;
	[sflag:s29] =	ssyncadd.s32 $0xFFFFC000  }
0x7f: {  	[spmem:s2] =	stream.indirect.scatter.add.f32 [tilespmem:s26], [sflag:$0x3], $0x80, s13, s24, $0xb8;
	[tilespmem:$0x1E0C0] =	vst v63  }
0x80: {  	_ =	swait.ge [sflag:s22], $0x4000  }
0x81: {  	[sflag:s22] =	ssyncset.done $0x0  }
0x82: {  	s5 =	simm.s32 $0x180;
	s12 =	simm.s32 $0x400;
	[sflag:s22] =	ssyncadd.s32 $0xFFFFC000  }
.LBB2_4:
0x83: {  	[tilespmem:s26], [sflag:$0x2] =	stream.indirect.gather [hbm4b:s20+s24], $0x80, s5, s24, $0xb8;
	[tilespmem:$0x1E0C0] =	vst v63  }
0x84: {  	s5 =	smov.u32 s12  }
0x85: {  	p5 =	sne.s32 s12, $0x4800;
	s12 =	sadd.s32 $0x400, s12;
	_ =	swait.ge [sflag:s28], $0x4000  }
0x86: {  	s5 =	sshra.s32 s5, $0x2;
	[sflag:s28] =	ssyncset.done $0x0  }
0x87: {  	s13 =	sadd.s32 $0x1400, s5;
	[sflag:s28] =	ssyncadd.s32 $0xFFFFC000  }
0x88: {  	[spmem:s2] =	stream.indirect.scatter.add.f32 [tilespmem:s25], [sflag:$0x3], $0x80, s13, s24, $0xb8;
	[tilespmem:$0x1E0C0] =	vst v63  }
0x89: {  	_ =	swait.ge [sflag:s22], $0x4000  }
0x8a: {  	[sflag:s22] =	ssyncset.done $0x0  }
0x8b: {  	s13 =	sadd.s32 $0x100, s5;
	[sflag:s22] =	ssyncadd.s32 $0xFFFFC000  }
0x8c: {  	[tilespmem:s25], [sflag:$0x1] =	stream.indirect.gather [hbm4b:s20+s24], $0x80, s13, s24, $0xb8;
	[tilespmem:$0x1E0C0] =	vst v63  }
0x8d: {  	_ =	swait.ge [sflag:s29], $0x4000  }
0x8e: {  	[sflag:s29] =	ssyncset.done $0x0  }
.Ltmp1:
0x8f: {  	s13 =	sadd.s32 $0x1480, s5;
	[sflag:s29] =	ssyncadd.s32 $0xFFFFC000;
	(pc) =	sbr.rel @p5 .LBB2_4-.Ltmp1, $4  }
0x90: {  	[spmem:s2] =	stream.indirect.scatter.add.f32 [tilespmem:s26], [sflag:$0x3], $0x80, s13, s24, $0xb8;
	[tilespmem:$0x1E0C0] =	vst v63  }
0x91: {  	_ =	swait.ge [sflag:s22], $0x4000  }
0x92: {  	[sflag:s22] =	ssyncset.done $0x0  }
0x93: {  	s5 =	sadd.s32 $0x180, s5;
	[sflag:s22] =	ssyncadd.s32 $0xFFFFC000  }
0x94: {  	[tilespmem:s26], [sflag:$0x2] =	stream.indirect.gather [hbm4b:s20+s24], $0x80, s5, s24, $0xb8;
	[tilespmem:$0x1E0C0] =	vst v63  }
0x95: {  	_ =	swait.ge [sflag:s28], $0x4000  }
0x96: {  	[sflag:s28] =	ssyncset.done $0x0  }
0x97: {  	[sflag:s28] =	ssyncadd.s32 $0xFFFFC000  }
0x98: {  	[spmem:s2] =	stream.indirect.scatter.add.f32 [tilespmem:s25], [sflag:$0x3], $0x80, s30, s24, $0xb8;
	[tilespmem:$0x1E0C0] =	vst v63  }
0x99: {  	_ =	swait.ge [sflag:s22], $0x4000  }
0x9a: {  	[sflag:s22] =	ssyncset.done $0x0  }
0x9b: {  	[sflag:s22] =	ssyncadd.s32 $0xFFFFC000  }
0x9c: {  	_ =	swait.ge [sflag:s29], $0x4000  }
0x9d: {  	[sflag:s29] =	ssyncset.done $0x0  }
0x9e: {  	[sflag:s29] =	ssyncadd.s32 $0xFFFFC000  }
0x9f: {  	[spmem:s2] =	stream.indirect.scatter.add.f32 [tilespmem:s26], [sflag:$0x3], $0x80, s31, s24, $0xb8;
	[tilespmem:$0x1E0C0] =	vst v63  }
0xa0: {  	_ =	swait.ge [sflag:s22], $0x4000  }
0xa1: {  	[sflag:s22] =	ssyncset.done $0x0  }
0xa2: {  	[sflag:s22] =	ssyncadd.s32 $0xFFFFC000  }
0xa3: {  	s5 =	simm.s32 @!p1 $0x1FC3;
	[bflag:$0x0] =	sbarrier.arrive $0xFFFF  }
0xa4: {  	[hbm:s17], [sflag:s5] =	dma.local @!p1 [spmem:s7], $0x2800  }
0xa5: {  	s5 =	simm.s32 @!p1 $0x3  }
0xa6: {  	_ =	swait.ge @!p1 [sflag:s5], $0x2800  }
0xa7: {  	[sflag:s5] =	ssyncset.done @!p1 $0x0  }
0xa8: {  	[sflag:s5] =	ssyncadd.s32 @!p1 $0xFFFFD800  }
0xa9: {  	[hbm:s16], [sflag:s1] =	dma.local @!p2 [spmem:s9], $0x2700  }
0xaa: {  	s1 =	simm.s32 @!p2 $0x3  }
0xab: {  	_ =	swait.ge @!p2 [sflag:s1], $0x2700  }
0xac: {  	[sflag:s1] =	ssyncset.done @!p2 $0x0  }
0xad: {  	[sflag:s1] =	ssyncadd.s32 @!p2 $0xFFFFD900;
	s1 =	simm.s32 @!p3 $0x1FC3  }
0xae: {  	[hbm:s19], [sflag:s1] =	dma.local @!p3 [spmem:s10], $0x2800  }
0xaf: {  	s1 =	simm.s32 @!p3 $0x3  }
0xb0: {  	s0 =	sadd.s32 $0x1, s0;
	_ =	swait.ge @!p3 [sflag:s1], $0x2800  }
0xb1: {  	p5 =	sne.s32 s0, s21;
	[sflag:s1] =	ssyncset.done @!p3 $0x0  }
.Ltmp2:
0xb2: {  	[sflag:s1] =	ssyncadd.s32 @!p3 $0xFFFFD800;
	s1 =	simm.s32 @!p4 $0x3;
	(pc) =	sbr.rel @p5 .LBB2_1-.Ltmp2, $4  }
0xb3: {  	[hbm:s18], [sflag:s11] =	dma.local @!p4 [spmem:s4], $0x2700  }
0xb4: {  	_ =	swait.ge @!p4 [sflag:s1], $0x2700  }
0xb5: {  	[sflag:s1] =	ssyncset.done @!p4 $0x0  }
0xb6: {  	[sflag:s1] =	ssyncadd.s32 @!p4 $0xFFFFD900  }
0xb7: {  	_ =	sfence.sel $0x180000  }
0xb8: {  	[bflag:$0x0] =	sbarrier.arrive $0xFFFF  }
0xb9: {  	_ =	strace $0x9000004A  }
0xba: {  	s0 =	stileid.u32;
	[bflag:$0x2] =	sbarrier.arrive $0xFFFF  }
0xbb: {  	p0 =	sne.s32 s0, $0x0;
	s0 =	rddreg [dreg:$0x2]  }
0xbc: {  	s0 =	sadd.s32 @!p0 $0x100000, s0  }
0xbd: {  	[sflag:s0] =	ssyncadd.tile.s32 @!p0 $0x1;
	_ =	shalt  }
.Lfunc_end2:
_tile_overlayer_lowered:
.L_overlay_start_2:
0xbe: {  	(tag) =	ssettag $0x2  }
0xbf: {  	s0 =	rddreg [dreg:$0x0];
	s2 =	stileid.u32  }
0xc0: {  	s1 =	rddreg [dreg:$0x1];
	p0 =	sne.s32 s2, $0x0  }
0xc1: {  	s3 =	rddreg [dreg:$0x2];
	[bflag:$0x3] =	sbarrier.arrive $0xFFFF;
	s2 =	simm.s32 @!p0 $0x1C03  }
0xc2: {  	[timem:s3], [sflag:s2] =	dma.local @!p0 [hbm:s0], s1  }
0xc3: {  	s0 =	simm.s32 @!p0 $0x3  }
0xc4: {  	_ =	swait.ge @!p0 [sflag:s0], s1  }
0xc5: {  	s1 =	ssub.s32 @!p0 $0x0, s1;
	[sflag:s0] =	ssyncset.done @!p0 $0x0  }
0xc6: {  	[sflag:s0] =	ssyncadd.s32 @!p0 s1  }
0xc7: {  	[bflag:$0x3] =	sbarrier.arrive $0xFFFF  }
0xc8: {  	_ =	shalt  }

// kernel: _run.20.cloned.1.call-start
scs
__scs_entry_jumppad:
0x0: {  	(pc) =	sbr.rel $0x88, $3  }
0x1: {  	(tag) =	ssettag $0x0;
	lr =	simm.s32 $0x1  }
0x2: {  	[smem:$0x3F97] =	sst lr;
	_ =	strace $0xD0000000  }
0x3: {  	_ = 	snop  }
0x4: {  	_ = 	snop  }
0x5: {  	_ = 	snop  }
0x6: {  	_ = 	snop  }
0x7: {  	_ = 	snop  }
__scs_overlays_trampoline_lowered:
0x8: {  	[smem:$0x3FA6] =	sst s0  }
0x9: {  	[smem:$0x3FA7] =	sst s1  }
0xa: {  	[smem:$0x3FA8] =	sst s2  }
0xb: {  	[smem:$0x3FA9] =	sst s3  }
0xc: {  	[smem:$0x3FAA] =	sst s4  }
0xd: {  	[smem:$0x3FAB] =	sst s5  }
0xe: {  	[smem:$0x3FAC] =	sst s6  }
0xf: {  	[smem:$0x3FAD] =	sst s7  }
0x10: {  	[smem:$0x3FAE] =	sst s8  }
0x11: {  	[smem:$0x3FAF] =	sst s9;
	s0 =	simm.s32 @!p0 $0x0  }
0x12: {  	s1 =	sld [smem:$0x3F95];
	s0 =	simm.s32 @p0 $0x1  }
0x13: {  	[smem:$0x3FB0] =	sst s0;
	s0 =	simm.s32 @!p1 $0x0  }
0x14: {  	s2 =	sld [smem:$0x3F94];
	s0 =	simm.s32 @p1 $0x1  }
0x15: {  	[smem:$0x3FB1] =	sst s0;
	s0 =	simm.s32 @!p2 $0x0  }
0x16: {  	s3 =	sld [smem:$0x3FDB];
	s0 =	simm.s32 @p2 $0x1  }
0x17: {  	s4 =	simm.s32 $0x1BF5;
	[smem:$0x3FB3] =	sst s0  }
0x18: {  	s0 =	sld [smem:$0x3F96];
	_ =	swait.ge [sflag:s4], $0x0  }
0x19: {  	s7 =	sld [smem:$0x3F97]  }
0x1a: {  	s8 =	sadd.s32 $0xFFFFE003, lr  }
0x1b: {  	s9 =	sadd.s32 $0xFFFFFEF7, lr;
	s5 =	simm.s32 $0xFFFFFFFF;
	p2 =	slt.u32 s8, $0xFFFFF086  }
0x1c: {  	p1 =	slt.u32 s9, $0xF7A;
	s5 =	simm.s32 @!p2 $0x0  }
0x1d: {  	s5 =	simm.s32 @p1 $0x1;
	p0 =	seq.s32 s7, s2  }
0x1e: {  	s7 =	smul.u32 @!p0 $0xF7A, s2;
	p2 =	seq.s32 @!p0 s5, $0x0  }
0x1f: {  	s9 =	smul.u32 $0xF7A, s1;
	s8 =	simm.s32 @!p0 $0x1BF5;
	p2 =	por !p2, p0  }
0x20: {  	[sflag:s8] =	ssyncset.s32 @!p0 $0xFFFFF086;
	s6 =	sadd.s32 @!p0 s3, s7;
	s7 =	simm.s32 @!p0 $0x108  }
0x21: {  	s3 =	sadd.s32 s3, s9;
	s6 =	sadd.s32 @!p0 $0x88, s6;
	s7 =	simm.s32 @p2 $0x1082  }
0x22: {  	[simem:s7], [sflag:s8] =	dma.local @!p0 [hbm:s6], $0xF7A  }
0x23: {  	s9 =	sor.u32 $0xD0000000, s2;
	s6 =	simm.s32 $0x108;
	_ =	swait.ge @!p0 [sflag:s8], $0x0  }
0x24: {  	s3 =	sadd.s32 $0x88, s3;
	s6 =	simm.s32 @!p1 $0x1082;
	[sflag:s4] =	ssyncset.s32 $0xFFFFF086  }
0x25: {  	[simem:s6], [sflag:s4] =	dma.local [hbm:s3], $0xF7A  }
0x26: {  	[smem:$0x3F97] =	sst s1;
	(tag) =	ssettag s2;
	_ =	strace s9  }
0x27: {  	s1 =	sld [smem:$0x3FA7]  }
0x28: {  	s2 =	sld [smem:$0x3FA8]  }
0x29: {  	s4 =	sld [smem:$0x3FAA]  }
0x2a: {  	p0 =	seq.s32 s5, $0x0;
	s5 =	sld [smem:$0x3FAB]  }
0x2b: {  	s6 =	sld [smem:$0x3FAC]  }
0x2c: {  	s7 =	sld [smem:$0x3FAD]  }
0x2d: {  	s3 =	simm.s32 $0x108;
	s8 =	sld [smem:$0x3FAE]  }
0x2e: {  	s3 =	simm.s32 @!p0 $0x1082;
	s9 =	sld [smem:$0x3FAF]  }
0x2f: {  	lr =	sadd.s32 s0, s3;
	s0 =	sld [smem:$0x3FA6]  }
0x30: {  	s3 =	sld [smem:$0x3FA9]  }
0x31: {  	[smem:$0x3FB2] =	sst s10  }
0x32: {  	s10 =	sld [smem:$0x3FB0];
	_ =	sdelay $0x3  }
0x33: {  	p0 =	seq.s32 s10, $0x1;
	s10 =	sld [smem:$0x3FB2];
	_ =	sdelay $0x3  }
0x34: {  	[smem:$0x3FB2] =	sst s10  }
0x35: {  	s10 =	sld [smem:$0x3FB1];
	_ =	sdelay $0x3  }
0x36: {  	p1 =	seq.s32 s10, $0x1;
	s10 =	sld [smem:$0x3FB2];
	_ =	sdelay $0x3  }
0x37: {  	[smem:$0x3FB2] =	sst s10  }
0x38: {  	s10 =	sld [smem:$0x3FB3]  }
0x39: {  	_ = 	snop;
	(pc) =	sbr.ind lr, $3  }
0x3a: {  	_ = 	snop  }
0x3b: {  	_ = 	snop  }
0x3c: {  	p2 =	seq.s32 s10, $0x1;
	s10 =	sld [smem:$0x3FB2]  }
0x3d: {  	_ =	shalt  }
0x3e: {  	_ =	shalt  }
0x3f: {  	_ =	shalt  }
0x40: {  	_ =	shalt  }
0x41: {  	_ =	shalt  }
0x42: {  	_ =	shalt  }
0x43: {  	_ =	shalt  }
0x44: {  	_ =	shalt  }
0x45: {  	_ =	shalt  }
0x46: {  	_ =	shalt  }
0x47: {  	_ =	shalt  }
0x48: {  	_ =	shalt  }
0x49: {  	_ =	shalt  }
0x4a: {  	_ =	shalt  }
0x4b: {  	_ =	shalt  }
0x4c: {  	_ =	shalt  }
0x4d: {  	_ =	shalt  }
0x4e: {  	_ =	shalt  }
0x4f: {  	_ =	shalt  }
0x50: {  	_ =	shalt  }
0x51: {  	_ =	shalt  }
0x52: {  	_ =	shalt  }
0x53: {  	_ =	shalt  }
0x54: {  	_ =	shalt  }
0x55: {  	_ =	shalt  }
0x56: {  	_ =	shalt  }
0x57: {  	_ =	shalt  }
0x58: {  	_ =	shalt  }
0x59: {  	_ =	shalt  }
0x5a: {  	_ =	shalt  }
0x5b: {  	_ =	shalt  }
0x5c: {  	_ =	shalt  }
0x5d: {  	_ =	shalt  }
0x5e: {  	_ =	shalt  }
0x5f: {  	_ =	shalt  }
0x60: {  	_ =	shalt  }
0x61: {  	_ =	shalt  }
0x62: {  	_ =	shalt  }
0x63: {  	_ =	shalt  }
0x64: {  	_ =	shalt  }
0x65: {  	_ =	shalt  }
0x66: {  	_ =	shalt  }
0x67: {  	_ =	shalt  }
0x68: {  	_ =	shalt  }
0x69: {  	_ =	shalt  }
0x6a: {  	_ =	shalt  }
0x6b: {  	_ =	shalt  }
0x6c: {  	_ =	shalt  }
0x6d: {  	_ =	shalt  }
0x6e: {  	_ =	shalt  }
0x6f: {  	_ =	shalt  }
0x70: {  	_ =	shalt  }
0x71: {  	_ =	shalt  }
0x72: {  	_ =	shalt  }
0x73: {  	_ =	shalt  }
0x74: {  	_ =	shalt  }
0x75: {  	_ =	shalt  }
0x76: {  	_ =	shalt  }
0x77: {  	_ =	shalt  }
0x78: {  	_ =	shalt  }
0x79: {  	_ =	shalt  }
0x7a: {  	_ =	shalt  }
0x7b: {  	_ =	shalt  }
0x7c: {  	_ =	shalt  }
0x7d: {  	_ =	shalt  }
0x7e: {  	_ =	shalt  }
0x7f: {  	_ =	shalt  }
0x80: {  	_ =	shalt  }
0x81: {  	_ =	shalt  }
0x82: {  	_ =	shalt  }
0x83: {  	_ =	shalt  }
0x84: {  	_ =	shalt  }
0x85: {  	_ =	shalt  }
0x86: {  	_ =	shalt  }
0x87: {  	_ =	shalt  }
.Lfunc_end0:
.L_simem_size_0:
called_computation.2_lowered:
.L_overlay_start_0:
0x88: {  	s2 =	sld [smem:$0x3FD9]  }
0x89: {  	s3 =	sld [smem:$0x3FFE];
	_ =	sdelay $0x1  }
0x8a: {  	s1 =	srdreg.scid  }
0x8b: {  	s0 =	sand.u32 $0x1, s1  }
0x8c: {  	s16 =	sshll.u32 s0, $0xA;
	s2 =	sadd.s32 s3, s2  }
0x8d: {  	s2 =	sadd.s32 s2, s16  }
0x8e: {  	[smem:$0x3FBE] =	sst s2  }
0x8f: {  	_ = 	snop  }
0x90: {  	(tm) =	ssettm $0x1  }
0x91: {  	s17 =	sld [smem:$0x3FFB];
	_ =	sdelay $0x3  }
0x92: {  	_ =	strace s17  }
0x93: {  	s2 =	sld [smem:$0x3FFC];
	_ =	sdelay $0x3  }
0x94: {  	_ =	strace s2  }
0x95: {  	s2 =	sld [smem:$0x3FFD];
	_ =	sdelay $0x3  }
0x96: {  	_ =	strace s2  }
0x97: {  	_ =	strace $0x8FFFFFFF  }
0x98: {  	s18 =	sld [smem:$0x3FDB];
	_ =	sdelay $0x1  }
0x99: {  	s19 =	simm.s32 $_scs_section_size  }
0x9a: {  	s4 =	simm.s32 $_size__tile_overlayer_lowered;
	s5 =	simm.s32 $_tile_overlayer_lowered  }
0x9b: {  	s22 =	simm.s32 $0x1BFF;
	s21 =	sshll.u32 s5, $0x1;
	s2 =	sadd.s32 s19, s18  }
0x9c: {  	s6 =	simm.s32 $0x0;
	s20 =	sshll.u32 s4, $0x1;
	s4 =	sadd.s32 s21, s2  }
0x9d: {  	[timem:s6], [sflag:s22] =	dma.local [hbm:s4], s20  }
0x9e: {  	_ =	swait.ge [sflag:s22], s20  }
0x9f: {  	s3 =	ssub.s32 $0x0, s20;
	[sflag:s22] =	ssyncset.done $0x0  }
0xa0: {  	[sflag:s22] =	ssyncadd.s32 s3;
	_ =	sdelay $0x1  }
0xa1: {  	s23 =	simm.s32 $0x1B8B  }
0xa2: {  	_ =	swait.ge [sflag:s23], $0x1  }
0xa3: {  	[sflag:s23] =	ssyncset.done $0x0  }
0xa4: {  	s25 =	simm.s32 $0x1B8E;
	s24 =	sld [smem:$0x3FFE];
	[sflag:s23] =	ssyncadd.s32 $0xFFFFFFFF  }
0xa5: {  	s26 =	simm.s32 $execute0_lowered;
	[smem:$0x3FD2] =	sst s25  }
0xa6: {  	s4 =	sshll.u32 s26, $0x1;
	_ =	strace $0x8000004C;
	[dreg:$0x1] =	wrdreg $0xFFFFFFFF  }
0xa7: {  	s28 =	simm.s32 $_size_execute0_lowered;
	s2 =	sadd.s32 s2, s4;
	[dreg:$0x0] =	wrdreg $0x0  }
0xa8: {  	s4 =	sshll.u32 s28, $0x1;
	[dreg:$0x2] =	wrdreg s2  }
0xa9: {  	[dreg:$0x3] =	wrdreg s4  }
0xaa: {  	[dreg:$0x4] =	wrdreg $0xC0  }
0xab: {  	_ =	task [dreg:s6], $0x5FFFF  }
0xac: {  	[dreg:$0x1] =	wrdreg $0xFFFFFFFF  }
0xad: {  	[dreg:$0x0] =	wrdreg $0x60  }
0xae: {  	[dreg:$0x2] =	wrdreg s24  }
0xaf: {  	[dreg:$0x3] =	wrdreg $0xA8000  }
0xb0: {  	[dreg:$0x4] =	wrdreg $0x9  }
0xb1: {  	_ =	task.clear_ibuf [dreg:s6], $0x5FFFF;
	_ =	strace $0x9000004C  }
0xb2: {  	s29 =	simm.s32 $0x9;
	_ =	strace $0x8000004E  }
0xb3: {  	_ =	swait.ge [sflag:s29], $0x1  }
0xb4: {  	[sflag:s29] =	ssyncadd.s32 $0xFFFFFFFF  }
0xb5: {  	_ =	strace $0x9000004E  }
0xb6: {  	_ =	sfence  }
0xb7: {  	s30 =	sld [smem:$0x0];
	_ =	sdelay $0x2  }
0xb8: {  	s31 =	sshll.u32 s1, $0xD;
	s1 =	sshrl.u32 s1, $0x2  }
0xb9: {  	s3 =	sand.u32 $0x4000, s31;
	s1 =	sadd.s32 s1, s30  }
0xba: {  	s0 =	sor.u32 s3, s0;
	s1 =	sshll.u32 s1, $0x11  }
0xbb: {  	s0 =	sor.u32 s1, s0  }
0xbc: {  	s0 =	sadd.s32 $0x8F2B, s0  }
0xbd: {  	[sflag:s0] =	ssyncadd.remote.s32 $0x1  }
0xbe: {  	_ =	sfence.sel $0xFFFF  }
0xbf: {  	[dreg:$0x0] =	wrdreg $0xFFFFFFFF;
	(pc) =	sbr.abs _section_cstart, $3  }
0xc0: {  	[dreg:$0x1] =	wrdreg $0xFFFFFFFF  }
0xc1: {  	_ =	task.clear_ibuf [dreg:s6], $0x2FFFF;
	_ =	strace $0x9FFFFFFF  }
0xc2: {  	(tm) =	ssettm $0x7FFFFFFF  }
0xc3: {  	_ =	shalt  }
tec
execute0_lowered:
.L_overlay_start_1:
0x0: {  	(tag) =	ssettag $0x1  }
0x1: {  	s0 =	rddreg [dreg:$0x0]  }
0x2: {  	s2 =	rddreg [dreg:$0x1];
	s3 =	simm.s32 $0x0  }
0x3: {  	s13 =	stileid.u32;
	s4 =	srdreg.scid;
	s28 =	simm.s32 $0x1  }
0x4: {  	s29 =	simm.s32 $0x2;
	s30 =	simm.s32 $0x2700;
	s31 =	simm.s32 $0x2780  }
0x5: {  	[smem:$0x7FF] =	sst s3;
	s1 =	smul.u32 $0x13800, s13;
	s22 =	sadd.s32 $0x5FC00, s0  }
0x6: {  	s20 =	sadd.s32 $0xCA00, s0;
	s4 =	sand.u32 $0x1, s4;
	s5 =	sadd.s32 $0x5AC00, s0  }
0x7: {  	s9 =	sadd.s32 $0x7A00, s0;
	s12 =	smul.u32 $0x2800, s13;
	s18 =	sadd.s32 $0x31300, s0  }
0x8: {  	s19 =	smul.u32 $0x500, s13;
	s21 =	sadd.s32 $0x84500, s0;
	_ =	strace $0x8000004D  }
0x9: {  	s6 =	ssub.s32 $0x2, s4;
	p1 =	seq.s32 s4, $0x0;
	[dreg:$0x4] =	wrdreg s18  }
0xa: {  	[dreg:$0x6] =	wrdreg s21;
	s15 =	smov.u32 s20;
	p0 =	sne.s32 s4, $0x0  }
0xb: {  	s14 =	smov.u32 s22;
	s7 =	sshrl.u32 s1, $0x3;
	s8 =	sshrl.u32 s6, $0x1  }
0xc: {  	s12 =	sshrl.u32 s12, $0x3;
	s24 =	sadd.s32 s5, s19;
	p2 =	seq.s32 @p0 s13, $0xF  }
0xd: {  	p4 =	seq.s32 @!p0 s13, $0xF;
	s10 =	sadd.s32 s7, s0;
	s11 =	ssub.s32 s6, s8  }
0xe: {  	s6 =	sadd.s32 s1, s2;
	s17 =	sadd.s32 s20, s7;
	s8 =	sadd.s32 $0x124800, s2  }
0xf: {  	s7 =	sadd.s32 s22, s7;
	s23 =	sadd.s32 $0x280, s12;
	[dreg:$0x7] =	wrdreg s24  }
0x10: {  	s1 =	sadd.s32 s9, s19;
	s19 =	sadd.s32 $0xAB700, s0;
	s20 =	smov.u32 @p1 s22  }
0x11: {  	p1 =	por !p2, !p0;
	p2 =	por p2, !p0;
	[dreg:$0x3] =	wrdreg s17  }
0x12: {  	p3 =	por !p4, p0;
	p4 =	por p4, p0;
	[dreg:$0x5] =	wrdreg s7  }
0x13: {  	s22 =	simm.s32 $0x3;
	s24 =	simm.s32 $0x80;
	[dreg:$0x8] =	wrdreg s1  }
0x14: {  	s25 =	sadd.s32 s5, s23;
	s26 =	sadd.s32 s9, s23;
	s16 =	sadd.s32 $0xADF00, s10  }
0x15: {  	s17 =	sadd.s32 $0xD2800, s0;
	s18 =	sadd.s32 $0x86E00, s10;
	s21 =	smax.u32 s11, $0x1  }
0x16: {  	s23 =	simm.s32 $0x1400;
	s0 =	simm.s32 $0x0;
	[dreg:$0x9] =	wrdreg s25  }
0x17: {  	[dreg:$0xa] =	wrdreg s26;
	s25 =	simm.s32 $0x2800;
	s26 =	simm.s32 $0x6800  }
.LBB2_1:
0x18: {  	s7 =	sshrl.u32 @!p1 s8, $0x3;
	s1 =	simm.s32 @!p1 $0x1FC3;
	s4 =	rddreg [dreg:$0x4]  }
0x19: {  	[spmem:s7], [sflag:s1] =	dma.local @!p1 [hbm:s4], $0x2800  }
0x1a: {  	s1 =	simm.s32 @!p1 $0x3  }
0x1b: {  	s5 =	stileid.u32;
	_ =	swait.ge @!p1 [sflag:s1], $0x2800  }
0x1c: {  	s9 =	sshrl.u32 @!p2 s6, $0x3;
	s4 =	sshll.u32 @!p2 s5, $0x6;
	[sflag:s1] =	ssyncset.done @!p1 $0x0  }
0x1d: {  	[sflag:s1] =	ssyncadd.s32 @!p1 $0xFFFFD800;
	s1 =	sor.u32 @!p2 $0x1C03, s4;
	s4 =	rddreg [dreg:$0x3]  }
0x1e: {  	[spmem:s9], [sflag:s1] =	dma.local @!p2 [hbm:s4], $0x2700  }
0x1f: {  	s4 =	simm.s32 @!p2 $0x3  }
0x20: {  	_ =	swait.ge @!p2 [sflag:s4], $0x2700  }
0x21: {  	s10 =	sshrl.u32 @!p3 s8, $0x3;
	[sflag:s4] =	ssyncset.done @!p2 $0x0  }
0x22: {  	s11 =	rddreg [dreg:$0x6];
	[sflag:s4] =	ssyncadd.s32 @!p2 $0xFFFFD900;
	s4 =	simm.s32 @!p3 $0x1FC3  }
0x23: {  	[spmem:s10], [sflag:s4] =	dma.local @!p3 [hbm:s11], $0x2800  }
0x24: {  	s4 =	simm.s32 @!p3 $0x3  }
0x25: {  	s5 =	sshll.u32 @!p4 s5, $0x6;
	_ =	swait.ge @!p3 [sflag:s4], $0x2800  }
0x26: {  	s11 =	sor.u32 @!p4 $0x1C03, s5;
	[sflag:s4] =	ssyncset.done @!p3 $0x0  }
0x27: {  	s5 =	rddreg [dreg:$0x5];
	[sflag:s4] =	ssyncadd.s32 @!p3 $0xFFFFD800;
	s4 =	sshrl.u32 @!p4 s6, $0x3  }
0x28: {  	[spmem:s4], [sflag:s11] =	dma.local @!p4 [hbm:s5], $0x2700  }
0x29: {  	s5 =	simm.s32 @!p4 $0x3  }
0x2a: {  	_ =	swait.ge @!p4 [sflag:s5], $0x2700  }
0x2b: {  	[sflag:s5] =	ssyncset.done @!p4 $0x0  }
0x2c: {  	[sflag:s5] =	ssyncadd.s32 @!p4 $0xFFFFD900  }
0x2d: {  	[bflag:$0x0] =	sbarrier.arrive $0xFFFF  }
0x2e: {  	s13 =	rddreg [dreg:$0x7]  }
0x2f: {  	[tilespmem:s3], [sflag:$0x3] =	stream.linear.gather [hbm4b:s13+s3], $0x1400, $0x38;
	[tilespmem:$0x1E0C0] =	vst v63  }
0x30: {  	_ =	swait.ge [sflag:s22], $0x1400  }
0x31: {  	[sflag:s22] =	ssyncset.done $0x0  }
0x32: {  	s12 =	rddreg [dreg:$0x8];
	[sflag:s22] =	ssyncadd.s32 $0xFFFFEC00  }
0x33: {  	[tilespmem:s23], [sflag:$0x3] =	stream.linear.gather [hbm4b:s12+s3], $0x1400, $0x38;
	[tilespmem:$0x1E0C0] =	vst v63  }
0x34: {  	_ =	swait.ge [sflag:s22], $0x1400  }
0x35: {  	s5 =	smov.u32 s14;
	[sflag:s22] =	ssyncset.done $0x0  }
0x36: {  	s5 =	smov.u32 @p0 s15;
	[sflag:s22] =	ssyncadd.s32 $0xFFFFEC00  }
0x37: {  	[tilespmem:s25], [sflag:$0x1] =	stream.indirect.gather [hbm4b:s5+s24], $0x80, s3, s24, $0xb8;
	[tilespmem:$0x1E0C0] =	vst v63  }
0x38: {  	_ = 	snop  }
0x39: {  	[tilespmem:s26], [sflag:$0x2] =	stream.indirect.gather [hbm4b:s5+s24], $0x80, s24, s24, $0xb8;
	[tilespmem:$0x1E0C0] =	vst v63  }
0x3a: {  	_ =	swait.ge [sflag:s28], $0x4000  }
0x3b: {  	[sflag:s28] =	ssyncset.done $0x0  }
0x3c: {  	s13 =	simm.s32 $0x1400;
	[sflag:s28] =	ssyncadd.s32 $0xFFFFC000  }
0x3d: {  	[spmem:s2] =	stream.indirect.scatter.add.f32 [tilespmem:s25], [sflag:$0x3], $0x80, s13, s24, $0xb8;
	[tilespmem:$0x1E0C0] =	vst v63  }
0x3e: {  	_ =	swait.ge [sflag:s22], $0x4000  }
0x3f: {  	[sflag:s22] =	ssyncset.done $0x0  }
0x40: {  	s12 =	simm.s32 $0x100;
	[sflag:s22] =	ssyncadd.s32 $0xFFFFC000  }
0x41: {  	[tilespmem:s25], [sflag:$0x1] =	stream.indirect.gather [hbm4b:s20+s24], $0x80, s12, s24, $0xb8;
	[tilespmem:$0x1E0C0] =	vst v63  }
0x42: {  	_ =	swait.ge [sflag:s29], $0x4000  }
0x43: {  	[sflag:s29] =	ssyncset.done $0x0  }
0x44: {  	s13 =	simm.s32 $0x1480;
	[sflag:s29] =	ssyncadd.s32 $0xFFFFC000  }
0x45: {  	[spmem:s2] =	stream.indirect.scatter.add.f32 [tilespmem:s26], [sflag:$0x3], $0x80, s13, s24, $0xb8;
	[tilespmem:$0x1E0C0] =	vst v63  }
0x46: {  	_ =	swait.ge [sflag:s22], $0x4000  }
0x47: {  	[sflag:s22] =	ssyncset.done $0x0  }
0x48: {  	s5 =	simm.s32 $0x180;
	s12 =	simm.s32 $0x400;
	[sflag:s22] =	ssyncadd.s32 $0xFFFFC000  }
.LBB2_2:
0x49: {  	[tilespmem:s26], [sflag:$0x2] =	stream.indirect.gather [hbm4b:s20+s24], $0x80, s5, s24, $0xb8;
	[tilespmem:$0x1E0C0] =	vst v63  }
0x4a: {  	s5 =	smov.u32 s12  }
0x4b: {  	p5 =	sne.s32 s12, $0x4800;
	s12 =	sadd.s32 $0x400, s12;
	_ =	swait.ge [sflag:s28], $0x4000  }
0x4c: {  	s5 =	sshra.s32 s5, $0x2;
	[sflag:s28] =	ssyncset.done $0x0  }
0x4d: {  	s13 =	sadd.s32 $0x1400, s5;
	[sflag:s28] =	ssyncadd.s32 $0xFFFFC000  }
0x4e: {  	[spmem:s2] =	stream.indirect.scatter.add.f32 [tilespmem:s25], [sflag:$0x3], $0x80, s13, s24, $0xb8;
	[tilespmem:$0x1E0C0] =	vst v63  }
0x4f: {  	_ =	swait.ge [sflag:s22], $0x4000  }
0x50: {  	[sflag:s22] =	ssyncset.done $0x0  }
0x51: {  	s13 =	sadd.s32 $0x100, s5;
	[sflag:s22] =	ssyncadd.s32 $0xFFFFC000  }
0x52: {  	[tilespmem:s25], [sflag:$0x1] =	stream.indirect.gather [hbm4b:s20+s24], $0x80, s13, s24, $0xb8;
	[tilespmem:$0x1E0C0] =	vst v63  }
0x53: {  	_ =	swait.ge [sflag:s29], $0x4000  }
0x54: {  	[sflag:s29] =	ssyncset.done $0x0  }
.Ltmp0:
0x55: {  	s13 =	sadd.s32 $0x1480, s5;
	[sflag:s29] =	ssyncadd.s32 $0xFFFFC000;
	(pc) =	sbr.rel @p5 .LBB2_2-.Ltmp0, $4  }
0x56: {  	[spmem:s2] =	stream.indirect.scatter.add.f32 [tilespmem:s26], [sflag:$0x3], $0x80, s13, s24, $0xb8;
	[tilespmem:$0x1E0C0] =	vst v63  }
0x57: {  	_ =	swait.ge [sflag:s22], $0x4000  }
0x58: {  	[sflag:s22] =	ssyncset.done $0x0  }
0x59: {  	s5 =	sadd.s32 $0x180, s5;
	[sflag:s22] =	ssyncadd.s32 $0xFFFFC000  }
0x5a: {  	[tilespmem:s26], [sflag:$0x2] =	stream.indirect.gather [hbm4b:s20+s24], $0x80, s5, s24, $0xb8;
	[tilespmem:$0x1E0C0] =	vst v63  }
0x5b: {  	_ =	swait.ge [sflag:s28], $0x4000  }
0x5c: {  	[sflag:s28] =	ssyncset.done $0x0  }
0x5d: {  	[sflag:s28] =	ssyncadd.s32 $0xFFFFC000  }
0x5e: {  	[spmem:s2] =	stream.indirect.scatter.add.f32 [tilespmem:s25], [sflag:$0x3], $0x80, s30, s24, $0xb8;
	[tilespmem:$0x1E0C0] =	vst v63  }
0x5f: {  	_ =	swait.ge [sflag:s22], $0x4000  }
0x60: {  	[sflag:s22] =	ssyncset.done $0x0  }
0x61: {  	[sflag:s22] =	ssyncadd.s32 $0xFFFFC000  }
0x62: {  	_ =	swait.ge [sflag:s29], $0x4000  }
0x63: {  	[sflag:s29] =	ssyncset.done $0x0  }
0x64: {  	[sflag:s29] =	ssyncadd.s32 $0xFFFFC000  }
0x65: {  	[spmem:s2] =	stream.indirect.scatter.add.f32 [tilespmem:s26], [sflag:$0x3], $0x80, s31, s24, $0xb8;
	[tilespmem:$0x1E0C0] =	vst v63  }
0x66: {  	_ =	swait.ge [sflag:s22], $0x4000  }
0x67: {  	[sflag:s22] =	ssyncset.done $0x0  }
0x68: {  	s5 =	simm.s32 $0x0;
	s12 =	rddreg [dreg:$0x9];
	[sflag:s22] =	ssyncadd.s32 $0xFFFFC000  }
0x69: {  	[tilespmem:s5], [sflag:$0x3] =	stream.linear.gather [hbm4b:s12+s5], $0x1400, $0x38;
	[tilespmem:$0x1E0C0] =	vst v63  }
0x6a: {  	_ =	swait.ge [sflag:s22], $0x1400  }
0x6b: {  	[sflag:s22] =	ssyncset.done $0x0  }
0x6c: {  	s13 =	rddreg [dreg:$0xa];
	[sflag:s22] =	ssyncadd.s32 $0xFFFFEC00  }
0x6d: {  	[tilespmem:s23], [sflag:$0x3] =	stream.linear.gather [hbm4b:s13+s5], $0x1400, $0x38;
	[tilespmem:$0x1E0C0] =	vst v63  }
0x6e: {  	_ =	swait.ge [sflag:s22], $0x1400  }
0x6f: {  	[sflag:s22] =	ssyncset.done $0x0  }
0x70: {  	[sflag:s22] =	ssyncadd.s32 $0xFFFFEC00  }
0x71: {  	[tilespmem:s25], [sflag:$0x1] =	stream.indirect.gather [hbm4b:s20+s24], $0x80, s5, s24, $0xb8;
	[tilespmem:$0x1E0C0] =	vst v63  }
0x72: {  	_ = 	snop  }
0x73: {  	[tilespmem:s26], [sflag:$0x2] =	stream.indirect.gather [hbm4b:s20+s24], $0x80, s24, s24, $0xb8;
	[tilespmem:$0x1E0C0] =	vst v63  }
0x74: {  	_ =	swait.ge [sflag:s28], $0x4000  }
0x75: {  	[sflag:s28] =	ssyncset.done $0x0  }
0x76: {  	s13 =	simm.s32 $0x1400;
	[sflag:s28] =	ssyncadd.s32 $0xFFFFC000  }
0x77: {  	[spmem:s2] =	stream.indirect.scatter.add.f32 [tilespmem:s25], [sflag:$0x3], $0x80, s13, s24, $0xb8;
	[tilespmem:$0x1E0C0] =	vst v63  }
0x78: {  	_ =	swait.ge [sflag:s22], $0x4000  }
0x79: {  	[sflag:s22] =	ssyncset.done $0x0  }
0x7a: {  	s12 =	simm.s32 $0x100;
	[sflag:s22] =	ssyncadd.s32 $0xFFFFC000  }
0x7b: {  	[tilespmem:s25], [sflag:$0x1] =	stream.indirect.gather [hbm4b:s20+s24], $0x80, s12, s24, $0xb8;
	[tilespmem:$0x1E0C0] =	vst v63  }
0x7c: {  	_ =	swait.ge [sflag:s29], $0x4000  }
0x7d: {  	[sflag:s29] =	ssyncset.done $0x0  }
0x7e: {  	s13 =	simm.s32 $0x1480;
	[sflag:s29] =	ssyncadd.s32 $0xFFFFC000  }
0x7f: {  	[spmem:s2] =	stream.indirect.scatter.add.f32 [tilespmem:s26], [sflag:$0x3], $0x80, s13, s24, $0xb8;
	[tilespmem:$0x1E0C0] =	vst v63  }
0x80: {  	_ =	swait.ge [sflag:s22], $0x4000  }
0x81: {  	[sflag:s22] =	ssyncset.done $0x0  }
0x82: {  	s5 =	simm.s32 $0x180;
	s12 =	simm.s32 $0x400;
	[sflag:s22] =	ssyncadd.s32 $0xFFFFC000  }
.LBB2_4:
0x83: {  	[tilespmem:s26], [sflag:$0x2] =	stream.indirect.gather [hbm4b:s20+s24], $0x80, s5, s24, $0xb8;
	[tilespmem:$0x1E0C0] =	vst v63  }
0x84: {  	s5 =	smov.u32 s12  }
0x85: {  	p5 =	sne.s32 s12, $0x4800;
	s12 =	sadd.s32 $0x400, s12;
	_ =	swait.ge [sflag:s28], $0x4000  }
0x86: {  	s5 =	sshra.s32 s5, $0x2;
	[sflag:s28] =	ssyncset.done $0x0  }
0x87: {  	s13 =	sadd.s32 $0x1400, s5;
	[sflag:s28] =	ssyncadd.s32 $0xFFFFC000  }
0x88: {  	[spmem:s2] =	stream.indirect.scatter.add.f32 [tilespmem:s25], [sflag:$0x3], $0x80, s13, s24, $0xb8;
	[tilespmem:$0x1E0C0] =	vst v63  }
0x89: {  	_ =	swait.ge [sflag:s22], $0x4000  }
0x8a: {  	[sflag:s22] =	ssyncset.done $0x0  }
0x8b: {  	s13 =	sadd.s32 $0x100, s5;
	[sflag:s22] =	ssyncadd.s32 $0xFFFFC000  }
0x8c: {  	[tilespmem:s25], [sflag:$0x1] =	stream.indirect.gather [hbm4b:s20+s24], $0x80, s13, s24, $0xb8;
	[tilespmem:$0x1E0C0] =	vst v63  }
0x8d: {  	_ =	swait.ge [sflag:s29], $0x4000  }
0x8e: {  	[sflag:s29] =	ssyncset.done $0x0  }
.Ltmp1:
0x8f: {  	s13 =	sadd.s32 $0x1480, s5;
	[sflag:s29] =	ssyncadd.s32 $0xFFFFC000;
	(pc) =	sbr.rel @p5 .LBB2_4-.Ltmp1, $4  }
0x90: {  	[spmem:s2] =	stream.indirect.scatter.add.f32 [tilespmem:s26], [sflag:$0x3], $0x80, s13, s24, $0xb8;
	[tilespmem:$0x1E0C0] =	vst v63  }
0x91: {  	_ =	swait.ge [sflag:s22], $0x4000  }
0x92: {  	[sflag:s22] =	ssyncset.done $0x0  }
0x93: {  	s5 =	sadd.s32 $0x180, s5;
	[sflag:s22] =	ssyncadd.s32 $0xFFFFC000  }
0x94: {  	[tilespmem:s26], [sflag:$0x2] =	stream.indirect.gather [hbm4b:s20+s24], $0x80, s5, s24, $0xb8;
	[tilespmem:$0x1E0C0] =	vst v63  }
0x95: {  	_ =	swait.ge [sflag:s28], $0x4000  }
0x96: {  	[sflag:s28] =	ssyncset.done $0x0  }
0x97: {  	[sflag:s28] =	ssyncadd.s32 $0xFFFFC000  }
0x98: {  	[spmem:s2] =	stream.indirect.scatter.add.f32 [tilespmem:s25], [sflag:$0x3], $0x80, s30, s24, $0xb8;
	[tilespmem:$0x1E0C0] =	vst v63  }
0x99: {  	_ =	swait.ge [sflag:s22], $0x4000  }
0x9a: {  	[sflag:s22] =	ssyncset.done $0x0  }
0x9b: {  	[sflag:s22] =	ssyncadd.s32 $0xFFFFC000  }
0x9c: {  	_ =	swait.ge [sflag:s29], $0x4000  }
0x9d: {  	[sflag:s29] =	ssyncset.done $0x0  }
0x9e: {  	[sflag:s29] =	ssyncadd.s32 $0xFFFFC000  }
0x9f: {  	[spmem:s2] =	stream.indirect.scatter.add.f32 [tilespmem:s26], [sflag:$0x3], $0x80, s31, s24, $0xb8;
	[tilespmem:$0x1E0C0] =	vst v63  }
0xa0: {  	_ =	swait.ge [sflag:s22], $0x4000  }
0xa1: {  	[sflag:s22] =	ssyncset.done $0x0  }
0xa2: {  	[sflag:s22] =	ssyncadd.s32 $0xFFFFC000  }
0xa3: {  	s5 =	simm.s32 @!p1 $0x1FC3;
	[bflag:$0x0] =	sbarrier.arrive $0xFFFF  }
0xa4: {  	[hbm:s17], [sflag:s5] =	dma.local @!p1 [spmem:s7], $0x2800  }
0xa5: {  	s5 =	simm.s32 @!p1 $0x3  }
0xa6: {  	_ =	swait.ge @!p1 [sflag:s5], $0x2800  }
0xa7: {  	[sflag:s5] =	ssyncset.done @!p1 $0x0  }
0xa8: {  	[sflag:s5] =	ssyncadd.s32 @!p1 $0xFFFFD800  }
0xa9: {  	[hbm:s16], [sflag:s1] =	dma.local @!p2 [spmem:s9], $0x2700  }
0xaa: {  	s1 =	simm.s32 @!p2 $0x3  }
0xab: {  	_ =	swait.ge @!p2 [sflag:s1], $0x2700  }
0xac: {  	[sflag:s1] =	ssyncset.done @!p2 $0x0  }
0xad: {  	[sflag:s1] =	ssyncadd.s32 @!p2 $0xFFFFD900;
	s1 =	simm.s32 @!p3 $0x1FC3  }
0xae: {  	[hbm:s19], [sflag:s1] =	dma.local @!p3 [spmem:s10], $0x2800  }
0xaf: {  	s1 =	simm.s32 @!p3 $0x3  }
0xb0: {  	s0 =	sadd.s32 $0x1, s0;
	_ =	swait.ge @!p3 [sflag:s1], $0x2800  }
0xb1: {  	p5 =	sne.s32 s0, s21;
	[sflag:s1] =	ssyncset.done @!p3 $0x0  }
.Ltmp2:
0xb2: {  	[sflag:s1] =	ssyncadd.s32 @!p3 $0xFFFFD800;
	s1 =	simm.s32 @!p4 $0x3;
	(pc) =	sbr.rel @p5 .LBB2_1-.Ltmp2, $4  }
0xb3: {  	[hbm:s18], [sflag:s11] =	dma.local @!p4 [spmem:s4], $0x2700  }
0xb4: {  	_ =	swait.ge @!p4 [sflag:s1], $0x2700  }
0xb5: {  	[sflag:s1] =	ssyncset.done @!p4 $0x0  }
0xb6: {  	[sflag:s1] =	ssyncadd.s32 @!p4 $0xFFFFD900  }
0xb7: {  	_ =	sfence.sel $0x180000  }
0xb8: {  	[bflag:$0x0] =	sbarrier.arrive $0xFFFF  }
0xb9: {  	_ =	strace $0x9000004D  }
0xba: {  	s0 =	stileid.u32;
	[bflag:$0x2] =	sbarrier.arrive $0xFFFF  }
0xbb: {  	p0 =	sne.s32 s0, $0x0;
	s0 =	rddreg [dreg:$0x2]  }
0xbc: {  	s0 =	sadd.s32 @!p0 $0x100000, s0  }
0xbd: {  	[sflag:s0] =	ssyncadd.tile.s32 @!p0 $0x1;
	_ =	shalt  }
.Lfunc_end2:
_tile_overlayer_lowered:
.L_overlay_start_2:
0xbe: {  	(tag) =	ssettag $0x2  }
0xbf: {  	s0 =	rddreg [dreg:$0x0];
	s2 =	stileid.u32  }
0xc0: {  	s1 =	rddreg [dreg:$0x1];
	p0 =	sne.s32 s2, $0x0  }
0xc1: {  	s3 =	rddreg [dreg:$0x2];
	[bflag:$0x3] =	sbarrier.arrive $0xFFFF;
	s2 =	simm.s32 @!p0 $0x1C03  }
0xc2: {  	[timem:s3], [sflag:s2] =	dma.local @!p0 [hbm:s0], s1  }
0xc3: {  	s0 =	simm.s32 @!p0 $0x3  }
0xc4: {  	_ =	swait.ge @!p0 [sflag:s0], s1  }
0xc5: {  	s1 =	ssub.s32 @!p0 $0x0, s1;
	[sflag:s0] =	ssyncset.done @!p0 $0x0  }
0xc6: {  	[sflag:s0] =	ssyncadd.s32 @!p0 s1  }
0xc7: {  	[bflag:$0x3] =	sbarrier.arrive $0xFFFF  }
0xc8: {  	_ =	shalt  }

// kernel: _run.23.cloned.1.call-start
scs
__scs_entry_jumppad:
0x0: {  	(pc) =	sbr.rel $0x88, $3  }
0x1: {  	(tag) =	ssettag $0x0;
	lr =	simm.s32 $0x1  }
0x2: {  	[smem:$0x3F97] =	sst lr;
	_ =	strace $0xD0000000  }
0x3: {  	_ = 	snop  }
0x4: {  	_ = 	snop  }
0x5: {  	_ = 	snop  }
0x6: {  	_ = 	snop  }
0x7: {  	_ = 	snop  }
__scs_overlays_trampoline_lowered:
0x8: {  	[smem:$0x3FA6] =	sst s0  }
0x9: {  	[smem:$0x3FA7] =	sst s1  }
0xa: {  	[smem:$0x3FA8] =	sst s2  }
0xb: {  	[smem:$0x3FA9] =	sst s3  }
0xc: {  	[smem:$0x3FAA] =	sst s4  }
0xd: {  	[smem:$0x3FAB] =	sst s5  }
0xe: {  	[smem:$0x3FAC] =	sst s6  }
0xf: {  	[smem:$0x3FAD] =	sst s7  }
0x10: {  	[smem:$0x3FAE] =	sst s8  }
0x11: {  	[smem:$0x3FAF] =	sst s9;
	s0 =	simm.s32 @!p0 $0x0  }
0x12: {  	s1 =	sld [smem:$0x3F95];
	s0 =	simm.s32 @p0 $0x1  }
0x13: {  	[smem:$0x3FB0] =	sst s0;
	s0 =	simm.s32 @!p1 $0x0  }
0x14: {  	s2 =	sld [smem:$0x3F94];
	s0 =	simm.s32 @p1 $0x1  }
0x15: {  	[smem:$0x3FB1] =	sst s0;
	s0 =	simm.s32 @!p2 $0x0  }
0x16: {  	s3 =	sld [smem:$0x3FDB];
	s0 =	simm.s32 @p2 $0x1  }
0x17: {  	s4 =	simm.s32 $0x1BF5;
	[smem:$0x3FB3] =	sst s0  }
0x18: {  	s0 =	sld [smem:$0x3F96];
	_ =	swait.ge [sflag:s4], $0x0  }
0x19: {  	s7 =	sld [smem:$0x3F97]  }
0x1a: {  	s8 =	sadd.s32 $0xFFFFE003, lr  }
0x1b: {  	s9 =	sadd.s32 $0xFFFFFEF7, lr;
	s5 =	simm.s32 $0xFFFFFFFF;
	p2 =	slt.u32 s8, $0xFFFFF086  }
0x1c: {  	p1 =	slt.u32 s9, $0xF7A;
	s5 =	simm.s32 @!p2 $0x0  }
0x1d: {  	s5 =	simm.s32 @p1 $0x1;
	p0 =	seq.s32 s7, s2  }
0x1e: {  	s7 =	smul.u32 @!p0 $0xF7A, s2;
	p2 =	seq.s32 @!p0 s5, $0x0  }
0x1f: {  	s9 =	smul.u32 $0xF7A, s1;
	s8 =	simm.s32 @!p0 $0x1BF5;
	p2 =	por !p2, p0  }
0x20: {  	[sflag:s8] =	ssyncset.s32 @!p0 $0xFFFFF086;
	s6 =	sadd.s32 @!p0 s3, s7;
	s7 =	simm.s32 @!p0 $0x108  }
0x21: {  	s3 =	sadd.s32 s3, s9;
	s6 =	sadd.s32 @!p0 $0x88, s6;
	s7 =	simm.s32 @p2 $0x1082  }
0x22: {  	[simem:s7], [sflag:s8] =	dma.local @!p0 [hbm:s6], $0xF7A  }
0x23: {  	s9 =	sor.u32 $0xD0000000, s2;
	s6 =	simm.s32 $0x108;
	_ =	swait.ge @!p0 [sflag:s8], $0x0  }
0x24: {  	s3 =	sadd.s32 $0x88, s3;
	s6 =	simm.s32 @!p1 $0x1082;
	[sflag:s4] =	ssyncset.s32 $0xFFFFF086  }
0x25: {  	[simem:s6], [sflag:s4] =	dma.local [hbm:s3], $0xF7A  }
0x26: {  	[smem:$0x3F97] =	sst s1;
	(tag) =	ssettag s2;
	_ =	strace s9  }
0x27: {  	s1 =	sld [smem:$0x3FA7]  }
0x28: {  	s2 =	sld [smem:$0x3FA8]  }
0x29: {  	s4 =	sld [smem:$0x3FAA]  }
0x2a: {  	p0 =	seq.s32 s5, $0x0;
	s5 =	sld [smem:$0x3FAB]  }
0x2b: {  	s6 =	sld [smem:$0x3FAC]  }
0x2c: {  	s7 =	sld [smem:$0x3FAD]  }
0x2d: {  	s3 =	simm.s32 $0x108;
	s8 =	sld [smem:$0x3FAE]  }
0x2e: {  	s3 =	simm.s32 @!p0 $0x1082;
	s9 =	sld [smem:$0x3FAF]  }
0x2f: {  	lr =	sadd.s32 s0, s3;
	s0 =	sld [smem:$0x3FA6]  }
0x30: {  	s3 =	sld [smem:$0x3FA9]  }
0x31: {  	[smem:$0x3FB2] =	sst s10  }
0x32: {  	s10 =	sld [smem:$0x3FB0];
	_ =	sdelay $0x3  }
0x33: {  	p0 =	seq.s32 s10, $0x1;
	s10 =	sld [smem:$0x3FB2];
	_ =	sdelay $0x3  }
0x34: {  	[smem:$0x3FB2] =	sst s10  }
0x35: {  	s10 =	sld [smem:$0x3FB1];
	_ =	sdelay $0x3  }
0x36: {  	p1 =	seq.s32 s10, $0x1;
	s10 =	sld [smem:$0x3FB2];
	_ =	sdelay $0x3  }
0x37: {  	[smem:$0x3FB2] =	sst s10  }
0x38: {  	s10 =	sld [smem:$0x3FB3]  }
0x39: {  	_ = 	snop;
	(pc) =	sbr.ind lr, $3  }
0x3a: {  	_ = 	snop  }
0x3b: {  	_ = 	snop  }
0x3c: {  	p2 =	seq.s32 s10, $0x1;
	s10 =	sld [smem:$0x3FB2]  }
0x3d: {  	_ =	shalt  }
0x3e: {  	_ =	shalt  }
0x3f: {  	_ =	shalt  }
0x40: {  	_ =	shalt  }
0x41: {  	_ =	shalt  }
0x42: {  	_ =	shalt  }
0x43: {  	_ =	shalt  }
0x44: {  	_ =	shalt  }
0x45: {  	_ =	shalt  }
0x46: {  	_ =	shalt  }
0x47: {  	_ =	shalt  }
0x48: {  	_ =	shalt  }
0x49: {  	_ =	shalt  }
0x4a: {  	_ =	shalt  }
0x4b: {  	_ =	shalt  }
0x4c: {  	_ =	shalt  }
0x4d: {  	_ =	shalt  }
0x4e: {  	_ =	shalt  }
0x4f: {  	_ =	shalt  }
0x50: {  	_ =	shalt  }
0x51: {  	_ =	shalt  }
0x52: {  	_ =	shalt  }
0x53: {  	_ =	shalt  }
0x54: {  	_ =	shalt  }
0x55: {  	_ =	shalt  }
0x56: {  	_ =	shalt  }
0x57: {  	_ =	shalt  }
0x58: {  	_ =	shalt  }
0x59: {  	_ =	shalt  }
0x5a: {  	_ =	shalt  }
0x5b: {  	_ =	shalt  }
0x5c: {  	_ =	shalt  }
0x5d: {  	_ =	shalt  }
0x5e: {  	_ =	shalt  }
0x5f: {  	_ =	shalt  }
0x60: {  	_ =	shalt  }
0x61: {  	_ =	shalt  }
0x62: {  	_ =	shalt  }
0x63: {  	_ =	shalt  }
0x64: {  	_ =	shalt  }
0x65: {  	_ =	shalt  }
0x66: {  	_ =	shalt  }
0x67: {  	_ =	shalt  }
0x68: {  	_ =	shalt  }
0x69: {  	_ =	shalt  }
0x6a: {  	_ =	shalt  }
0x6b: {  	_ =	shalt  }
0x6c: {  	_ =	shalt  }
0x6d: {  	_ =	shalt  }
0x6e: {  	_ =	shalt  }
0x6f: {  	_ =	shalt  }
0x70: {  	_ =	shalt  }
0x71: {  	_ =	shalt  }
0x72: {  	_ =	shalt  }
0x73: {  	_ =	shalt  }
0x74: {  	_ =	shalt  }
0x75: {  	_ =	shalt  }
0x76: {  	_ =	shalt  }
0x77: {  	_ =	shalt  }
0x78: {  	_ =	shalt  }
0x79: {  	_ =	shalt  }
0x7a: {  	_ =	shalt  }
0x7b: {  	_ =	shalt  }
0x7c: {  	_ =	shalt  }
0x7d: {  	_ =	shalt  }
0x7e: {  	_ =	shalt  }
0x7f: {  	_ =	shalt  }
0x80: {  	_ =	shalt  }
0x81: {  	_ =	shalt  }
0x82: {  	_ =	shalt  }
0x83: {  	_ =	shalt  }
0x84: {  	_ =	shalt  }
0x85: {  	_ =	shalt  }
0x86: {  	_ =	shalt  }
0x87: {  	_ =	shalt  }
.Lfunc_end0:
.L_simem_size_0:
called_computation.3_lowered:
.L_overlay_start_0:
0x88: {  	s2 =	sld [smem:$0x3FD9]  }
0x89: {  	s3 =	sld [smem:$0x3FFE];
	_ =	sdelay $0x1  }
0x8a: {  	s1 =	srdreg.scid  }
0x8b: {  	s0 =	sand.u32 $0x1, s1  }
0x8c: {  	s16 =	sshll.u32 s0, $0xA;
	s2 =	sadd.s32 s3, s2  }
0x8d: {  	s2 =	sadd.s32 s2, s16  }
0x8e: {  	[smem:$0x3FBE] =	sst s2  }
0x8f: {  	_ = 	snop  }
0x90: {  	(tm) =	ssettm $0x1  }
0x91: {  	s17 =	sld [smem:$0x3FFB];
	_ =	sdelay $0x3  }
0x92: {  	_ =	strace s17  }
0x93: {  	s2 =	sld [smem:$0x3FFC];
	_ =	sdelay $0x3  }
0x94: {  	_ =	strace s2  }
0x95: {  	s2 =	sld [smem:$0x3FFD];
	_ =	sdelay $0x3  }
0x96: {  	_ =	strace s2  }
0x97: {  	_ =	strace $0x8FFFFFFF  }
0x98: {  	s18 =	sld [smem:$0x3FDB];
	_ =	sdelay $0x1  }
0x99: {  	s19 =	simm.s32 $_scs_section_size  }
0x9a: {  	s4 =	simm.s32 $_size__tile_overlayer_lowered;
	s5 =	simm.s32 $_tile_overlayer_lowered  }
0x9b: {  	s22 =	simm.s32 $0x1BFF;
	s21 =	sshll.u32 s5, $0x1;
	s2 =	sadd.s32 s19, s18  }
0x9c: {  	s6 =	simm.s32 $0x0;
	s20 =	sshll.u32 s4, $0x1;
	s4 =	sadd.s32 s21, s2  }
0x9d: {  	[timem:s6], [sflag:s22] =	dma.local [hbm:s4], s20  }
0x9e: {  	_ =	swait.ge [sflag:s22], s20  }
0x9f: {  	s3 =	ssub.s32 $0x0, s20;
	[sflag:s22] =	ssyncset.done $0x0  }
0xa0: {  	[sflag:s22] =	ssyncadd.s32 s3;
	_ =	sdelay $0x1  }
0xa1: {  	s23 =	simm.s32 $0x1B8B  }
0xa2: {  	_ =	swait.ge [sflag:s23], $0x1  }
0xa3: {  	[sflag:s23] =	ssyncset.done $0x0  }
0xa4: {  	s25 =	simm.s32 $0x1B8E;
	s24 =	sld [smem:$0x3FFE];
	[sflag:s23] =	ssyncadd.s32 $0xFFFFFFFF  }
0xa5: {  	s26 =	simm.s32 $execute0_lowered;
	[smem:$0x3FD2] =	sst s25  }
0xa6: {  	s4 =	sshll.u32 s26, $0x1;
	_ =	strace $0x8000004F;
	[dreg:$0x1] =	wrdreg $0xFFFFFFFF  }
0xa7: {  	s28 =	simm.s32 $_size_execute0_lowered;
	s2 =	sadd.s32 s2, s4;
	[dreg:$0x0] =	wrdreg $0x0  }
0xa8: {  	s4 =	sshll.u32 s28, $0x1;
	[dreg:$0x2] =	wrdreg s2  }
0xa9: {  	[dreg:$0x3] =	wrdreg s4  }
0xaa: {  	[dreg:$0x4] =	wrdreg $0xC0  }
0xab: {  	_ =	task [dreg:s6], $0x5FFFF  }
0xac: {  	[dreg:$0x1] =	wrdreg $0xFFFFFFFF  }
0xad: {  	[dreg:$0x0] =	wrdreg $0x60  }
0xae: {  	[dreg:$0x2] =	wrdreg s24  }
0xaf: {  	[dreg:$0x3] =	wrdreg $0xA8000  }
0xb0: {  	[dreg:$0x4] =	wrdreg $0x9  }
0xb1: {  	_ =	task.clear_ibuf [dreg:s6], $0x5FFFF;
	_ =	strace $0x9000004F  }
0xb2: {  	s29 =	simm.s32 $0x9;
	_ =	strace $0x80000051  }
0xb3: {  	_ =	swait.ge [sflag:s29], $0x1  }
0xb4: {  	[sflag:s29] =	ssyncadd.s32 $0xFFFFFFFF  }
0xb5: {  	_ =	strace $0x90000051  }
0xb6: {  	_ =	sfence  }
0xb7: {  	s30 =	sld [smem:$0x0];
	_ =	sdelay $0x2  }
0xb8: {  	s31 =	sshll.u32 s1, $0xD;
	s1 =	sshrl.u32 s1, $0x2  }
0xb9: {  	s3 =	sand.u32 $0x4000, s31;
	s1 =	sadd.s32 s1, s30  }
0xba: {  	s0 =	sor.u32 s3, s0;
	s1 =	sshll.u32 s1, $0x11  }
0xbb: {  	s0 =	sor.u32 s1, s0  }
0xbc: {  	s0 =	sadd.s32 $0x8F2B, s0  }
0xbd: {  	[sflag:s0] =	ssyncadd.remote.s32 $0x1  }
0xbe: {  	_ =	sfence.sel $0xFFFF  }
0xbf: {  	[dreg:$0x0] =	wrdreg $0xFFFFFFFF;
	(pc) =	sbr.abs _section_cstart, $3  }
0xc0: {  	[dreg:$0x1] =	wrdreg $0xFFFFFFFF  }
0xc1: {  	_ =	task.clear_ibuf [dreg:s6], $0x2FFFF;
	_ =	strace $0x9FFFFFFF  }
0xc2: {  	(tm) =	ssettm $0x7FFFFFFF  }
0xc3: {  	_ =	shalt  }
tec
execute0_lowered:
.L_overlay_start_1:
0x0: {  	(tag) =	ssettag $0x1  }
0x1: {  	s14 =	rddreg [dreg:$0x0]  }
0x2: {  	s1 =	rddreg [dreg:$0x1];
	s2 =	srdreg.scid;
	s3 =	simm.s32 $0x0  }
0x3: {  	s19 =	simm.s32 $0x3;
	s20 =	simm.s32 $0x1400;
	s21 =	simm.s32 $0x80  }
0x4: {  	s22 =	simm.s32 $0x2800;
	s23 =	simm.s32 $0x6800;
	s24 =	simm.s32 $0x1  }
0x5: {  	s25 =	simm.s32 $0x2;
	s26 =	simm.s32 $0x2700;
	s28 =	simm.s32 $0x2780  }
0x6: {  	s29 =	simm.s32 $0x0;
	s11 =	sand.u32 $0x1, s2;
	s2 =	stileid.u32  }
0x7: {  	[smem:$0x7FF] =	sst s3;
	s12 =	sadd.s32 $0x84500, s14;
	s4 =	sshll.u32 s11, $0x4  }
0x8: {  	s5 =	smul.u32 $0x13800, s2;
	_ =	strace $0x80000050;
	s7 =	ssub.s32 $0x2, s11  }
0x9: {  	p4 =	seq.s32 s11, $0x1;
	p0 =	seq.s32 s2, $0xF;
	s4 =	sor.u32 s2, s4  }
0xa: {  	s9 =	sshrl.u32 s7, $0x1;
	s17 =	sshll.u32 @!p0 s2, $0x6;
	p2 =	seq.s32 @p4 s2, $0xF  }
0xb: {  	p5 =	seq.s32 @!p4 s2, $0xF;
	s6 =	smul.u32 $0x280, s4;
	s4 =	sadd.s32 $0xCA00, s14  }
0xc: {  	s8 =	sshrl.u32 s5, $0x3;
	s15 =	ssub.s32 s7, s9;
	s5 =	sadd.s32 s5, s1  }
0xd: {  	s7 =	sadd.s32 $0x124800, s1;
	s17 =	sor.u32 @!p0 $0x1C03, s17;
	p1 =	por !p2, !p4  }
0xe: {  	p2 =	por p2, !p4;
	p3 =	por !p5, p4;
	p4 =	por p5, p4  }
0xf: {  	s13 =	sadd.s32 s8, s14;
	s15 =	smax.u32 s15, $0x1;
	s16 =	sshrl.u32 @p0 s7, $0x3  }
0x10: {  	s18 =	sshrl.u32 @!p0 s5, $0x3;
	s10 =	sadd.s32 s6, s14;
	s6 =	sadd.s32 s4, s8  }
0x11: {  	s8 =	sadd.s32 $0x31300, s14;
	s11 =	sadd.s32 $0x5FC00, s13;
	s13 =	sadd.s32 $0x86D00, s13  }
0x12: {  	s14 =	sadd.s32 $0xAB600, s14;
	s9 =	sadd.s32 $0x5AC00, s10;
	s10 =	sadd.s32 $0x7A00, s10  }
.LBB2_1:
0x13: {  	s30 =	simm.s32 @p0 $0x1FC3  }
0x14: {  	[spmem:s16], [sflag:s30] =	dma.local @p0 [hbm:s8], $0x2800  }
0x15: {  	s30 =	simm.s32 @p0 $0x3  }
0x16: {  	_ =	swait.ge @p0 [sflag:s30], $0x2800  }
0x17: {  	[sflag:s30] =	ssyncset.done @p0 $0x0  }
0x18: {  	[sflag:s30] =	ssyncadd.s32 @p0 $0xFFFFD800;
	s30 =	simm.s32 @!p0 $0x3  }
0x19: {  	[spmem:s18], [sflag:s17] =	dma.local @!p0 [hbm:s6], $0x2700  }
0x1a: {  	_ =	swait.ge @!p0 [sflag:s30], $0x2700  }
0x1b: {  	[sflag:s30] =	ssyncset.done @!p0 $0x0  }
0x1c: {  	[sflag:s30] =	ssyncadd.s32 @!p0 $0xFFFFD900  }
0x1d: {  	[bflag:$0x0] =	sbarrier.arrive $0xFFFF  }
0x1e: {  	[tilespmem:s3], [sflag:$0x3] =	stream.linear.gather [hbm4b:s9+s3], $0x1400, $0x38;
	[tilespmem:$0x1E0C0] =	vst v63  }
0x1f: {  	_ =	swait.ge [sflag:s19], $0x1400  }
0x20: {  	[sflag:s19] =	ssyncset.done $0x0  }
0x21: {  	[sflag:s19] =	ssyncadd.s32 $0xFFFFEC00  }
0x22: {  	[tilespmem:s20], [sflag:$0x3] =	stream.linear.gather [hbm4b:s10+s3], $0x1400, $0x38;
	[tilespmem:$0x1E0C0] =	vst v63  }
0x23: {  	_ =	swait.ge [sflag:s19], $0x1400  }
0x24: {  	[sflag:s19] =	ssyncset.done $0x0  }
0x25: {  	[sflag:s19] =	ssyncadd.s32 $0xFFFFEC00  }
0x26: {  	[tilespmem:s22], [sflag:$0x1] =	stream.indirect.gather [hbm4b:s4+s21], $0x80, s3, s21, $0xb8;
	[tilespmem:$0x1E0C0] =	vst v63  }
0x27: {  	_ = 	snop  }
0x28: {  	[tilespmem:s23], [sflag:$0x2] =	stream.indirect.gather [hbm4b:s4+s21], $0x80, s21, s21, $0xb8;
	[tilespmem:$0x1E0C0] =	vst v63  }
0x29: {  	_ =	swait.ge [sflag:s24], $0x4000  }
0x2a: {  	[sflag:s24] =	ssyncset.done $0x0  }
0x2b: {  	s30 =	simm.s32 $0x1400;
	[sflag:s24] =	ssyncadd.s32 $0xFFFFC000  }
0x2c: {  	[spmem:s1] =	stream.indirect.scatter.add.f32 [tilespmem:s22], [sflag:$0x3], $0x80, s30, s21, $0xb8;
	[tilespmem:$0x1E0C0] =	vst v63  }
0x2d: {  	_ =	swait.ge [sflag:s19], $0x4000  }
0x2e: {  	[sflag:s19] =	ssyncset.done $0x0  }
0x2f: {  	s30 =	simm.s32 $0x100;
	[sflag:s19] =	ssyncadd.s32 $0xFFFFC000  }
0x30: {  	[tilespmem:s22], [sflag:$0x1] =	stream.indirect.gather [hbm4b:s4+s21], $0x80, s30, s21, $0xb8;
	[tilespmem:$0x1E0C0] =	vst v63  }
0x31: {  	_ =	swait.ge [sflag:s25], $0x4000  }
0x32: {  	[sflag:s25] =	ssyncset.done $0x0  }
0x33: {  	s30 =	simm.s32 $0x1480;
	[sflag:s25] =	ssyncadd.s32 $0xFFFFC000  }
0x34: {  	[spmem:s1] =	stream.indirect.scatter.add.f32 [tilespmem:s23], [sflag:$0x3], $0x80, s30, s21, $0xb8;
	[tilespmem:$0x1E0C0] =	vst v63  }
0x35: {  	_ =	swait.ge [sflag:s19], $0x4000  }
0x36: {  	[sflag:s19] =	ssyncset.done $0x0  }
0x37: {  	s31 =	simm.s32 $0x180;
	s30 =	simm.s32 $0x400;
	[sflag:s19] =	ssyncadd.s32 $0xFFFFC000  }
.LBB2_2:
0x38: {  	[tilespmem:s23], [sflag:$0x2] =	stream.indirect.gather [hbm4b:s4+s21], $0x80, s31, s21, $0xb8;
	[tilespmem:$0x1E0C0] =	vst v63  }
0x39: {  	s31 =	smov.u32 s30  }
0x3a: {  	p5 =	sne.s32 s30, $0x4800;
	s30 =	sadd.s32 $0x400, s30;
	_ =	swait.ge [sflag:s24], $0x4000  }
0x3b: {  	s31 =	sshra.s32 s31, $0x2;
	[sflag:s24] =	ssyncset.done $0x0  }
0x3c: {  	s0 =	sadd.s32 $0x1400, s31;
	[sflag:s24] =	ssyncadd.s32 $0xFFFFC000  }
0x3d: {  	[spmem:s1] =	stream.indirect.scatter.add.f32 [tilespmem:s22], [sflag:$0x3], $0x80, s0, s21, $0xb8;
	[tilespmem:$0x1E0C0] =	vst v63  }
0x3e: {  	_ =	swait.ge [sflag:s19], $0x4000  }
0x3f: {  	[sflag:s19] =	ssyncset.done $0x0  }
0x40: {  	s0 =	sadd.s32 $0x100, s31;
	[sflag:s19] =	ssyncadd.s32 $0xFFFFC000  }
0x41: {  	[tilespmem:s22], [sflag:$0x1] =	stream.indirect.gather [hbm4b:s4+s21], $0x80, s0, s21, $0xb8;
	[tilespmem:$0x1E0C0] =	vst v63  }
0x42: {  	_ =	swait.ge [sflag:s25], $0x4000  }
0x43: {  	[sflag:s25] =	ssyncset.done $0x0  }
.Ltmp0:
0x44: {  	s0 =	sadd.s32 $0x1480, s31;
	[sflag:s25] =	ssyncadd.s32 $0xFFFFC000;
	(pc) =	sbr.rel @p5 .LBB2_2-.Ltmp0, $4  }
0x45: {  	[spmem:s1] =	stream.indirect.scatter.add.f32 [tilespmem:s23], [sflag:$0x3], $0x80, s0, s21, $0xb8;
	[tilespmem:$0x1E0C0] =	vst v63  }
0x46: {  	_ =	swait.ge [sflag:s19], $0x4000  }
0x47: {  	[sflag:s19] =	ssyncset.done $0x0  }
0x48: {  	s31 =	sadd.s32 $0x180, s31;
	[sflag:s19] =	ssyncadd.s32 $0xFFFFC000  }
0x49: {  	[tilespmem:s23], [sflag:$0x2] =	stream.indirect.gather [hbm4b:s4+s21], $0x80, s31, s21, $0xb8;
	[tilespmem:$0x1E0C0] =	vst v63  }
0x4a: {  	_ =	swait.ge [sflag:s24], $0x4000  }
0x4b: {  	[sflag:s24] =	ssyncset.done $0x0  }
0x4c: {  	[sflag:s24] =	ssyncadd.s32 $0xFFFFC000  }
0x4d: {  	[spmem:s1] =	stream.indirect.scatter.add.f32 [tilespmem:s22], [sflag:$0x3], $0x80, s26, s21, $0xb8;
	[tilespmem:$0x1E0C0] =	vst v63  }
0x4e: {  	_ =	swait.ge [sflag:s19], $0x4000  }
0x4f: {  	[sflag:s19] =	ssyncset.done $0x0  }
0x50: {  	[sflag:s19] =	ssyncadd.s32 $0xFFFFC000  }
0x51: {  	_ =	swait.ge [sflag:s25], $0x4000  }
0x52: {  	[sflag:s25] =	ssyncset.done $0x0  }
0x53: {  	[sflag:s25] =	ssyncadd.s32 $0xFFFFC000  }
0x54: {  	[spmem:s1] =	stream.indirect.scatter.add.f32 [tilespmem:s23], [sflag:$0x3], $0x80, s28, s21, $0xb8;
	[tilespmem:$0x1E0C0] =	vst v63  }
0x55: {  	_ =	swait.ge [sflag:s19], $0x4000  }
0x56: {  	[sflag:s19] =	ssyncset.done $0x0  }
0x57: {  	[sflag:s19] =	ssyncadd.s32 $0xFFFFC000  }
0x58: {  	s0 =	sshrl.u32 @!p1 s7, $0x3;
	s30 =	simm.s32 @!p1 $0x1FC3;
	[bflag:$0x0] =	sbarrier.arrive $0xFFFF  }
0x59: {  	[hbm:s14], [sflag:s30] =	dma.local @!p1 [spmem:s0], $0x2800  }
0x5a: {  	s0 =	simm.s32 @!p1 $0x3  }
0x5b: {  	_ =	swait.ge @!p1 [sflag:s0], $0x2800  }
0x5c: {  	s30 =	sshll.u32 @!p2 s2, $0x6;
	[sflag:s0] =	ssyncset.done @!p1 $0x0  }
0x5d: {  	[sflag:s0] =	ssyncadd.s32 @!p1 $0xFFFFD800;
	s0 =	sor.u32 @!p2 $0x1C03, s30;
	s30 =	sshrl.u32 @!p2 s5, $0x3  }
0x5e: {  	[hbm:s13], [sflag:s0] =	dma.local @!p2 [spmem:s30], $0x2700  }
0x5f: {  	s0 =	simm.s32 @!p2 $0x3  }
0x60: {  	_ =	swait.ge @!p2 [sflag:s0], $0x2700  }
0x61: {  	[sflag:s0] =	ssyncset.done @!p2 $0x0  }
0x62: {  	s30 =	simm.s32 @!p3 $0x1FC3;
	[sflag:s0] =	ssyncadd.s32 @!p2 $0xFFFFD900;
	s0 =	sshrl.u32 @!p3 s7, $0x3  }
0x63: {  	[hbm:s12], [sflag:s30] =	dma.local @!p3 [spmem:s0], $0x2800  }
0x64: {  	s0 =	simm.s32 @!p3 $0x3  }
0x65: {  	s29 =	sadd.s32 $0x1, s29;
	_ =	swait.ge @!p3 [sflag:s0], $0x2800  }
0x66: {  	p5 =	sne.s32 s29, s15;
	s30 =	sshll.u32 @!p4 s2, $0x6;
	[sflag:s0] =	ssyncset.done @!p3 $0x0  }
0x67: {  	[sflag:s0] =	ssyncadd.s32 @!p3 $0xFFFFD800;
	s0 =	sor.u32 @!p4 $0x1C03, s30;
	s30 =	sshrl.u32 @!p4 s5, $0x3  }
0x68: {  	[hbm:s11], [sflag:s0] =	dma.local @!p4 [spmem:s30], $0x2700  }
.Ltmp1:
0x69: {  	_ = 	snop;
	(pc) =	sbr.rel @p5 .LBB2_1-.Ltmp1, $4  }
0x6a: {  	s0 =	simm.s32 @!p4 $0x3  }
0x6b: {  	_ =	swait.ge @!p4 [sflag:s0], $0x2700  }
0x6c: {  	[sflag:s0] =	ssyncset.done @!p4 $0x0  }
0x6d: {  	[sflag:s0] =	ssyncadd.s32 @!p4 $0xFFFFD900  }
0x6e: {  	_ =	sfence.sel $0x180000  }
0x6f: {  	[bflag:$0x0] =	sbarrier.arrive $0xFFFF  }
0x70: {  	_ =	strace $0x90000050  }
0x71: {  	[bflag:$0x2] =	sbarrier.arrive $0xFFFF  }
0x72: {  	p0 =	sne.s32 s2, $0x0;
	s0 =	rddreg [dreg:$0x2]  }
0x73: {  	s0 =	sadd.s32 @!p0 $0x100000, s0  }
0x74: {  	[sflag:s0] =	ssyncadd.tile.s32 @!p0 $0x1;
	_ =	shalt  }
.Lfunc_end2:
_tile_overlayer_lowered:
.L_overlay_start_2:
0x75: {  	(tag) =	ssettag $0x2  }
0x76: {  	s0 =	rddreg [dreg:$0x0];
	s2 =	stileid.u32  }
0x77: {  	s1 =	rddreg [dreg:$0x1];
	p0 =	sne.s32 s2, $0x0  }
0x78: {  	s3 =	rddreg [dreg:$0x2];
	[bflag:$0x3] =	sbarrier.arrive $0xFFFF;
	s2 =	simm.s32 @!p0 $0x1C03  }
0x79: {  	[timem:s3], [sflag:s2] =	dma.local @!p0 [hbm:s0], s1  }
0x7a: {  	s0 =	simm.s32 @!p0 $0x3  }
0x7b: {  	_ =	swait.ge @!p0 [sflag:s0], s1  }
0x7c: {  	s1 =	ssub.s32 @!p0 $0x0, s1;
	[sflag:s0] =	ssyncset.done @!p0 $0x0  }
0x7d: {  	[sflag:s0] =	ssyncadd.s32 @!p0 s1  }
0x7e: {  	[bflag:$0x3] =	sbarrier.arrive $0xFFFF  }
0x7f: {  	_ =	shalt  }

</sc_bundles>
